<compile_context>
chip_gen: v7x
topology: tpu7x:2x2x1
jax: 0.10.2.dev20260603
libtpu: 0.0.44.dev20260713+nightly
codegen_flags: <defaults>
</compile_context>

<pallas_src>
import functools

import jax
import jax.numpy as jnp
from jax import lax
from jax.experimental import pallas as pl
from jax.experimental.pallas import tpu as pltpu
from jax.experimental.pallas import tpu_sc as plsc

NU = 25000
NI = 25000
N = NU + NI
D = 64
E = 800000

NC = 2
NS = 16
HALF = N // NC
ACC_ROWS = 25088
ZROWS = 392
ZPT = ACC_ROWS // NS
CHUNK = 128
PACKW = 2 * CHUNK + 16 * CHUNK
NCHUNKS = E // CHUNK
OUT_BLK = 200
NOUT = HALF // OUT_BLK


def _spmm_body(pack_hbm, x_hbm, zeros_hbm, out_hbm, acc,
               pack0, pack1, pack2, idx0, idx1, dstl0, dstl1, rows0, rows1,
               psem0, psem1, psem2, gsem0, gsem1, ssem0, ssem1):
  c = lax.axis_index("c")
  s = lax.axis_index("s")
  core_base = c * HALF
  packs = (pack0, pack1, pack2)
  psems = (psem0, psem1, psem2)
  idxs = (idx0, idx1)
  dstls = (dstl0, dstl1)
  rowss = (rows0, rows1)
  gsems = (gsem0, gsem1)
  ssems = (ssem0, ssem1)

  for b in range(ZPT // ZROWS):
    pltpu.sync_copy(zeros_hbm, acc.at[pl.ds(s * ZPT + b * ZROWS, ZROWS)])
  plsc.subcore_barrier()

  nk = (NCHUNKS - s + NS - 1) // NS

  def start_pack(i, P3):
    pltpu.async_copy(pack_hbm.at[s + i * NS], packs[P3], psems[P3])

  def localize(pack_v, idx_v, dstl_v):
    @pl.loop(0, CHUNK // 16)
    def _dloc(j):
      idx_v[pl.ds(j * 16, 16)] = pack_v[pl.ds(j * 16, 16)]
      d16 = pack_v[pl.ds(CHUNK + j * 16, 16)]
      dl = d16 - core_base
      ok = (dl >= 0) & (dl < HALF)
      dstl_v[pl.ds(j * 16, 16)] = jnp.where(ok, dl, HALF)

  def scale(pack_v, rows_v):
    return
    @pl.loop(0, CHUNK)
    def _scale(e):
      vv = lax.bitcast_convert_type(
          pack_v[pl.ds(2 * CHUNK + e * 16, 16)], jnp.float32)
      for j in range(D // 16):
        rows_v[e, pl.ds(j * 16, 16)] = rows_v[e, pl.ds(j * 16, 16)] * vv

  start_pack(0, 0)
  start_pack(1, 1)

  def wait_pack(P3):
    pltpu.make_async_copy(pack_hbm.at[0], packs[P3], psems[P3]).wait()

  def start_gather(P2):
    pltpu.async_copy(x_hbm.at[idxs[P2]], rowss[P2], gsems[P2])

  def wait_gather(P2):
    pltpu.make_async_copy(x_hbm.at[idxs[P2]], rowss[P2], gsems[P2]).wait()

  def start_scatter(P2):
    pltpu.async_copy(rowss[P2], acc.at[dstls[P2]], ssems[P2], add=True)

  def wait_scatter(P2):
    pltpu.make_async_copy(rowss[P2], acc.at[dstls[P2]], ssems[P2]).wait()

  def dispatch(pred, fn, n=2):
    if fn is wait_pack:
      n = 3
    for P in range(n):
      @pl.when(pred == P)
      def _():
        fn(P)

  @pl.loop(0, nk)
  def _chunk(i):
    p2 = lax.rem(i, 2)
    p3 = lax.rem(i, 3)
    q2 = 1 - p2
    dispatch(p3, wait_pack)

    @pl.when(i >= 2)
    def _():
      dispatch(p2, wait_scatter)

    for P3 in range(3):
      @pl.when(p3 == P3)
      def _():
        for P2 in range(2):
          @pl.when(p2 == P2)
          def _():
            localize(packs[P3], idxs[P2], dstls[P2])
    dispatch(p2, start_gather)

    @pl.when(i >= 1)
    def _():
      q3 = lax.rem(i + 2, 3)
      dispatch(q2, wait_gather)
      for P3 in range(3):
        @pl.when(q3 == P3)
        def _():
          for P2 in range(2):
            @pl.when(q2 == P2)
            def _():
              scale(packs[P3], rowss[P2])
      dispatch(q2, start_scatter)

    @pl.when(i + 2 < nk)
    def _():
      q3 = lax.rem(i + 2, 3)
      for P3 in range(3):
        @pl.when(q3 == P3)
        def _():
          start_pack(i + 2, P3)

  lp2 = lax.rem(nk - 1, 2)
  lp3 = lax.rem(nk - 1, 3)
  dispatch(lp2, wait_gather)
  for P3 in range(3):
    @pl.when(lp3 == P3)
    def _():
      for P2 in range(2):
        @pl.when(lp2 == P2)
        def _():
          scale(packs[P3], rowss[P2])
  dispatch(lp2, start_scatter)
  dispatch(1 - lp2, wait_scatter)
  dispatch(lp2, wait_scatter)

  plsc.subcore_barrier()

  @pl.loop(s, NOUT, step=NS)
  def _out(b):
    pltpu.sync_copy(acc.at[pl.ds(b * OUT_BLK, OUT_BLK)],
                    out_hbm.at[pl.ds(core_base + b * OUT_BLK, OUT_BLK)])


_spmm = functools.partial(
    pl.kernel,
    out_type=jax.ShapeDtypeStruct((N, D), jnp.float32),
    mesh=plsc.VectorSubcoreMesh(core_axis_name="c", subcore_axis_name="s",
                                num_cores=NC, num_subcores=NS),
    scratch_types=(
        [pltpu.VMEM_SHARED((ACC_ROWS, D), jnp.float32)]
        + [pltpu.VMEM((PACKW,), jnp.int32)] * 3
        + [pltpu.VMEM((CHUNK,), jnp.int32)] * 4
        + [pltpu.VMEM((CHUNK, D), jnp.float32)] * 2
        + [pltpu.SemaphoreType.DMA] * 7
    ),
    compiler_params=pltpu.CompilerParams(use_tc_tiling_on_sc=False),
)(_spmm_body)


def _item_emb_body(ic_ref, w_ref, iw_ref, b_ref, out_ref):
  proj = lax.dot_general(ic_ref[...], w_ref[...], (((1,), (1,)), ((), ())),
                         preferred_element_type=jnp.float32)
  out_ref[...] = iw_ref[...] + proj + b_ref[...]


def _item_emb(item_content, W_content, item_w, b2):
  blk = 1000
  grid = NI // blk
  return pl.pallas_call(
      _item_emb_body,
      grid=(grid,),
      in_specs=[
          pl.BlockSpec((blk, D), lambda i: (i, 0)),
          pl.BlockSpec((D, D), lambda i: (0, 0)),
          pl.BlockSpec((blk, D), lambda i: (i, 0)),
          pl.BlockSpec((1, D), lambda i: (0, 0)),
      ],
      out_specs=pl.BlockSpec((blk, D), lambda i: (i, 0)),
      out_shape=jax.ShapeDtypeStruct((NI, D), jnp.float32),
  )(item_content, W_content, item_w, b2)


def _mean4_body(a_ref, b_ref, c_ref, d_ref, out_ref):
  out_ref[...] = (a_ref[...] + b_ref[...] + c_ref[...] + d_ref[...]) * 0.25


def _mean4(a, b, c, d):
  blk = 1000
  grid = N // blk
  spec = pl.BlockSpec((blk, D), lambda i: (i, 0))
  return pl.pallas_call(
      _mean4_body,
      grid=(grid,),
      in_specs=[spec, spec, spec, spec],
      out_specs=spec,
      out_shape=jax.ShapeDtypeStruct((N, D), jnp.float32),
  )(a, b, c, d)


def kernel(adj_indices, adj_values, item_content, user_w, item_w, W_content,
           b_content):
  dst = adj_indices[0].astype(jnp.int32)
  src = adj_indices[1].astype(jnp.int32)
  vbits = lax.bitcast_convert_type(adj_values.astype(jnp.float32), jnp.int32)
  b2 = b_content.reshape(1, D)

  vrep = jnp.broadcast_to(vbits.reshape(NCHUNKS, CHUNK, 1),
                          (NCHUNKS, CHUNK, 16)).reshape(NCHUNKS, 16 * CHUNK)
  pack = jnp.concatenate([src.reshape(NCHUNKS, CHUNK),
                          dst.reshape(NCHUNKS, CHUNK),
                          vrep], axis=1)

  i_emb = _item_emb(item_content, W_content, item_w, b2)
  all_emb = jnp.concatenate([user_w, i_emb], axis=0)

  zeros = jnp.zeros((ZROWS, D), jnp.float32)
  x1 = _spmm(pack, all_emb, zeros)
  x2 = _spmm(pack, x1, zeros)
  x3 = _spmm(pack, x2, zeros)

  final = _mean4(all_emb, x1, x2, x3)
  return (final[:NU], final[NU:])

# --- scband reference (transcript-rebuilt; emitter-appended) ---
"""Pipeline reference for scband-cgrc-81183471829067 (READ-ONLY COPY).

The authoritative reference and input builder live on the scoring server;
editing this copy changes nothing except your own understanding.
"""

import jax, jax.numpy as jnp
import numpy as np

N_USERS = 25000
N_ITEMS = 25000
N_NODES = N_USERS + N_ITEMS
D = 64
CD = 64
E = 800000
N_LAYERS = 3


def setup_inputs(seed: int = 0) -> dict:
    key = jax.random.key(seed)
    ks = jax.random.split(key, 8)
    adj_indices = jax.random.randint(ks[0], (2, E), 0, N_NODES)
    # roughly symmetric-normalized values
    adj_values = jax.random.uniform(ks[1], (E,), dtype=jnp.float32) * (1.0 / 16.0)
    item_content = jax.random.normal(ks[2], (N_ITEMS, CD), dtype=jnp.float32)
    # parameters (xavier-ish scale)
    user_w = jax.random.normal(ks[3], (N_USERS, D), dtype=jnp.float32) * 0.1
    item_w = jax.random.normal(ks[4], (N_ITEMS, D), dtype=jnp.float32) * 0.1
    W_content = jax.random.normal(ks[5], (D, CD), dtype=jnp.float32) * (1.0 / np.sqrt(CD))
    b_content = jnp.zeros((D,), dtype=jnp.float32)
    return {
        "adj_indices": adj_indices,
        "adj_values": adj_values,
        "item_content": item_content,
        "user_w": user_w,
        "item_w": item_w,
        "W_content": W_content,
        "b_content": b_content,
    }


def reference(adj_indices, adj_values, item_content, user_w, item_w, W_content, b_content):
    # content projection (nn.Linear): x @ W.T + b
    c_emb = item_content @ W_content.T + b_content
    i_emb = item_w + c_emb
    all_emb = jnp.concatenate([user_w, i_emb], axis=0)
    # torch.sparse.mm: out[row] += val * x[col]
    dst = adj_indices[0]
    src = adj_indices[1]
    embs = [all_emb]
    x = all_emb
    for _ in range(N_LAYERS):
        msg = x[src] * adj_values[:, None]
        x = jax.ops.segment_sum(msg, dst, num_segments=N_NODES)
        embs.append(x)
    light_out = jnp.stack(embs, axis=1)
    final = jnp.mean(light_out, axis=1)
    user_all = final[:N_USERS]
    item_all = final[N_USERS:]
    return (user_all, item_all)

if __name__ == "__main__":
    import jax
    _d = setup_inputs()
    print(jax.jit(kernel)(*tuple(_d.values())))

</pallas_src>

<mosaic_0001>
#map = affine_map<(d0, d1) -> (0, 0)>
module attributes {stable_mosaic.version = 14 : i64} {
  func.func @_spmm_body(%arg0: i32, %arg1: i32, %arg2: memref<6250x2304xi32, #tpu.memory_space<hbm>>, %arg3: memref<50000x64xf32, #tpu.memory_space<hbm>>, %arg4: memref<392x64xf32, #tpu.memory_space<hbm>>, %arg5: memref<50000x64xf32, #tpu.memory_space<hbm>>, %arg6: memref<25088x64xf32, #tpu.memory_space<vmem_shared>>, %arg7: memref<2304xi32, #tpu.memory_space<vmem>>, %arg8: memref<2304xi32, #tpu.memory_space<vmem>>, %arg9: memref<2304xi32, #tpu.memory_space<vmem>>, %arg10: memref<128xi32, #tpu.memory_space<vmem>>, %arg11: memref<128xi32, #tpu.memory_space<vmem>>, %arg12: memref<128xi32, #tpu.memory_space<vmem>>, %arg13: memref<128xi32, #tpu.memory_space<vmem>>, %arg14: memref<128x64xf32, #tpu.memory_space<vmem>>, %arg15: memref<128x64xf32, #tpu.memory_space<vmem>>, %arg16: memref<!tpu.dma_semaphore, #tpu.memory_space<semaphore_mem>>, %arg17: memref<!tpu.dma_semaphore, #tpu.memory_space<semaphore_mem>>, %arg18: memref<!tpu.dma_semaphore, #tpu.memory_space<semaphore_mem>>, %arg19: memref<!tpu.dma_semaphore, #tpu.memory_space<semaphore_mem>>, %arg20: memref<!tpu.dma_semaphore, #tpu.memory_space<semaphore_mem>>, %arg21: memref<!tpu.dma_semaphore, #tpu.memory_space<semaphore_mem>>, %arg22: memref<!tpu.dma_semaphore, #tpu.memory_space<semaphore_mem>>) attributes {dimension_semantics = [#tpu.dimension_semantics<core_parallel>, #tpu.dimension_semantics<subcore_parallel>], iteration_bounds = array<i64: 2, 16>, scalar_prefetch = 0 : i64, scratch_operands = 17 : i64, tpu.core_type = #tpu.core_type<sc_vector_subcore>, window_params = [{transform_indices = #map}, {transform_indices = #map}, {transform_indices = #map}, {transform_indices = #map}]} {
    %mul3A = arith.constant 25000 : i32
    %mul3A_0 = arith.muli %arg0, %mul3A : i32
    %mul3A_1 = arith.constant 1568 : i32
    %mul3A_2 = arith.muli %arg1, %mul3A_1 : i32
    %add3A = arith.constant 0 : i32
    %add3A_3 = arith.addi %mul3A_2, %add3A : i32
    "tpu.region"() ({
      %run_scoped3A = tpu.sem_alloc : memref<!tpu.dma_semaphore, #tpu.memory_space<semaphore_mem>>
      %dma_start3A_152 = arith.constant 0 : i32
      %dma_start3A_153 = tpu.memref_slice %arg6[%add3A_3, %dma_start3A_152] : memref<25088x64xf32, #tpu.memory_space<vmem_shared>> -> memref<392x64xf32, #tpu.memory_space<vmem_shared>>
      tpu.enqueue_dma source(%arg4 : memref<392x64xf32, #tpu.memory_space<hbm>>) target(%dma_start3A_153 : memref<392x64xf32, #tpu.memory_space<vmem_shared>>) target_semaphore(%run_scoped3A : memref<!tpu.dma_semaphore, #tpu.memory_space<semaphore_mem>>)
      %dma_wait3A = arith.constant 0 : i32
      %dma_wait3A_154 = tpu.memref_slice %arg6[%add3A_3, %dma_wait3A] : memref<25088x64xf32, #tpu.memory_space<vmem_shared>> -> memref<392x64xf32, #tpu.memory_space<vmem_shared>>
      tpu.wait_dma2 semaphore(%run_scoped3A : memref<!tpu.dma_semaphore, #tpu.memory_space<semaphore_mem>>) src(%arg4 : memref<392x64xf32, #tpu.memory_space<hbm>>) dst(%dma_wait3A_154 : memref<392x64xf32, #tpu.memory_space<vmem_shared>>)
      tpu.yield
    }) : () -> ()
    %mul3A_4 = arith.constant 1568 : i32
    %mul3A_5 = arith.muli %arg1, %mul3A_4 : i32
    %add3A_6 = arith.constant 392 : i32
    %add3A_7 = arith.addi %mul3A_5, %add3A_6 : i32
    "tpu.region"() ({
      %run_scoped3A = tpu.sem_alloc : memref<!tpu.dma_semaphore, #tpu.memory_space<semaphore_mem>>
      %dma_start3A_152 = arith.constant 0 : i32
      %dma_start3A_153 = tpu.memref_slice %arg6[%add3A_7, %dma_start3A_152] : memref<25088x64xf32, #tpu.memory_space<vmem_shared>> -> memref<392x64xf32, #tpu.memory_space<vmem_shared>>
      tpu.enqueue_dma source(%arg4 : memref<392x64xf32, #tpu.memory_space<hbm>>) target(%dma_start3A_153 : memref<392x64xf32, #tpu.memory_space<vmem_shared>>) target_semaphore(%run_scoped3A : memref<!tpu.dma_semaphore, #tpu.memory_space<semaphore_mem>>)
      %dma_wait3A = arith.constant 0 : i32
      %dma_wait3A_154 = tpu.memref_slice %arg6[%add3A_7, %dma_wait3A] : memref<25088x64xf32, #tpu.memory_space<vmem_shared>> -> memref<392x64xf32, #tpu.memory_space<vmem_shared>>
      tpu.wait_dma2 semaphore(%run_scoped3A : memref<!tpu.dma_semaphore, #tpu.memory_space<semaphore_mem>>) src(%arg4 : memref<392x64xf32, #tpu.memory_space<hbm>>) dst(%dma_wait3A_154 : memref<392x64xf32, #tpu.memory_space<vmem_shared>>)
      tpu.yield
    }) : () -> ()
    %mul3A_8 = arith.constant 1568 : i32
    %mul3A_9 = arith.muli %arg1, %mul3A_8 : i32
    %add3A_10 = arith.constant 784 : i32
    %add3A_11 = arith.addi %mul3A_9, %add3A_10 : i32
    "tpu.region"() ({
      %run_scoped3A = tpu.sem_alloc : memref<!tpu.dma_semaphore, #tpu.memory_space<semaphore_mem>>
      %dma_start3A_152 = arith.constant 0 : i32
      %dma_start3A_153 = tpu.memref_slice %arg6[%add3A_11, %dma_start3A_152] : memref<25088x64xf32, #tpu.memory_space<vmem_shared>> -> memref<392x64xf32, #tpu.memory_space<vmem_shared>>
      tpu.enqueue_dma source(%arg4 : memref<392x64xf32, #tpu.memory_space<hbm>>) target(%dma_start3A_153 : memref<392x64xf32, #tpu.memory_space<vmem_shared>>) target_semaphore(%run_scoped3A : memref<!tpu.dma_semaphore, #tpu.memory_space<semaphore_mem>>)
      %dma_wait3A = arith.constant 0 : i32
      %dma_wait3A_154 = tpu.memref_slice %arg6[%add3A_11, %dma_wait3A] : memref<25088x64xf32, #tpu.memory_space<vmem_shared>> -> memref<392x64xf32, #tpu.memory_space<vmem_shared>>
      tpu.wait_dma2 semaphore(%run_scoped3A : memref<!tpu.dma_semaphore, #tpu.memory_space<semaphore_mem>>) src(%arg4 : memref<392x64xf32, #tpu.memory_space<hbm>>) dst(%dma_wait3A_154 : memref<392x64xf32, #tpu.memory_space<vmem_shared>>)
      tpu.yield
    }) : () -> ()
    %mul3A_12 = arith.constant 1568 : i32
    %mul3A_13 = arith.muli %arg1, %mul3A_12 : i32
    %add3A_14 = arith.constant 1176 : i32
    %add3A_15 = arith.addi %mul3A_13, %add3A_14 : i32
    "tpu.region"() ({
      %run_scoped3A = tpu.sem_alloc : memref<!tpu.dma_semaphore, #tpu.memory_space<semaphore_mem>>
      %dma_start3A_152 = arith.constant 0 : i32
      %dma_start3A_153 = tpu.memref_slice %arg6[%add3A_15, %dma_start3A_152] : memref<25088x64xf32, #tpu.memory_space<vmem_shared>> -> memref<392x64xf32, #tpu.memory_space<vmem_shared>>
      tpu.enqueue_dma source(%arg4 : memref<392x64xf32, #tpu.memory_space<hbm>>) target(%dma_start3A_153 : memref<392x64xf32, #tpu.memory_space<vmem_shared>>) target_semaphore(%run_scoped3A : memref<!tpu.dma_semaphore, #tpu.memory_space<semaphore_mem>>)
      %dma_wait3A = arith.constant 0 : i32
      %dma_wait3A_154 = tpu.memref_slice %arg6[%add3A_15, %dma_wait3A] : memref<25088x64xf32, #tpu.memory_space<vmem_shared>> -> memref<392x64xf32, #tpu.memory_space<vmem_shared>>
      tpu.wait_dma2 semaphore(%run_scoped3A : memref<!tpu.dma_semaphore, #tpu.memory_space<semaphore_mem>>) src(%arg4 : memref<392x64xf32, #tpu.memory_space<hbm>>) dst(%dma_wait3A_154 : memref<392x64xf32, #tpu.memory_space<vmem_shared>>)
      tpu.yield
    }) : () -> ()
    %barrier3A = arith.constant 0 : index
    tpu.barrier barrier_id(%barrier3A)
    %sub3A = arith.constant 6250 : i32
    %sub3A_16 = arith.subi %sub3A, %arg1 : i32
    %add3A_17 = arith.constant 16 : i32
    %add3A_18 = arith.addi %sub3A_16, %add3A_17 : i32
    %sub3A_19 = arith.constant 1 : i32
    %sub3A_20 = arith.subi %add3A_18, %sub3A_19 : i32
    %jit3A = arith.constant 16 : i32
    %div3A = arith.divsi %sub3A_20, %jit3A : i32
    %sign3A = arith.constant 0 : i32
    %sign3A_21 = arith.cmpi sgt, %sub3A_20, %sign3A : i32
    %sign3A_22 = arith.extui %sign3A_21 : i1 to i32
    %sign3A_23 = arith.constant 0 : i32
    %sign3A_24 = arith.cmpi slt, %sub3A_20, %sign3A_23 : i32
    %sign3A_25 = arith.extui %sign3A_24 : i1 to i32
    %sign3A_26 = arith.subi %sign3A_22, %sign3A_25 : i32
    %sign3A_27 = arith.constant 0 : i32
    %sign3A_28 = arith.cmpi sgt, %jit3A, %sign3A_27 : i32
    %sign3A_29 = arith.extui %sign3A_28 : i1 to i32
    %sign3A_30 = arith.constant 0 : i32
    %sign3A_31 = arith.cmpi slt, %jit3A, %sign3A_30 : i32
    %sign3A_32 = arith.extui %sign3A_31 : i1 to i32
    %sign3A_33 = arith.subi %sign3A_29, %sign3A_32 : i32
    %ne3A = arith.cmpi ne, %sign3A_26, %sign3A_33 : i32
    %rem3A = arith.remsi %sub3A_20, %jit3A : i32
    %ne3A_34 = arith.constant 0 : i32
    %ne3A_35 = arith.cmpi ne, %rem3A, %ne3A_34 : i32
    %and3A = arith.andi %ne3A, %ne3A_35 : i1
    %sub3A_36 = arith.constant 1 : i32
    %sub3A_37 = arith.subi %div3A, %sub3A_36 : i32
    %select_n3A = arith.select %and3A, %sub3A_37, %div3A : i32
    %add3A_38 = arith.constant 0 : i32
    %add3A_39 = arith.addi %arg1, %add3A_38 : i32
    %dma_start3A = arith.constant 0 : i32
    %dma_start3A_40 = tpu.memref_slice %arg2[%add3A_39, %dma_start3A] : memref<6250x2304xi32, #tpu.memory_space<hbm>> -> memref<1x2304xi32, #tpu.memory_space<hbm>>
    %dma_start3A_41 = tpu.memref_squeeze %dma_start3A_40 : memref<1x2304xi32, #tpu.memory_space<hbm>> -> memref<2304xi32, #tpu.memory_space<hbm>>
    %dma_start3A_42 = arith.constant 0 : i32
    %dma_start3A_43 = tpu.memref_slice %arg2[%add3A_39, %dma_start3A_42] : memref<6250x2304xi32, #tpu.memory_space<hbm>> -> memref<1x2304xi32, #tpu.memory_space<hbm>>
    %dma_start3A_44 = tpu.memref_squeeze %dma_start3A_43 : memref<1x2304xi32, #tpu.memory_space<hbm>> -> memref<2304xi32, #tpu.memory_space<hbm>>
    tpu.enqueue_dma source(%dma_start3A_44 : memref<2304xi32, #tpu.memory_space<hbm>>) target(%arg7 : memref<2304xi32, #tpu.memory_space<vmem>>) target_semaphore(%arg16 : memref<!tpu.dma_semaphore, #tpu.memory_space<semaphore_mem>>)
    %add3A_45 = arith.constant 16 : i32
    %add3A_46 = arith.addi %arg1, %add3A_45 : i32
    %dma_start3A_47 = arith.constant 0 : i32
    %dma_start3A_48 = tpu.memref_slice %arg2[%add3A_46, %dma_start3A_47] : memref<6250x2304xi32, #tpu.memory_space<hbm>> -> memref<1x2304xi32, #tpu.memory_space<hbm>>
    %dma_start3A_49 = tpu.memref_squeeze %dma_start3A_48 : memref<1x2304xi32, #tpu.memory_space<hbm>> -> memref<2304xi32, #tpu.memory_space<hbm>>
    %dma_start3A_50 = arith.constant 0 : i32
    %dma_start3A_51 = tpu.memref_slice %arg2[%add3A_46, %dma_start3A_50] : memref<6250x2304xi32, #tpu.memory_space<hbm>> -> memref<1x2304xi32, #tpu.memory_space<hbm>>
    %dma_start3A_52 = tpu.memref_squeeze %dma_start3A_51 : memref<1x2304xi32, #tpu.memory_space<hbm>> -> memref<2304xi32, #tpu.memory_space<hbm>>
    tpu.enqueue_dma source(%dma_start3A_52 : memref<2304xi32, #tpu.memory_space<hbm>>) target(%arg8 : memref<2304xi32, #tpu.memory_space<vmem>>) target_semaphore(%arg17 : memref<!tpu.dma_semaphore, #tpu.memory_space<semaphore_mem>>)
    %sub3A_53 = arith.constant 0 : i32
    %sub3A_54 = arith.subi %select_n3A, %sub3A_53 : i32
    %sub3A_55 = arith.constant 1 : i32
    %sub3A_56 = arith.constant 1 : i32
    %sub3A_57 = arith.subi %sub3A_55, %sub3A_56 : i32
    %add3A_58 = arith.addi %sub3A_54, %sub3A_57 : i32
    %div3A_59 = arith.constant 1 : i32
    %div3A_60 = arith.divsi %add3A_58, %div3A_59 : i32
    %while3A = arith.constant 1 : i32
    %while3A_61 = arith.constant 0 : i32
    %while3A_62 = arith.constant 0 : i32
    %while3A_63 = arith.subi %div3A_60, %while3A_62 : i32
    %while3A_64 = arith.addi %while3A_62, %while3A_63 : i32
    %while3A_65 = arith.constant 1 : i32
    %while3A_66 = arith.divsi %while3A_63, %while3A_65 : i32
    %while3A_67 = arith.muli %while3A_66, %while3A_65 : i32
    %while3A_68 = arith.addi %while3A_62, %while3A_67 : i32
    %while3A_69 = arith.constant 1 : i32
    scf.for %while3A_152 = %while3A_62 to %while3A_68 step %while3A_69  : i32 {
      %mul3A_153 = arith.muli %while3A_152, %while3A : i32
      %add3A_154 = arith.addi %while3A_61, %mul3A_153 : i32
      %rem3A_155 = arith.constant 2 : i32
      %rem3A_156 = arith.remsi %add3A_154, %rem3A_155 : i32
      %rem3A_157 = arith.constant 3 : i32
      %rem3A_158 = arith.remsi %add3A_154, %rem3A_157 : i32
      %sub3A_159 = arith.constant 1 : i32
      %sub3A_160 = arith.subi %sub3A_159, %rem3A_156 : i32
      %eq3A_161 = arith.constant 0 : i32
      %eq3A_162 = arith.cmpi eq, %rem3A_158, %eq3A_161 : i32
      %convert_element_type3A_163 = arith.extui %eq3A_162 : i1 to i32
      %cond3A_164 = arith.constant 0 : i32
      %cond3A_165 = arith.cmpi ne, %convert_element_type3A_163, %cond3A_164 : i32
      scf.if %cond3A_165 {
        %dma_wait3A = arith.constant 0 : i32
        %dma_wait3A_215 = arith.constant 0 : i32
        %dma_wait3A_216 = tpu.memref_slice %arg2[%dma_wait3A, %dma_wait3A_215] : memref<6250x2304xi32, #tpu.memory_space<hbm>> -> memref<1x2304xi32, #tpu.memory_space<hbm>>
        %dma_wait3A_217 = tpu.memref_squeeze %dma_wait3A_216 : memref<1x2304xi32, #tpu.memory_space<hbm>> -> memref<2304xi32, #tpu.memory_space<hbm>>
        %dma_wait3A_218 = arith.constant 0 : i32
        %dma_wait3A_219 = tpu.memref_slice %arg2[%dma_wait3A, %dma_wait3A_218] : memref<6250x2304xi32, #tpu.memory_space<hbm>> -> memref<1x2304xi32, #tpu.memory_space<hbm>>
        %dma_wait3A_220 = tpu.memref_squeeze %dma_wait3A_219 : memref<1x2304xi32, #tpu.memory_space<hbm>> -> memref<2304xi32, #tpu.memory_space<hbm>>
        tpu.wait_dma2 semaphore(%arg16 : memref<!tpu.dma_semaphore, #tpu.memory_space<semaphore_mem>>) src(%dma_wait3A_220 : memref<2304xi32, #tpu.memory_space<hbm>>) dst(%arg7 : memref<2304xi32, #tpu.memory_space<vmem>>)
      } else {
      }
      %eq3A_166 = arith.constant 1 : i32
      %eq3A_167 = arith.cmpi eq, %rem3A_158, %eq3A_166 : i32
      %convert_element_type3A_168 = arith.extui %eq3A_167 : i1 to i32
      %cond3A_169 = arith.constant 0 : i32
      %cond3A_170 = arith.cmpi ne, %convert_element_type3A_168, %cond3A_169 : i32
      scf.if %cond3A_170 {
        %dma_wait3A = arith.constant 0 : i32
        %dma_wait3A_215 = arith.constant 0 : i32
        %dma_wait3A_216 = tpu.memref_slice %arg2[%dma_wait3A, %dma_wait3A_215] : memref<6250x2304xi32, #tpu.memory_space<hbm>> -> memref<1x2304xi32, #tpu.memory_space<hbm>>
        %dma_wait3A_217 = tpu.memref_squeeze %dma_wait3A_216 : memref<1x2304xi32, #tpu.memory_space<hbm>> -> memref<2304xi32, #tpu.memory_space<hbm>>
        %dma_wait3A_218 = arith.constant 0 : i32
        %dma_wait3A_219 = tpu.memref_slice %arg2[%dma_wait3A, %dma_wait3A_218] : memref<6250x2304xi32, #tpu.memory_space<hbm>> -> memref<1x2304xi32, #tpu.memory_space<hbm>>
        %dma_wait3A_220 = tpu.memref_squeeze %dma_wait3A_219 : memref<1x2304xi32, #tpu.memory_space<hbm>> -> memref<2304xi32, #tpu.memory_space<hbm>>
        tpu.wait_dma2 semaphore(%arg17 : memref<!tpu.dma_semaphore, #tpu.memory_space<semaphore_mem>>) src(%dma_wait3A_220 : memref<2304xi32, #tpu.memory_space<hbm>>) dst(%arg8 : memref<2304xi32, #tpu.memory_space<vmem>>)
      } else {
      }
      %eq3A_171 = arith.constant 2 : i32
      %eq3A_172 = arith.cmpi eq, %rem3A_158, %eq3A_171 : i32
      %convert_element_type3A_173 = arith.extui %eq3A_172 : i1 to i32
      %cond3A_174 = arith.constant 0 : i32
      %cond3A_175 = arith.cmpi ne, %convert_element_type3A_173, %cond3A_174 : i32
      scf.if %cond3A_175 {
        %dma_wait3A = arith.constant 0 : i32
        %dma_wait3A_215 = arith.constant 0 : i32
        %dma_wait3A_216 = tpu.memref_slice %arg2[%dma_wait3A, %dma_wait3A_215] : memref<6250x2304xi32, #tpu.memory_space<hbm>> -> memref<1x2304xi32, #tpu.memory_space<hbm>>
        %dma_wait3A_217 = tpu.memref_squeeze %dma_wait3A_216 : memref<1x2304xi32, #tpu.memory_space<hbm>> -> memref<2304xi32, #tpu.memory_space<hbm>>
        %dma_wait3A_218 = arith.constant 0 : i32
        %dma_wait3A_219 = tpu.memref_slice %arg2[%dma_wait3A, %dma_wait3A_218] : memref<6250x2304xi32, #tpu.memory_space<hbm>> -> memref<1x2304xi32, #tpu.memory_space<hbm>>
        %dma_wait3A_220 = tpu.memref_squeeze %dma_wait3A_219 : memref<1x2304xi32, #tpu.memory_space<hbm>> -> memref<2304xi32, #tpu.memory_space<hbm>>
        tpu.wait_dma2 semaphore(%arg18 : memref<!tpu.dma_semaphore, #tpu.memory_space<semaphore_mem>>) src(%dma_wait3A_220 : memref<2304xi32, #tpu.memory_space<hbm>>) dst(%arg9 : memref<2304xi32, #tpu.memory_space<vmem>>)
      } else {
      }
      %ge3A = arith.constant 2 : i32
      %ge3A_176 = arith.cmpi sge, %add3A_154, %ge3A : i32
      %convert_element_type3A_177 = arith.extui %ge3A_176 : i1 to i32
      %cond3A_178 = arith.constant 0 : i32
      %cond3A_179 = arith.cmpi ne, %convert_element_type3A_177, %cond3A_178 : i32
      scf.if %cond3A_179 {
        %eq3A_215 = arith.constant 0 : i32
        %eq3A_216 = arith.cmpi eq, %rem3A_156, %eq3A_215 : i32
        %convert_element_type3A_217 = arith.extui %eq3A_216 : i1 to i32
        %cond3A_218 = arith.constant 0 : i32
        %cond3A_219 = arith.cmpi ne, %convert_element_type3A_217, %cond3A_218 : i32
        scf.if %cond3A_219 {
          %dma_wait3A = arith.constant 0 : i32
          %dma_wait3A_225 = arith.constant 0 : i32
          %dma_wait3A_226 = tpu.memref_slice %arg6[%dma_wait3A, %dma_wait3A_225] : memref<25088x64xf32, #tpu.memory_space<vmem_shared>> -> memref<25088x64xf32, #tpu.memory_space<vmem_shared>>
          tpu.wait_indirect_dma semaphore(%arg21 : memref<!tpu.dma_semaphore, #tpu.memory_space<semaphore_mem>>) src(%arg14 : memref<128x64xf32, #tpu.memory_space<vmem>>) dst(%dma_wait3A_226 : memref<25088x64xf32, #tpu.memory_space<vmem_shared>>)
        } else {
        }
        %eq3A_220 = arith.constant 1 : i32
        %eq3A_221 = arith.cmpi eq, %rem3A_156, %eq3A_220 : i32
        %convert_element_type3A_222 = arith.extui %eq3A_221 : i1 to i32
        %cond3A_223 = arith.constant 0 : i32
        %cond3A_224 = arith.cmpi ne, %convert_element_type3A_222, %cond3A_223 : i32
        scf.if %cond3A_224 {
          %dma_wait3A = arith.constant 0 : i32
          %dma_wait3A_225 = arith.constant 0 : i32
          %dma_wait3A_226 = tpu.memref_slice %arg6[%dma_wait3A, %dma_wait3A_225] : memref<25088x64xf32, #tpu.memory_space<vmem_shared>> -> memref<25088x64xf32, #tpu.memory_space<vmem_shared>>
          tpu.wait_indirect_dma semaphore(%arg22 : memref<!tpu.dma_semaphore, #tpu.memory_space<semaphore_mem>>) src(%arg15 : memref<128x64xf32, #tpu.memory_space<vmem>>) dst(%dma_wait3A_226 : memref<25088x64xf32, #tpu.memory_space<vmem_shared>>)
        } else {
        }
      } else {
      }
      %eq3A_180 = arith.constant 0 : i32
      %eq3A_181 = arith.cmpi eq, %rem3A_158, %eq3A_180 : i32
      %convert_element_type3A_182 = arith.extui %eq3A_181 : i1 to i32
      %cond3A_183 = arith.constant 0 : i32
      %cond3A_184 = arith.cmpi ne, %convert_element_type3A_182, %cond3A_183 : i32
      scf.if %cond3A_184 {
        %eq3A_215 = arith.constant 0 : i32
        %eq3A_216 = arith.cmpi eq, %rem3A_156, %eq3A_215 : i32
        %convert_element_type3A_217 = arith.extui %eq3A_216 : i1 to i32
        %cond3A_218 = arith.constant 0 : i32
        %cond3A_219 = arith.cmpi ne, %convert_element_type3A_217, %cond3A_218 : i32
        scf.if %cond3A_219 {
          %scan3A = arith.constant 0 : i32
          %scan3A_225 = arith.constant 8 : i32
          %scan3A_226 = arith.addi %scan3A, %scan3A_225 : i32
          %scan3A_227 = arith.constant 1 : i32
          scf.for %scan3A_229 = %scan3A to %scan3A_226 step %scan3A_227  : i32 {
            %mul3A_230 = arith.constant 1 : i32
            %mul3A_231 = arith.muli %scan3A_229, %mul3A_230 : i32
            %add3A_232 = arith.constant 0 : i32
            %add3A_233 = arith.addi %add3A_232, %mul3A_231 : i32
            %mul3A_234 = arith.constant 16 : i32
            %mul3A_235 = arith.muli %add3A_233, %mul3A_234 : i32
            %get3A = arith.index_cast %mul3A_235 : i32 to index
            %get3A_236 = tpu.vector_load %arg7[%get3A] {strides = array<i32>} : memref<2304xi32, #tpu.memory_space<vmem>>, vector<16xi32>,
            %get3A_237 = vector.shape_cast %get3A_236 : vector<16xi32> to vector<16xi32>
            %mul3A_238 = arith.constant 16 : i32
            %mul3A_239 = arith.muli %add3A_233, %mul3A_238 : i32
            %swap3A = arith.index_cast %mul3A_239 : i32 to index
            %swap3A_240 = tpu.vector_load %arg10[%swap3A] {strides = array<i32>} : memref<128xi32, #tpu.memory_space<vmem>>, vector<16xi32>,
            %swap3A_241 = vector.shape_cast %swap3A_240 : vector<16xi32> to vector<16xi32>
            %swap3A_242 = vector.shape_cast %get3A_237 : vector<16xi32> to vector<16xi32>
            tpu.vector_store %arg10[%swap3A], %swap3A_242 {strides = array<i32>} : memref<128xi32, #tpu.memory_space<vmem>>, vector<16xi32>,
            %mul3A_243 = arith.constant 16 : i32
            %mul3A_244 = arith.muli %add3A_233, %mul3A_243 : i32
            %add3A_245 = arith.constant 128 : i32
            %add3A_246 = arith.addi %add3A_245, %mul3A_244 : i32
            %get3A_247 = arith.index_cast %add3A_246 : i32 to index
            %get3A_248 = tpu.vector_load %arg7[%get3A_247] {strides = array<i32>} : memref<2304xi32, #tpu.memory_space<vmem>>, vector<16xi32>,
            %get3A_249 = vector.shape_cast %get3A_248 : vector<16xi32> to vector<16xi32>
            %sub3A_250 = vector.broadcast %mul3A_0 : i32 to vector<16xi32>
            %sub3A_251 = arith.subi %get3A_249, %sub3A_250 : vector<16xi32>
            %ge3A_252 = arith.constant 0 : i32
            %ge3A_253 = vector.broadcast %ge3A_252 : i32 to vector<16xi32>
            %ge3A_254 = arith.cmpi sge, %sub3A_251, %ge3A_253 : vector<16xi32>
            %lt3A_255 = arith.constant 25000 : i32
            %lt3A_256 = vector.broadcast %lt3A_255 : i32 to vector<16xi32>
            %lt3A_257 = arith.cmpi slt, %sub3A_251, %lt3A_256 : vector<16xi32>
            %and3A_258 = arith.andi %ge3A_254, %lt3A_257 : vector<16xi1>
            %jit3A_259 = arith.constant 25000 : i32
            %broadcast_in_dim3A = vector.broadcast %jit3A_259 : i32 to vector<16xi32>
            %select_n3A_260 = arith.select %and3A_258, %sub3A_251, %broadcast_in_dim3A : vector<16xi1>, vector<16xi32>
            %mul3A_261 = arith.constant 16 : i32
            %mul3A_262 = arith.muli %add3A_233, %mul3A_261 : i32
            %swap3A_263 = arith.index_cast %mul3A_262 : i32 to index
            %swap3A_264 = tpu.vector_load %arg12[%swap3A_263] {strides = array<i32>} : memref<128xi32, #tpu.memory_space<vmem>>, vector<16xi32>,
            %swap3A_265 = vector.shape_cast %swap3A_264 : vector<16xi32> to vector<16xi32>
            %swap3A_266 = vector.shape_cast %select_n3A_260 : vector<16xi32> to vector<16xi32>
            tpu.vector_store %arg12[%swap3A_263], %swap3A_266 {strides = array<i32>} : memref<128xi32, #tpu.memory_space<vmem>>, vector<16xi32>,
          }
          %scan3A_228 = arith.constant 8 : i32
        } else {
        }
        %eq3A_220 = arith.constant 1 : i32
        %eq3A_221 = arith.cmpi eq, %rem3A_156, %eq3A_220 : i32
        %convert_element_type3A_222 = arith.extui %eq3A_221 : i1 to i32
        %cond3A_223 = arith.constant 0 : i32
        %cond3A_224 = arith.cmpi ne, %convert_element_type3A_222, %cond3A_223 : i32
        scf.if %cond3A_224 {
          %scan3A = arith.constant 0 : i32
          %scan3A_225 = arith.constant 8 : i32
          %scan3A_226 = arith.addi %scan3A, %scan3A_225 : i32
          %scan3A_227 = arith.constant 1 : i32
          scf.for %scan3A_229 = %scan3A to %scan3A_226 step %scan3A_227  : i32 {
            %mul3A_230 = arith.constant 1 : i32
            %mul3A_231 = arith.muli %scan3A_229, %mul3A_230 : i32
            %add3A_232 = arith.constant 0 : i32
            %add3A_233 = arith.addi %add3A_232, %mul3A_231 : i32
            %mul3A_234 = arith.constant 16 : i32
            %mul3A_235 = arith.muli %add3A_233, %mul3A_234 : i32
            %get3A = arith.index_cast %mul3A_235 : i32 to index
            %get3A_236 = tpu.vector_load %arg7[%get3A] {strides = array<i32>} : memref<2304xi32, #tpu.memory_space<vmem>>, vector<16xi32>,
            %get3A_237 = vector.shape_cast %get3A_236 : vector<16xi32> to vector<16xi32>
            %mul3A_238 = arith.constant 16 : i32
            %mul3A_239 = arith.muli %add3A_233, %mul3A_238 : i32
            %swap3A = arith.index_cast %mul3A_239 : i32 to index
            %swap3A_240 = tpu.vector_load %arg11[%swap3A] {strides = array<i32>} : memref<128xi32, #tpu.memory_space<vmem>>, vector<16xi32>,
            %swap3A_241 = vector.shape_cast %swap3A_240 : vector<16xi32> to vector<16xi32>
            %swap3A_242 = vector.shape_cast %get3A_237 : vector<16xi32> to vector<16xi32>
            tpu.vector_store %arg11[%swap3A], %swap3A_242 {strides = array<i32>} : memref<128xi32, #tpu.memory_space<vmem>>, vector<16xi32>,
            %mul3A_243 = arith.constant 16 : i32
            %mul3A_244 = arith.muli %add3A_233, %mul3A_243 : i32
            %add3A_245 = arith.constant 128 : i32
            %add3A_246 = arith.addi %add3A_245, %mul3A_244 : i32
            %get3A_247 = arith.index_cast %add3A_246 : i32 to index
            %get3A_248 = tpu.vector_load %arg7[%get3A_247] {strides = array<i32>} : memref<2304xi32, #tpu.memory_space<vmem>>, vector<16xi32>,
            %get3A_249 = vector.shape_cast %get3A_248 : vector<16xi32> to vector<16xi32>
            %sub3A_250 = vector.broadcast %mul3A_0 : i32 to vector<16xi32>
            %sub3A_251 = arith.subi %get3A_249, %sub3A_250 : vector<16xi32>
            %ge3A_252 = arith.constant 0 : i32
            %ge3A_253 = vector.broadcast %ge3A_252 : i32 to vector<16xi32>
            %ge3A_254 = arith.cmpi sge, %sub3A_251, %ge3A_253 : vector<16xi32>
            %lt3A_255 = arith.constant 25000 : i32
            %lt3A_256 = vector.broadcast %lt3A_255 : i32 to vector<16xi32>
            %lt3A_257 = arith.cmpi slt, %sub3A_251, %lt3A_256 : vector<16xi32>
            %and3A_258 = arith.andi %ge3A_254, %lt3A_257 : vector<16xi1>
            %jit3A_259 = arith.constant 25000 : i32
            %broadcast_in_dim3A = vector.broadcast %jit3A_259 : i32 to vector<16xi32>
            %select_n3A_260 = arith.select %and3A_258, %sub3A_251, %broadcast_in_dim3A : vector<16xi1>, vector<16xi32>
            %mul3A_261 = arith.constant 16 : i32
            %mul3A_262 = arith.muli %add3A_233, %mul3A_261 : i32
            %swap3A_263 = arith.index_cast %mul3A_262 : i32 to index
            %swap3A_264 = tpu.vector_load %arg13[%swap3A_263] {strides = array<i32>} : memref<128xi32, #tpu.memory_space<vmem>>, vector<16xi32>,
            %swap3A_265 = vector.shape_cast %swap3A_264 : vector<16xi32> to vector<16xi32>
            %swap3A_266 = vector.shape_cast %select_n3A_260 : vector<16xi32> to vector<16xi32>
            tpu.vector_store %arg13[%swap3A_263], %swap3A_266 {strides = array<i32>} : memref<128xi32, #tpu.memory_space<vmem>>, vector<16xi32>,
          }
          %scan3A_228 = arith.constant 8 : i32
        } else {
        }
      } else {
      }
      %eq3A_185 = arith.constant 1 : i32
      %eq3A_186 = arith.cmpi eq, %rem3A_158, %eq3A_185 : i32
      %convert_element_type3A_187 = arith.extui %eq3A_186 : i1 to i32
      %cond3A_188 = arith.constant 0 : i32
      %cond3A_189 = arith.cmpi ne, %convert_element_type3A_187, %cond3A_188 : i32
      scf.if %cond3A_189 {
        %eq3A_215 = arith.constant 0 : i32
        %eq3A_216 = arith.cmpi eq, %rem3A_156, %eq3A_215 : i32
        %convert_element_type3A_217 = arith.extui %eq3A_216 : i1 to i32
        %cond3A_218 = arith.constant 0 : i32
        %cond3A_219 = arith.cmpi ne, %convert_element_type3A_217, %cond3A_218 : i32
        scf.if %cond3A_219 {
          %scan3A = arith.constant 0 : i32
          %scan3A_225 = arith.constant 8 : i32
          %scan3A_226 = arith.addi %scan3A, %scan3A_225 : i32
          %scan3A_227 = arith.constant 1 : i32
          scf.for %scan3A_229 = %scan3A to %scan3A_226 step %scan3A_227  : i32 {
            %mul3A_230 = arith.constant 1 : i32
            %mul3A_231 = arith.muli %scan3A_229, %mul3A_230 : i32
            %add3A_232 = arith.constant 0 : i32
            %add3A_233 = arith.addi %add3A_232, %mul3A_231 : i32
            %mul3A_234 = arith.constant 16 : i32
            %mul3A_235 = arith.muli %add3A_233, %mul3A_234 : i32
            %get3A = arith.index_cast %mul3A_235 : i32 to index
            %get3A_236 = tpu.vector_load %arg8[%get3A] {strides = array<i32>} : memref<2304xi32, #tpu.memory_space<vmem>>, vector<16xi32>,
            %get3A_237 = vector.shape_cast %get3A_236 : vector<16xi32> to vector<16xi32>
            %mul3A_238 = arith.constant 16 : i32
            %mul3A_239 = arith.muli %add3A_233, %mul3A_238 : i32
            %swap3A = arith.index_cast %mul3A_239 : i32 to index
            %swap3A_240 = tpu.vector_load %arg10[%swap3A] {strides = array<i32>} : memref<128xi32, #tpu.memory_space<vmem>>, vector<16xi32>,
            %swap3A_241 = vector.shape_cast %swap3A_240 : vector<16xi32> to vector<16xi32>
            %swap3A_242 = vector.shape_cast %get3A_237 : vector<16xi32> to vector<16xi32>
            tpu.vector_store %arg10[%swap3A], %swap3A_242 {strides = array<i32>} : memref<128xi32, #tpu.memory_space<vmem>>, vector<16xi32>,
            %mul3A_243 = arith.constant 16 : i32
            %mul3A_244 = arith.muli %add3A_233, %mul3A_243 : i32
            %add3A_245 = arith.constant 128 : i32
            %add3A_246 = arith.addi %add3A_245, %mul3A_244 : i32
            %get3A_247 = arith.index_cast %add3A_246 : i32 to index
            %get3A_248 = tpu.vector_load %arg8[%get3A_247] {strides = array<i32>} : memref<2304xi32, #tpu.memory_space<vmem>>, vector<16xi32>,
            %get3A_249 = vector.shape_cast %get3A_248 : vector<16xi32> to vector<16xi32>
            %sub3A_250 = vector.broadcast %mul3A_0 : i32 to vector<16xi32>
            %sub3A_251 = arith.subi %get3A_249, %sub3A_250 : vector<16xi32>
            %ge3A_252 = arith.constant 0 : i32
            %ge3A_253 = vector.broadcast %ge3A_252 : i32 to vector<16xi32>
            %ge3A_254 = arith.cmpi sge, %sub3A_251, %ge3A_253 : vector<16xi32>
            %lt3A_255 = arith.constant 25000 : i32
            %lt3A_256 = vector.broadcast %lt3A_255 : i32 to vector<16xi32>
            %lt3A_257 = arith.cmpi slt, %sub3A_251, %lt3A_256 : vector<16xi32>
            %and3A_258 = arith.andi %ge3A_254, %lt3A_257 : vector<16xi1>
            %jit3A_259 = arith.constant 25000 : i32
            %broadcast_in_dim3A = vector.broadcast %jit3A_259 : i32 to vector<16xi32>
            %select_n3A_260 = arith.select %and3A_258, %sub3A_251, %broadcast_in_dim3A : vector<16xi1>, vector<16xi32>
            %mul3A_261 = arith.constant 16 : i32
            %mul3A_262 = arith.muli %add3A_233, %mul3A_261 : i32
            %swap3A_263 = arith.index_cast %mul3A_262 : i32 to index
            %swap3A_264 = tpu.vector_load %arg12[%swap3A_263] {strides = array<i32>} : memref<128xi32, #tpu.memory_space<vmem>>, vector<16xi32>,
            %swap3A_265 = vector.shape_cast %swap3A_264 : vector<16xi32> to vector<16xi32>
            %swap3A_266 = vector.shape_cast %select_n3A_260 : vector<16xi32> to vector<16xi32>
            tpu.vector_store %arg12[%swap3A_263], %swap3A_266 {strides = array<i32>} : memref<128xi32, #tpu.memory_space<vmem>>, vector<16xi32>,
          }
          %scan3A_228 = arith.constant 8 : i32
        } else {
        }
        %eq3A_220 = arith.constant 1 : i32
        %eq3A_221 = arith.cmpi eq, %rem3A_156, %eq3A_220 : i32
        %convert_element_type3A_222 = arith.extui %eq3A_221 : i1 to i32
        %cond3A_223 = arith.constant 0 : i32
        %cond3A_224 = arith.cmpi ne, %convert_element_type3A_222, %cond3A_223 : i32
        scf.if %cond3A_224 {
          %scan3A = arith.constant 0 : i32
          %scan3A_225 = arith.constant 8 : i32
          %scan3A_226 = arith.addi %scan3A, %scan3A_225 : i32
          %scan3A_227 = arith.constant 1 : i32
          scf.for %scan3A_229 = %scan3A to %scan3A_226 step %scan3A_227  : i32 {
            %mul3A_230 = arith.constant 1 : i32
            %mul3A_231 = arith.muli %scan3A_229, %mul3A_230 : i32
            %add3A_232 = arith.constant 0 : i32
            %add3A_233 = arith.addi %add3A_232, %mul3A_231 : i32
            %mul3A_234 = arith.constant 16 : i32
            %mul3A_235 = arith.muli %add3A_233, %mul3A_234 : i32
            %get3A = arith.index_cast %mul3A_235 : i32 to index
            %get3A_236 = tpu.vector_load %arg8[%get3A] {strides = array<i32>} : memref<2304xi32, #tpu.memory_space<vmem>>, vector<16xi32>,
            %get3A_237 = vector.shape_cast %get3A_236 : vector<16xi32> to vector<16xi32>
            %mul3A_238 = arith.constant 16 : i32
            %mul3A_239 = arith.muli %add3A_233, %mul3A_238 : i32
            %swap3A = arith.index_cast %mul3A_239 : i32 to index
            %swap3A_240 = tpu.vector_load %arg11[%swap3A] {strides = array<i32>} : memref<128xi32, #tpu.memory_space<vmem>>, vector<16xi32>,
            %swap3A_241 = vector.shape_cast %swap3A_240 : vector<16xi32> to vector<16xi32>
            %swap3A_242 = vector.shape_cast %get3A_237 : vector<16xi32> to vector<16xi32>
            tpu.vector_store %arg11[%swap3A], %swap3A_242 {strides = array<i32>} : memref<128xi32, #tpu.memory_space<vmem>>, vector<16xi32>,
            %mul3A_243 = arith.constant 16 : i32
            %mul3A_244 = arith.muli %add3A_233, %mul3A_243 : i32
            %add3A_245 = arith.constant 128 : i32
            %add3A_246 = arith.addi %add3A_245, %mul3A_244 : i32
            %get3A_247 = arith.index_cast %add3A_246 : i32 to index
            %get3A_248 = tpu.vector_load %arg8[%get3A_247] {strides = array<i32>} : memref<2304xi32, #tpu.memory_space<vmem>>, vector<16xi32>,
            %get3A_249 = vector.shape_cast %get3A_248 : vector<16xi32> to vector<16xi32>
            %sub3A_250 = vector.broadcast %mul3A_0 : i32 to vector<16xi32>
            %sub3A_251 = arith.subi %get3A_249, %sub3A_250 : vector<16xi32>
            %ge3A_252 = arith.constant 0 : i32
            %ge3A_253 = vector.broadcast %ge3A_252 : i32 to vector<16xi32>
            %ge3A_254 = arith.cmpi sge, %sub3A_251, %ge3A_253 : vector<16xi32>
            %lt3A_255 = arith.constant 25000 : i32
            %lt3A_256 = vector.broadcast %lt3A_255 : i32 to vector<16xi32>
            %lt3A_257 = arith.cmpi slt, %sub3A_251, %lt3A_256 : vector<16xi32>
            %and3A_258 = arith.andi %ge3A_254, %lt3A_257 : vector<16xi1>
            %jit3A_259 = arith.constant 25000 : i32
            %broadcast_in_dim3A = vector.broadcast %jit3A_259 : i32 to vector<16xi32>
            %select_n3A_260 = arith.select %and3A_258, %sub3A_251, %broadcast_in_dim3A : vector<16xi1>, vector<16xi32>
            %mul3A_261 = arith.constant 16 : i32
            %mul3A_262 = arith.muli %add3A_233, %mul3A_261 : i32
            %swap3A_263 = arith.index_cast %mul3A_262 : i32 to index
            %swap3A_264 = tpu.vector_load %arg13[%swap3A_263] {strides = array<i32>} : memref<128xi32, #tpu.memory_space<vmem>>, vector<16xi32>,
            %swap3A_265 = vector.shape_cast %swap3A_264 : vector<16xi32> to vector<16xi32>
            %swap3A_266 = vector.shape_cast %select_n3A_260 : vector<16xi32> to vector<16xi32>
            tpu.vector_store %arg13[%swap3A_263], %swap3A_266 {strides = array<i32>} : memref<128xi32, #tpu.memory_space<vmem>>, vector<16xi32>,
          }
          %scan3A_228 = arith.constant 8 : i32
        } else {
        }
      } else {
      }
      %eq3A_190 = arith.constant 2 : i32
      %eq3A_191 = arith.cmpi eq, %rem3A_158, %eq3A_190 : i32
      %convert_element_type3A_192 = arith.extui %eq3A_191 : i1 to i32
      %cond3A_193 = arith.constant 0 : i32
      %cond3A_194 = arith.cmpi ne, %convert_element_type3A_192, %cond3A_193 : i32
      scf.if %cond3A_194 {
        %eq3A_215 = arith.constant 0 : i32
        %eq3A_216 = arith.cmpi eq, %rem3A_156, %eq3A_215 : i32
        %convert_element_type3A_217 = arith.extui %eq3A_216 : i1 to i32
        %cond3A_218 = arith.constant 0 : i32
        %cond3A_219 = arith.cmpi ne, %convert_element_type3A_217, %cond3A_218 : i32
        scf.if %cond3A_219 {
          %scan3A = arith.constant 0 : i32
          %scan3A_225 = arith.constant 8 : i32
          %scan3A_226 = arith.addi %scan3A, %scan3A_225 : i32
          %scan3A_227 = arith.constant 1 : i32
          scf.for %scan3A_229 = %scan3A to %scan3A_226 step %scan3A_227  : i32 {
            %mul3A_230 = arith.constant 1 : i32
            %mul3A_231 = arith.muli %scan3A_229, %mul3A_230 : i32
            %add3A_232 = arith.constant 0 : i32
            %add3A_233 = arith.addi %add3A_232, %mul3A_231 : i32
            %mul3A_234 = arith.constant 16 : i32
            %mul3A_235 = arith.muli %add3A_233, %mul3A_234 : i32
            %get3A = arith.index_cast %mul3A_235 : i32 to index
            %get3A_236 = tpu.vector_load %arg9[%get3A] {strides = array<i32>} : memref<2304xi32, #tpu.memory_space<vmem>>, vector<16xi32>,
            %get3A_237 = vector.shape_cast %get3A_236 : vector<16xi32> to vector<16xi32>
            %mul3A_238 = arith.constant 16 : i32
            %mul3A_239 = arith.muli %add3A_233, %mul3A_238 : i32
            %swap3A = arith.index_cast %mul3A_239 : i32 to index
            %swap3A_240 = tpu.vector_load %arg10[%swap3A] {strides = array<i32>} : memref<128xi32, #tpu.memory_space<vmem>>, vector<16xi32>,
            %swap3A_241 = vector.shape_cast %swap3A_240 : vector<16xi32> to vector<16xi32>
            %swap3A_242 = vector.shape_cast %get3A_237 : vector<16xi32> to vector<16xi32>
            tpu.vector_store %arg10[%swap3A], %swap3A_242 {strides = array<i32>} : memref<128xi32, #tpu.memory_space<vmem>>, vector<16xi32>,
            %mul3A_243 = arith.constant 16 : i32
            %mul3A_244 = arith.muli %add3A_233, %mul3A_243 : i32
            %add3A_245 = arith.constant 128 : i32
            %add3A_246 = arith.addi %add3A_245, %mul3A_244 : i32
            %get3A_247 = arith.index_cast %add3A_246 : i32 to index
            %get3A_248 = tpu.vector_load %arg9[%get3A_247] {strides = array<i32>} : memref<2304xi32, #tpu.memory_space<vmem>>, vector<16xi32>,
            %get3A_249 = vector.shape_cast %get3A_248 : vector<16xi32> to vector<16xi32>
            %sub3A_250 = vector.broadcast %mul3A_0 : i32 to vector<16xi32>
            %sub3A_251 = arith.subi %get3A_249, %sub3A_250 : vector<16xi32>
            %ge3A_252 = arith.constant 0 : i32
            %ge3A_253 = vector.broadcast %ge3A_252 : i32 to vector<16xi32>
            %ge3A_254 = arith.cmpi sge, %sub3A_251, %ge3A_253 : vector<16xi32>
            %lt3A_255 = arith.constant 25000 : i32
            %lt3A_256 = vector.broadcast %lt3A_255 : i32 to vector<16xi32>
            %lt3A_257 = arith.cmpi slt, %sub3A_251, %lt3A_256 : vector<16xi32>
            %and3A_258 = arith.andi %ge3A_254, %lt3A_257 : vector<16xi1>
            %jit3A_259 = arith.constant 25000 : i32
            %broadcast_in_dim3A = vector.broadcast %jit3A_259 : i32 to vector<16xi32>
            %select_n3A_260 = arith.select %and3A_258, %sub3A_251, %broadcast_in_dim3A : vector<16xi1>, vector<16xi32>
            %mul3A_261 = arith.constant 16 : i32
            %mul3A_262 = arith.muli %add3A_233, %mul3A_261 : i32
            %swap3A_263 = arith.index_cast %mul3A_262 : i32 to index
            %swap3A_264 = tpu.vector_load %arg12[%swap3A_263] {strides = array<i32>} : memref<128xi32, #tpu.memory_space<vmem>>, vector<16xi32>,
            %swap3A_265 = vector.shape_cast %swap3A_264 : vector<16xi32> to vector<16xi32>
            %swap3A_266 = vector.shape_cast %select_n3A_260 : vector<16xi32> to vector<16xi32>
            tpu.vector_store %arg12[%swap3A_263], %swap3A_266 {strides = array<i32>} : memref<128xi32, #tpu.memory_space<vmem>>, vector<16xi32>,
          }
          %scan3A_228 = arith.constant 8 : i32
        } else {
        }
        %eq3A_220 = arith.constant 1 : i32
        %eq3A_221 = arith.cmpi eq, %rem3A_156, %eq3A_220 : i32
        %convert_element_type3A_222 = arith.extui %eq3A_221 : i1 to i32
        %cond3A_223 = arith.constant 0 : i32
        %cond3A_224 = arith.cmpi ne, %convert_element_type3A_222, %cond3A_223 : i32
        scf.if %cond3A_224 {
          %scan3A = arith.constant 0 : i32
          %scan3A_225 = arith.constant 8 : i32
          %scan3A_226 = arith.addi %scan3A, %scan3A_225 : i32
          %scan3A_227 = arith.constant 1 : i32
          scf.for %scan3A_229 = %scan3A to %scan3A_226 step %scan3A_227  : i32 {
            %mul3A_230 = arith.constant 1 : i32
            %mul3A_231 = arith.muli %scan3A_229, %mul3A_230 : i32
            %add3A_232 = arith.constant 0 : i32
            %add3A_233 = arith.addi %add3A_232, %mul3A_231 : i32
            %mul3A_234 = arith.constant 16 : i32
            %mul3A_235 = arith.muli %add3A_233, %mul3A_234 : i32
            %get3A = arith.index_cast %mul3A_235 : i32 to index
            %get3A_236 = tpu.vector_load %arg9[%get3A] {strides = array<i32>} : memref<2304xi32, #tpu.memory_space<vmem>>, vector<16xi32>,
            %get3A_237 = vector.shape_cast %get3A_236 : vector<16xi32> to vector<16xi32>
            %mul3A_238 = arith.constant 16 : i32
            %mul3A_239 = arith.muli %add3A_233, %mul3A_238 : i32
            %swap3A = arith.index_cast %mul3A_239 : i32 to index
            %swap3A_240 = tpu.vector_load %arg11[%swap3A] {strides = array<i32>} : memref<128xi32, #tpu.memory_space<vmem>>, vector<16xi32>,
            %swap3A_241 = vector.shape_cast %swap3A_240 : vector<16xi32> to vector<16xi32>
            %swap3A_242 = vector.shape_cast %get3A_237 : vector<16xi32> to vector<16xi32>
            tpu.vector_store %arg11[%swap3A], %swap3A_242 {strides = array<i32>} : memref<128xi32, #tpu.memory_space<vmem>>, vector<16xi32>,
            %mul3A_243 = arith.constant 16 : i32
            %mul3A_244 = arith.muli %add3A_233, %mul3A_243 : i32
            %add3A_245 = arith.constant 128 : i32
            %add3A_246 = arith.addi %add3A_245, %mul3A_244 : i32
            %get3A_247 = arith.index_cast %add3A_246 : i32 to index
            %get3A_248 = tpu.vector_load %arg9[%get3A_247] {strides = array<i32>} : memref<2304xi32, #tpu.memory_space<vmem>>, vector<16xi32>,
            %get3A_249 = vector.shape_cast %get3A_248 : vector<16xi32> to vector<16xi32>
            %sub3A_250 = vector.broadcast %mul3A_0 : i32 to vector<16xi32>
            %sub3A_251 = arith.subi %get3A_249, %sub3A_250 : vector<16xi32>
            %ge3A_252 = arith.constant 0 : i32
            %ge3A_253 = vector.broadcast %ge3A_252 : i32 to vector<16xi32>
            %ge3A_254 = arith.cmpi sge, %sub3A_251, %ge3A_253 : vector<16xi32>
            %lt3A_255 = arith.constant 25000 : i32
            %lt3A_256 = vector.broadcast %lt3A_255 : i32 to vector<16xi32>
            %lt3A_257 = arith.cmpi slt, %sub3A_251, %lt3A_256 : vector<16xi32>
            %and3A_258 = arith.andi %ge3A_254, %lt3A_257 : vector<16xi1>
            %jit3A_259 = arith.constant 25000 : i32
            %broadcast_in_dim3A = vector.broadcast %jit3A_259 : i32 to vector<16xi32>
            %select_n3A_260 = arith.select %and3A_258, %sub3A_251, %broadcast_in_dim3A : vector<16xi1>, vector<16xi32>
            %mul3A_261 = arith.constant 16 : i32
            %mul3A_262 = arith.muli %add3A_233, %mul3A_261 : i32
            %swap3A_263 = arith.index_cast %mul3A_262 : i32 to index
            %swap3A_264 = tpu.vector_load %arg13[%swap3A_263] {strides = array<i32>} : memref<128xi32, #tpu.memory_space<vmem>>, vector<16xi32>,
            %swap3A_265 = vector.shape_cast %swap3A_264 : vector<16xi32> to vector<16xi32>
            %swap3A_266 = vector.shape_cast %select_n3A_260 : vector<16xi32> to vector<16xi32>
            tpu.vector_store %arg13[%swap3A_263], %swap3A_266 {strides = array<i32>} : memref<128xi32, #tpu.memory_space<vmem>>, vector<16xi32>,
          }
          %scan3A_228 = arith.constant 8 : i32
        } else {
        }
      } else {
      }
      %eq3A_195 = arith.constant 0 : i32
      %eq3A_196 = arith.cmpi eq, %rem3A_156, %eq3A_195 : i32
      %convert_element_type3A_197 = arith.extui %eq3A_196 : i1 to i32
      %cond3A_198 = arith.constant 0 : i32
      %cond3A_199 = arith.cmpi ne, %convert_element_type3A_197, %cond3A_198 : i32
      scf.if %cond3A_199 {
        %dma_start3A_215 = arith.constant 0 : i32
        %dma_start3A_216 = arith.constant 0 : i32
        %dma_start3A_217 = tpu.memref_slice %arg3[%dma_start3A_215, %dma_start3A_216] : memref<50000x64xf32, #tpu.memory_space<hbm>> -> memref<50000x64xf32, #tpu.memory_space<hbm>>
        tpu.enqueue_indirect_dma source(%dma_start3A_217 : memref<50000x64xf32, #tpu.memory_space<hbm>>) target(%arg14 : memref<128x64xf32, #tpu.memory_space<vmem>>) offsets(%arg10 : memref<128xi32, #tpu.memory_space<vmem>>) semaphore(%arg19 : memref<!tpu.dma_semaphore, #tpu.memory_space<semaphore_mem>>)
      } else {
      }
      %eq3A_200 = arith.constant 1 : i32
      %eq3A_201 = arith.cmpi eq, %rem3A_156, %eq3A_200 : i32
      %convert_element_type3A_202 = arith.extui %eq3A_201 : i1 to i32
      %cond3A_203 = arith.constant 0 : i32
      %cond3A_204 = arith.cmpi ne, %convert_element_type3A_202, %cond3A_203 : i32
      scf.if %cond3A_204 {
        %dma_start3A_215 = arith.constant 0 : i32
        %dma_start3A_216 = arith.constant 0 : i32
        %dma_start3A_217 = tpu.memref_slice %arg3[%dma_start3A_215, %dma_start3A_216] : memref<50000x64xf32, #tpu.memory_space<hbm>> -> memref<50000x64xf32, #tpu.memory_space<hbm>>
        tpu.enqueue_indirect_dma source(%dma_start3A_217 : memref<50000x64xf32, #tpu.memory_space<hbm>>) target(%arg15 : memref<128x64xf32, #tpu.memory_space<vmem>>) offsets(%arg11 : memref<128xi32, #tpu.memory_space<vmem>>) semaphore(%arg20 : memref<!tpu.dma_semaphore, #tpu.memory_space<semaphore_mem>>)
      } else {
      }
      %ge3A_205 = arith.constant 1 : i32
      %ge3A_206 = arith.cmpi sge, %add3A_154, %ge3A_205 : i32
      %convert_element_type3A_207 = arith.extui %ge3A_206 : i1 to i32
      %cond3A_208 = arith.constant 0 : i32
      %cond3A_209 = arith.cmpi ne, %convert_element_type3A_207, %cond3A_208 : i32
      scf.if %cond3A_209 {
        %add3A_215 = arith.constant 2 : i32
        %add3A_216 = arith.addi %add3A_154, %add3A_215 : i32
        %rem3A_217 = arith.constant 3 : i32
        %rem3A_218 = arith.remsi %add3A_216, %rem3A_217 : i32
        %eq3A_219 = arith.constant 0 : i32
        %eq3A_220 = arith.cmpi eq, %sub3A_160, %eq3A_219 : i32
        %convert_element_type3A_221 = arith.extui %eq3A_220 : i1 to i32
        %cond3A_222 = arith.constant 0 : i32
        %cond3A_223 = arith.cmpi ne, %convert_element_type3A_221, %cond3A_222 : i32
        scf.if %cond3A_223 {
          %dma_wait3A = arith.constant 0 : i32
          %dma_wait3A_254 = arith.constant 0 : i32
          %dma_wait3A_255 = tpu.memref_slice %arg3[%dma_wait3A, %dma_wait3A_254] : memref<50000x64xf32, #tpu.memory_space<hbm>> -> memref<50000x64xf32, #tpu.memory_space<hbm>>
          tpu.wait_indirect_dma semaphore(%arg19 : memref<!tpu.dma_semaphore, #tpu.memory_space<semaphore_mem>>) src(%dma_wait3A_255 : memref<50000x64xf32, #tpu.memory_space<hbm>>) dst(%arg14 : memref<128x64xf32, #tpu.memory_space<vmem>>)
        } else {
        }
        %eq3A_224 = arith.constant 1 : i32
        %eq3A_225 = arith.cmpi eq, %sub3A_160, %eq3A_224 : i32
        %convert_element_type3A_226 = arith.extui %eq3A_225 : i1 to i32
        %cond3A_227 = arith.constant 0 : i32
        %cond3A_228 = arith.cmpi ne, %convert_element_type3A_226, %cond3A_227 : i32
        scf.if %cond3A_228 {
          %dma_wait3A = arith.constant 0 : i32
          %dma_wait3A_254 = arith.constant 0 : i32
          %dma_wait3A_255 = tpu.memref_slice %arg3[%dma_wait3A, %dma_wait3A_254] : memref<50000x64xf32, #tpu.memory_space<hbm>> -> memref<50000x64xf32, #tpu.memory_space<hbm>>
          tpu.wait_indirect_dma semaphore(%arg20 : memref<!tpu.dma_semaphore, #tpu.memory_space<semaphore_mem>>) src(%dma_wait3A_255 : memref<50000x64xf32, #tpu.memory_space<hbm>>) dst(%arg15 : memref<128x64xf32, #tpu.memory_space<vmem>>)
        } else {
        }
        %eq3A_229 = arith.constant 0 : i32
        %eq3A_230 = arith.cmpi eq, %rem3A_218, %eq3A_229 : i32
        %convert_element_type3A_231 = arith.extui %eq3A_230 : i1 to i32
        %cond3A_232 = arith.constant 0 : i32
        %cond3A_233 = arith.cmpi ne, %convert_element_type3A_231, %cond3A_232 : i32
        scf.if %cond3A_233 {
          %eq3A_254 = arith.constant 0 : i32
          %eq3A_255 = arith.cmpi eq, %sub3A_160, %eq3A_254 : i32
          %convert_element_type3A_256 = arith.extui %eq3A_255 : i1 to i32
          %cond3A_257 = arith.constant 0 : i32
          %cond3A_258 = arith.cmpi ne, %convert_element_type3A_256, %cond3A_257 : i32
          scf.if %cond3A_258 {
          } else {
          }
          %eq3A_259 = arith.constant 1 : i32
          %eq3A_260 = arith.cmpi eq, %sub3A_160, %eq3A_259 : i32
          %convert_element_type3A_261 = arith.extui %eq3A_260 : i1 to i32
          %cond3A_262 = arith.constant 0 : i32
          %cond3A_263 = arith.cmpi ne, %convert_element_type3A_261, %cond3A_262 : i32
          scf.if %cond3A_263 {
          } else {
          }
        } else {
        }
        %eq3A_234 = arith.constant 1 : i32
        %eq3A_235 = arith.cmpi eq, %rem3A_218, %eq3A_234 : i32
        %convert_element_type3A_236 = arith.extui %eq3A_235 : i1 to i32
        %cond3A_237 = arith.constant 0 : i32
        %cond3A_238 = arith.cmpi ne, %convert_element_type3A_236, %cond3A_237 : i32
        scf.if %cond3A_238 {
          %eq3A_254 = arith.constant 0 : i32
          %eq3A_255 = arith.cmpi eq, %sub3A_160, %eq3A_254 : i32
          %convert_element_type3A_256 = arith.extui %eq3A_255 : i1 to i32
          %cond3A_257 = arith.constant 0 : i32
          %cond3A_258 = arith.cmpi ne, %convert_element_type3A_256, %cond3A_257 : i32
          scf.if %cond3A_258 {
          } else {
          }
          %eq3A_259 = arith.constant 1 : i32
          %eq3A_260 = arith.cmpi eq, %sub3A_160, %eq3A_259 : i32
          %convert_element_type3A_261 = arith.extui %eq3A_260 : i1 to i32
          %cond3A_262 = arith.constant 0 : i32
          %cond3A_263 = arith.cmpi ne, %convert_element_type3A_261, %cond3A_262 : i32
          scf.if %cond3A_263 {
          } else {
          }
        } else {
        }
        %eq3A_239 = arith.constant 2 : i32
        %eq3A_240 = arith.cmpi eq, %rem3A_218, %eq3A_239 : i32
        %convert_element_type3A_241 = arith.extui %eq3A_240 : i1 to i32
        %cond3A_242 = arith.constant 0 : i32
        %cond3A_243 = arith.cmpi ne, %convert_element_type3A_241, %cond3A_242 : i32
        scf.if %cond3A_243 {
          %eq3A_254 = arith.constant 0 : i32
          %eq3A_255 = arith.cmpi eq, %sub3A_160, %eq3A_254 : i32
          %convert_element_type3A_256 = arith.extui %eq3A_255 : i1 to i32
          %cond3A_257 = arith.constant 0 : i32
          %cond3A_258 = arith.cmpi ne, %convert_element_type3A_256, %cond3A_257 : i32
          scf.if %cond3A_258 {
          } else {
          }
          %eq3A_259 = arith.constant 1 : i32
          %eq3A_260 = arith.cmpi eq, %sub3A_160, %eq3A_259 : i32
          %convert_element_type3A_261 = arith.extui %eq3A_260 : i1 to i32
          %cond3A_262 = arith.constant 0 : i32
          %cond3A_263 = arith.cmpi ne, %convert_element_type3A_261, %cond3A_262 : i32
          scf.if %cond3A_263 {
          } else {
          }
        } else {
        }
        %eq3A_244 = arith.constant 0 : i32
        %eq3A_245 = arith.cmpi eq, %sub3A_160, %eq3A_244 : i32
        %convert_element_type3A_246 = arith.extui %eq3A_245 : i1 to i32
        %cond3A_247 = arith.constant 0 : i32
        %cond3A_248 = arith.cmpi ne, %convert_element_type3A_246, %cond3A_247 : i32
        scf.if %cond3A_248 {
          %dma_start3A_254 = arith.constant 0 : i32
          %dma_start3A_255 = arith.constant 0 : i32
          %dma_start3A_256 = tpu.memref_slice %arg6[%dma_start3A_254, %dma_start3A_255] : memref<25088x64xf32, #tpu.memory_space<vmem_shared>> -> memref<25088x64xf32, #tpu.memory_space<vmem_shared>>
          tpu.enqueue_indirect_dma source(%arg14 : memref<128x64xf32, #tpu.memory_space<vmem>>) target(%dma_start3A_256 : memref<25088x64xf32, #tpu.memory_space<vmem_shared>>) offsets(%arg12 : memref<128xi32, #tpu.memory_space<vmem>>) semaphore(%arg21 : memref<!tpu.dma_semaphore, #tpu.memory_space<semaphore_mem>>) {add = true}
        } else {
        }
        %eq3A_249 = arith.constant 1 : i32
        %eq3A_250 = arith.cmpi eq, %sub3A_160, %eq3A_249 : i32
        %convert_element_type3A_251 = arith.extui %eq3A_250 : i1 to i32
        %cond3A_252 = arith.constant 0 : i32
        %cond3A_253 = arith.cmpi ne, %convert_element_type3A_251, %cond3A_252 : i32
        scf.if %cond3A_253 {
          %dma_start3A_254 = arith.constant 0 : i32
          %dma_start3A_255 = arith.constant 0 : i32
          %dma_start3A_256 = tpu.memref_slice %arg6[%dma_start3A_254, %dma_start3A_255] : memref<25088x64xf32, #tpu.memory_space<vmem_shared>> -> memref<25088x64xf32, #tpu.memory_space<vmem_shared>>
          tpu.enqueue_indirect_dma source(%arg15 : memref<128x64xf32, #tpu.memory_space<vmem>>) target(%dma_start3A_256 : memref<25088x64xf32, #tpu.memory_space<vmem_shared>>) offsets(%arg13 : memref<128xi32, #tpu.memory_space<vmem>>) semaphore(%arg22 : memref<!tpu.dma_semaphore, #tpu.memory_space<semaphore_mem>>) {add = true}
        } else {
        }
      } else {
      }
      %add3A_210 = arith.constant 2 : i32
      %add3A_211 = arith.addi %add3A_154, %add3A_210 : i32
      %lt3A = arith.cmpi slt, %add3A_211, %select_n3A : i32
      %convert_element_type3A_212 = arith.extui %lt3A : i1 to i32
      %cond3A_213 = arith.constant 0 : i32
      %cond3A_214 = arith.cmpi ne, %convert_element_type3A_212, %cond3A_213 : i32
      scf.if %cond3A_214 {
        %add3A_215 = arith.constant 2 : i32
        %add3A_216 = arith.addi %add3A_154, %add3A_215 : i32
        %rem3A_217 = arith.constant 3 : i32
        %rem3A_218 = arith.remsi %add3A_216, %rem3A_217 : i32
        %eq3A_219 = arith.constant 0 : i32
        %eq3A_220 = arith.cmpi eq, %rem3A_218, %eq3A_219 : i32
        %convert_element_type3A_221 = arith.extui %eq3A_220 : i1 to i32
        %cond3A_222 = arith.constant 0 : i32
        %cond3A_223 = arith.cmpi ne, %convert_element_type3A_221, %cond3A_222 : i32
        scf.if %cond3A_223 {
          %add3A_234 = arith.constant 2 : i32
          %add3A_235 = arith.addi %add3A_154, %add3A_234 : i32
          %mul3A_236 = arith.constant 16 : i32
          %mul3A_237 = arith.muli %add3A_235, %mul3A_236 : i32
          %add3A_238 = arith.addi %arg1, %mul3A_237 : i32
          %dma_start3A_239 = arith.constant 0 : i32
          %dma_start3A_240 = tpu.memref_slice %arg2[%add3A_238, %dma_start3A_239] : memref<6250x2304xi32, #tpu.memory_space<hbm>> -> memref<1x2304xi32, #tpu.memory_space<hbm>>
          %dma_start3A_241 = tpu.memref_squeeze %dma_start3A_240 : memref<1x2304xi32, #tpu.memory_space<hbm>> -> memref<2304xi32, #tpu.memory_space<hbm>>
          %dma_start3A_242 = arith.constant 0 : i32
          %dma_start3A_243 = tpu.memref_slice %arg2[%add3A_238, %dma_start3A_242] : memref<6250x2304xi32, #tpu.memory_space<hbm>> -> memref<1x2304xi32, #tpu.memory_space<hbm>>
          %dma_start3A_244 = tpu.memref_squeeze %dma_start3A_243 : memref<1x2304xi32, #tpu.memory_space<hbm>> -> memref<2304xi32, #tpu.memory_space<hbm>>
          tpu.enqueue_dma source(%dma_start3A_244 : memref<2304xi32, #tpu.memory_space<hbm>>) target(%arg7 : memref<2304xi32, #tpu.memory_space<vmem>>) target_semaphore(%arg16 : memref<!tpu.dma_semaphore, #tpu.memory_space<semaphore_mem>>)
        } else {
        }
        %eq3A_224 = arith.constant 1 : i32
        %eq3A_225 = arith.cmpi eq, %rem3A_218, %eq3A_224 : i32
        %convert_element_type3A_226 = arith.extui %eq3A_225 : i1 to i32
        %cond3A_227 = arith.constant 0 : i32
        %cond3A_228 = arith.cmpi ne, %convert_element_type3A_226, %cond3A_227 : i32
        scf.if %cond3A_228 {
          %add3A_234 = arith.constant 2 : i32
          %add3A_235 = arith.addi %add3A_154, %add3A_234 : i32
          %mul3A_236 = arith.constant 16 : i32
          %mul3A_237 = arith.muli %add3A_235, %mul3A_236 : i32
          %add3A_238 = arith.addi %arg1, %mul3A_237 : i32
          %dma_start3A_239 = arith.constant 0 : i32
          %dma_start3A_240 = tpu.memref_slice %arg2[%add3A_238, %dma_start3A_239] : memref<6250x2304xi32, #tpu.memory_space<hbm>> -> memref<1x2304xi32, #tpu.memory_space<hbm>>
          %dma_start3A_241 = tpu.memref_squeeze %dma_start3A_240 : memref<1x2304xi32, #tpu.memory_space<hbm>> -> memref<2304xi32, #tpu.memory_space<hbm>>
          %dma_start3A_242 = arith.constant 0 : i32
          %dma_start3A_243 = tpu.memref_slice %arg2[%add3A_238, %dma_start3A_242] : memref<6250x2304xi32, #tpu.memory_space<hbm>> -> memref<1x2304xi32, #tpu.memory_space<hbm>>
          %dma_start3A_244 = tpu.memref_squeeze %dma_start3A_243 : memref<1x2304xi32, #tpu.memory_space<hbm>> -> memref<2304xi32, #tpu.memory_space<hbm>>
          tpu.enqueue_dma source(%dma_start3A_244 : memref<2304xi32, #tpu.memory_space<hbm>>) target(%arg8 : memref<2304xi32, #tpu.memory_space<vmem>>) target_semaphore(%arg17 : memref<!tpu.dma_semaphore, #tpu.memory_space<semaphore_mem>>)
        } else {
        }
        %eq3A_229 = arith.constant 2 : i32
        %eq3A_230 = arith.cmpi eq, %rem3A_218, %eq3A_229 : i32
        %convert_element_type3A_231 = arith.extui %eq3A_230 : i1 to i32
        %cond3A_232 = arith.constant 0 : i32
        %cond3A_233 = arith.cmpi ne, %convert_element_type3A_231, %cond3A_232 : i32
        scf.if %cond3A_233 {
          %add3A_234 = arith.constant 2 : i32
          %add3A_235 = arith.addi %add3A_154, %add3A_234 : i32
          %mul3A_236 = arith.constant 16 : i32
          %mul3A_237 = arith.muli %add3A_235, %mul3A_236 : i32
          %add3A_238 = arith.addi %arg1, %mul3A_237 : i32
          %dma_start3A_239 = arith.constant 0 : i32
          %dma_start3A_240 = tpu.memref_slice %arg2[%add3A_238, %dma_start3A_239] : memref<6250x2304xi32, #tpu.memory_space<hbm>> -> memref<1x2304xi32, #tpu.memory_space<hbm>>
          %dma_start3A_241 = tpu.memref_squeeze %dma_start3A_240 : memref<1x2304xi32, #tpu.memory_space<hbm>> -> memref<2304xi32, #tpu.memory_space<hbm>>
          %dma_start3A_242 = arith.constant 0 : i32
          %dma_start3A_243 = tpu.memref_slice %arg2[%add3A_238, %dma_start3A_242] : memref<6250x2304xi32, #tpu.memory_space<hbm>> -> memref<1x2304xi32, #tpu.memory_space<hbm>>
          %dma_start3A_244 = tpu.memref_squeeze %dma_start3A_243 : memref<1x2304xi32, #tpu.memory_space<hbm>> -> memref<2304xi32, #tpu.memory_space<hbm>>
          tpu.enqueue_dma source(%dma_start3A_244 : memref<2304xi32, #tpu.memory_space<hbm>>) target(%arg9 : memref<2304xi32, #tpu.memory_space<vmem>>) target_semaphore(%arg18 : memref<!tpu.dma_semaphore, #tpu.memory_space<semaphore_mem>>)
        } else {
        }
      } else {
      }
    }
    %while3A_70 = arith.constant 1 : i32
    scf.for %while3A_152 = %while3A_68 to %while3A_64 step %while3A_70  : i32 {
      %mul3A_153 = arith.muli %while3A_152, %while3A : i32
      %add3A_154 = arith.addi %while3A_61, %mul3A_153 : i32
      %rem3A_155 = arith.constant 2 : i32
      %rem3A_156 = arith.remsi %add3A_154, %rem3A_155 : i32
      %rem3A_157 = arith.constant 3 : i32
      %rem3A_158 = arith.remsi %add3A_154, %rem3A_157 : i32
      %sub3A_159 = arith.constant 1 : i32
      %sub3A_160 = arith.subi %sub3A_159, %rem3A_156 : i32
      %eq3A_161 = arith.constant 0 : i32
      %eq3A_162 = arith.cmpi eq, %rem3A_158, %eq3A_161 : i32
      %convert_element_type3A_163 = arith.extui %eq3A_162 : i1 to i32
      %cond3A_164 = arith.constant 0 : i32
      %cond3A_165 = arith.cmpi ne, %convert_element_type3A_163, %cond3A_164 : i32
      scf.if %cond3A_165 {
        %dma_wait3A = arith.constant 0 : i32
        %dma_wait3A_215 = arith.constant 0 : i32
        %dma_wait3A_216 = tpu.memref_slice %arg2[%dma_wait3A, %dma_wait3A_215] : memref<6250x2304xi32, #tpu.memory_space<hbm>> -> memref<1x2304xi32, #tpu.memory_space<hbm>>
        %dma_wait3A_217 = tpu.memref_squeeze %dma_wait3A_216 : memref<1x2304xi32, #tpu.memory_space<hbm>> -> memref<2304xi32, #tpu.memory_space<hbm>>
        %dma_wait3A_218 = arith.constant 0 : i32
        %dma_wait3A_219 = tpu.memref_slice %arg2[%dma_wait3A, %dma_wait3A_218] : memref<6250x2304xi32, #tpu.memory_space<hbm>> -> memref<1x2304xi32, #tpu.memory_space<hbm>>
        %dma_wait3A_220 = tpu.memref_squeeze %dma_wait3A_219 : memref<1x2304xi32, #tpu.memory_space<hbm>> -> memref<2304xi32, #tpu.memory_space<hbm>>
        tpu.wait_dma2 semaphore(%arg16 : memref<!tpu.dma_semaphore, #tpu.memory_space<semaphore_mem>>) src(%dma_wait3A_220 : memref<2304xi32, #tpu.memory_space<hbm>>) dst(%arg7 : memref<2304xi32, #tpu.memory_space<vmem>>)
      } else {
      }
      %eq3A_166 = arith.constant 1 : i32
      %eq3A_167 = arith.cmpi eq, %rem3A_158, %eq3A_166 : i32
      %convert_element_type3A_168 = arith.extui %eq3A_167 : i1 to i32
      %cond3A_169 = arith.constant 0 : i32
      %cond3A_170 = arith.cmpi ne, %convert_element_type3A_168, %cond3A_169 : i32
      scf.if %cond3A_170 {
        %dma_wait3A = arith.constant 0 : i32
        %dma_wait3A_215 = arith.constant 0 : i32
        %dma_wait3A_216 = tpu.memref_slice %arg2[%dma_wait3A, %dma_wait3A_215] : memref<6250x2304xi32, #tpu.memory_space<hbm>> -> memref<1x2304xi32, #tpu.memory_space<hbm>>
        %dma_wait3A_217 = tpu.memref_squeeze %dma_wait3A_216 : memref<1x2304xi32, #tpu.memory_space<hbm>> -> memref<2304xi32, #tpu.memory_space<hbm>>
        %dma_wait3A_218 = arith.constant 0 : i32
        %dma_wait3A_219 = tpu.memref_slice %arg2[%dma_wait3A, %dma_wait3A_218] : memref<6250x2304xi32, #tpu.memory_space<hbm>> -> memref<1x2304xi32, #tpu.memory_space<hbm>>
        %dma_wait3A_220 = tpu.memref_squeeze %dma_wait3A_219 : memref<1x2304xi32, #tpu.memory_space<hbm>> -> memref<2304xi32, #tpu.memory_space<hbm>>
        tpu.wait_dma2 semaphore(%arg17 : memref<!tpu.dma_semaphore, #tpu.memory_space<semaphore_mem>>) src(%dma_wait3A_220 : memref<2304xi32, #tpu.memory_space<hbm>>) dst(%arg8 : memref<2304xi32, #tpu.memory_space<vmem>>)
      } else {
      }
      %eq3A_171 = arith.constant 2 : i32
      %eq3A_172 = arith.cmpi eq, %rem3A_158, %eq3A_171 : i32
      %convert_element_type3A_173 = arith.extui %eq3A_172 : i1 to i32
      %cond3A_174 = arith.constant 0 : i32
      %cond3A_175 = arith.cmpi ne, %convert_element_type3A_173, %cond3A_174 : i32
      scf.if %cond3A_175 {
        %dma_wait3A = arith.constant 0 : i32
        %dma_wait3A_215 = arith.constant 0 : i32
        %dma_wait3A_216 = tpu.memref_slice %arg2[%dma_wait3A, %dma_wait3A_215] : memref<6250x2304xi32, #tpu.memory_space<hbm>> -> memref<1x2304xi32, #tpu.memory_space<hbm>>
        %dma_wait3A_217 = tpu.memref_squeeze %dma_wait3A_216 : memref<1x2304xi32, #tpu.memory_space<hbm>> -> memref<2304xi32, #tpu.memory_space<hbm>>
        %dma_wait3A_218 = arith.constant 0 : i32
        %dma_wait3A_219 = tpu.memref_slice %arg2[%dma_wait3A, %dma_wait3A_218] : memref<6250x2304xi32, #tpu.memory_space<hbm>> -> memref<1x2304xi32, #tpu.memory_space<hbm>>
        %dma_wait3A_220 = tpu.memref_squeeze %dma_wait3A_219 : memref<1x2304xi32, #tpu.memory_space<hbm>> -> memref<2304xi32, #tpu.memory_space<hbm>>
        tpu.wait_dma2 semaphore(%arg18 : memref<!tpu.dma_semaphore, #tpu.memory_space<semaphore_mem>>) src(%dma_wait3A_220 : memref<2304xi32, #tpu.memory_space<hbm>>) dst(%arg9 : memref<2304xi32, #tpu.memory_space<vmem>>)
      } else {
      }
      %ge3A = arith.constant 2 : i32
      %ge3A_176 = arith.cmpi sge, %add3A_154, %ge3A : i32
      %convert_element_type3A_177 = arith.extui %ge3A_176 : i1 to i32
      %cond3A_178 = arith.constant 0 : i32
      %cond3A_179 = arith.cmpi ne, %convert_element_type3A_177, %cond3A_178 : i32
      scf.if %cond3A_179 {
        %eq3A_215 = arith.constant 0 : i32
        %eq3A_216 = arith.cmpi eq, %rem3A_156, %eq3A_215 : i32
        %convert_element_type3A_217 = arith.extui %eq3A_216 : i1 to i32
        %cond3A_218 = arith.constant 0 : i32
        %cond3A_219 = arith.cmpi ne, %convert_element_type3A_217, %cond3A_218 : i32
        scf.if %cond3A_219 {
          %dma_wait3A = arith.constant 0 : i32
          %dma_wait3A_225 = arith.constant 0 : i32
          %dma_wait3A_226 = tpu.memref_slice %arg6[%dma_wait3A, %dma_wait3A_225] : memref<25088x64xf32, #tpu.memory_space<vmem_shared>> -> memref<25088x64xf32, #tpu.memory_space<vmem_shared>>
          tpu.wait_indirect_dma semaphore(%arg21 : memref<!tpu.dma_semaphore, #tpu.memory_space<semaphore_mem>>) src(%arg14 : memref<128x64xf32, #tpu.memory_space<vmem>>) dst(%dma_wait3A_226 : memref<25088x64xf32, #tpu.memory_space<vmem_shared>>)
        } else {
        }
        %eq3A_220 = arith.constant 1 : i32
        %eq3A_221 = arith.cmpi eq, %rem3A_156, %eq3A_220 : i32
        %convert_element_type3A_222 = arith.extui %eq3A_221 : i1 to i32
        %cond3A_223 = arith.constant 0 : i32
        %cond3A_224 = arith.cmpi ne, %convert_element_type3A_222, %cond3A_223 : i32
        scf.if %cond3A_224 {
          %dma_wait3A = arith.constant 0 : i32
          %dma_wait3A_225 = arith.constant 0 : i32
          %dma_wait3A_226 = tpu.memref_slice %arg6[%dma_wait3A, %dma_wait3A_225] : memref<25088x64xf32, #tpu.memory_space<vmem_shared>> -> memref<25088x64xf32, #tpu.memory_space<vmem_shared>>
          tpu.wait_indirect_dma semaphore(%arg22 : memref<!tpu.dma_semaphore, #tpu.memory_space<semaphore_mem>>) src(%arg15 : memref<128x64xf32, #tpu.memory_space<vmem>>) dst(%dma_wait3A_226 : memref<25088x64xf32, #tpu.memory_space<vmem_shared>>)
        } else {
        }
      } else {
      }
      %eq3A_180 = arith.constant 0 : i32
      %eq3A_181 = arith.cmpi eq, %rem3A_158, %eq3A_180 : i32
      %convert_element_type3A_182 = arith.extui %eq3A_181 : i1 to i32
      %cond3A_183 = arith.constant 0 : i32
      %cond3A_184 = arith.cmpi ne, %convert_element_type3A_182, %cond3A_183 : i32
      scf.if %cond3A_184 {
        %eq3A_215 = arith.constant 0 : i32
        %eq3A_216 = arith.cmpi eq, %rem3A_156, %eq3A_215 : i32
        %convert_element_type3A_217 = arith.extui %eq3A_216 : i1 to i32
        %cond3A_218 = arith.constant 0 : i32
        %cond3A_219 = arith.cmpi ne, %convert_element_type3A_217, %cond3A_218 : i32
        scf.if %cond3A_219 {
          %scan3A = arith.constant 0 : i32
          %scan3A_225 = arith.constant 8 : i32
          %scan3A_226 = arith.addi %scan3A, %scan3A_225 : i32
          %scan3A_227 = arith.constant 1 : i32
          scf.for %scan3A_229 = %scan3A to %scan3A_226 step %scan3A_227  : i32 {
            %mul3A_230 = arith.constant 1 : i32
            %mul3A_231 = arith.muli %scan3A_229, %mul3A_230 : i32
            %add3A_232 = arith.constant 0 : i32
            %add3A_233 = arith.addi %add3A_232, %mul3A_231 : i32
            %mul3A_234 = arith.constant 16 : i32
            %mul3A_235 = arith.muli %add3A_233, %mul3A_234 : i32
            %get3A = arith.index_cast %mul3A_235 : i32 to index
            %get3A_236 = tpu.vector_load %arg7[%get3A] {strides = array<i32>} : memref<2304xi32, #tpu.memory_space<vmem>>, vector<16xi32>,
            %get3A_237 = vector.shape_cast %get3A_236 : vector<16xi32> to vector<16xi32>
            %mul3A_238 = arith.constant 16 : i32
            %mul3A_239 = arith.muli %add3A_233, %mul3A_238 : i32
            %swap3A = arith.index_cast %mul3A_239 : i32 to index
            %swap3A_240 = tpu.vector_load %arg10[%swap3A] {strides = array<i32>} : memref<128xi32, #tpu.memory_space<vmem>>, vector<16xi32>,
            %swap3A_241 = vector.shape_cast %swap3A_240 : vector<16xi32> to vector<16xi32>
            %swap3A_242 = vector.shape_cast %get3A_237 : vector<16xi32> to vector<16xi32>
            tpu.vector_store %arg10[%swap3A], %swap3A_242 {strides = array<i32>} : memref<128xi32, #tpu.memory_space<vmem>>, vector<16xi32>,
            %mul3A_243 = arith.constant 16 : i32
            %mul3A_244 = arith.muli %add3A_233, %mul3A_243 : i32
            %add3A_245 = arith.constant 128 : i32
            %add3A_246 = arith.addi %add3A_245, %mul3A_244 : i32
            %get3A_247 = arith.index_cast %add3A_246 : i32 to index
            %get3A_248 = tpu.vector_load %arg7[%get3A_247] {strides = array<i32>} : memref<2304xi32, #tpu.memory_space<vmem>>, vector<16xi32>,
            %get3A_249 = vector.shape_cast %get3A_248 : vector<16xi32> to vector<16xi32>
            %sub3A_250 = vector.broadcast %mul3A_0 : i32 to vector<16xi32>
            %sub3A_251 = arith.subi %get3A_249, %sub3A_250 : vector<16xi32>
            %ge3A_252 = arith.constant 0 : i32
            %ge3A_253 = vector.broadcast %ge3A_252 : i32 to vector<16xi32>
            %ge3A_254 = arith.cmpi sge, %sub3A_251, %ge3A_253 : vector<16xi32>
            %lt3A_255 = arith.constant 25000 : i32
            %lt3A_256 = vector.broadcast %lt3A_255 : i32 to vector<16xi32>
            %lt3A_257 = arith.cmpi slt, %sub3A_251, %lt3A_256 : vector<16xi32>
            %and3A_258 = arith.andi %ge3A_254, %lt3A_257 : vector<16xi1>
            %jit3A_259 = arith.constant 25000 : i32
            %broadcast_in_dim3A = vector.broadcast %jit3A_259 : i32 to vector<16xi32>
            %select_n3A_260 = arith.select %and3A_258, %sub3A_251, %broadcast_in_dim3A : vector<16xi1>, vector<16xi32>
            %mul3A_261 = arith.constant 16 : i32
            %mul3A_262 = arith.muli %add3A_233, %mul3A_261 : i32
            %swap3A_263 = arith.index_cast %mul3A_262 : i32 to index
            %swap3A_264 = tpu.vector_load %arg12[%swap3A_263] {strides = array<i32>} : memref<128xi32, #tpu.memory_space<vmem>>, vector<16xi32>,
            %swap3A_265 = vector.shape_cast %swap3A_264 : vector<16xi32> to vector<16xi32>
            %swap3A_266 = vector.shape_cast %select_n3A_260 : vector<16xi32> to vector<16xi32>
            tpu.vector_store %arg12[%swap3A_263], %swap3A_266 {strides = array<i32>} : memref<128xi32, #tpu.memory_space<vmem>>, vector<16xi32>,
          }
          %scan3A_228 = arith.constant 8 : i32
        } else {
        }
        %eq3A_220 = arith.constant 1 : i32
        %eq3A_221 = arith.cmpi eq, %rem3A_156, %eq3A_220 : i32
        %convert_element_type3A_222 = arith.extui %eq3A_221 : i1 to i32
        %cond3A_223 = arith.constant 0 : i32
        %cond3A_224 = arith.cmpi ne, %convert_element_type3A_222, %cond3A_223 : i32
        scf.if %cond3A_224 {
          %scan3A = arith.constant 0 : i32
          %scan3A_225 = arith.constant 8 : i32
          %scan3A_226 = arith.addi %scan3A, %scan3A_225 : i32
          %scan3A_227 = arith.constant 1 : i32
          scf.for %scan3A_229 = %scan3A to %scan3A_226 step %scan3A_227  : i32 {
            %mul3A_230 = arith.constant 1 : i32
            %mul3A_231 = arith.muli %scan3A_229, %mul3A_230 : i32
            %add3A_232 = arith.constant 0 : i32
            %add3A_233 = arith.addi %add3A_232, %mul3A_231 : i32
            %mul3A_234 = arith.constant 16 : i32
            %mul3A_235 = arith.muli %add3A_233, %mul3A_234 : i32
            %get3A = arith.index_cast %mul3A_235 : i32 to index
            %get3A_236 = tpu.vector_load %arg7[%get3A] {strides = array<i32>} : memref<2304xi32, #tpu.memory_space<vmem>>, vector<16xi32>,
            %get3A_237 = vector.shape_cast %get3A_236 : vector<16xi32> to vector<16xi32>
            %mul3A_238 = arith.constant 16 : i32
            %mul3A_239 = arith.muli %add3A_233, %mul3A_238 : i32
            %swap3A = arith.index_cast %mul3A_239 : i32 to index
            %swap3A_240 = tpu.vector_load %arg11[%swap3A] {strides = array<i32>} : memref<128xi32, #tpu.memory_space<vmem>>, vector<16xi32>,
            %swap3A_241 = vector.shape_cast %swap3A_240 : vector<16xi32> to vector<16xi32>
            %swap3A_242 = vector.shape_cast %get3A_237 : vector<16xi32> to vector<16xi32>
            tpu.vector_store %arg11[%swap3A], %swap3A_242 {strides = array<i32>} : memref<128xi32, #tpu.memory_space<vmem>>, vector<16xi32>,
            %mul3A_243 = arith.constant 16 : i32
            %mul3A_244 = arith.muli %add3A_233, %mul3A_243 : i32
            %add3A_245 = arith.constant 128 : i32
            %add3A_246 = arith.addi %add3A_245, %mul3A_244 : i32
            %get3A_247 = arith.index_cast %add3A_246 : i32 to index
            %get3A_248 = tpu.vector_load %arg7[%get3A_247] {strides = array<i32>} : memref<2304xi32, #tpu.memory_space<vmem>>, vector<16xi32>,
            %get3A_249 = vector.shape_cast %get3A_248 : vector<16xi32> to vector<16xi32>
            %sub3A_250 = vector.broadcast %mul3A_0 : i32 to vector<16xi32>
            %sub3A_251 = arith.subi %get3A_249, %sub3A_250 : vector<16xi32>
            %ge3A_252 = arith.constant 0 : i32
            %ge3A_253 = vector.broadcast %ge3A_252 : i32 to vector<16xi32>
            %ge3A_254 = arith.cmpi sge, %sub3A_251, %ge3A_253 : vector<16xi32>
            %lt3A_255 = arith.constant 25000 : i32
            %lt3A_256 = vector.broadcast %lt3A_255 : i32 to vector<16xi32>
            %lt3A_257 = arith.cmpi slt, %sub3A_251, %lt3A_256 : vector<16xi32>
            %and3A_258 = arith.andi %ge3A_254, %lt3A_257 : vector<16xi1>
            %jit3A_259 = arith.constant 25000 : i32
            %broadcast_in_dim3A = vector.broadcast %jit3A_259 : i32 to vector<16xi32>
            %select_n3A_260 = arith.select %and3A_258, %sub3A_251, %broadcast_in_dim3A : vector<16xi1>, vector<16xi32>
            %mul3A_261 = arith.constant 16 : i32
            %mul3A_262 = arith.muli %add3A_233, %mul3A_261 : i32
            %swap3A_263 = arith.index_cast %mul3A_262 : i32 to index
            %swap3A_264 = tpu.vector_load %arg13[%swap3A_263] {strides = array<i32>} : memref<128xi32, #tpu.memory_space<vmem>>, vector<16xi32>,
            %swap3A_265 = vector.shape_cast %swap3A_264 : vector<16xi32> to vector<16xi32>
            %swap3A_266 = vector.shape_cast %select_n3A_260 : vector<16xi32> to vector<16xi32>
            tpu.vector_store %arg13[%swap3A_263], %swap3A_266 {strides = array<i32>} : memref<128xi32, #tpu.memory_space<vmem>>, vector<16xi32>,
          }
          %scan3A_228 = arith.constant 8 : i32
        } else {
        }
      } else {
      }
      %eq3A_185 = arith.constant 1 : i32
      %eq3A_186 = arith.cmpi eq, %rem3A_158, %eq3A_185 : i32
      %convert_element_type3A_187 = arith.extui %eq3A_186 : i1 to i32
      %cond3A_188 = arith.constant 0 : i32
      %cond3A_189 = arith.cmpi ne, %convert_element_type3A_187, %cond3A_188 : i32
      scf.if %cond3A_189 {
        %eq3A_215 = arith.constant 0 : i32
        %eq3A_216 = arith.cmpi eq, %rem3A_156, %eq3A_215 : i32
        %convert_element_type3A_217 = arith.extui %eq3A_216 : i1 to i32
        %cond3A_218 = arith.constant 0 : i32
        %cond3A_219 = arith.cmpi ne, %convert_element_type3A_217, %cond3A_218 : i32
        scf.if %cond3A_219 {
          %scan3A = arith.constant 0 : i32
          %scan3A_225 = arith.constant 8 : i32
          %scan3A_226 = arith.addi %scan3A, %scan3A_225 : i32
          %scan3A_227 = arith.constant 1 : i32
          scf.for %scan3A_229 = %scan3A to %scan3A_226 step %scan3A_227  : i32 {
            %mul3A_230 = arith.constant 1 : i32
            %mul3A_231 = arith.muli %scan3A_229, %mul3A_230 : i32
            %add3A_232 = arith.constant 0 : i32
            %add3A_233 = arith.addi %add3A_232, %mul3A_231 : i32
            %mul3A_234 = arith.constant 16 : i32
            %mul3A_235 = arith.muli %add3A_233, %mul3A_234 : i32
            %get3A = arith.index_cast %mul3A_235 : i32 to index
            %get3A_236 = tpu.vector_load %arg8[%get3A] {strides = array<i32>} : memref<2304xi32, #tpu.memory_space<vmem>>, vector<16xi32>,
            %get3A_237 = vector.shape_cast %get3A_236 : vector<16xi32> to vector<16xi32>
            %mul3A_238 = arith.constant 16 : i32
            %mul3A_239 = arith.muli %add3A_233, %mul3A_238 : i32
            %swap3A = arith.index_cast %mul3A_239 : i32 to index
            %swap3A_240 = tpu.vector_load %arg10[%swap3A] {strides = array<i32>} : memref<128xi32, #tpu.memory_space<vmem>>, vector<16xi32>,
            %swap3A_241 = vector.shape_cast %swap3A_240 : vector<16xi32> to vector<16xi32>
            %swap3A_242 = vector.shape_cast %get3A_237 : vector<16xi32> to vector<16xi32>
            tpu.vector_store %arg10[%swap3A], %swap3A_242 {strides = array<i32>} : memref<128xi32, #tpu.memory_space<vmem>>, vector<16xi32>,
            %mul3A_243 = arith.constant 16 : i32
            %mul3A_244 = arith.muli %add3A_233, %mul3A_243 : i32
            %add3A_245 = arith.constant 128 : i32
            %add3A_246 = arith.addi %add3A_245, %mul3A_244 : i32
            %get3A_247 = arith.index_cast %add3A_246 : i32 to index
            %get3A_248 = tpu.vector_load %arg8[%get3A_247] {strides = array<i32>} : memref<2304xi32, #tpu.memory_space<vmem>>, vector<16xi32>,
            %get3A_249 = vector.shape_cast %get3A_248 : vector<16xi32> to vector<16xi32>
            %sub3A_250 = vector.broadcast %mul3A_0 : i32 to vector<16xi32>
            %sub3A_251 = arith.subi %get3A_249, %sub3A_250 : vector<16xi32>
            %ge3A_252 = arith.constant 0 : i32
            %ge3A_253 = vector.broadcast %ge3A_252 : i32 to vector<16xi32>
            %ge3A_254 = arith.cmpi sge, %sub3A_251, %ge3A_253 : vector<16xi32>
            %lt3A_255 = arith.constant 25000 : i32
            %lt3A_256 = vector.broadcast %lt3A_255 : i32 to vector<16xi32>
            %lt3A_257 = arith.cmpi slt, %sub3A_251, %lt3A_256 : vector<16xi32>
            %and3A_258 = arith.andi %ge3A_254, %lt3A_257 : vector<16xi1>
            %jit3A_259 = arith.constant 25000 : i32
            %broadcast_in_dim3A = vector.broadcast %jit3A_259 : i32 to vector<16xi32>
            %select_n3A_260 = arith.select %and3A_258, %sub3A_251, %broadcast_in_dim3A : vector<16xi1>, vector<16xi32>
            %mul3A_261 = arith.constant 16 : i32
            %mul3A_262 = arith.muli %add3A_233, %mul3A_261 : i32
            %swap3A_263 = arith.index_cast %mul3A_262 : i32 to index
            %swap3A_264 = tpu.vector_load %arg12[%swap3A_263] {strides = array<i32>} : memref<128xi32, #tpu.memory_space<vmem>>, vector<16xi32>,
            %swap3A_265 = vector.shape_cast %swap3A_264 : vector<16xi32> to vector<16xi32>
            %swap3A_266 = vector.shape_cast %select_n3A_260 : vector<16xi32> to vector<16xi32>
            tpu.vector_store %arg12[%swap3A_263], %swap3A_266 {strides = array<i32>} : memref<128xi32, #tpu.memory_space<vmem>>, vector<16xi32>,
          }
          %scan3A_228 = arith.constant 8 : i32
        } else {
        }
        %eq3A_220 = arith.constant 1 : i32
        %eq3A_221 = arith.cmpi eq, %rem3A_156, %eq3A_220 : i32
        %convert_element_type3A_222 = arith.extui %eq3A_221 : i1 to i32
        %cond3A_223 = arith.constant 0 : i32
        %cond3A_224 = arith.cmpi ne, %convert_element_type3A_222, %cond3A_223 : i32
        scf.if %cond3A_224 {
          %scan3A = arith.constant 0 : i32
          %scan3A_225 = arith.constant 8 : i32
          %scan3A_226 = arith.addi %scan3A, %scan3A_225 : i32
          %scan3A_227 = arith.constant 1 : i32
          scf.for %scan3A_229 = %scan3A to %scan3A_226 step %scan3A_227  : i32 {
            %mul3A_230 = arith.constant 1 : i32
            %mul3A_231 = arith.muli %scan3A_229, %mul3A_230 : i32
            %add3A_232 = arith.constant 0 : i32
            %add3A_233 = arith.addi %add3A_232, %mul3A_231 : i32
            %mul3A_234 = arith.constant 16 : i32
            %mul3A_235 = arith.muli %add3A_233, %mul3A_234 : i32
            %get3A = arith.index_cast %mul3A_235 : i32 to index
            %get3A_236 = tpu.vector_load %arg8[%get3A] {strides = array<i32>} : memref<2304xi32, #tpu.memory_space<vmem>>, vector<16xi32>,
            %get3A_237 = vector.shape_cast %get3A_236 : vector<16xi32> to vector<16xi32>
            %mul3A_238 = arith.constant 16 : i32
            %mul3A_239 = arith.muli %add3A_233, %mul3A_238 : i32
            %swap3A = arith.index_cast %mul3A_239 : i32 to index
            %swap3A_240 = tpu.vector_load %arg11[%swap3A] {strides = array<i32>} : memref<128xi32, #tpu.memory_space<vmem>>, vector<16xi32>,
            %swap3A_241 = vector.shape_cast %swap3A_240 : vector<16xi32> to vector<16xi32>
            %swap3A_242 = vector.shape_cast %get3A_237 : vector<16xi32> to vector<16xi32>
            tpu.vector_store %arg11[%swap3A], %swap3A_242 {strides = array<i32>} : memref<128xi32, #tpu.memory_space<vmem>>, vector<16xi32>,
            %mul3A_243 = arith.constant 16 : i32
            %mul3A_244 = arith.muli %add3A_233, %mul3A_243 : i32
            %add3A_245 = arith.constant 128 : i32
            %add3A_246 = arith.addi %add3A_245, %mul3A_244 : i32
            %get3A_247 = arith.index_cast %add3A_246 : i32 to index
            %get3A_248 = tpu.vector_load %arg8[%get3A_247] {strides = array<i32>} : memref<2304xi32, #tpu.memory_space<vmem>>, vector<16xi32>,
            %get3A_249 = vector.shape_cast %get3A_248 : vector<16xi32> to vector<16xi32>
            %sub3A_250 = vector.broadcast %mul3A_0 : i32 to vector<16xi32>
            %sub3A_251 = arith.subi %get3A_249, %sub3A_250 : vector<16xi32>
            %ge3A_252 = arith.constant 0 : i32
            %ge3A_253 = vector.broadcast %ge3A_252 : i32 to vector<16xi32>
            %ge3A_254 = arith.cmpi sge, %sub3A_251, %ge3A_253 : vector<16xi32>
            %lt3A_255 = arith.constant 25000 : i32
            %lt3A_256 = vector.broadcast %lt3A_255 : i32 to vector<16xi32>
            %lt3A_257 = arith.cmpi slt, %sub3A_251, %lt3A_256 : vector<16xi32>
            %and3A_258 = arith.andi %ge3A_254, %lt3A_257 : vector<16xi1>
            %jit3A_259 = arith.constant 25000 : i32
            %broadcast_in_dim3A = vector.broadcast %jit3A_259 : i32 to vector<16xi32>
            %select_n3A_260 = arith.select %and3A_258, %sub3A_251, %broadcast_in_dim3A : vector<16xi1>, vector<16xi32>
            %mul3A_261 = arith.constant 16 : i32
            %mul3A_262 = arith.muli %add3A_233, %mul3A_261 : i32
            %swap3A_263 = arith.index_cast %mul3A_262 : i32 to index
            %swap3A_264 = tpu.vector_load %arg13[%swap3A_263] {strides = array<i32>} : memref<128xi32, #tpu.memory_space<vmem>>, vector<16xi32>,
            %swap3A_265 = vector.shape_cast %swap3A_264 : vector<16xi32> to vector<16xi32>
            %swap3A_266 = vector.shape_cast %select_n3A_260 : vector<16xi32> to vector<16xi32>
            tpu.vector_store %arg13[%swap3A_263], %swap3A_266 {strides = array<i32>} : memref<128xi32, #tpu.memory_space<vmem>>, vector<16xi32>,
          }
          %scan3A_228 = arith.constant 8 : i32
        } else {
        }
      } else {
      }
      %eq3A_190 = arith.constant 2 : i32
      %eq3A_191 = arith.cmpi eq, %rem3A_158, %eq3A_190 : i32
      %convert_element_type3A_192 = arith.extui %eq3A_191 : i1 to i32
      %cond3A_193 = arith.constant 0 : i32
      %cond3A_194 = arith.cmpi ne, %convert_element_type3A_192, %cond3A_193 : i32
      scf.if %cond3A_194 {
        %eq3A_215 = arith.constant 0 : i32
        %eq3A_216 = arith.cmpi eq, %rem3A_156, %eq3A_215 : i32
        %convert_element_type3A_217 = arith.extui %eq3A_216 : i1 to i32
        %cond3A_218 = arith.constant 0 : i32
        %cond3A_219 = arith.cmpi ne, %convert_element_type3A_217, %cond3A_218 : i32
        scf.if %cond3A_219 {
          %scan3A = arith.constant 0 : i32
          %scan3A_225 = arith.constant 8 : i32
          %scan3A_226 = arith.addi %scan3A, %scan3A_225 : i32
          %scan3A_227 = arith.constant 1 : i32
          scf.for %scan3A_229 = %scan3A to %scan3A_226 step %scan3A_227  : i32 {
            %mul3A_230 = arith.constant 1 : i32
            %mul3A_231 = arith.muli %scan3A_229, %mul3A_230 : i32
            %add3A_232 = arith.constant 0 : i32
            %add3A_233 = arith.addi %add3A_232, %mul3A_231 : i32
            %mul3A_234 = arith.constant 16 : i32
            %mul3A_235 = arith.muli %add3A_233, %mul3A_234 : i32
            %get3A = arith.index_cast %mul3A_235 : i32 to index
            %get3A_236 = tpu.vector_load %arg9[%get3A] {strides = array<i32>} : memref<2304xi32, #tpu.memory_space<vmem>>, vector<16xi32>,
            %get3A_237 = vector.shape_cast %get3A_236 : vector<16xi32> to vector<16xi32>
            %mul3A_238 = arith.constant 16 : i32
            %mul3A_239 = arith.muli %add3A_233, %mul3A_238 : i32
            %swap3A = arith.index_cast %mul3A_239 : i32 to index
            %swap3A_240 = tpu.vector_load %arg10[%swap3A] {strides = array<i32>} : memref<128xi32, #tpu.memory_space<vmem>>, vector<16xi32>,
            %swap3A_241 = vector.shape_cast %swap3A_240 : vector<16xi32> to vector<16xi32>
            %swap3A_242 = vector.shape_cast %get3A_237 : vector<16xi32> to vector<16xi32>
            tpu.vector_store %arg10[%swap3A], %swap3A_242 {strides = array<i32>} : memref<128xi32, #tpu.memory_space<vmem>>, vector<16xi32>,
            %mul3A_243 = arith.constant 16 : i32
            %mul3A_244 = arith.muli %add3A_233, %mul3A_243 : i32
            %add3A_245 = arith.constant 128 : i32
            %add3A_246 = arith.addi %add3A_245, %mul3A_244 : i32
            %get3A_247 = arith.index_cast %add3A_246 : i32 to index
            %get3A_248 = tpu.vector_load %arg9[%get3A_247] {strides = array<i32>} : memref<2304xi32, #tpu.memory_space<vmem>>, vector<16xi32>,
            %get3A_249 = vector.shape_cast %get3A_248 : vector<16xi32> to vector<16xi32>
            %sub3A_250 = vector.broadcast %mul3A_0 : i32 to vector<16xi32>
            %sub3A_251 = arith.subi %get3A_249, %sub3A_250 : vector<16xi32>
            %ge3A_252 = arith.constant 0 : i32
            %ge3A_253 = vector.broadcast %ge3A_252 : i32 to vector<16xi32>
            %ge3A_254 = arith.cmpi sge, %sub3A_251, %ge3A_253 : vector<16xi32>
            %lt3A_255 = arith.constant 25000 : i32
            %lt3A_256 = vector.broadcast %lt3A_255 : i32 to vector<16xi32>
            %lt3A_257 = arith.cmpi slt, %sub3A_251, %lt3A_256 : vector<16xi32>
            %and3A_258 = arith.andi %ge3A_254, %lt3A_257 : vector<16xi1>
            %jit3A_259 = arith.constant 25000 : i32
            %broadcast_in_dim3A = vector.broadcast %jit3A_259 : i32 to vector<16xi32>
            %select_n3A_260 = arith.select %and3A_258, %sub3A_251, %broadcast_in_dim3A : vector<16xi1>, vector<16xi32>
            %mul3A_261 = arith.constant 16 : i32
            %mul3A_262 = arith.muli %add3A_233, %mul3A_261 : i32
            %swap3A_263 = arith.index_cast %mul3A_262 : i32 to index
            %swap3A_264 = tpu.vector_load %arg12[%swap3A_263] {strides = array<i32>} : memref<128xi32, #tpu.memory_space<vmem>>, vector<16xi32>,
            %swap3A_265 = vector.shape_cast %swap3A_264 : vector<16xi32> to vector<16xi32>
            %swap3A_266 = vector.shape_cast %select_n3A_260 : vector<16xi32> to vector<16xi32>
            tpu.vector_store %arg12[%swap3A_263], %swap3A_266 {strides = array<i32>} : memref<128xi32, #tpu.memory_space<vmem>>, vector<16xi32>,
          }
          %scan3A_228 = arith.constant 8 : i32
        } else {
        }
        %eq3A_220 = arith.constant 1 : i32
        %eq3A_221 = arith.cmpi eq, %rem3A_156, %eq3A_220 : i32
        %convert_element_type3A_222 = arith.extui %eq3A_221 : i1 to i32
        %cond3A_223 = arith.constant 0 : i32
        %cond3A_224 = arith.cmpi ne, %convert_element_type3A_222, %cond3A_223 : i32
        scf.if %cond3A_224 {
          %scan3A = arith.constant 0 : i32
          %scan3A_225 = arith.constant 8 : i32
          %scan3A_226 = arith.addi %scan3A, %scan3A_225 : i32
          %scan3A_227 = arith.constant 1 : i32
          scf.for %scan3A_229 = %scan3A to %scan3A_226 step %scan3A_227  : i32 {
            %mul3A_230 = arith.constant 1 : i32
            %mul3A_231 = arith.muli %scan3A_229, %mul3A_230 : i32
            %add3A_232 = arith.constant 0 : i32
            %add3A_233 = arith.addi %add3A_232, %mul3A_231 : i32
            %mul3A_234 = arith.constant 16 : i32
            %mul3A_235 = arith.muli %add3A_233, %mul3A_234 : i32
            %get3A = arith.index_cast %mul3A_235 : i32 to index
            %get3A_236 = tpu.vector_load %arg9[%get3A] {strides = array<i32>} : memref<2304xi32, #tpu.memory_space<vmem>>, vector<16xi32>,
            %get3A_237 = vector.shape_cast %get3A_236 : vector<16xi32> to vector<16xi32>
            %mul3A_238 = arith.constant 16 : i32
            %mul3A_239 = arith.muli %add3A_233, %mul3A_238 : i32
            %swap3A = arith.index_cast %mul3A_239 : i32 to index
            %swap3A_240 = tpu.vector_load %arg11[%swap3A] {strides = array<i32>} : memref<128xi32, #tpu.memory_space<vmem>>, vector<16xi32>,
            %swap3A_241 = vector.shape_cast %swap3A_240 : vector<16xi32> to vector<16xi32>
            %swap3A_242 = vector.shape_cast %get3A_237 : vector<16xi32> to vector<16xi32>
            tpu.vector_store %arg11[%swap3A], %swap3A_242 {strides = array<i32>} : memref<128xi32, #tpu.memory_space<vmem>>, vector<16xi32>,
            %mul3A_243 = arith.constant 16 : i32
            %mul3A_244 = arith.muli %add3A_233, %mul3A_243 : i32
            %add3A_245 = arith.constant 128 : i32
            %add3A_246 = arith.addi %add3A_245, %mul3A_244 : i32
            %get3A_247 = arith.index_cast %add3A_246 : i32 to index
            %get3A_248 = tpu.vector_load %arg9[%get3A_247] {strides = array<i32>} : memref<2304xi32, #tpu.memory_space<vmem>>, vector<16xi32>,
            %get3A_249 = vector.shape_cast %get3A_248 : vector<16xi32> to vector<16xi32>
            %sub3A_250 = vector.broadcast %mul3A_0 : i32 to vector<16xi32>
            %sub3A_251 = arith.subi %get3A_249, %sub3A_250 : vector<16xi32>
            %ge3A_252 = arith.constant 0 : i32
            %ge3A_253 = vector.broadcast %ge3A_252 : i32 to vector<16xi32>
            %ge3A_254 = arith.cmpi sge, %sub3A_251, %ge3A_253 : vector<16xi32>
            %lt3A_255 = arith.constant 25000 : i32
            %lt3A_256 = vector.broadcast %lt3A_255 : i32 to vector<16xi32>
            %lt3A_257 = arith.cmpi slt, %sub3A_251, %lt3A_256 : vector<16xi32>
            %and3A_258 = arith.andi %ge3A_254, %lt3A_257 : vector<16xi1>
            %jit3A_259 = arith.constant 25000 : i32
            %broadcast_in_dim3A = vector.broadcast %jit3A_259 : i32 to vector<16xi32>
            %select_n3A_260 = arith.select %and3A_258, %sub3A_251, %broadcast_in_dim3A : vector<16xi1>, vector<16xi32>
            %mul3A_261 = arith.constant 16 : i32
            %mul3A_262 = arith.muli %add3A_233, %mul3A_261 : i32
            %swap3A_263 = arith.index_cast %mul3A_262 : i32 to index
            %swap3A_264 = tpu.vector_load %arg13[%swap3A_263] {strides = array<i32>} : memref<128xi32, #tpu.memory_space<vmem>>, vector<16xi32>,
            %swap3A_265 = vector.shape_cast %swap3A_264 : vector<16xi32> to vector<16xi32>
            %swap3A_266 = vector.shape_cast %select_n3A_260 : vector<16xi32> to vector<16xi32>
            tpu.vector_store %arg13[%swap3A_263], %swap3A_266 {strides = array<i32>} : memref<128xi32, #tpu.memory_space<vmem>>, vector<16xi32>,
          }
          %scan3A_228 = arith.constant 8 : i32
        } else {
        }
      } else {
      }
      %eq3A_195 = arith.constant 0 : i32
      %eq3A_196 = arith.cmpi eq, %rem3A_156, %eq3A_195 : i32
      %convert_element_type3A_197 = arith.extui %eq3A_196 : i1 to i32
      %cond3A_198 = arith.constant 0 : i32
      %cond3A_199 = arith.cmpi ne, %convert_element_type3A_197, %cond3A_198 : i32
      scf.if %cond3A_199 {
        %dma_start3A_215 = arith.constant 0 : i32
        %dma_start3A_216 = arith.constant 0 : i32
        %dma_start3A_217 = tpu.memref_slice %arg3[%dma_start3A_215, %dma_start3A_216] : memref<50000x64xf32, #tpu.memory_space<hbm>> -> memref<50000x64xf32, #tpu.memory_space<hbm>>
        tpu.enqueue_indirect_dma source(%dma_start3A_217 : memref<50000x64xf32, #tpu.memory_space<hbm>>) target(%arg14 : memref<128x64xf32, #tpu.memory_space<vmem>>) offsets(%arg10 : memref<128xi32, #tpu.memory_space<vmem>>) semaphore(%arg19 : memref<!tpu.dma_semaphore, #tpu.memory_space<semaphore_mem>>)
      } else {
      }
      %eq3A_200 = arith.constant 1 : i32
      %eq3A_201 = arith.cmpi eq, %rem3A_156, %eq3A_200 : i32
      %convert_element_type3A_202 = arith.extui %eq3A_201 : i1 to i32
      %cond3A_203 = arith.constant 0 : i32
      %cond3A_204 = arith.cmpi ne, %convert_element_type3A_202, %cond3A_203 : i32
      scf.if %cond3A_204 {
        %dma_start3A_215 = arith.constant 0 : i32
        %dma_start3A_216 = arith.constant 0 : i32
        %dma_start3A_217 = tpu.memref_slice %arg3[%dma_start3A_215, %dma_start3A_216] : memref<50000x64xf32, #tpu.memory_space<hbm>> -> memref<50000x64xf32, #tpu.memory_space<hbm>>
        tpu.enqueue_indirect_dma source(%dma_start3A_217 : memref<50000x64xf32, #tpu.memory_space<hbm>>) target(%arg15 : memref<128x64xf32, #tpu.memory_space<vmem>>) offsets(%arg11 : memref<128xi32, #tpu.memory_space<vmem>>) semaphore(%arg20 : memref<!tpu.dma_semaphore, #tpu.memory_space<semaphore_mem>>)
      } else {
      }
      %ge3A_205 = arith.constant 1 : i32
      %ge3A_206 = arith.cmpi sge, %add3A_154, %ge3A_205 : i32
      %convert_element_type3A_207 = arith.extui %ge3A_206 : i1 to i32
      %cond3A_208 = arith.constant 0 : i32
      %cond3A_209 = arith.cmpi ne, %convert_element_type3A_207, %cond3A_208 : i32
      scf.if %cond3A_209 {
        %add3A_215 = arith.constant 2 : i32
        %add3A_216 = arith.addi %add3A_154, %add3A_215 : i32
        %rem3A_217 = arith.constant 3 : i32
        %rem3A_218 = arith.remsi %add3A_216, %rem3A_217 : i32
        %eq3A_219 = arith.constant 0 : i32
        %eq3A_220 = arith.cmpi eq, %sub3A_160, %eq3A_219 : i32
        %convert_element_type3A_221 = arith.extui %eq3A_220 : i1 to i32
        %cond3A_222 = arith.constant 0 : i32
        %cond3A_223 = arith.cmpi ne, %convert_element_type3A_221, %cond3A_222 : i32
        scf.if %cond3A_223 {
          %dma_wait3A = arith.constant 0 : i32
          %dma_wait3A_254 = arith.constant 0 : i32
          %dma_wait3A_255 = tpu.memref_slice %arg3[%dma_wait3A, %dma_wait3A_254] : memref<50000x64xf32, #tpu.memory_space<hbm>> -> memref<50000x64xf32, #tpu.memory_space<hbm>>
          tpu.wait_indirect_dma semaphore(%arg19 : memref<!tpu.dma_semaphore, #tpu.memory_space<semaphore_mem>>) src(%dma_wait3A_255 : memref<50000x64xf32, #tpu.memory_space<hbm>>) dst(%arg14 : memref<128x64xf32, #tpu.memory_space<vmem>>)
        } else {
        }
        %eq3A_224 = arith.constant 1 : i32
        %eq3A_225 = arith.cmpi eq, %sub3A_160, %eq3A_224 : i32
        %convert_element_type3A_226 = arith.extui %eq3A_225 : i1 to i32
        %cond3A_227 = arith.constant 0 : i32
        %cond3A_228 = arith.cmpi ne, %convert_element_type3A_226, %cond3A_227 : i32
        scf.if %cond3A_228 {
          %dma_wait3A = arith.constant 0 : i32
          %dma_wait3A_254 = arith.constant 0 : i32
          %dma_wait3A_255 = tpu.memref_slice %arg3[%dma_wait3A, %dma_wait3A_254] : memref<50000x64xf32, #tpu.memory_space<hbm>> -> memref<50000x64xf32, #tpu.memory_space<hbm>>
          tpu.wait_indirect_dma semaphore(%arg20 : memref<!tpu.dma_semaphore, #tpu.memory_space<semaphore_mem>>) src(%dma_wait3A_255 : memref<50000x64xf32, #tpu.memory_space<hbm>>) dst(%arg15 : memref<128x64xf32, #tpu.memory_space<vmem>>)
        } else {
        }
        %eq3A_229 = arith.constant 0 : i32
        %eq3A_230 = arith.cmpi eq, %rem3A_218, %eq3A_229 : i32
        %convert_element_type3A_231 = arith.extui %eq3A_230 : i1 to i32
        %cond3A_232 = arith.constant 0 : i32
        %cond3A_233 = arith.cmpi ne, %convert_element_type3A_231, %cond3A_232 : i32
        scf.if %cond3A_233 {
          %eq3A_254 = arith.constant 0 : i32
          %eq3A_255 = arith.cmpi eq, %sub3A_160, %eq3A_254 : i32
          %convert_element_type3A_256 = arith.extui %eq3A_255 : i1 to i32
          %cond3A_257 = arith.constant 0 : i32
          %cond3A_258 = arith.cmpi ne, %convert_element_type3A_256, %cond3A_257 : i32
          scf.if %cond3A_258 {
          } else {
          }
          %eq3A_259 = arith.constant 1 : i32
          %eq3A_260 = arith.cmpi eq, %sub3A_160, %eq3A_259 : i32
          %convert_element_type3A_261 = arith.extui %eq3A_260 : i1 to i32
          %cond3A_262 = arith.constant 0 : i32
          %cond3A_263 = arith.cmpi ne, %convert_element_type3A_261, %cond3A_262 : i32
          scf.if %cond3A_263 {
          } else {
          }
        } else {
        }
        %eq3A_234 = arith.constant 1 : i32
        %eq3A_235 = arith.cmpi eq, %rem3A_218, %eq3A_234 : i32
        %convert_element_type3A_236 = arith.extui %eq3A_235 : i1 to i32
        %cond3A_237 = arith.constant 0 : i32
        %cond3A_238 = arith.cmpi ne, %convert_element_type3A_236, %cond3A_237 : i32
        scf.if %cond3A_238 {
          %eq3A_254 = arith.constant 0 : i32
          %eq3A_255 = arith.cmpi eq, %sub3A_160, %eq3A_254 : i32
          %convert_element_type3A_256 = arith.extui %eq3A_255 : i1 to i32
          %cond3A_257 = arith.constant 0 : i32
          %cond3A_258 = arith.cmpi ne, %convert_element_type3A_256, %cond3A_257 : i32
          scf.if %cond3A_258 {
          } else {
          }
          %eq3A_259 = arith.constant 1 : i32
          %eq3A_260 = arith.cmpi eq, %sub3A_160, %eq3A_259 : i32
          %convert_element_type3A_261 = arith.extui %eq3A_260 : i1 to i32
          %cond3A_262 = arith.constant 0 : i32
          %cond3A_263 = arith.cmpi ne, %convert_element_type3A_261, %cond3A_262 : i32
          scf.if %cond3A_263 {
          } else {
          }
        } else {
        }
        %eq3A_239 = arith.constant 2 : i32
        %eq3A_240 = arith.cmpi eq, %rem3A_218, %eq3A_239 : i32
        %convert_element_type3A_241 = arith.extui %eq3A_240 : i1 to i32
        %cond3A_242 = arith.constant 0 : i32
        %cond3A_243 = arith.cmpi ne, %convert_element_type3A_241, %cond3A_242 : i32
        scf.if %cond3A_243 {
          %eq3A_254 = arith.constant 0 : i32
          %eq3A_255 = arith.cmpi eq, %sub3A_160, %eq3A_254 : i32
          %convert_element_type3A_256 = arith.extui %eq3A_255 : i1 to i32
          %cond3A_257 = arith.constant 0 : i32
          %cond3A_258 = arith.cmpi ne, %convert_element_type3A_256, %cond3A_257 : i32
          scf.if %cond3A_258 {
          } else {
          }
          %eq3A_259 = arith.constant 1 : i32
          %eq3A_260 = arith.cmpi eq, %sub3A_160, %eq3A_259 : i32
          %convert_element_type3A_261 = arith.extui %eq3A_260 : i1 to i32
          %cond3A_262 = arith.constant 0 : i32
          %cond3A_263 = arith.cmpi ne, %convert_element_type3A_261, %cond3A_262 : i32
          scf.if %cond3A_263 {
          } else {
          }
        } else {
        }
        %eq3A_244 = arith.constant 0 : i32
        %eq3A_245 = arith.cmpi eq, %sub3A_160, %eq3A_244 : i32
        %convert_element_type3A_246 = arith.extui %eq3A_245 : i1 to i32
        %cond3A_247 = arith.constant 0 : i32
        %cond3A_248 = arith.cmpi ne, %convert_element_type3A_246, %cond3A_247 : i32
        scf.if %cond3A_248 {
          %dma_start3A_254 = arith.constant 0 : i32
          %dma_start3A_255 = arith.constant 0 : i32
          %dma_start3A_256 = tpu.memref_slice %arg6[%dma_start3A_254, %dma_start3A_255] : memref<25088x64xf32, #tpu.memory_space<vmem_shared>> -> memref<25088x64xf32, #tpu.memory_space<vmem_shared>>
          tpu.enqueue_indirect_dma source(%arg14 : memref<128x64xf32, #tpu.memory_space<vmem>>) target(%dma_start3A_256 : memref<25088x64xf32, #tpu.memory_space<vmem_shared>>) offsets(%arg12 : memref<128xi32, #tpu.memory_space<vmem>>) semaphore(%arg21 : memref<!tpu.dma_semaphore, #tpu.memory_space<semaphore_mem>>) {add = true}
        } else {
        }
        %eq3A_249 = arith.constant 1 : i32
        %eq3A_250 = arith.cmpi eq, %sub3A_160, %eq3A_249 : i32
        %convert_element_type3A_251 = arith.extui %eq3A_250 : i1 to i32
        %cond3A_252 = arith.constant 0 : i32
        %cond3A_253 = arith.cmpi ne, %convert_element_type3A_251, %cond3A_252 : i32
        scf.if %cond3A_253 {
          %dma_start3A_254 = arith.constant 0 : i32
          %dma_start3A_255 = arith.constant 0 : i32
          %dma_start3A_256 = tpu.memref_slice %arg6[%dma_start3A_254, %dma_start3A_255] : memref<25088x64xf32, #tpu.memory_space<vmem_shared>> -> memref<25088x64xf32, #tpu.memory_space<vmem_shared>>
          tpu.enqueue_indirect_dma source(%arg15 : memref<128x64xf32, #tpu.memory_space<vmem>>) target(%dma_start3A_256 : memref<25088x64xf32, #tpu.memory_space<vmem_shared>>) offsets(%arg13 : memref<128xi32, #tpu.memory_space<vmem>>) semaphore(%arg22 : memref<!tpu.dma_semaphore, #tpu.memory_space<semaphore_mem>>) {add = true}
        } else {
        }
      } else {
      }
      %add3A_210 = arith.constant 2 : i32
      %add3A_211 = arith.addi %add3A_154, %add3A_210 : i32
      %lt3A = arith.cmpi slt, %add3A_211, %select_n3A : i32
      %convert_element_type3A_212 = arith.extui %lt3A : i1 to i32
      %cond3A_213 = arith.constant 0 : i32
      %cond3A_214 = arith.cmpi ne, %convert_element_type3A_212, %cond3A_213 : i32
      scf.if %cond3A_214 {
        %add3A_215 = arith.constant 2 : i32
        %add3A_216 = arith.addi %add3A_154, %add3A_215 : i32
        %rem3A_217 = arith.constant 3 : i32
        %rem3A_218 = arith.remsi %add3A_216, %rem3A_217 : i32
        %eq3A_219 = arith.constant 0 : i32
        %eq3A_220 = arith.cmpi eq, %rem3A_218, %eq3A_219 : i32
        %convert_element_type3A_221 = arith.extui %eq3A_220 : i1 to i32
        %cond3A_222 = arith.constant 0 : i32
        %cond3A_223 = arith.cmpi ne, %convert_element_type3A_221, %cond3A_222 : i32
        scf.if %cond3A_223 {
          %add3A_234 = arith.constant 2 : i32
          %add3A_235 = arith.addi %add3A_154, %add3A_234 : i32
          %mul3A_236 = arith.constant 16 : i32
          %mul3A_237 = arith.muli %add3A_235, %mul3A_236 : i32
          %add3A_238 = arith.addi %arg1, %mul3A_237 : i32
          %dma_start3A_239 = arith.constant 0 : i32
          %dma_start3A_240 = tpu.memref_slice %arg2[%add3A_238, %dma_start3A_239] : memref<6250x2304xi32, #tpu.memory_space<hbm>> -> memref<1x2304xi32, #tpu.memory_space<hbm>>
          %dma_start3A_241 = tpu.memref_squeeze %dma_start3A_240 : memref<1x2304xi32, #tpu.memory_space<hbm>> -> memref<2304xi32, #tpu.memory_space<hbm>>
          %dma_start3A_242 = arith.constant 0 : i32
          %dma_start3A_243 = tpu.memref_slice %arg2[%add3A_238, %dma_start3A_242] : memref<6250x2304xi32, #tpu.memory_space<hbm>> -> memref<1x2304xi32, #tpu.memory_space<hbm>>
          %dma_start3A_244 = tpu.memref_squeeze %dma_start3A_243 : memref<1x2304xi32, #tpu.memory_space<hbm>> -> memref<2304xi32, #tpu.memory_space<hbm>>
          tpu.enqueue_dma source(%dma_start3A_244 : memref<2304xi32, #tpu.memory_space<hbm>>) target(%arg7 : memref<2304xi32, #tpu.memory_space<vmem>>) target_semaphore(%arg16 : memref<!tpu.dma_semaphore, #tpu.memory_space<semaphore_mem>>)
        } else {
        }
        %eq3A_224 = arith.constant 1 : i32
        %eq3A_225 = arith.cmpi eq, %rem3A_218, %eq3A_224 : i32
        %convert_element_type3A_226 = arith.extui %eq3A_225 : i1 to i32
        %cond3A_227 = arith.constant 0 : i32
        %cond3A_228 = arith.cmpi ne, %convert_element_type3A_226, %cond3A_227 : i32
        scf.if %cond3A_228 {
          %add3A_234 = arith.constant 2 : i32
          %add3A_235 = arith.addi %add3A_154, %add3A_234 : i32
          %mul3A_236 = arith.constant 16 : i32
          %mul3A_237 = arith.muli %add3A_235, %mul3A_236 : i32
          %add3A_238 = arith.addi %arg1, %mul3A_237 : i32
          %dma_start3A_239 = arith.constant 0 : i32
          %dma_start3A_240 = tpu.memref_slice %arg2[%add3A_238, %dma_start3A_239] : memref<6250x2304xi32, #tpu.memory_space<hbm>> -> memref<1x2304xi32, #tpu.memory_space<hbm>>
          %dma_start3A_241 = tpu.memref_squeeze %dma_start3A_240 : memref<1x2304xi32, #tpu.memory_space<hbm>> -> memref<2304xi32, #tpu.memory_space<hbm>>
          %dma_start3A_242 = arith.constant 0 : i32
          %dma_start3A_243 = tpu.memref_slice %arg2[%add3A_238, %dma_start3A_242] : memref<6250x2304xi32, #tpu.memory_space<hbm>> -> memref<1x2304xi32, #tpu.memory_space<hbm>>
          %dma_start3A_244 = tpu.memref_squeeze %dma_start3A_243 : memref<1x2304xi32, #tpu.memory_space<hbm>> -> memref<2304xi32, #tpu.memory_space<hbm>>
          tpu.enqueue_dma source(%dma_start3A_244 : memref<2304xi32, #tpu.memory_space<hbm>>) target(%arg8 : memref<2304xi32, #tpu.memory_space<vmem>>) target_semaphore(%arg17 : memref<!tpu.dma_semaphore, #tpu.memory_space<semaphore_mem>>)
        } else {
        }
        %eq3A_229 = arith.constant 2 : i32
        %eq3A_230 = arith.cmpi eq, %rem3A_218, %eq3A_229 : i32
        %convert_element_type3A_231 = arith.extui %eq3A_230 : i1 to i32
        %cond3A_232 = arith.constant 0 : i32
        %cond3A_233 = arith.cmpi ne, %convert_element_type3A_231, %cond3A_232 : i32
        scf.if %cond3A_233 {
          %add3A_234 = arith.constant 2 : i32
          %add3A_235 = arith.addi %add3A_154, %add3A_234 : i32
          %mul3A_236 = arith.constant 16 : i32
          %mul3A_237 = arith.muli %add3A_235, %mul3A_236 : i32
          %add3A_238 = arith.addi %arg1, %mul3A_237 : i32
          %dma_start3A_239 = arith.constant 0 : i32
          %dma_start3A_240 = tpu.memref_slice %arg2[%add3A_238, %dma_start3A_239] : memref<6250x2304xi32, #tpu.memory_space<hbm>> -> memref<1x2304xi32, #tpu.memory_space<hbm>>
          %dma_start3A_241 = tpu.memref_squeeze %dma_start3A_240 : memref<1x2304xi32, #tpu.memory_space<hbm>> -> memref<2304xi32, #tpu.memory_space<hbm>>
          %dma_start3A_242 = arith.constant 0 : i32
          %dma_start3A_243 = tpu.memref_slice %arg2[%add3A_238, %dma_start3A_242] : memref<6250x2304xi32, #tpu.memory_space<hbm>> -> memref<1x2304xi32, #tpu.memory_space<hbm>>
          %dma_start3A_244 = tpu.memref_squeeze %dma_start3A_243 : memref<1x2304xi32, #tpu.memory_space<hbm>> -> memref<2304xi32, #tpu.memory_space<hbm>>
          tpu.enqueue_dma source(%dma_start3A_244 : memref<2304xi32, #tpu.memory_space<hbm>>) target(%arg9 : memref<2304xi32, #tpu.memory_space<vmem>>) target_semaphore(%arg18 : memref<!tpu.dma_semaphore, #tpu.memory_space<semaphore_mem>>)
        } else {
        }
      } else {
      }
    }
    %sub3A_71 = arith.constant 1 : i32
    %sub3A_72 = arith.subi %select_n3A, %sub3A_71 : i32
    %rem3A_73 = arith.constant 2 : i32
    %rem3A_74 = arith.remsi %sub3A_72, %rem3A_73 : i32
    %sub3A_75 = arith.constant 1 : i32
    %sub3A_76 = arith.subi %select_n3A, %sub3A_75 : i32
    %rem3A_77 = arith.constant 3 : i32
    %rem3A_78 = arith.remsi %sub3A_76, %rem3A_77 : i32
    %eq3A = arith.constant 0 : i32
    %eq3A_79 = arith.cmpi eq, %rem3A_74, %eq3A : i32
    %convert_element_type3A = arith.extui %eq3A_79 : i1 to i32
    %cond3A = arith.constant 0 : i32
    %cond3A_80 = arith.cmpi ne, %convert_element_type3A, %cond3A : i32
    scf.if %cond3A_80 {
      %dma_wait3A = arith.constant 0 : i32
      %dma_wait3A_152 = arith.constant 0 : i32
      %dma_wait3A_153 = tpu.memref_slice %arg3[%dma_wait3A, %dma_wait3A_152] : memref<50000x64xf32, #tpu.memory_space<hbm>> -> memref<50000x64xf32, #tpu.memory_space<hbm>>
      tpu.wait_indirect_dma semaphore(%arg19 : memref<!tpu.dma_semaphore, #tpu.memory_space<semaphore_mem>>) src(%dma_wait3A_153 : memref<50000x64xf32, #tpu.memory_space<hbm>>) dst(%arg14 : memref<128x64xf32, #tpu.memory_space<vmem>>)
    } else {
    }
    %eq3A_81 = arith.constant 1 : i32
    %eq3A_82 = arith.cmpi eq, %rem3A_74, %eq3A_81 : i32
    %convert_element_type3A_83 = arith.extui %eq3A_82 : i1 to i32
    %cond3A_84 = arith.constant 0 : i32
    %cond3A_85 = arith.cmpi ne, %convert_element_type3A_83, %cond3A_84 : i32
    scf.if %cond3A_85 {
      %dma_wait3A = arith.constant 0 : i32
      %dma_wait3A_152 = arith.constant 0 : i32
      %dma_wait3A_153 = tpu.memref_slice %arg3[%dma_wait3A, %dma_wait3A_152] : memref<50000x64xf32, #tpu.memory_space<hbm>> -> memref<50000x64xf32, #tpu.memory_space<hbm>>
      tpu.wait_indirect_dma semaphore(%arg20 : memref<!tpu.dma_semaphore, #tpu.memory_space<semaphore_mem>>) src(%dma_wait3A_153 : memref<50000x64xf32, #tpu.memory_space<hbm>>) dst(%arg15 : memref<128x64xf32, #tpu.memory_space<vmem>>)
    } else {
    }
    %eq3A_86 = arith.constant 0 : i32
    %eq3A_87 = arith.cmpi eq, %rem3A_78, %eq3A_86 : i32
    %convert_element_type3A_88 = arith.extui %eq3A_87 : i1 to i32
    %cond3A_89 = arith.constant 0 : i32
    %cond3A_90 = arith.cmpi ne, %convert_element_type3A_88, %cond3A_89 : i32
    scf.if %cond3A_90 {
      %eq3A_152 = arith.constant 0 : i32
      %eq3A_153 = arith.cmpi eq, %rem3A_74, %eq3A_152 : i32
      %convert_element_type3A_154 = arith.extui %eq3A_153 : i1 to i32
      %cond3A_155 = arith.constant 0 : i32
      %cond3A_156 = arith.cmpi ne, %convert_element_type3A_154, %cond3A_155 : i32
      scf.if %cond3A_156 {
      } else {
      }
      %eq3A_157 = arith.constant 1 : i32
      %eq3A_158 = arith.cmpi eq, %rem3A_74, %eq3A_157 : i32
      %convert_element_type3A_159 = arith.extui %eq3A_158 : i1 to i32
      %cond3A_160 = arith.constant 0 : i32
      %cond3A_161 = arith.cmpi ne, %convert_element_type3A_159, %cond3A_160 : i32
      scf.if %cond3A_161 {
      } else {
      }
    } else {
    }
    %eq3A_91 = arith.constant 1 : i32
    %eq3A_92 = arith.cmpi eq, %rem3A_78, %eq3A_91 : i32
    %convert_element_type3A_93 = arith.extui %eq3A_92 : i1 to i32
    %cond3A_94 = arith.constant 0 : i32
    %cond3A_95 = arith.cmpi ne, %convert_element_type3A_93, %cond3A_94 : i32
    scf.if %cond3A_95 {
      %eq3A_152 = arith.constant 0 : i32
      %eq3A_153 = arith.cmpi eq, %rem3A_74, %eq3A_152 : i32
      %convert_element_type3A_154 = arith.extui %eq3A_153 : i1 to i32
      %cond3A_155 = arith.constant 0 : i32
      %cond3A_156 = arith.cmpi ne, %convert_element_type3A_154, %cond3A_155 : i32
      scf.if %cond3A_156 {
      } else {
      }
      %eq3A_157 = arith.constant 1 : i32
      %eq3A_158 = arith.cmpi eq, %rem3A_74, %eq3A_157 : i32
      %convert_element_type3A_159 = arith.extui %eq3A_158 : i1 to i32
      %cond3A_160 = arith.constant 0 : i32
      %cond3A_161 = arith.cmpi ne, %convert_element_type3A_159, %cond3A_160 : i32
      scf.if %cond3A_161 {
      } else {
      }
    } else {
    }
    %eq3A_96 = arith.constant 2 : i32
    %eq3A_97 = arith.cmpi eq, %rem3A_78, %eq3A_96 : i32
    %convert_element_type3A_98 = arith.extui %eq3A_97 : i1 to i32
    %cond3A_99 = arith.constant 0 : i32
    %cond3A_100 = arith.cmpi ne, %convert_element_type3A_98, %cond3A_99 : i32
    scf.if %cond3A_100 {
      %eq3A_152 = arith.constant 0 : i32
      %eq3A_153 = arith.cmpi eq, %rem3A_74, %eq3A_152 : i32
      %convert_element_type3A_154 = arith.extui %eq3A_153 : i1 to i32
      %cond3A_155 = arith.constant 0 : i32
      %cond3A_156 = arith.cmpi ne, %convert_element_type3A_154, %cond3A_155 : i32
      scf.if %cond3A_156 {
      } else {
      }
      %eq3A_157 = arith.constant 1 : i32
      %eq3A_158 = arith.cmpi eq, %rem3A_74, %eq3A_157 : i32
      %convert_element_type3A_159 = arith.extui %eq3A_158 : i1 to i32
      %cond3A_160 = arith.constant 0 : i32
      %cond3A_161 = arith.cmpi ne, %convert_element_type3A_159, %cond3A_160 : i32
      scf.if %cond3A_161 {
      } else {
      }
    } else {
    }
    %eq3A_101 = arith.constant 0 : i32
    %eq3A_102 = arith.cmpi eq, %rem3A_74, %eq3A_101 : i32
    %convert_element_type3A_103 = arith.extui %eq3A_102 : i1 to i32
    %cond3A_104 = arith.constant 0 : i32
    %cond3A_105 = arith.cmpi ne, %convert_element_type3A_103, %cond3A_104 : i32
    scf.if %cond3A_105 {
      %dma_start3A_152 = arith.constant 0 : i32
      %dma_start3A_153 = arith.constant 0 : i32
      %dma_start3A_154 = tpu.memref_slice %arg6[%dma_start3A_152, %dma_start3A_153] : memref<25088x64xf32, #tpu.memory_space<vmem_shared>> -> memref<25088x64xf32, #tpu.memory_space<vmem_shared>>
      tpu.enqueue_indirect_dma source(%arg14 : memref<128x64xf32, #tpu.memory_space<vmem>>) target(%dma_start3A_154 : memref<25088x64xf32, #tpu.memory_space<vmem_shared>>) offsets(%arg12 : memref<128xi32, #tpu.memory_space<vmem>>) semaphore(%arg21 : memref<!tpu.dma_semaphore, #tpu.memory_space<semaphore_mem>>) {add = true}
    } else {
    }
    %eq3A_106 = arith.constant 1 : i32
    %eq3A_107 = arith.cmpi eq, %rem3A_74, %eq3A_106 : i32
    %convert_element_type3A_108 = arith.extui %eq3A_107 : i1 to i32
    %cond3A_109 = arith.constant 0 : i32
    %cond3A_110 = arith.cmpi ne, %convert_element_type3A_108, %cond3A_109 : i32
    scf.if %cond3A_110 {
      %dma_start3A_152 = arith.constant 0 : i32
      %dma_start3A_153 = arith.constant 0 : i32
      %dma_start3A_154 = tpu.memref_slice %arg6[%dma_start3A_152, %dma_start3A_153] : memref<25088x64xf32, #tpu.memory_space<vmem_shared>> -> memref<25088x64xf32, #tpu.memory_space<vmem_shared>>
      tpu.enqueue_indirect_dma source(%arg15 : memref<128x64xf32, #tpu.memory_space<vmem>>) target(%dma_start3A_154 : memref<25088x64xf32, #tpu.memory_space<vmem_shared>>) offsets(%arg13 : memref<128xi32, #tpu.memory_space<vmem>>) semaphore(%arg22 : memref<!tpu.dma_semaphore, #tpu.memory_space<semaphore_mem>>) {add = true}
    } else {
    }
    %sub3A_111 = arith.constant 1 : i32
    %sub3A_112 = arith.subi %sub3A_111, %rem3A_74 : i32
    %eq3A_113 = arith.constant 0 : i32
    %eq3A_114 = arith.cmpi eq, %sub3A_112, %eq3A_113 : i32
    %convert_element_type3A_115 = arith.extui %eq3A_114 : i1 to i32
    %cond3A_116 = arith.constant 0 : i32
    %cond3A_117 = arith.cmpi ne, %convert_element_type3A_115, %cond3A_116 : i32
    scf.if %cond3A_117 {
      %dma_wait3A = arith.constant 0 : i32
      %dma_wait3A_152 = arith.constant 0 : i32
      %dma_wait3A_153 = tpu.memref_slice %arg6[%dma_wait3A, %dma_wait3A_152] : memref<25088x64xf32, #tpu.memory_space<vmem_shared>> -> memref<25088x64xf32, #tpu.memory_space<vmem_shared>>
      tpu.wait_indirect_dma semaphore(%arg21 : memref<!tpu.dma_semaphore, #tpu.memory_space<semaphore_mem>>) src(%arg14 : memref<128x64xf32, #tpu.memory_space<vmem>>) dst(%dma_wait3A_153 : memref<25088x64xf32, #tpu.memory_space<vmem_shared>>)
    } else {
    }
    %eq3A_118 = arith.constant 1 : i32
    %eq3A_119 = arith.cmpi eq, %sub3A_112, %eq3A_118 : i32
    %convert_element_type3A_120 = arith.extui %eq3A_119 : i1 to i32
    %cond3A_121 = arith.constant 0 : i32
    %cond3A_122 = arith.cmpi ne, %convert_element_type3A_120, %cond3A_121 : i32
    scf.if %cond3A_122 {
      %dma_wait3A = arith.constant 0 : i32
      %dma_wait3A_152 = arith.constant 0 : i32
      %dma_wait3A_153 = tpu.memref_slice %arg6[%dma_wait3A, %dma_wait3A_152] : memref<25088x64xf32, #tpu.memory_space<vmem_shared>> -> memref<25088x64xf32, #tpu.memory_space<vmem_shared>>
      tpu.wait_indirect_dma semaphore(%arg22 : memref<!tpu.dma_semaphore, #tpu.memory_space<semaphore_mem>>) src(%arg15 : memref<128x64xf32, #tpu.memory_space<vmem>>) dst(%dma_wait3A_153 : memref<25088x64xf32, #tpu.memory_space<vmem_shared>>)
    } else {
    }
    %eq3A_123 = arith.constant 0 : i32
    %eq3A_124 = arith.cmpi eq, %rem3A_74, %eq3A_123 : i32
    %convert_element_type3A_125 = arith.extui %eq3A_124 : i1 to i32
    %cond3A_126 = arith.constant 0 : i32
    %cond3A_127 = arith.cmpi ne, %convert_element_type3A_125, %cond3A_126 : i32
    scf.if %cond3A_127 {
      %dma_wait3A = arith.constant 0 : i32
      %dma_wait3A_152 = arith.constant 0 : i32
      %dma_wait3A_153 = tpu.memref_slice %arg6[%dma_wait3A, %dma_wait3A_152] : memref<25088x64xf32, #tpu.memory_space<vmem_shared>> -> memref<25088x64xf32, #tpu.memory_space<vmem_shared>>
      tpu.wait_indirect_dma semaphore(%arg21 : memref<!tpu.dma_semaphore, #tpu.memory_space<semaphore_mem>>) src(%arg14 : memref<128x64xf32, #tpu.memory_space<vmem>>) dst(%dma_wait3A_153 : memref<25088x64xf32, #tpu.memory_space<vmem_shared>>)
    } else {
    }
    %eq3A_128 = arith.constant 1 : i32
    %eq3A_129 = arith.cmpi eq, %rem3A_74, %eq3A_128 : i32
    %convert_element_type3A_130 = arith.extui %eq3A_129 : i1 to i32
    %cond3A_131 = arith.constant 0 : i32
    %cond3A_132 = arith.cmpi ne, %convert_element_type3A_130, %cond3A_131 : i32
    scf.if %cond3A_132 {
      %dma_wait3A = arith.constant 0 : i32
      %dma_wait3A_152 = arith.constant 0 : i32
      %dma_wait3A_153 = tpu.memref_slice %arg6[%dma_wait3A, %dma_wait3A_152] : memref<25088x64xf32, #tpu.memory_space<vmem_shared>> -> memref<25088x64xf32, #tpu.memory_space<vmem_shared>>
      tpu.wait_indirect_dma semaphore(%arg22 : memref<!tpu.dma_semaphore, #tpu.memory_space<semaphore_mem>>) src(%arg15 : memref<128x64xf32, #tpu.memory_space<vmem>>) dst(%dma_wait3A_153 : memref<25088x64xf32, #tpu.memory_space<vmem_shared>>)
    } else {
    }
    %barrier3A_133 = arith.constant 0 : index
    tpu.barrier barrier_id(%barrier3A_133)
    %sub3A_134 = arith.constant 125 : i32
    %sub3A_135 = arith.subi %sub3A_134, %arg1 : i32
    %sub3A_136 = arith.constant 16 : i32
    %sub3A_137 = arith.constant 1 : i32
    %sub3A_138 = arith.subi %sub3A_136, %sub3A_137 : i32
    %add3A_139 = arith.addi %sub3A_135, %sub3A_138 : i32
    %div3A_140 = arith.constant 16 : i32
    %div3A_141 = arith.divsi %add3A_139, %div3A_140 : i32
    %while3A_142 = arith.constant 16 : i32
    %while3A_143 = arith.constant 0 : i32
    %while3A_144 = arith.subi %div3A_141, %while3A_143 : i32
    %while3A_145 = arith.addi %while3A_143, %while3A_144 : i32
    %while3A_146 = arith.constant 1 : i32
    %while3A_147 = arith.divsi %while3A_144, %while3A_146 : i32
    %while3A_148 = arith.muli %while3A_147, %while3A_146 : i32
    %while3A_149 = arith.addi %while3A_143, %while3A_148 : i32
    %while3A_150 = arith.constant 1 : i32
    scf.for %while3A_152 = %while3A_143 to %while3A_149 step %while3A_150  : i32 {
      %mul3A_153 = arith.muli %while3A_152, %while3A_142 : i32
      %add3A_154 = arith.addi %arg1, %mul3A_153 : i32
      %mul3A_155 = arith.constant 200 : i32
      %mul3A_156 = arith.muli %add3A_154, %mul3A_155 : i32
      %mul3A_157 = arith.constant 200 : i32
      %mul3A_158 = arith.muli %add3A_154, %mul3A_157 : i32
      %add3A_159 = arith.addi %mul3A_0, %mul3A_158 : i32
      "tpu.region"() ({
        %run_scoped3A = tpu.sem_alloc : memref<!tpu.dma_semaphore, #tpu.memory_space<semaphore_mem>>
        %dma_start3A_160 = arith.constant 0 : i32
        %dma_start3A_161 = tpu.memref_slice %arg5[%add3A_159, %dma_start3A_160] : memref<50000x64xf32, #tpu.memory_space<hbm>> -> memref<200x64xf32, #tpu.memory_space<hbm>>
        %dma_start3A_162 = arith.constant 0 : i32
        %dma_start3A_163 = tpu.memref_slice %arg6[%mul3A_156, %dma_start3A_162] : memref<25088x64xf32, #tpu.memory_space<vmem_shared>> -> memref<200x64xf32, #tpu.memory_space<vmem_shared>>
        tpu.enqueue_dma source(%dma_start3A_163 : memref<200x64xf32, #tpu.memory_space<vmem_shared>>) target(%dma_start3A_161 : memref<200x64xf32, #tpu.memory_space<hbm>>) target_semaphore(%run_scoped3A : memref<!tpu.dma_semaphore, #tpu.memory_space<semaphore_mem>>)
        %dma_wait3A = arith.constant 0 : i32
        %dma_wait3A_164 = tpu.memref_slice %arg5[%add3A_159, %dma_wait3A] : memref<50000x64xf32, #tpu.memory_space<hbm>> -> memref<200x64xf32, #tpu.memory_space<hbm>>
        %dma_wait3A_165 = arith.constant 0 : i32
        %dma_wait3A_166 = tpu.memref_slice %arg6[%mul3A_156, %dma_wait3A_165] : memref<25088x64xf32, #tpu.memory_space<vmem_shared>> -> memref<200x64xf32, #tpu.memory_space<vmem_shared>>
        tpu.wait_dma2 semaphore(%run_scoped3A : memref<!tpu.dma_semaphore, #tpu.memory_space<semaphore_mem>>) src(%dma_wait3A_166 : memref<200x64xf32, #tpu.memory_space<vmem_shared>>) dst(%dma_wait3A_164 : memref<200x64xf32, #tpu.memory_space<hbm>>)
        tpu.yield
      }) : () -> ()
    }
    %while3A_151 = arith.constant 1 : i32
    scf.for %while3A_152 = %while3A_149 to %while3A_145 step %while3A_151  : i32 {
      %mul3A_153 = arith.muli %while3A_152, %while3A_142 : i32
      %add3A_154 = arith.addi %arg1, %mul3A_153 : i32
      %mul3A_155 = arith.constant 200 : i32
      %mul3A_156 = arith.muli %add3A_154, %mul3A_155 : i32
      %mul3A_157 = arith.constant 200 : i32
      %mul3A_158 = arith.muli %add3A_154, %mul3A_157 : i32
      %add3A_159 = arith.addi %mul3A_0, %mul3A_158 : i32
      "tpu.region"() ({
        %run_scoped3A = tpu.sem_alloc : memref<!tpu.dma_semaphore, #tpu.memory_space<semaphore_mem>>
        %dma_start3A_160 = arith.constant 0 : i32
        %dma_start3A_161 = tpu.memref_slice %arg5[%add3A_159, %dma_start3A_160] : memref<50000x64xf32, #tpu.memory_space<hbm>> -> memref<200x64xf32, #tpu.memory_space<hbm>>
        %dma_start3A_162 = arith.constant 0 : i32
        %dma_start3A_163 = tpu.memref_slice %arg6[%mul3A_156, %dma_start3A_162] : memref<25088x64xf32, #tpu.memory_space<vmem_shared>> -> memref<200x64xf32, #tpu.memory_space<vmem_shared>>
        tpu.enqueue_dma source(%dma_start3A_163 : memref<200x64xf32, #tpu.memory_space<vmem_shared>>) target(%dma_start3A_161 : memref<200x64xf32, #tpu.memory_space<hbm>>) target_semaphore(%run_scoped3A : memref<!tpu.dma_semaphore, #tpu.memory_space<semaphore_mem>>)
        %dma_wait3A = arith.constant 0 : i32
        %dma_wait3A_164 = tpu.memref_slice %arg5[%add3A_159, %dma_wait3A] : memref<50000x64xf32, #tpu.memory_space<hbm>> -> memref<200x64xf32, #tpu.memory_space<hbm>>
        %dma_wait3A_165 = arith.constant 0 : i32
        %dma_wait3A_166 = tpu.memref_slice %arg6[%mul3A_156, %dma_wait3A_165] : memref<25088x64xf32, #tpu.memory_space<vmem_shared>> -> memref<200x64xf32, #tpu.memory_space<vmem_shared>>
        tpu.wait_dma2 semaphore(%run_scoped3A : memref<!tpu.dma_semaphore, #tpu.memory_space<semaphore_mem>>) src(%dma_wait3A_166 : memref<200x64xf32, #tpu.memory_space<vmem_shared>>) dst(%dma_wait3A_164 : memref<200x64xf32, #tpu.memory_space<hbm>>)
        tpu.yield
      }) : () -> ()
    }
    return
  }
}

#map = affine_map<(d0, d1) -> (0, 0)>
module attributes {stable_mosaic.version = 14 : i64} {
  func.func @_spmm_body(%arg0: i32, %arg1: i32, %arg2: memref<6250x2304xi32, #tpu.memory_space<hbm>>, %arg3: memref<50000x64xf32, #tpu.memory_space<hbm>>, %arg4: memref<392x64xf32, #tpu.memory_space<hbm>>, %arg5: memref<50000x64xf32, #tpu.memory_space<hbm>>, %arg6: memref<25088x64xf32, #tpu.memory_space<vmem_shared>>, %arg7: memref<2304xi32, #tpu.memory_space<vmem>>, %arg8: memref<2304xi32, #tpu.memory_space<vmem>>, %arg9: memref<2304xi32, #tpu.memory_space<vmem>>, %arg10: memref<128xi32, #tpu.memory_space<vmem>>, %arg11: memref<128xi32, #tpu.memory_space<vmem>>, %arg12: memref<128xi32, #tpu.memory_space<vmem>>, %arg13: memref<128xi32, #tpu.memory_space<vmem>>, %arg14: memref<128x64xf32, #tpu.memory_space<vmem>>, %arg15: memref<128x64xf32, #tpu.memory_space<vmem>>, %arg16: memref<!tpu.dma_semaphore, #tpu.memory_space<semaphore_mem>>, %arg17: memref<!tpu.dma_semaphore, #tpu.memory_space<semaphore_mem>>, %arg18: memref<!tpu.dma_semaphore, #tpu.memory_space<semaphore_mem>>, %arg19: memref<!tpu.dma_semaphore, #tpu.memory_space<semaphore_mem>>, %arg20: memref<!tpu.dma_semaphore, #tpu.memory_space<semaphore_mem>>, %arg21: memref<!tpu.dma_semaphore, #tpu.memory_space<semaphore_mem>>, %arg22: memref<!tpu.dma_semaphore, #tpu.memory_space<semaphore_mem>>) attributes {dimension_semantics = [#tpu.dimension_semantics<core_parallel>, #tpu.dimension_semantics<subcore_parallel>], iteration_bounds = array<i64: 2, 16>, scalar_prefetch = 0 : i64, scratch_operands = 17 : i64, tpu.core_type = #tpu.core_type<sc_vector_subcore>, window_params = [{transform_indices = #map}, {transform_indices = #map}, {transform_indices = #map}, {transform_indices = #map}]} {
    %mul3A = arith.constant 25000 : i32
    %mul3A_0 = arith.muli %arg0, %mul3A : i32
    %mul3A_1 = arith.constant 1568 : i32
    %mul3A_2 = arith.muli %arg1, %mul3A_1 : i32
    %add3A = arith.constant 0 : i32
    %add3A_3 = arith.addi %mul3A_2, %add3A : i32
    "tpu.region"() ({
      %run_scoped3A = tpu.sem_alloc : memref<!tpu.dma_semaphore, #tpu.memory_space<semaphore_mem>>
      %dma_start3A_152 = arith.constant 0 : i32
      %dma_start3A_153 = tpu.memref_slice %arg6[%add3A_3, %dma_start3A_152] : memref<25088x64xf32, #tpu.memory_space<vmem_shared>> -> memref<392x64xf32, #tpu.memory_space<vmem_shared>>
      tpu.enqueue_dma source(%arg4 : memref<392x64xf32, #tpu.memory_space<hbm>>) target(%dma_start3A_153 : memref<392x64xf32, #tpu.memory_space<vmem_shared>>) target_semaphore(%run_scoped3A : memref<!tpu.dma_semaphore, #tpu.memory_space<semaphore_mem>>)
      %dma_wait3A = arith.constant 0 : i32
      %dma_wait3A_154 = tpu.memref_slice %arg6[%add3A_3, %dma_wait3A] : memref<25088x64xf32, #tpu.memory_space<vmem_shared>> -> memref<392x64xf32, #tpu.memory_space<vmem_shared>>
      tpu.wait_dma2 semaphore(%run_scoped3A : memref<!tpu.dma_semaphore, #tpu.memory_space<semaphore_mem>>) src(%arg4 : memref<392x64xf32, #tpu.memory_space<hbm>>) dst(%dma_wait3A_154 : memref<392x64xf32, #tpu.memory_space<vmem_shared>>)
      tpu.yield
    }) : () -> ()
    %mul3A_4 = arith.constant 1568 : i32
    %mul3A_5 = arith.muli %arg1, %mul3A_4 : i32
    %add3A_6 = arith.constant 392 : i32
    %add3A_7 = arith.addi %mul3A_5, %add3A_6 : i32
    "tpu.region"() ({
      %run_scoped3A = tpu.sem_alloc : memref<!tpu.dma_semaphore, #tpu.memory_space<semaphore_mem>>
      %dma_start3A_152 = arith.constant 0 : i32
      %dma_start3A_153 = tpu.memref_slice %arg6[%add3A_7, %dma_start3A_152] : memref<25088x64xf32, #tpu.memory_space<vmem_shared>> -> memref<392x64xf32, #tpu.memory_space<vmem_shared>>
      tpu.enqueue_dma source(%arg4 : memref<392x64xf32, #tpu.memory_space<hbm>>) target(%dma_start3A_153 : memref<392x64xf32, #tpu.memory_space<vmem_shared>>) target_semaphore(%run_scoped3A : memref<!tpu.dma_semaphore, #tpu.memory_space<semaphore_mem>>)
      %dma_wait3A = arith.constant 0 : i32
      %dma_wait3A_154 = tpu.memref_slice %arg6[%add3A_7, %dma_wait3A] : memref<25088x64xf32, #tpu.memory_space<vmem_shared>> -> memref<392x64xf32, #tpu.memory_space<vmem_shared>>
      tpu.wait_dma2 semaphore(%run_scoped3A : memref<!tpu.dma_semaphore, #tpu.memory_space<semaphore_mem>>) src(%arg4 : memref<392x64xf32, #tpu.memory_space<hbm>>) dst(%dma_wait3A_154 : memref<392x64xf32, #tpu.memory_space<vmem_shared>>)
      tpu.yield
    }) : () -> ()
    %mul3A_8 = arith.constant 1568 : i32
    %mul3A_9 = arith.muli %arg1, %mul3A_8 : i32
    %add3A_10 = arith.constant 784 : i32
    %add3A_11 = arith.addi %mul3A_9, %add3A_10 : i32
    "tpu.region"() ({
      %run_scoped3A = tpu.sem_alloc : memref<!tpu.dma_semaphore, #tpu.memory_space<semaphore_mem>>
      %dma_start3A_152 = arith.constant 0 : i32
      %dma_start3A_153 = tpu.memref_slice %arg6[%add3A_11, %dma_start3A_152] : memref<25088x64xf32, #tpu.memory_space<vmem_shared>> -> memref<392x64xf32, #tpu.memory_space<vmem_shared>>
      tpu.enqueue_dma source(%arg4 : memref<392x64xf32, #tpu.memory_space<hbm>>) target(%dma_start3A_153 : memref<392x64xf32, #tpu.memory_space<vmem_shared>>) target_semaphore(%run_scoped3A : memref<!tpu.dma_semaphore, #tpu.memory_space<semaphore_mem>>)
      %dma_wait3A = arith.constant 0 : i32
      %dma_wait3A_154 = tpu.memref_slice %arg6[%add3A_11, %dma_wait3A] : memref<25088x64xf32, #tpu.memory_space<vmem_shared>> -> memref<392x64xf32, #tpu.memory_space<vmem_shared>>
      tpu.wait_dma2 semaphore(%run_scoped3A : memref<!tpu.dma_semaphore, #tpu.memory_space<semaphore_mem>>) src(%arg4 : memref<392x64xf32, #tpu.memory_space<hbm>>) dst(%dma_wait3A_154 : memref<392x64xf32, #tpu.memory_space<vmem_shared>>)
      tpu.yield
    }) : () -> ()
    %mul3A_12 = arith.constant 1568 : i32
    %mul3A_13 = arith.muli %arg1, %mul3A_12 : i32
    %add3A_14 = arith.constant 1176 : i32
    %add3A_15 = arith.addi %mul3A_13, %add3A_14 : i32
    "tpu.region"() ({
      %run_scoped3A = tpu.sem_alloc : memref<!tpu.dma_semaphore, #tpu.memory_space<semaphore_mem>>
      %dma_start3A_152 = arith.constant 0 : i32
      %dma_start3A_153 = tpu.memref_slice %arg6[%add3A_15, %dma_start3A_152] : memref<25088x64xf32, #tpu.memory_space<vmem_shared>> -> memref<392x64xf32, #tpu.memory_space<vmem_shared>>
      tpu.enqueue_dma source(%arg4 : memref<392x64xf32, #tpu.memory_space<hbm>>) target(%dma_start3A_153 : memref<392x64xf32, #tpu.memory_space<vmem_shared>>) target_semaphore(%run_scoped3A : memref<!tpu.dma_semaphore, #tpu.memory_space<semaphore_mem>>)
      %dma_wait3A = arith.constant 0 : i32
      %dma_wait3A_154 = tpu.memref_slice %arg6[%add3A_15, %dma_wait3A] : memref<25088x64xf32, #tpu.memory_space<vmem_shared>> -> memref<392x64xf32, #tpu.memory_space<vmem_shared>>
      tpu.wait_dma2 semaphore(%run_scoped3A : memref<!tpu.dma_semaphore, #tpu.memory_space<semaphore_mem>>) src(%arg4 : memref<392x64xf32, #tpu.memory_space<hbm>>) dst(%dma_wait3A_154 : memref<392x64xf32, #tpu.memory_space<vmem_shared>>)
      tpu.yield
    }) : () -> ()
    %barrier3A = arith.constant 0 : index
    tpu.barrier barrier_id(%barrier3A)
    %sub3A = arith.constant 6250 : i32
    %sub3A_16 = arith.subi %sub3A, %arg1 : i32
    %add3A_17 = arith.constant 16 : i32
    %add3A_18 = arith.addi %sub3A_16, %add3A_17 : i32
    %sub3A_19 = arith.constant 1 : i32
    %sub3A_20 = arith.subi %add3A_18, %sub3A_19 : i32
    %jit3A = arith.constant 16 : i32
    %div3A = arith.divsi %sub3A_20, %jit3A : i32
    %sign3A = arith.constant 0 : i32
    %sign3A_21 = arith.cmpi sgt, %sub3A_20, %sign3A : i32
    %sign3A_22 = arith.extui %sign3A_21 : i1 to i32
    %sign3A_23 = arith.constant 0 : i32
    %sign3A_24 = arith.cmpi slt, %sub3A_20, %sign3A_23 : i32
    %sign3A_25 = arith.extui %sign3A_24 : i1 to i32
    %sign3A_26 = arith.subi %sign3A_22, %sign3A_25 : i32
    %sign3A_27 = arith.constant 0 : i32
    %sign3A_28 = arith.cmpi sgt, %jit3A, %sign3A_27 : i32
    %sign3A_29 = arith.extui %sign3A_28 : i1 to i32
    %sign3A_30 = arith.constant 0 : i32
    %sign3A_31 = arith.cmpi slt, %jit3A, %sign3A_30 : i32
    %sign3A_32 = arith.extui %sign3A_31 : i1 to i32
    %sign3A_33 = arith.subi %sign3A_29, %sign3A_32 : i32
    %ne3A = arith.cmpi ne, %sign3A_26, %sign3A_33 : i32
    %rem3A = arith.remsi %sub3A_20, %jit3A : i32
    %ne3A_34 = arith.constant 0 : i32
    %ne3A_35 = arith.cmpi ne, %rem3A, %ne3A_34 : i32
    %and3A = arith.andi %ne3A, %ne3A_35 : i1
    %sub3A_36 = arith.constant 1 : i32
    %sub3A_37 = arith.subi %div3A, %sub3A_36 : i32
    %select_n3A = arith.select %and3A, %sub3A_37, %div3A : i32
    %add3A_38 = arith.constant 0 : i32
    %add3A_39 = arith.addi %arg1, %add3A_38 : i32
    %dma_start3A = arith.constant 0 : i32
    %dma_start3A_40 = tpu.memref_slice %arg2[%add3A_39, %dma_start3A] : memref<6250x2304xi32, #tpu.memory_space<hbm>> -> memref<1x2304xi32, #tpu.memory_space<hbm>>
    %dma_start3A_41 = tpu.memref_squeeze %dma_start3A_40 : memref<1x2304xi32, #tpu.memory_space<hbm>> -> memref<2304xi32, #tpu.memory_space<hbm>>
    %dma_start3A_42 = arith.constant 0 : i32
    %dma_start3A_43 = tpu.memref_slice %arg2[%add3A_39, %dma_start3A_42] : memref<6250x2304xi32, #tpu.memory_space<hbm>> -> memref<1x2304xi32, #tpu.memory_space<hbm>>
    %dma_start3A_44 = tpu.memref_squeeze %dma_start3A_43 : memref<1x2304xi32, #tpu.memory_space<hbm>> -> memref<2304xi32, #tpu.memory_space<hbm>>
    tpu.enqueue_dma source(%dma_start3A_44 : memref<2304xi32, #tpu.memory_space<hbm>>) target(%arg7 : memref<2304xi32, #tpu.memory_space<vmem>>) target_semaphore(%arg16 : memref<!tpu.dma_semaphore, #tpu.memory_space<semaphore_mem>>)
    %add3A_45 = arith.constant 16 : i32
    %add3A_46 = arith.addi %arg1, %add3A_45 : i32
    %dma_start3A_47 = arith.constant 0 : i32
    %dma_start3A_48 = tpu.memref_slice %arg2[%add3A_46, %dma_start3A_47] : memref<6250x2304xi32, #tpu.memory_space<hbm>> -> memref<1x2304xi32, #tpu.memory_space<hbm>>
    %dma_start3A_49 = tpu.memref_squeeze %dma_start3A_48 : memref<1x2304xi32, #tpu.memory_space<hbm>> -> memref<2304xi32, #tpu.memory_space<hbm>>
    %dma_start3A_50 = arith.constant 0 : i32
    %dma_start3A_51 = tpu.memref_slice %arg2[%add3A_46, %dma_start3A_50] : memref<6250x2304xi32, #tpu.memory_space<hbm>> -> memref<1x2304xi32, #tpu.memory_space<hbm>>
    %dma_start3A_52 = tpu.memref_squeeze %dma_start3A_51 : memref<1x2304xi32, #tpu.memory_space<hbm>> -> memref<2304xi32, #tpu.memory_space<hbm>>
    tpu.enqueue_dma source(%dma_start3A_52 : memref<2304xi32, #tpu.memory_space<hbm>>) target(%arg8 : memref<2304xi32, #tpu.memory_space<vmem>>) target_semaphore(%arg17 : memref<!tpu.dma_semaphore, #tpu.memory_space<semaphore_mem>>)
    %sub3A_53 = arith.constant 0 : i32
    %sub3A_54 = arith.subi %select_n3A, %sub3A_53 : i32
    %sub3A_55 = arith.constant 1 : i32
    %sub3A_56 = arith.constant 1 : i32
    %sub3A_57 = arith.subi %sub3A_55, %sub3A_56 : i32
    %add3A_58 = arith.addi %sub3A_54, %sub3A_57 : i32
    %div3A_59 = arith.constant 1 : i32
    %div3A_60 = arith.divsi %add3A_58, %div3A_59 : i32
    %while3A = arith.constant 1 : i32
    %while3A_61 = arith.constant 0 : i32
    %while3A_62 = arith.constant 0 : i32
    %while3A_63 = arith.subi %div3A_60, %while3A_62 : i32
    %while3A_64 = arith.addi %while3A_62, %while3A_63 : i32
    %while3A_65 = arith.constant 1 : i32
    %while3A_66 = arith.divsi %while3A_63, %while3A_65 : i32
    %while3A_67 = arith.muli %while3A_66, %while3A_65 : i32
    %while3A_68 = arith.addi %while3A_62, %while3A_67 : i32
    %while3A_69 = arith.constant 1 : i32
    scf.for %while3A_152 = %while3A_62 to %while3A_68 step %while3A_69  : i32 {
      %mul3A_153 = arith.muli %while3A_152, %while3A : i32
      %add3A_154 = arith.addi %while3A_61, %mul3A_153 : i32
      %rem3A_155 = arith.constant 2 : i32
      %rem3A_156 = arith.remsi %add3A_154, %rem3A_155 : i32
      %rem3A_157 = arith.constant 3 : i32
      %rem3A_158 = arith.remsi %add3A_154, %rem3A_157 : i32
      %sub3A_159 = arith.constant 1 : i32
      %sub3A_160 = arith.subi %sub3A_159, %rem3A_156 : i32
      %eq3A_161 = arith.constant 0 : i32
      %eq3A_162 = arith.cmpi eq, %rem3A_158, %eq3A_161 : i32
      %convert_element_type3A_163 = arith.extui %eq3A_162 : i1 to i32
      %cond3A_164 = arith.constant 0 : i32
      %cond3A_165 = arith.cmpi ne, %convert_element_type3A_163, %cond3A_164 : i32
      scf.if %cond3A_165 {
        %dma_wait3A = arith.constant 0 : i32
        %dma_wait3A_215 = arith.constant 0 : i32
        %dma_wait3A_216 = tpu.memref_slice %arg2[%dma_wait3A, %dma_wait3A_215] : memref<6250x2304xi32, #tpu.memory_space<hbm>> -> memref<1x2304xi32, #tpu.memory_space<hbm>>
        %dma_wait3A_217 = tpu.memref_squeeze %dma_wait3A_216 : memref<1x2304xi32, #tpu.memory_space<hbm>> -> memref<2304xi32, #tpu.memory_space<hbm>>
        %dma_wait3A_218 = arith.constant 0 : i32
        %dma_wait3A_219 = tpu.memref_slice %arg2[%dma_wait3A, %dma_wait3A_218] : memref<6250x2304xi32, #tpu.memory_space<hbm>> -> memref<1x2304xi32, #tpu.memory_space<hbm>>
        %dma_wait3A_220 = tpu.memref_squeeze %dma_wait3A_219 : memref<1x2304xi32, #tpu.memory_space<hbm>> -> memref<2304xi32, #tpu.memory_space<hbm>>
        tpu.wait_dma2 semaphore(%arg16 : memref<!tpu.dma_semaphore, #tpu.memory_space<semaphore_mem>>) src(%dma_wait3A_220 : memref<2304xi32, #tpu.memory_space<hbm>>) dst(%arg7 : memref<2304xi32, #tpu.memory_space<vmem>>)
      } else {
      }
      %eq3A_166 = arith.constant 1 : i32
      %eq3A_167 = arith.cmpi eq, %rem3A_158, %eq3A_166 : i32
      %convert_element_type3A_168 = arith.extui %eq3A_167 : i1 to i32
      %cond3A_169 = arith.constant 0 : i32
      %cond3A_170 = arith.cmpi ne, %convert_element_type3A_168, %cond3A_169 : i32
      scf.if %cond3A_170 {
        %dma_wait3A = arith.constant 0 : i32
        %dma_wait3A_215 = arith.constant 0 : i32
        %dma_wait3A_216 = tpu.memref_slice %arg2[%dma_wait3A, %dma_wait3A_215] : memref<6250x2304xi32, #tpu.memory_space<hbm>> -> memref<1x2304xi32, #tpu.memory_space<hbm>>
        %dma_wait3A_217 = tpu.memref_squeeze %dma_wait3A_216 : memref<1x2304xi32, #tpu.memory_space<hbm>> -> memref<2304xi32, #tpu.memory_space<hbm>>
        %dma_wait3A_218 = arith.constant 0 : i32
        %dma_wait3A_219 = tpu.memref_slice %arg2[%dma_wait3A, %dma_wait3A_218] : memref<6250x2304xi32, #tpu.memory_space<hbm>> -> memref<1x2304xi32, #tpu.memory_space<hbm>>
        %dma_wait3A_220 = tpu.memref_squeeze %dma_wait3A_219 : memref<1x2304xi32, #tpu.memory_space<hbm>> -> memref<2304xi32, #tpu.memory_space<hbm>>
        tpu.wait_dma2 semaphore(%arg17 : memref<!tpu.dma_semaphore, #tpu.memory_space<semaphore_mem>>) src(%dma_wait3A_220 : memref<2304xi32, #tpu.memory_space<hbm>>) dst(%arg8 : memref<2304xi32, #tpu.memory_space<vmem>>)
      } else {
      }
      %eq3A_171 = arith.constant 2 : i32
      %eq3A_172 = arith.cmpi eq, %rem3A_158, %eq3A_171 : i32
      %convert_element_type3A_173 = arith.extui %eq3A_172 : i1 to i32
      %cond3A_174 = arith.constant 0 : i32
      %cond3A_175 = arith.cmpi ne, %convert_element_type3A_173, %cond3A_174 : i32
      scf.if %cond3A_175 {
        %dma_wait3A = arith.constant 0 : i32
        %dma_wait3A_215 = arith.constant 0 : i32
        %dma_wait3A_216 = tpu.memref_slice %arg2[%dma_wait3A, %dma_wait3A_215] : memref<6250x2304xi32, #tpu.memory_space<hbm>> -> memref<1x2304xi32, #tpu.memory_space<hbm>>
        %dma_wait3A_217 = tpu.memref_squeeze %dma_wait3A_216 : memref<1x2304xi32, #tpu.memory_space<hbm>> -> memref<2304xi32, #tpu.memory_space<hbm>>
        %dma_wait3A_218 = arith.constant 0 : i32
        %dma_wait3A_219 = tpu.memref_slice %arg2[%dma_wait3A, %dma_wait3A_218] : memref<6250x2304xi32, #tpu.memory_space<hbm>> -> memref<1x2304xi32, #tpu.memory_space<hbm>>
        %dma_wait3A_220 = tpu.memref_squeeze %dma_wait3A_219 : memref<1x2304xi32, #tpu.memory_space<hbm>> -> memref<2304xi32, #tpu.memory_space<hbm>>
        tpu.wait_dma2 semaphore(%arg18 : memref<!tpu.dma_semaphore, #tpu.memory_space<semaphore_mem>>) src(%dma_wait3A_220 : memref<2304xi32, #tpu.memory_space<hbm>>) dst(%arg9 : memref<2304xi32, #tpu.memory_space<vmem>>)
      } else {
      }
      %ge3A = arith.constant 2 : i32
      %ge3A_176 = arith.cmpi sge, %add3A_154, %ge3A : i32
      %convert_element_type3A_177 = arith.extui %ge3A_176 : i1 to i32
      %cond3A_178 = arith.constant 0 : i32
      %cond3A_179 = arith.cmpi ne, %convert_element_type3A_177, %cond3A_178 : i32
      scf.if %cond3A_179 {
        %eq3A_215 = arith.constant 0 : i32
        %eq3A_216 = arith.cmpi eq, %rem3A_156, %eq3A_215 : i32
        %convert_element_type3A_217 = arith.extui %eq3A_216 : i1 to i32
        %cond3A_218 = arith.constant 0 : i32
        %cond3A_219 = arith.cmpi ne, %convert_element_type3A_217, %cond3A_218 : i32
        scf.if %cond3A_219 {
          %dma_wait3A = arith.constant 0 : i32
          %dma_wait3A_225 = arith.constant 0 : i32
          %dma_wait3A_226 = tpu.memref_slice %arg6[%dma_wait3A, %dma_wait3A_225] : memref<25088x64xf32, #tpu.memory_space<vmem_shared>> -> memref<25088x64xf32, #tpu.memory_space<vmem_shared>>
          tpu.wait_indirect_dma semaphore(%arg21 : memref<!tpu.dma_semaphore, #tpu.memory_space<semaphore_mem>>) src(%arg14 : memref<128x64xf32, #tpu.memory_space<vmem>>) dst(%dma_wait3A_226 : memref<25088x64xf32, #tpu.memory_space<vmem_shared>>)
        } else {
        }
        %eq3A_220 = arith.constant 1 : i32
        %eq3A_221 = arith.cmpi eq, %rem3A_156, %eq3A_220 : i32
        %convert_element_type3A_222 = arith.extui %eq3A_221 : i1 to i32
        %cond3A_223 = arith.constant 0 : i32
        %cond3A_224 = arith.cmpi ne, %convert_element_type3A_222, %cond3A_223 : i32
        scf.if %cond3A_224 {
          %dma_wait3A = arith.constant 0 : i32
          %dma_wait3A_225 = arith.constant 0 : i32
          %dma_wait3A_226 = tpu.memref_slice %arg6[%dma_wait3A, %dma_wait3A_225] : memref<25088x64xf32, #tpu.memory_space<vmem_shared>> -> memref<25088x64xf32, #tpu.memory_space<vmem_shared>>
          tpu.wait_indirect_dma semaphore(%arg22 : memref<!tpu.dma_semaphore, #tpu.memory_space<semaphore_mem>>) src(%arg15 : memref<128x64xf32, #tpu.memory_space<vmem>>) dst(%dma_wait3A_226 : memref<25088x64xf32, #tpu.memory_space<vmem_shared>>)
        } else {
        }
      } else {
      }
      %eq3A_180 = arith.constant 0 : i32
      %eq3A_181 = arith.cmpi eq, %rem3A_158, %eq3A_180 : i32
      %convert_element_type3A_182 = arith.extui %eq3A_181 : i1 to i32
      %cond3A_183 = arith.constant 0 : i32
      %cond3A_184 = arith.cmpi ne, %convert_element_type3A_182, %cond3A_183 : i32
      scf.if %cond3A_184 {
        %eq3A_215 = arith.constant 0 : i32
        %eq3A_216 = arith.cmpi eq, %rem3A_156, %eq3A_215 : i32
        %convert_element_type3A_217 = arith.extui %eq3A_216 : i1 to i32
        %cond3A_218 = arith.constant 0 : i32
        %cond3A_219 = arith.cmpi ne, %convert_element_type3A_217, %cond3A_218 : i32
        scf.if %cond3A_219 {
          %scan3A = arith.constant 0 : i32
          %scan3A_225 = arith.constant 8 : i32
          %scan3A_226 = arith.addi %scan3A, %scan3A_225 : i32
          %scan3A_227 = arith.constant 1 : i32
          scf.for %scan3A_229 = %scan3A to %scan3A_226 step %scan3A_227  : i32 {
            %mul3A_230 = arith.constant 1 : i32
            %mul3A_231 = arith.muli %scan3A_229, %mul3A_230 : i32
            %add3A_232 = arith.constant 0 : i32
            %add3A_233 = arith.addi %add3A_232, %mul3A_231 : i32
            %mul3A_234 = arith.constant 16 : i32
            %mul3A_235 = arith.muli %add3A_233, %mul3A_234 : i32
            %get3A = arith.index_cast %mul3A_235 : i32 to index
            %get3A_236 = tpu.vector_load %arg7[%get3A] {strides = array<i32>} : memref<2304xi32, #tpu.memory_space<vmem>>, vector<16xi32>,
            %get3A_237 = vector.shape_cast %get3A_236 : vector<16xi32> to vector<16xi32>
            %mul3A_238 = arith.constant 16 : i32
            %mul3A_239 = arith.muli %add3A_233, %mul3A_238 : i32
            %swap3A = arith.index_cast %mul3A_239 : i32 to index
            %swap3A_240 = tpu.vector_load %arg10[%swap3A] {strides = array<i32>} : memref<128xi32, #tpu.memory_space<vmem>>, vector<16xi32>,
            %swap3A_241 = vector.shape_cast %swap3A_240 : vector<16xi32> to vector<16xi32>
            %swap3A_242 = vector.shape_cast %get3A_237 : vector<16xi32> to vector<16xi32>
            tpu.vector_store %arg10[%swap3A], %swap3A_242 {strides = array<i32>} : memref<128xi32, #tpu.memory_space<vmem>>, vector<16xi32>,
            %mul3A_243 = arith.constant 16 : i32
            %mul3A_244 = arith.muli %add3A_233, %mul3A_243 : i32
            %add3A_245 = arith.constant 128 : i32
            %add3A_246 = arith.addi %add3A_245, %mul3A_244 : i32
            %get3A_247 = arith.index_cast %add3A_246 : i32 to index
            %get3A_248 = tpu.vector_load %arg7[%get3A_247] {strides = array<i32>} : memref<2304xi32, #tpu.memory_space<vmem>>, vector<16xi32>,
            %get3A_249 = vector.shape_cast %get3A_248 : vector<16xi32> to vector<16xi32>
            %sub3A_250 = vector.broadcast %mul3A_0 : i32 to vector<16xi32>
            %sub3A_251 = arith.subi %get3A_249, %sub3A_250 : vector<16xi32>
            %ge3A_252 = arith.constant 0 : i32
            %ge3A_253 = vector.broadcast %ge3A_252 : i32 to vector<16xi32>
            %ge3A_254 = arith.cmpi sge, %sub3A_251, %ge3A_253 : vector<16xi32>
            %lt3A_255 = arith.constant 25000 : i32
            %lt3A_256 = vector.broadcast %lt3A_255 : i32 to vector<16xi32>
            %lt3A_257 = arith.cmpi slt, %sub3A_251, %lt3A_256 : vector<16xi32>
            %and3A_258 = arith.andi %ge3A_254, %lt3A_257 : vector<16xi1>
            %jit3A_259 = arith.constant 25000 : i32
            %broadcast_in_dim3A = vector.broadcast %jit3A_259 : i32 to vector<16xi32>
            %select_n3A_260 = arith.select %and3A_258, %sub3A_251, %broadcast_in_dim3A : vector<16xi1>, vector<16xi32>
            %mul3A_261 = arith.constant 16 : i32
            %mul3A_262 = arith.muli %add3A_233, %mul3A_261 : i32
            %swap3A_263 = arith.index_cast %mul3A_262 : i32 to index
            %swap3A_264 = tpu.vector_load %arg12[%swap3A_263] {strides = array<i32>} : memref<128xi32, #tpu.memory_space<vmem>>, vector<16xi32>,
            %swap3A_265 = vector.shape_cast %swap3A_264 : vector<16xi32> to vector<16xi32>
            %swap3A_266 = vector.shape_cast %select_n3A_260 : vector<16xi32> to vector<16xi32>
            tpu.vector_store %arg12[%swap3A_263], %swap3A_266 {strides = array<i32>} : memref<128xi32, #tpu.memory_space<vmem>>, vector<16xi32>,
          }
          %scan3A_228 = arith.constant 8 : i32
        } else {
        }
        %eq3A_220 = arith.constant 1 : i32
        %eq3A_221 = arith.cmpi eq, %rem3A_156, %eq3A_220 : i32
        %convert_element_type3A_222 = arith.extui %eq3A_221 : i1 to i32
        %cond3A_223 = arith.constant 0 : i32
        %cond3A_224 = arith.cmpi ne, %convert_element_type3A_222, %cond3A_223 : i32
        scf.if %cond3A_224 {
          %scan3A = arith.constant 0 : i32
          %scan3A_225 = arith.constant 8 : i32
          %scan3A_226 = arith.addi %scan3A, %scan3A_225 : i32
          %scan3A_227 = arith.constant 1 : i32
          scf.for %scan3A_229 = %scan3A to %scan3A_226 step %scan3A_227  : i32 {
            %mul3A_230 = arith.constant 1 : i32
            %mul3A_231 = arith.muli %scan3A_229, %mul3A_230 : i32
            %add3A_232 = arith.constant 0 : i32
            %add3A_233 = arith.addi %add3A_232, %mul3A_231 : i32
            %mul3A_234 = arith.constant 16 : i32
            %mul3A_235 = arith.muli %add3A_233, %mul3A_234 : i32
            %get3A = arith.index_cast %mul3A_235 : i32 to index
            %get3A_236 = tpu.vector_load %arg7[%get3A] {strides = array<i32>} : memref<2304xi32, #tpu.memory_space<vmem>>, vector<16xi32>,
            %get3A_237 = vector.shape_cast %get3A_236 : vector<16xi32> to vector<16xi32>
            %mul3A_238 = arith.constant 16 : i32
            %mul3A_239 = arith.muli %add3A_233, %mul3A_238 : i32
            %swap3A = arith.index_cast %mul3A_239 : i32 to index
            %swap3A_240 = tpu.vector_load %arg11[%swap3A] {strides = array<i32>} : memref<128xi32, #tpu.memory_space<vmem>>, vector<16xi32>,
            %swap3A_241 = vector.shape_cast %swap3A_240 : vector<16xi32> to vector<16xi32>
            %swap3A_242 = vector.shape_cast %get3A_237 : vector<16xi32> to vector<16xi32>
            tpu.vector_store %arg11[%swap3A], %swap3A_242 {strides = array<i32>} : memref<128xi32, #tpu.memory_space<vmem>>, vector<16xi32>,
            %mul3A_243 = arith.constant 16 : i32
            %mul3A_244 = arith.muli %add3A_233, %mul3A_243 : i32
            %add3A_245 = arith.constant 128 : i32
            %add3A_246 = arith.addi %add3A_245, %mul3A_244 : i32
            %get3A_247 = arith.index_cast %add3A_246 : i32 to index
            %get3A_248 = tpu.vector_load %arg7[%get3A_247] {strides = array<i32>} : memref<2304xi32, #tpu.memory_space<vmem>>, vector<16xi32>,
            %get3A_249 = vector.shape_cast %get3A_248 : vector<16xi32> to vector<16xi32>
            %sub3A_250 = vector.broadcast %mul3A_0 : i32 to vector<16xi32>
            %sub3A_251 = arith.subi %get3A_249, %sub3A_250 : vector<16xi32>
            %ge3A_252 = arith.constant 0 : i32
            %ge3A_253 = vector.broadcast %ge3A_252 : i32 to vector<16xi32>
            %ge3A_254 = arith.cmpi sge, %sub3A_251, %ge3A_253 : vector<16xi32>
            %lt3A_255 = arith.constant 25000 : i32
            %lt3A_256 = vector.broadcast %lt3A_255 : i32 to vector<16xi32>
            %lt3A_257 = arith.cmpi slt, %sub3A_251, %lt3A_256 : vector<16xi32>
            %and3A_258 = arith.andi %ge3A_254, %lt3A_257 : vector<16xi1>
            %jit3A_259 = arith.constant 25000 : i32
            %broadcast_in_dim3A = vector.broadcast %jit3A_259 : i32 to vector<16xi32>
            %select_n3A_260 = arith.select %and3A_258, %sub3A_251, %broadcast_in_dim3A : vector<16xi1>, vector<16xi32>
            %mul3A_261 = arith.constant 16 : i32
            %mul3A_262 = arith.muli %add3A_233, %mul3A_261 : i32
            %swap3A_263 = arith.index_cast %mul3A_262 : i32 to index
            %swap3A_264 = tpu.vector_load %arg13[%swap3A_263] {strides = array<i32>} : memref<128xi32, #tpu.memory_space<vmem>>, vector<16xi32>,
            %swap3A_265 = vector.shape_cast %swap3A_264 : vector<16xi32> to vector<16xi32>
            %swap3A_266 = vector.shape_cast %select_n3A_260 : vector<16xi32> to vector<16xi32>
            tpu.vector_store %arg13[%swap3A_263], %swap3A_266 {strides = array<i32>} : memref<128xi32, #tpu.memory_space<vmem>>, vector<16xi32>,
          }
          %scan3A_228 = arith.constant 8 : i32
        } else {
        }
      } else {
      }
      %eq3A_185 = arith.constant 1 : i32
      %eq3A_186 = arith.cmpi eq, %rem3A_158, %eq3A_185 : i32
      %convert_element_type3A_187 = arith.extui %eq3A_186 : i1 to i32
      %cond3A_188 = arith.constant 0 : i32
      %cond3A_189 = arith.cmpi ne, %convert_element_type3A_187, %cond3A_188 : i32
      scf.if %cond3A_189 {
        %eq3A_215 = arith.constant 0 : i32
        %eq3A_216 = arith.cmpi eq, %rem3A_156, %eq3A_215 : i32
        %convert_element_type3A_217 = arith.extui %eq3A_216 : i1 to i32
        %cond3A_218 = arith.constant 0 : i32
        %cond3A_219 = arith.cmpi ne, %convert_element_type3A_217, %cond3A_218 : i32
        scf.if %cond3A_219 {
          %scan3A = arith.constant 0 : i32
          %scan3A_225 = arith.constant 8 : i32
          %scan3A_226 = arith.addi %scan3A, %scan3A_225 : i32
          %scan3A_227 = arith.constant 1 : i32
          scf.for %scan3A_229 = %scan3A to %scan3A_226 step %scan3A_227  : i32 {
            %mul3A_230 = arith.constant 1 : i32
            %mul3A_231 = arith.muli %scan3A_229, %mul3A_230 : i32
            %add3A_232 = arith.constant 0 : i32
            %add3A_233 = arith.addi %add3A_232, %mul3A_231 : i32
            %mul3A_234 = arith.constant 16 : i32
            %mul3A_235 = arith.muli %add3A_233, %mul3A_234 : i32
            %get3A = arith.index_cast %mul3A_235 : i32 to index
            %get3A_236 = tpu.vector_load %arg8[%get3A] {strides = array<i32>} : memref<2304xi32, #tpu.memory_space<vmem>>, vector<16xi32>,
            %get3A_237 = vector.shape_cast %get3A_236 : vector<16xi32> to vector<16xi32>
            %mul3A_238 = arith.constant 16 : i32
            %mul3A_239 = arith.muli %add3A_233, %mul3A_238 : i32
            %swap3A = arith.index_cast %mul3A_239 : i32 to index
            %swap3A_240 = tpu.vector_load %arg10[%swap3A] {strides = array<i32>} : memref<128xi32, #tpu.memory_space<vmem>>, vector<16xi32>,
            %swap3A_241 = vector.shape_cast %swap3A_240 : vector<16xi32> to vector<16xi32>
            %swap3A_242 = vector.shape_cast %get3A_237 : vector<16xi32> to vector<16xi32>
            tpu.vector_store %arg10[%swap3A], %swap3A_242 {strides = array<i32>} : memref<128xi32, #tpu.memory_space<vmem>>, vector<16xi32>,
            %mul3A_243 = arith.constant 16 : i32
            %mul3A_244 = arith.muli %add3A_233, %mul3A_243 : i32
            %add3A_245 = arith.constant 128 : i32
            %add3A_246 = arith.addi %add3A_245, %mul3A_244 : i32
            %get3A_247 = arith.index_cast %add3A_246 : i32 to index
            %get3A_248 = tpu.vector_load %arg8[%get3A_247] {strides = array<i32>} : memref<2304xi32, #tpu.memory_space<vmem>>, vector<16xi32>,
            %get3A_249 = vector.shape_cast %get3A_248 : vector<16xi32> to vector<16xi32>
            %sub3A_250 = vector.broadcast %mul3A_0 : i32 to vector<16xi32>
            %sub3A_251 = arith.subi %get3A_249, %sub3A_250 : vector<16xi32>
            %ge3A_252 = arith.constant 0 : i32
            %ge3A_253 = vector.broadcast %ge3A_252 : i32 to vector<16xi32>
            %ge3A_254 = arith.cmpi sge, %sub3A_251, %ge3A_253 : vector<16xi32>
            %lt3A_255 = arith.constant 25000 : i32
            %lt3A_256 = vector.broadcast %lt3A_255 : i32 to vector<16xi32>
            %lt3A_257 = arith.cmpi slt, %sub3A_251, %lt3A_256 : vector<16xi32>
            %and3A_258 = arith.andi %ge3A_254, %lt3A_257 : vector<16xi1>
            %jit3A_259 = arith.constant 25000 : i32
            %broadcast_in_dim3A = vector.broadcast %jit3A_259 : i32 to vector<16xi32>
            %select_n3A_260 = arith.select %and3A_258, %sub3A_251, %broadcast_in_dim3A : vector<16xi1>, vector<16xi32>
            %mul3A_261 = arith.constant 16 : i32
            %mul3A_262 = arith.muli %add3A_233, %mul3A_261 : i32
            %swap3A_263 = arith.index_cast %mul3A_262 : i32 to index
            %swap3A_264 = tpu.vector_load %arg12[%swap3A_263] {strides = array<i32>} : memref<128xi32, #tpu.memory_space<vmem>>, vector<16xi32>,
            %swap3A_265 = vector.shape_cast %swap3A_264 : vector<16xi32> to vector<16xi32>
            %swap3A_266 = vector.shape_cast %select_n3A_260 : vector<16xi32> to vector<16xi32>
            tpu.vector_store %arg12[%swap3A_263], %swap3A_266 {strides = array<i32>} : memref<128xi32, #tpu.memory_space<vmem>>, vector<16xi32>,
          }
          %scan3A_228 = arith.constant 8 : i32
        } else {
        }
        %eq3A_220 = arith.constant 1 : i32
        %eq3A_221 = arith.cmpi eq, %rem3A_156, %eq3A_220 : i32
        %convert_element_type3A_222 = arith.extui %eq3A_221 : i1 to i32
        %cond3A_223 = arith.constant 0 : i32
        %cond3A_224 = arith.cmpi ne, %convert_element_type3A_222, %cond3A_223 : i32
        scf.if %cond3A_224 {
          %scan3A = arith.constant 0 : i32
          %scan3A_225 = arith.constant 8 : i32
          %scan3A_226 = arith.addi %scan3A, %scan3A_225 : i32
          %scan3A_227 = arith.constant 1 : i32
          scf.for %scan3A_229 = %scan3A to %scan3A_226 step %scan3A_227  : i32 {
            %mul3A_230 = arith.constant 1 : i32
            %mul3A_231 = arith.muli %scan3A_229, %mul3A_230 : i32
            %add3A_232 = arith.constant 0 : i32
            %add3A_233 = arith.addi %add3A_232, %mul3A_231 : i32
            %mul3A_234 = arith.constant 16 : i32
            %mul3A_235 = arith.muli %add3A_233, %mul3A_234 : i32
            %get3A = arith.index_cast %mul3A_235 : i32 to index
            %get3A_236 = tpu.vector_load %arg8[%get3A] {strides = array<i32>} : memref<2304xi32, #tpu.memory_space<vmem>>, vector<16xi32>,
            %get3A_237 = vector.shape_cast %get3A_236 : vector<16xi32> to vector<16xi32>
            %mul3A_238 = arith.constant 16 : i32
            %mul3A_239 = arith.muli %add3A_233, %mul3A_238 : i32
            %swap3A = arith.index_cast %mul3A_239 : i32 to index
            %swap3A_240 = tpu.vector_load %arg11[%swap3A] {strides = array<i32>} : memref<128xi32, #tpu.memory_space<vmem>>, vector<16xi32>,
            %swap3A_241 = vector.shape_cast %swap3A_240 : vector<16xi32> to vector<16xi32>
            %swap3A_242 = vector.shape_cast %get3A_237 : vector<16xi32> to vector<16xi32>
            tpu.vector_store %arg11[%swap3A], %swap3A_242 {strides = array<i32>} : memref<128xi32, #tpu.memory_space<vmem>>, vector<16xi32>,
            %mul3A_243 = arith.constant 16 : i32
            %mul3A_244 = arith.muli %add3A_233, %mul3A_243 : i32
            %add3A_245 = arith.constant 128 : i32
            %add3A_246 = arith.addi %add3A_245, %mul3A_244 : i32
            %get3A_247 = arith.index_cast %add3A_246 : i32 to index
            %get3A_248 = tpu.vector_load %arg8[%get3A_247] {strides = array<i32>} : memref<2304xi32, #tpu.memory_space<vmem>>, vector<16xi32>,
            %get3A_249 = vector.shape_cast %get3A_248 : vector<16xi32> to vector<16xi32>
            %sub3A_250 = vector.broadcast %mul3A_0 : i32 to vector<16xi32>
            %sub3A_251 = arith.subi %get3A_249, %sub3A_250 : vector<16xi32>
            %ge3A_252 = arith.constant 0 : i32
            %ge3A_253 = vector.broadcast %ge3A_252 : i32 to vector<16xi32>
            %ge3A_254 = arith.cmpi sge, %sub3A_251, %ge3A_253 : vector<16xi32>
            %lt3A_255 = arith.constant 25000 : i32
            %lt3A_256 = vector.broadcast %lt3A_255 : i32 to vector<16xi32>
            %lt3A_257 = arith.cmpi slt, %sub3A_251, %lt3A_256 : vector<16xi32>
            %and3A_258 = arith.andi %ge3A_254, %lt3A_257 : vector<16xi1>
            %jit3A_259 = arith.constant 25000 : i32
            %broadcast_in_dim3A = vector.broadcast %jit3A_259 : i32 to vector<16xi32>
            %select_n3A_260 = arith.select %and3A_258, %sub3A_251, %broadcast_in_dim3A : vector<16xi1>, vector<16xi32>
            %mul3A_261 = arith.constant 16 : i32
            %mul3A_262 = arith.muli %add3A_233, %mul3A_261 : i32
            %swap3A_263 = arith.index_cast %mul3A_262 : i32 to index
            %swap3A_264 = tpu.vector_load %arg13[%swap3A_263] {strides = array<i32>} : memref<128xi32, #tpu.memory_space<vmem>>, vector<16xi32>,
            %swap3A_265 = vector.shape_cast %swap3A_264 : vector<16xi32> to vector<16xi32>
            %swap3A_266 = vector.shape_cast %select_n3A_260 : vector<16xi32> to vector<16xi32>
            tpu.vector_store %arg13[%swap3A_263], %swap3A_266 {strides = array<i32>} : memref<128xi32, #tpu.memory_space<vmem>>, vector<16xi32>,
          }
          %scan3A_228 = arith.constant 8 : i32
        } else {
        }
      } else {
      }
      %eq3A_190 = arith.constant 2 : i32
      %eq3A_191 = arith.cmpi eq, %rem3A_158, %eq3A_190 : i32
      %convert_element_type3A_192 = arith.extui %eq3A_191 : i1 to i32
      %cond3A_193 = arith.constant 0 : i32
      %cond3A_194 = arith.cmpi ne, %convert_element_type3A_192, %cond3A_193 : i32
      scf.if %cond3A_194 {
        %eq3A_215 = arith.constant 0 : i32
        %eq3A_216 = arith.cmpi eq, %rem3A_156, %eq3A_215 : i32
        %convert_element_type3A_217 = arith.extui %eq3A_216 : i1 to i32
        %cond3A_218 = arith.constant 0 : i32
        %cond3A_219 = arith.cmpi ne, %convert_element_type3A_217, %cond3A_218 : i32
        scf.if %cond3A_219 {
          %scan3A = arith.constant 0 : i32
          %scan3A_225 = arith.constant 8 : i32
          %scan3A_226 = arith.addi %scan3A, %scan3A_225 : i32
          %scan3A_227 = arith.constant 1 : i32
          scf.for %scan3A_229 = %scan3A to %scan3A_226 step %scan3A_227  : i32 {
            %mul3A_230 = arith.constant 1 : i32
            %mul3A_231 = arith.muli %scan3A_229, %mul3A_230 : i32
            %add3A_232 = arith.constant 0 : i32
            %add3A_233 = arith.addi %add3A_232, %mul3A_231 : i32
            %mul3A_234 = arith.constant 16 : i32
            %mul3A_235 = arith.muli %add3A_233, %mul3A_234 : i32
            %get3A = arith.index_cast %mul3A_235 : i32 to index
            %get3A_236 = tpu.vector_load %arg9[%get3A] {strides = array<i32>} : memref<2304xi32, #tpu.memory_space<vmem>>, vector<16xi32>,
            %get3A_237 = vector.shape_cast %get3A_236 : vector<16xi32> to vector<16xi32>
            %mul3A_238 = arith.constant 16 : i32
            %mul3A_239 = arith.muli %add3A_233, %mul3A_238 : i32
            %swap3A = arith.index_cast %mul3A_239 : i32 to index
            %swap3A_240 = tpu.vector_load %arg10[%swap3A] {strides = array<i32>} : memref<128xi32, #tpu.memory_space<vmem>>, vector<16xi32>,
            %swap3A_241 = vector.shape_cast %swap3A_240 : vector<16xi32> to vector<16xi32>
            %swap3A_242 = vector.shape_cast %get3A_237 : vector<16xi32> to vector<16xi32>
            tpu.vector_store %arg10[%swap3A], %swap3A_242 {strides = array<i32>} : memref<128xi32, #tpu.memory_space<vmem>>, vector<16xi32>,
            %mul3A_243 = arith.constant 16 : i32
            %mul3A_244 = arith.muli %add3A_233, %mul3A_243 : i32
            %add3A_245 = arith.constant 128 : i32
            %add3A_246 = arith.addi %add3A_245, %mul3A_244 : i32
            %get3A_247 = arith.index_cast %add3A_246 : i32 to index
            %get3A_248 = tpu.vector_load %arg9[%get3A_247] {strides = array<i32>} : memref<2304xi32, #tpu.memory_space<vmem>>, vector<16xi32>,
            %get3A_249 = vector.shape_cast %get3A_248 : vector<16xi32> to vector<16xi32>
            %sub3A_250 = vector.broadcast %mul3A_0 : i32 to vector<16xi32>
            %sub3A_251 = arith.subi %get3A_249, %sub3A_250 : vector<16xi32>
            %ge3A_252 = arith.constant 0 : i32
            %ge3A_253 = vector.broadcast %ge3A_252 : i32 to vector<16xi32>
            %ge3A_254 = arith.cmpi sge, %sub3A_251, %ge3A_253 : vector<16xi32>
            %lt3A_255 = arith.constant 25000 : i32
            %lt3A_256 = vector.broadcast %lt3A_255 : i32 to vector<16xi32>
            %lt3A_257 = arith.cmpi slt, %sub3A_251, %lt3A_256 : vector<16xi32>
            %and3A_258 = arith.andi %ge3A_254, %lt3A_257 : vector<16xi1>
            %jit3A_259 = arith.constant 25000 : i32
            %broadcast_in_dim3A = vector.broadcast %jit3A_259 : i32 to vector<16xi32>
            %select_n3A_260 = arith.select %and3A_258, %sub3A_251, %broadcast_in_dim3A : vector<16xi1>, vector<16xi32>
            %mul3A_261 = arith.constant 16 : i32
            %mul3A_262 = arith.muli %add3A_233, %mul3A_261 : i32
            %swap3A_263 = arith.index_cast %mul3A_262 : i32 to index
            %swap3A_264 = tpu.vector_load %arg12[%swap3A_263] {strides = array<i32>} : memref<128xi32, #tpu.memory_space<vmem>>, vector<16xi32>,
            %swap3A_265 = vector.shape_cast %swap3A_264 : vector<16xi32> to vector<16xi32>
            %swap3A_266 = vector.shape_cast %select_n3A_260 : vector<16xi32> to vector<16xi32>
            tpu.vector_store %arg12[%swap3A_263], %swap3A_266 {strides = array<i32>} : memref<128xi32, #tpu.memory_space<vmem>>, vector<16xi32>,
          }
          %scan3A_228 = arith.constant 8 : i32
        } else {
        }
        %eq3A_220 = arith.constant 1 : i32
        %eq3A_221 = arith.cmpi eq, %rem3A_156, %eq3A_220 : i32
        %convert_element_type3A_222 = arith.extui %eq3A_221 : i1 to i32
        %cond3A_223 = arith.constant 0 : i32
        %cond3A_224 = arith.cmpi ne, %convert_element_type3A_222, %cond3A_223 : i32
        scf.if %cond3A_224 {
          %scan3A = arith.constant 0 : i32
          %scan3A_225 = arith.constant 8 : i32
          %scan3A_226 = arith.addi %scan3A, %scan3A_225 : i32
          %scan3A_227 = arith.constant 1 : i32
          scf.for %scan3A_229 = %scan3A to %scan3A_226 step %scan3A_227  : i32 {
            %mul3A_230 = arith.constant 1 : i32
            %mul3A_231 = arith.muli %scan3A_229, %mul3A_230 : i32
            %add3A_232 = arith.constant 0 : i32
            %add3A_233 = arith.addi %add3A_232, %mul3A_231 : i32
            %mul3A_234 = arith.constant 16 : i32
            %mul3A_235 = arith.muli %add3A_233, %mul3A_234 : i32
            %get3A = arith.index_cast %mul3A_235 : i32 to index
            %get3A_236 = tpu.vector_load %arg9[%get3A] {strides = array<i32>} : memref<2304xi32, #tpu.memory_space<vmem>>, vector<16xi32>,
            %get3A_237 = vector.shape_cast %get3A_236 : vector<16xi32> to vector<16xi32>
            %mul3A_238 = arith.constant 16 : i32
            %mul3A_239 = arith.muli %add3A_233, %mul3A_238 : i32
            %swap3A = arith.index_cast %mul3A_239 : i32 to index
            %swap3A_240 = tpu.vector_load %arg11[%swap3A] {strides = array<i32>} : memref<128xi32, #tpu.memory_space<vmem>>, vector<16xi32>,
            %swap3A_241 = vector.shape_cast %swap3A_240 : vector<16xi32> to vector<16xi32>
            %swap3A_242 = vector.shape_cast %get3A_237 : vector<16xi32> to vector<16xi32>
            tpu.vector_store %arg11[%swap3A], %swap3A_242 {strides = array<i32>} : memref<128xi32, #tpu.memory_space<vmem>>, vector<16xi32>,
            %mul3A_243 = arith.constant 16 : i32
            %mul3A_244 = arith.muli %add3A_233, %mul3A_243 : i32
            %add3A_245 = arith.constant 128 : i32
            %add3A_246 = arith.addi %add3A_245, %mul3A_244 : i32
            %get3A_247 = arith.index_cast %add3A_246 : i32 to index
            %get3A_248 = tpu.vector_load %arg9[%get3A_247] {strides = array<i32>} : memref<2304xi32, #tpu.memory_space<vmem>>, vector<16xi32>,
            %get3A_249 = vector.shape_cast %get3A_248 : vector<16xi32> to vector<16xi32>
            %sub3A_250 = vector.broadcast %mul3A_0 : i32 to vector<16xi32>
            %sub3A_251 = arith.subi %get3A_249, %sub3A_250 : vector<16xi32>
            %ge3A_252 = arith.constant 0 : i32
            %ge3A_253 = vector.broadcast %ge3A_252 : i32 to vector<16xi32>
            %ge3A_254 = arith.cmpi sge, %sub3A_251, %ge3A_253 : vector<16xi32>
            %lt3A_255 = arith.constant 25000 : i32
            %lt3A_256 = vector.broadcast %lt3A_255 : i32 to vector<16xi32>
            %lt3A_257 = arith.cmpi slt, %sub3A_251, %lt3A_256 : vector<16xi32>
            %and3A_258 = arith.andi %ge3A_254, %lt3A_257 : vector<16xi1>
            %jit3A_259 = arith.constant 25000 : i32
            %broadcast_in_dim3A = vector.broadcast %jit3A_259 : i32 to vector<16xi32>
            %select_n3A_260 = arith.select %and3A_258, %sub3A_251, %broadcast_in_dim3A : vector<16xi1>, vector<16xi32>
            %mul3A_261 = arith.constant 16 : i32
            %mul3A_262 = arith.muli %add3A_233, %mul3A_261 : i32
            %swap3A_263 = arith.index_cast %mul3A_262 : i32 to index
            %swap3A_264 = tpu.vector_load %arg13[%swap3A_263] {strides = array<i32>} : memref<128xi32, #tpu.memory_space<vmem>>, vector<16xi32>,
            %swap3A_265 = vector.shape_cast %swap3A_264 : vector<16xi32> to vector<16xi32>
            %swap3A_266 = vector.shape_cast %select_n3A_260 : vector<16xi32> to vector<16xi32>
            tpu.vector_store %arg13[%swap3A_263], %swap3A_266 {strides = array<i32>} : memref<128xi32, #tpu.memory_space<vmem>>, vector<16xi32>,
          }
          %scan3A_228 = arith.constant 8 : i32
        } else {
        }
      } else {
      }
      %eq3A_195 = arith.constant 0 : i32
      %eq3A_196 = arith.cmpi eq, %rem3A_156, %eq3A_195 : i32
      %convert_element_type3A_197 = arith.extui %eq3A_196 : i1 to i32
      %cond3A_198 = arith.constant 0 : i32
      %cond3A_199 = arith.cmpi ne, %convert_element_type3A_197, %cond3A_198 : i32
      scf.if %cond3A_199 {
        %dma_start3A_215 = arith.constant 0 : i32
        %dma_start3A_216 = arith.constant 0 : i32
        %dma_start3A_217 = tpu.memref_slice %arg3[%dma_start3A_215, %dma_start3A_216] : memref<50000x64xf32, #tpu.memory_space<hbm>> -> memref<50000x64xf32, #tpu.memory_space<hbm>>
        tpu.enqueue_indirect_dma source(%dma_start3A_217 : memref<50000x64xf32, #tpu.memory_space<hbm>>) target(%arg14 : memref<128x64xf32, #tpu.memory_space<vmem>>) offsets(%arg10 : memref<128xi32, #tpu.memory_space<vmem>>) semaphore(%arg19 : memref<!tpu.dma_semaphore, #tpu.memory_space<semaphore_mem>>)
      } else {
      }
      %eq3A_200 = arith.constant 1 : i32
      %eq3A_201 = arith.cmpi eq, %rem3A_156, %eq3A_200 : i32
      %convert_element_type3A_202 = arith.extui %eq3A_201 : i1 to i32
      %cond3A_203 = arith.constant 0 : i32
      %cond3A_204 = arith.cmpi ne, %convert_element_type3A_202, %cond3A_203 : i32
      scf.if %cond3A_204 {
        %dma_start3A_215 = arith.constant 0 : i32
        %dma_start3A_216 = arith.constant 0 : i32
        %dma_start3A_217 = tpu.memref_slice %arg3[%dma_start3A_215, %dma_start3A_216] : memref<50000x64xf32, #tpu.memory_space<hbm>> -> memref<50000x64xf32, #tpu.memory_space<hbm>>
        tpu.enqueue_indirect_dma source(%dma_start3A_217 : memref<50000x64xf32, #tpu.memory_space<hbm>>) target(%arg15 : memref<128x64xf32, #tpu.memory_space<vmem>>) offsets(%arg11 : memref<128xi32, #tpu.memory_space<vmem>>) semaphore(%arg20 : memref<!tpu.dma_semaphore, #tpu.memory_space<semaphore_mem>>)
      } else {
      }
      %ge3A_205 = arith.constant 1 : i32
      %ge3A_206 = arith.cmpi sge, %add3A_154, %ge3A_205 : i32
      %convert_element_type3A_207 = arith.extui %ge3A_206 : i1 to i32
      %cond3A_208 = arith.constant 0 : i32
      %cond3A_209 = arith.cmpi ne, %convert_element_type3A_207, %cond3A_208 : i32
      scf.if %cond3A_209 {
        %add3A_215 = arith.constant 2 : i32
        %add3A_216 = arith.addi %add3A_154, %add3A_215 : i32
        %rem3A_217 = arith.constant 3 : i32
        %rem3A_218 = arith.remsi %add3A_216, %rem3A_217 : i32
        %eq3A_219 = arith.constant 0 : i32
        %eq3A_220 = arith.cmpi eq, %sub3A_160, %eq3A_219 : i32
        %convert_element_type3A_221 = arith.extui %eq3A_220 : i1 to i32
        %cond3A_222 = arith.constant 0 : i32
        %cond3A_223 = arith.cmpi ne, %convert_element_type3A_221, %cond3A_222 : i32
        scf.if %cond3A_223 {
          %dma_wait3A = arith.constant 0 : i32
          %dma_wait3A_254 = arith.constant 0 : i32
          %dma_wait3A_255 = tpu.memref_slice %arg3[%dma_wait3A, %dma_wait3A_254] : memref<50000x64xf32, #tpu.memory_space<hbm>> -> memref<50000x64xf32, #tpu.memory_space<hbm>>
          tpu.wait_indirect_dma semaphore(%arg19 : memref<!tpu.dma_semaphore, #tpu.memory_space<semaphore_mem>>) src(%dma_wait3A_255 : memref<50000x64xf32, #tpu.memory_space<hbm>>) dst(%arg14 : memref<128x64xf32, #tpu.memory_space<vmem>>)
        } else {
        }
        %eq3A_224 = arith.constant 1 : i32
        %eq3A_225 = arith.cmpi eq, %sub3A_160, %eq3A_224 : i32
        %convert_element_type3A_226 = arith.extui %eq3A_225 : i1 to i32
        %cond3A_227 = arith.constant 0 : i32
        %cond3A_228 = arith.cmpi ne, %convert_element_type3A_226, %cond3A_227 : i32
        scf.if %cond3A_228 {
          %dma_wait3A = arith.constant 0 : i32
          %dma_wait3A_254 = arith.constant 0 : i32
          %dma_wait3A_255 = tpu.memref_slice %arg3[%dma_wait3A, %dma_wait3A_254] : memref<50000x64xf32, #tpu.memory_space<hbm>> -> memref<50000x64xf32, #tpu.memory_space<hbm>>
          tpu.wait_indirect_dma semaphore(%arg20 : memref<!tpu.dma_semaphore, #tpu.memory_space<semaphore_mem>>) src(%dma_wait3A_255 : memref<50000x64xf32, #tpu.memory_space<hbm>>) dst(%arg15 : memref<128x64xf32, #tpu.memory_space<vmem>>)
        } else {
        }
        %eq3A_229 = arith.constant 0 : i32
        %eq3A_230 = arith.cmpi eq, %rem3A_218, %eq3A_229 : i32
        %convert_element_type3A_231 = arith.extui %eq3A_230 : i1 to i32
        %cond3A_232 = arith.constant 0 : i32
        %cond3A_233 = arith.cmpi ne, %convert_element_type3A_231, %cond3A_232 : i32
        scf.if %cond3A_233 {
          %eq3A_254 = arith.constant 0 : i32
          %eq3A_255 = arith.cmpi eq, %sub3A_160, %eq3A_254 : i32
          %convert_element_type3A_256 = arith.extui %eq3A_255 : i1 to i32
          %cond3A_257 = arith.constant 0 : i32
          %cond3A_258 = arith.cmpi ne, %convert_element_type3A_256, %cond3A_257 : i32
          scf.if %cond3A_258 {
          } else {
          }
          %eq3A_259 = arith.constant 1 : i32
          %eq3A_260 = arith.cmpi eq, %sub3A_160, %eq3A_259 : i32
          %convert_element_type3A_261 = arith.extui %eq3A_260 : i1 to i32
          %cond3A_262 = arith.constant 0 : i32
          %cond3A_263 = arith.cmpi ne, %convert_element_type3A_261, %cond3A_262 : i32
          scf.if %cond3A_263 {
          } else {
          }
        } else {
        }
        %eq3A_234 = arith.constant 1 : i32
        %eq3A_235 = arith.cmpi eq, %rem3A_218, %eq3A_234 : i32
        %convert_element_type3A_236 = arith.extui %eq3A_235 : i1 to i32
        %cond3A_237 = arith.constant 0 : i32
        %cond3A_238 = arith.cmpi ne, %convert_element_type3A_236, %cond3A_237 : i32
        scf.if %cond3A_238 {
          %eq3A_254 = arith.constant 0 : i32
          %eq3A_255 = arith.cmpi eq, %sub3A_160, %eq3A_254 : i32
          %convert_element_type3A_256 = arith.extui %eq3A_255 : i1 to i32
          %cond3A_257 = arith.constant 0 : i32
          %cond3A_258 = arith.cmpi ne, %convert_element_type3A_256, %cond3A_257 : i32
          scf.if %cond3A_258 {
          } else {
          }
          %eq3A_259 = arith.constant 1 : i32
          %eq3A_260 = arith.cmpi eq, %sub3A_160, %eq3A_259 : i32
          %convert_element_type3A_261 = arith.extui %eq3A_260 : i1 to i32
          %cond3A_262 = arith.constant 0 : i32
          %cond3A_263 = arith.cmpi ne, %convert_element_type3A_261, %cond3A_262 : i32
          scf.if %cond3A_263 {
          } else {
          }
        } else {
        }
        %eq3A_239 = arith.constant 2 : i32
        %eq3A_240 = arith.cmpi eq, %rem3A_218, %eq3A_239 : i32
        %convert_element_type3A_241 = arith.extui %eq3A_240 : i1 to i32
        %cond3A_242 = arith.constant 0 : i32
        %cond3A_243 = arith.cmpi ne, %convert_element_type3A_241, %cond3A_242 : i32
        scf.if %cond3A_243 {
          %eq3A_254 = arith.constant 0 : i32
          %eq3A_255 = arith.cmpi eq, %sub3A_160, %eq3A_254 : i32
          %convert_element_type3A_256 = arith.extui %eq3A_255 : i1 to i32
          %cond3A_257 = arith.constant 0 : i32
          %cond3A_258 = arith.cmpi ne, %convert_element_type3A_256, %cond3A_257 : i32
          scf.if %cond3A_258 {
          } else {
          }
          %eq3A_259 = arith.constant 1 : i32
          %eq3A_260 = arith.cmpi eq, %sub3A_160, %eq3A_259 : i32
          %convert_element_type3A_261 = arith.extui %eq3A_260 : i1 to i32
          %cond3A_262 = arith.constant 0 : i32
          %cond3A_263 = arith.cmpi ne, %convert_element_type3A_261, %cond3A_262 : i32
          scf.if %cond3A_263 {
          } else {
          }
        } else {
        }
        %eq3A_244 = arith.constant 0 : i32
        %eq3A_245 = arith.cmpi eq, %sub3A_160, %eq3A_244 : i32
        %convert_element_type3A_246 = arith.extui %eq3A_245 : i1 to i32
        %cond3A_247 = arith.constant 0 : i32
        %cond3A_248 = arith.cmpi ne, %convert_element_type3A_246, %cond3A_247 : i32
        scf.if %cond3A_248 {
          %dma_start3A_254 = arith.constant 0 : i32
          %dma_start3A_255 = arith.constant 0 : i32
          %dma_start3A_256 = tpu.memref_slice %arg6[%dma_start3A_254, %dma_start3A_255] : memref<25088x64xf32, #tpu.memory_space<vmem_shared>> -> memref<25088x64xf32, #tpu.memory_space<vmem_shared>>
          tpu.enqueue_indirect_dma source(%arg14 : memref<128x64xf32, #tpu.memory_space<vmem>>) target(%dma_start3A_256 : memref<25088x64xf32, #tpu.memory_space<vmem_shared>>) offsets(%arg12 : memref<128xi32, #tpu.memory_space<vmem>>) semaphore(%arg21 : memref<!tpu.dma_semaphore, #tpu.memory_space<semaphore_mem>>) {add = true}
        } else {
        }
        %eq3A_249 = arith.constant 1 : i32
        %eq3A_250 = arith.cmpi eq, %sub3A_160, %eq3A_249 : i32
        %convert_element_type3A_251 = arith.extui %eq3A_250 : i1 to i32
        %cond3A_252 = arith.constant 0 : i32
        %cond3A_253 = arith.cmpi ne, %convert_element_type3A_251, %cond3A_252 : i32
        scf.if %cond3A_253 {
          %dma_start3A_254 = arith.constant 0 : i32
          %dma_start3A_255 = arith.constant 0 : i32
          %dma_start3A_256 = tpu.memref_slice %arg6[%dma_start3A_254, %dma_start3A_255] : memref<25088x64xf32, #tpu.memory_space<vmem_shared>> -> memref<25088x64xf32, #tpu.memory_space<vmem_shared>>
          tpu.enqueue_indirect_dma source(%arg15 : memref<128x64xf32, #tpu.memory_space<vmem>>) target(%dma_start3A_256 : memref<25088x64xf32, #tpu.memory_space<vmem_shared>>) offsets(%arg13 : memref<128xi32, #tpu.memory_space<vmem>>) semaphore(%arg22 : memref<!tpu.dma_semaphore, #tpu.memory_space<semaphore_mem>>) {add = true}
        } else {
        }
      } else {
      }
      %add3A_210 = arith.constant 2 : i32
      %add3A_211 = arith.addi %add3A_154, %add3A_210 : i32
      %lt3A = arith.cmpi slt, %add3A_211, %select_n3A : i32
      %convert_element_type3A_212 = arith.extui %lt3A : i1 to i32
      %cond3A_213 = arith.constant 0 : i32
      %cond3A_214 = arith.cmpi ne, %convert_element_type3A_212, %cond3A_213 : i32
      scf.if %cond3A_214 {
        %add3A_215 = arith.constant 2 : i32
        %add3A_216 = arith.addi %add3A_154, %add3A_215 : i32
        %rem3A_217 = arith.constant 3 : i32
        %rem3A_218 = arith.remsi %add3A_216, %rem3A_217 : i32
        %eq3A_219 = arith.constant 0 : i32
        %eq3A_220 = arith.cmpi eq, %rem3A_218, %eq3A_219 : i32
        %convert_element_type3A_221 = arith.extui %eq3A_220 : i1 to i32
        %cond3A_222 = arith.constant 0 : i32
        %cond3A_223 = arith.cmpi ne, %convert_element_type3A_221, %cond3A_222 : i32
        scf.if %cond3A_223 {
          %add3A_234 = arith.constant 2 : i32
          %add3A_235 = arith.addi %add3A_154, %add3A_234 : i32
          %mul3A_236 = arith.constant 16 : i32
          %mul3A_237 = arith.muli %add3A_235, %mul3A_236 : i32
          %add3A_238 = arith.addi %arg1, %mul3A_237 : i32
          %dma_start3A_239 = arith.constant 0 : i32
          %dma_start3A_240 = tpu.memref_slice %arg2[%add3A_238, %dma_start3A_239] : memref<6250x2304xi32, #tpu.memory_space<hbm>> -> memref<1x2304xi32, #tpu.memory_space<hbm>>
          %dma_start3A_241 = tpu.memref_squeeze %dma_start3A_240 : memref<1x2304xi32, #tpu.memory_space<hbm>> -> memref<2304xi32, #tpu.memory_space<hbm>>
          %dma_start3A_242 = arith.constant 0 : i32
          %dma_start3A_243 = tpu.memref_slice %arg2[%add3A_238, %dma_start3A_242] : memref<6250x2304xi32, #tpu.memory_space<hbm>> -> memref<1x2304xi32, #tpu.memory_space<hbm>>
          %dma_start3A_244 = tpu.memref_squeeze %dma_start3A_243 : memref<1x2304xi32, #tpu.memory_space<hbm>> -> memref<2304xi32, #tpu.memory_space<hbm>>
          tpu.enqueue_dma source(%dma_start3A_244 : memref<2304xi32, #tpu.memory_space<hbm>>) target(%arg7 : memref<2304xi32, #tpu.memory_space<vmem>>) target_semaphore(%arg16 : memref<!tpu.dma_semaphore, #tpu.memory_space<semaphore_mem>>)
        } else {
        }
        %eq3A_224 = arith.constant 1 : i32
        %eq3A_225 = arith.cmpi eq, %rem3A_218, %eq3A_224 : i32
        %convert_element_type3A_226 = arith.extui %eq3A_225 : i1 to i32
        %cond3A_227 = arith.constant 0 : i32
        %cond3A_228 = arith.cmpi ne, %convert_element_type3A_226, %cond3A_227 : i32
        scf.if %cond3A_228 {
          %add3A_234 = arith.constant 2 : i32
          %add3A_235 = arith.addi %add3A_154, %add3A_234 : i32
          %mul3A_236 = arith.constant 16 : i32
          %mul3A_237 = arith.muli %add3A_235, %mul3A_236 : i32
          %add3A_238 = arith.addi %arg1, %mul3A_237 : i32
          %dma_start3A_239 = arith.constant 0 : i32
          %dma_start3A_240 = tpu.memref_slice %arg2[%add3A_238, %dma_start3A_239] : memref<6250x2304xi32, #tpu.memory_space<hbm>> -> memref<1x2304xi32, #tpu.memory_space<hbm>>
          %dma_start3A_241 = tpu.memref_squeeze %dma_start3A_240 : memref<1x2304xi32, #tpu.memory_space<hbm>> -> memref<2304xi32, #tpu.memory_space<hbm>>
          %dma_start3A_242 = arith.constant 0 : i32
          %dma_start3A_243 = tpu.memref_slice %arg2[%add3A_238, %dma_start3A_242] : memref<6250x2304xi32, #tpu.memory_space<hbm>> -> memref<1x2304xi32, #tpu.memory_space<hbm>>
          %dma_start3A_244 = tpu.memref_squeeze %dma_start3A_243 : memref<1x2304xi32, #tpu.memory_space<hbm>> -> memref<2304xi32, #tpu.memory_space<hbm>>
          tpu.enqueue_dma source(%dma_start3A_244 : memref<2304xi32, #tpu.memory_space<hbm>>) target(%arg8 : memref<2304xi32, #tpu.memory_space<vmem>>) target_semaphore(%arg17 : memref<!tpu.dma_semaphore, #tpu.memory_space<semaphore_mem>>)
        } else {
        }
        %eq3A_229 = arith.constant 2 : i32
        %eq3A_230 = arith.cmpi eq, %rem3A_218, %eq3A_229 : i32
        %convert_element_type3A_231 = arith.extui %eq3A_230 : i1 to i32
        %cond3A_232 = arith.constant 0 : i32
        %cond3A_233 = arith.cmpi ne, %convert_element_type3A_231, %cond3A_232 : i32
        scf.if %cond3A_233 {
          %add3A_234 = arith.constant 2 : i32
          %add3A_235 = arith.addi %add3A_154, %add3A_234 : i32
          %mul3A_236 = arith.constant 16 : i32
          %mul3A_237 = arith.muli %add3A_235, %mul3A_236 : i32
          %add3A_238 = arith.addi %arg1, %mul3A_237 : i32
          %dma_start3A_239 = arith.constant 0 : i32
          %dma_start3A_240 = tpu.memref_slice %arg2[%add3A_238, %dma_start3A_239] : memref<6250x2304xi32, #tpu.memory_space<hbm>> -> memref<1x2304xi32, #tpu.memory_space<hbm>>
          %dma_start3A_241 = tpu.memref_squeeze %dma_start3A_240 : memref<1x2304xi32, #tpu.memory_space<hbm>> -> memref<2304xi32, #tpu.memory_space<hbm>>
          %dma_start3A_242 = arith.constant 0 : i32
          %dma_start3A_243 = tpu.memref_slice %arg2[%add3A_238, %dma_start3A_242] : memref<6250x2304xi32, #tpu.memory_space<hbm>> -> memref<1x2304xi32, #tpu.memory_space<hbm>>
          %dma_start3A_244 = tpu.memref_squeeze %dma_start3A_243 : memref<1x2304xi32, #tpu.memory_space<hbm>> -> memref<2304xi32, #tpu.memory_space<hbm>>
          tpu.enqueue_dma source(%dma_start3A_244 : memref<2304xi32, #tpu.memory_space<hbm>>) target(%arg9 : memref<2304xi32, #tpu.memory_space<vmem>>) target_semaphore(%arg18 : memref<!tpu.dma_semaphore, #tpu.memory_space<semaphore_mem>>)
        } else {
        }
      } else {
      }
    }
    %while3A_70 = arith.constant 1 : i32
    scf.for %while3A_152 = %while3A_68 to %while3A_64 step %while3A_70  : i32 {
      %mul3A_153 = arith.muli %while3A_152, %while3A : i32
      %add3A_154 = arith.addi %while3A_61, %mul3A_153 : i32
      %rem3A_155 = arith.constant 2 : i32
      %rem3A_156 = arith.remsi %add3A_154, %rem3A_155 : i32
      %rem3A_157 = arith.constant 3 : i32
      %rem3A_158 = arith.remsi %add3A_154, %rem3A_157 : i32
      %sub3A_159 = arith.constant 1 : i32
      %sub3A_160 = arith.subi %sub3A_159, %rem3A_156 : i32
      %eq3A_161 = arith.constant 0 : i32
      %eq3A_162 = arith.cmpi eq, %rem3A_158, %eq3A_161 : i32
      %convert_element_type3A_163 = arith.extui %eq3A_162 : i1 to i32
      %cond3A_164 = arith.constant 0 : i32
      %cond3A_165 = arith.cmpi ne, %convert_element_type3A_163, %cond3A_164 : i32
      scf.if %cond3A_165 {
        %dma_wait3A = arith.constant 0 : i32
        %dma_wait3A_215 = arith.constant 0 : i32
        %dma_wait3A_216 = tpu.memref_slice %arg2[%dma_wait3A, %dma_wait3A_215] : memref<6250x2304xi32, #tpu.memory_space<hbm>> -> memref<1x2304xi32, #tpu.memory_space<hbm>>
        %dma_wait3A_217 = tpu.memref_squeeze %dma_wait3A_216 : memref<1x2304xi32, #tpu.memory_space<hbm>> -> memref<2304xi32, #tpu.memory_space<hbm>>
        %dma_wait3A_218 = arith.constant 0 : i32
        %dma_wait3A_219 = tpu.memref_slice %arg2[%dma_wait3A, %dma_wait3A_218] : memref<6250x2304xi32, #tpu.memory_space<hbm>> -> memref<1x2304xi32, #tpu.memory_space<hbm>>
        %dma_wait3A_220 = tpu.memref_squeeze %dma_wait3A_219 : memref<1x2304xi32, #tpu.memory_space<hbm>> -> memref<2304xi32, #tpu.memory_space<hbm>>
        tpu.wait_dma2 semaphore(%arg16 : memref<!tpu.dma_semaphore, #tpu.memory_space<semaphore_mem>>) src(%dma_wait3A_220 : memref<2304xi32, #tpu.memory_space<hbm>>) dst(%arg7 : memref<2304xi32, #tpu.memory_space<vmem>>)
      } else {
      }
      %eq3A_166 = arith.constant 1 : i32
      %eq3A_167 = arith.cmpi eq, %rem3A_158, %eq3A_166 : i32
      %convert_element_type3A_168 = arith.extui %eq3A_167 : i1 to i32
      %cond3A_169 = arith.constant 0 : i32
      %cond3A_170 = arith.cmpi ne, %convert_element_type3A_168, %cond3A_169 : i32
      scf.if %cond3A_170 {
        %dma_wait3A = arith.constant 0 : i32
        %dma_wait3A_215 = arith.constant 0 : i32
        %dma_wait3A_216 = tpu.memref_slice %arg2[%dma_wait3A, %dma_wait3A_215] : memref<6250x2304xi32, #tpu.memory_space<hbm>> -> memref<1x2304xi32, #tpu.memory_space<hbm>>
        %dma_wait3A_217 = tpu.memref_squeeze %dma_wait3A_216 : memref<1x2304xi32, #tpu.memory_space<hbm>> -> memref<2304xi32, #tpu.memory_space<hbm>>
        %dma_wait3A_218 = arith.constant 0 : i32
        %dma_wait3A_219 = tpu.memref_slice %arg2[%dma_wait3A, %dma_wait3A_218] : memref<6250x2304xi32, #tpu.memory_space<hbm>> -> memref<1x2304xi32, #tpu.memory_space<hbm>>
        %dma_wait3A_220 = tpu.memref_squeeze %dma_wait3A_219 : memref<1x2304xi32, #tpu.memory_space<hbm>> -> memref<2304xi32, #tpu.memory_space<hbm>>
        tpu.wait_dma2 semaphore(%arg17 : memref<!tpu.dma_semaphore, #tpu.memory_space<semaphore_mem>>) src(%dma_wait3A_220 : memref<2304xi32, #tpu.memory_space<hbm>>) dst(%arg8 : memref<2304xi32, #tpu.memory_space<vmem>>)
      } else {
      }
      %eq3A_171 = arith.constant 2 : i32
      %eq3A_172 = arith.cmpi eq, %rem3A_158, %eq3A_171 : i32
      %convert_element_type3A_173 = arith.extui %eq3A_172 : i1 to i32
      %cond3A_174 = arith.constant 0 : i32
      %cond3A_175 = arith.cmpi ne, %convert_element_type3A_173, %cond3A_174 : i32
      scf.if %cond3A_175 {
        %dma_wait3A = arith.constant 0 : i32
        %dma_wait3A_215 = arith.constant 0 : i32
        %dma_wait3A_216 = tpu.memref_slice %arg2[%dma_wait3A, %dma_wait3A_215] : memref<6250x2304xi32, #tpu.memory_space<hbm>> -> memref<1x2304xi32, #tpu.memory_space<hbm>>
        %dma_wait3A_217 = tpu.memref_squeeze %dma_wait3A_216 : memref<1x2304xi32, #tpu.memory_space<hbm>> -> memref<2304xi32, #tpu.memory_space<hbm>>
        %dma_wait3A_218 = arith.constant 0 : i32
        %dma_wait3A_219 = tpu.memref_slice %arg2[%dma_wait3A, %dma_wait3A_218] : memref<6250x2304xi32, #tpu.memory_space<hbm>> -> memref<1x2304xi32, #tpu.memory_space<hbm>>
        %dma_wait3A_220 = tpu.memref_squeeze %dma_wait3A_219 : memref<1x2304xi32, #tpu.memory_space<hbm>> -> memref<2304xi32, #tpu.memory_space<hbm>>
        tpu.wait_dma2 semaphore(%arg18 : memref<!tpu.dma_semaphore, #tpu.memory_space<semaphore_mem>>) src(%dma_wait3A_220 : memref<2304xi32, #tpu.memory_space<hbm>>) dst(%arg9 : memref<2304xi32, #tpu.memory_space<vmem>>)
      } else {
      }
      %ge3A = arith.constant 2 : i32
      %ge3A_176 = arith.cmpi sge, %add3A_154, %ge3A : i32
      %convert_element_type3A_177 = arith.extui %ge3A_176 : i1 to i32
      %cond3A_178 = arith.constant 0 : i32
      %cond3A_179 = arith.cmpi ne, %convert_element_type3A_177, %cond3A_178 : i32
      scf.if %cond3A_179 {
        %eq3A_215 = arith.constant 0 : i32
        %eq3A_216 = arith.cmpi eq, %rem3A_156, %eq3A_215 : i32
        %convert_element_type3A_217 = arith.extui %eq3A_216 : i1 to i32
        %cond3A_218 = arith.constant 0 : i32
        %cond3A_219 = arith.cmpi ne, %convert_element_type3A_217, %cond3A_218 : i32
        scf.if %cond3A_219 {
          %dma_wait3A = arith.constant 0 : i32
          %dma_wait3A_225 = arith.constant 0 : i32
          %dma_wait3A_226 = tpu.memref_slice %arg6[%dma_wait3A, %dma_wait3A_225] : memref<25088x64xf32, #tpu.memory_space<vmem_shared>> -> memref<25088x64xf32, #tpu.memory_space<vmem_shared>>
          tpu.wait_indirect_dma semaphore(%arg21 : memref<!tpu.dma_semaphore, #tpu.memory_space<semaphore_mem>>) src(%arg14 : memref<128x64xf32, #tpu.memory_space<vmem>>) dst(%dma_wait3A_226 : memref<25088x64xf32, #tpu.memory_space<vmem_shared>>)
        } else {
        }
        %eq3A_220 = arith.constant 1 : i32
        %eq3A_221 = arith.cmpi eq, %rem3A_156, %eq3A_220 : i32
        %convert_element_type3A_222 = arith.extui %eq3A_221 : i1 to i32
        %cond3A_223 = arith.constant 0 : i32
        %cond3A_224 = arith.cmpi ne, %convert_element_type3A_222, %cond3A_223 : i32
        scf.if %cond3A_224 {
          %dma_wait3A = arith.constant 0 : i32
          %dma_wait3A_225 = arith.constant 0 : i32
          %dma_wait3A_226 = tpu.memref_slice %arg6[%dma_wait3A, %dma_wait3A_225] : memref<25088x64xf32, #tpu.memory_space<vmem_shared>> -> memref<25088x64xf32, #tpu.memory_space<vmem_shared>>
          tpu.wait_indirect_dma semaphore(%arg22 : memref<!tpu.dma_semaphore, #tpu.memory_space<semaphore_mem>>) src(%arg15 : memref<128x64xf32, #tpu.memory_space<vmem>>) dst(%dma_wait3A_226 : memref<25088x64xf32, #tpu.memory_space<vmem_shared>>)
        } else {
        }
      } else {
      }
      %eq3A_180 = arith.constant 0 : i32
      %eq3A_181 = arith.cmpi eq, %rem3A_158, %eq3A_180 : i32
      %convert_element_type3A_182 = arith.extui %eq3A_181 : i1 to i32
      %cond3A_183 = arith.constant 0 : i32
      %cond3A_184 = arith.cmpi ne, %convert_element_type3A_182, %cond3A_183 : i32
      scf.if %cond3A_184 {
        %eq3A_215 = arith.constant 0 : i32
        %eq3A_216 = arith.cmpi eq, %rem3A_156, %eq3A_215 : i32
        %convert_element_type3A_217 = arith.extui %eq3A_216 : i1 to i32
        %cond3A_218 = arith.constant 0 : i32
        %cond3A_219 = arith.cmpi ne, %convert_element_type3A_217, %cond3A_218 : i32
        scf.if %cond3A_219 {
          %scan3A = arith.constant 0 : i32
          %scan3A_225 = arith.constant 8 : i32
          %scan3A_226 = arith.addi %scan3A, %scan3A_225 : i32
          %scan3A_227 = arith.constant 1 : i32
          scf.for %scan3A_229 = %scan3A to %scan3A_226 step %scan3A_227  : i32 {
            %mul3A_230 = arith.constant 1 : i32
            %mul3A_231 = arith.muli %scan3A_229, %mul3A_230 : i32
            %add3A_232 = arith.constant 0 : i32
            %add3A_233 = arith.addi %add3A_232, %mul3A_231 : i32
            %mul3A_234 = arith.constant 16 : i32
            %mul3A_235 = arith.muli %add3A_233, %mul3A_234 : i32
            %get3A = arith.index_cast %mul3A_235 : i32 to index
            %get3A_236 = tpu.vector_load %arg7[%get3A] {strides = array<i32>} : memref<2304xi32, #tpu.memory_space<vmem>>, vector<16xi32>,
            %get3A_237 = vector.shape_cast %get3A_236 : vector<16xi32> to vector<16xi32>
            %mul3A_238 = arith.constant 16 : i32
            %mul3A_239 = arith.muli %add3A_233, %mul3A_238 : i32
            %swap3A = arith.index_cast %mul3A_239 : i32 to index
            %swap3A_240 = tpu.vector_load %arg10[%swap3A] {strides = array<i32>} : memref<128xi32, #tpu.memory_space<vmem>>, vector<16xi32>,
            %swap3A_241 = vector.shape_cast %swap3A_240 : vector<16xi32> to vector<16xi32>
            %swap3A_242 = vector.shape_cast %get3A_237 : vector<16xi32> to vector<16xi32>
            tpu.vector_store %arg10[%swap3A], %swap3A_242 {strides = array<i32>} : memref<128xi32, #tpu.memory_space<vmem>>, vector<16xi32>,
            %mul3A_243 = arith.constant 16 : i32
            %mul3A_244 = arith.muli %add3A_233, %mul3A_243 : i32
            %add3A_245 = arith.constant 128 : i32
            %add3A_246 = arith.addi %add3A_245, %mul3A_244 : i32
            %get3A_247 = arith.index_cast %add3A_246 : i32 to index
            %get3A_248 = tpu.vector_load %arg7[%get3A_247] {strides = array<i32>} : memref<2304xi32, #tpu.memory_space<vmem>>, vector<16xi32>,
            %get3A_249 = vector.shape_cast %get3A_248 : vector<16xi32> to vector<16xi32>
            %sub3A_250 = vector.broadcast %mul3A_0 : i32 to vector<16xi32>
            %sub3A_251 = arith.subi %get3A_249, %sub3A_250 : vector<16xi32>
            %ge3A_252 = arith.constant 0 : i32
            %ge3A_253 = vector.broadcast %ge3A_252 : i32 to vector<16xi32>
            %ge3A_254 = arith.cmpi sge, %sub3A_251, %ge3A_253 : vector<16xi32>
            %lt3A_255 = arith.constant 25000 : i32
            %lt3A_256 = vector.broadcast %lt3A_255 : i32 to vector<16xi32>
            %lt3A_257 = arith.cmpi slt, %sub3A_251, %lt3A_256 : vector<16xi32>
            %and3A_258 = arith.andi %ge3A_254, %lt3A_257 : vector<16xi1>
            %jit3A_259 = arith.constant 25000 : i32
            %broadcast_in_dim3A = vector.broadcast %jit3A_259 : i32 to vector<16xi32>
            %select_n3A_260 = arith.select %and3A_258, %sub3A_251, %broadcast_in_dim3A : vector<16xi1>, vector<16xi32>
            %mul3A_261 = arith.constant 16 : i32
            %mul3A_262 = arith.muli %add3A_233, %mul3A_261 : i32
            %swap3A_263 = arith.index_cast %mul3A_262 : i32 to index
            %swap3A_264 = tpu.vector_load %arg12[%swap3A_263] {strides = array<i32>} : memref<128xi32, #tpu.memory_space<vmem>>, vector<16xi32>,
            %swap3A_265 = vector.shape_cast %swap3A_264 : vector<16xi32> to vector<16xi32>
            %swap3A_266 = vector.shape_cast %select_n3A_260 : vector<16xi32> to vector<16xi32>
            tpu.vector_store %arg12[%swap3A_263], %swap3A_266 {strides = array<i32>} : memref<128xi32, #tpu.memory_space<vmem>>, vector<16xi32>,
          }
          %scan3A_228 = arith.constant 8 : i32
        } else {
        }
        %eq3A_220 = arith.constant 1 : i32
        %eq3A_221 = arith.cmpi eq, %rem3A_156, %eq3A_220 : i32
        %convert_element_type3A_222 = arith.extui %eq3A_221 : i1 to i32
        %cond3A_223 = arith.constant 0 : i32
        %cond3A_224 = arith.cmpi ne, %convert_element_type3A_222, %cond3A_223 : i32
        scf.if %cond3A_224 {
          %scan3A = arith.constant 0 : i32
          %scan3A_225 = arith.constant 8 : i32
          %scan3A_226 = arith.addi %scan3A, %scan3A_225 : i32
          %scan3A_227 = arith.constant 1 : i32
          scf.for %scan3A_229 = %scan3A to %scan3A_226 step %scan3A_227  : i32 {
            %mul3A_230 = arith.constant 1 : i32
            %mul3A_231 = arith.muli %scan3A_229, %mul3A_230 : i32
            %add3A_232 = arith.constant 0 : i32
            %add3A_233 = arith.addi %add3A_232, %mul3A_231 : i32
            %mul3A_234 = arith.constant 16 : i32
            %mul3A_235 = arith.muli %add3A_233, %mul3A_234 : i32
            %get3A = arith.index_cast %mul3A_235 : i32 to index
            %get3A_236 = tpu.vector_load %arg7[%get3A] {strides = array<i32>} : memref<2304xi32, #tpu.memory_space<vmem>>, vector<16xi32>,
            %get3A_237 = vector.shape_cast %get3A_236 : vector<16xi32> to vector<16xi32>
            %mul3A_238 = arith.constant 16 : i32
            %mul3A_239 = arith.muli %add3A_233, %mul3A_238 : i32
            %swap3A = arith.index_cast %mul3A_239 : i32 to index
            %swap3A_240 = tpu.vector_load %arg11[%swap3A] {strides = array<i32>} : memref<128xi32, #tpu.memory_space<vmem>>, vector<16xi32>,
            %swap3A_241 = vector.shape_cast %swap3A_240 : vector<16xi32> to vector<16xi32>
            %swap3A_242 = vector.shape_cast %get3A_237 : vector<16xi32> to vector<16xi32>
            tpu.vector_store %arg11[%swap3A], %swap3A_242 {strides = array<i32>} : memref<128xi32, #tpu.memory_space<vmem>>, vector<16xi32>,
            %mul3A_243 = arith.constant 16 : i32
            %mul3A_244 = arith.muli %add3A_233, %mul3A_243 : i32
            %add3A_245 = arith.constant 128 : i32
            %add3A_246 = arith.addi %add3A_245, %mul3A_244 : i32
            %get3A_247 = arith.index_cast %add3A_246 : i32 to index
            %get3A_248 = tpu.vector_load %arg7[%get3A_247] {strides = array<i32>} : memref<2304xi32, #tpu.memory_space<vmem>>, vector<16xi32>,
            %get3A_249 = vector.shape_cast %get3A_248 : vector<16xi32> to vector<16xi32>
            %sub3A_250 = vector.broadcast %mul3A_0 : i32 to vector<16xi32>
            %sub3A_251 = arith.subi %get3A_249, %sub3A_250 : vector<16xi32>
            %ge3A_252 = arith.constant 0 : i32
            %ge3A_253 = vector.broadcast %ge3A_252 : i32 to vector<16xi32>
            %ge3A_254 = arith.cmpi sge, %sub3A_251, %ge3A_253 : vector<16xi32>
            %lt3A_255 = arith.constant 25000 : i32
            %lt3A_256 = vector.broadcast %lt3A_255 : i32 to vector<16xi32>
            %lt3A_257 = arith.cmpi slt, %sub3A_251, %lt3A_256 : vector<16xi32>
            %and3A_258 = arith.andi %ge3A_254, %lt3A_257 : vector<16xi1>
            %jit3A_259 = arith.constant 25000 : i32
            %broadcast_in_dim3A = vector.broadcast %jit3A_259 : i32 to vector<16xi32>
            %select_n3A_260 = arith.select %and3A_258, %sub3A_251, %broadcast_in_dim3A : vector<16xi1>, vector<16xi32>
            %mul3A_261 = arith.constant 16 : i32
            %mul3A_262 = arith.muli %add3A_233, %mul3A_261 : i32
            %swap3A_263 = arith.index_cast %mul3A_262 : i32 to index
            %swap3A_264 = tpu.vector_load %arg13[%swap3A_263] {strides = array<i32>} : memref<128xi32, #tpu.memory_space<vmem>>, vector<16xi32>,
            %swap3A_265 = vector.shape_cast %swap3A_264 : vector<16xi32> to vector<16xi32>
            %swap3A_266 = vector.shape_cast %select_n3A_260 : vector<16xi32> to vector<16xi32>
            tpu.vector_store %arg13[%swap3A_263], %swap3A_266 {strides = array<i32>} : memref<128xi32, #tpu.memory_space<vmem>>, vector<16xi32>,
          }
          %scan3A_228 = arith.constant 8 : i32
        } else {
        }
      } else {
      }
      %eq3A_185 = arith.constant 1 : i32
      %eq3A_186 = arith.cmpi eq, %rem3A_158, %eq3A_185 : i32
      %convert_element_type3A_187 = arith.extui %eq3A_186 : i1 to i32
      %cond3A_188 = arith.constant 0 : i32
      %cond3A_189 = arith.cmpi ne, %convert_element_type3A_187, %cond3A_188 : i32
      scf.if %cond3A_189 {
        %eq3A_215 = arith.constant 0 : i32
        %eq3A_216 = arith.cmpi eq, %rem3A_156, %eq3A_215 : i32
        %convert_element_type3A_217 = arith.extui %eq3A_216 : i1 to i32
        %cond3A_218 = arith.constant 0 : i32
        %cond3A_219 = arith.cmpi ne, %convert_element_type3A_217, %cond3A_218 : i32
        scf.if %cond3A_219 {
          %scan3A = arith.constant 0 : i32
          %scan3A_225 = arith.constant 8 : i32
          %scan3A_226 = arith.addi %scan3A, %scan3A_225 : i32
          %scan3A_227 = arith.constant 1 : i32
          scf.for %scan3A_229 = %scan3A to %scan3A_226 step %scan3A_227  : i32 {
            %mul3A_230 = arith.constant 1 : i32
            %mul3A_231 = arith.muli %scan3A_229, %mul3A_230 : i32
            %add3A_232 = arith.constant 0 : i32
            %add3A_233 = arith.addi %add3A_232, %mul3A_231 : i32
            %mul3A_234 = arith.constant 16 : i32
            %mul3A_235 = arith.muli %add3A_233, %mul3A_234 : i32
            %get3A = arith.index_cast %mul3A_235 : i32 to index
            %get3A_236 = tpu.vector_load %arg8[%get3A] {strides = array<i32>} : memref<2304xi32, #tpu.memory_space<vmem>>, vector<16xi32>,
            %get3A_237 = vector.shape_cast %get3A_236 : vector<16xi32> to vector<16xi32>
            %mul3A_238 = arith.constant 16 : i32
            %mul3A_239 = arith.muli %add3A_233, %mul3A_238 : i32
            %swap3A = arith.index_cast %mul3A_239 : i32 to index
            %swap3A_240 = tpu.vector_load %arg10[%swap3A] {strides = array<i32>} : memref<128xi32, #tpu.memory_space<vmem>>, vector<16xi32>,
            %swap3A_241 = vector.shape_cast %swap3A_240 : vector<16xi32> to vector<16xi32>
            %swap3A_242 = vector.shape_cast %get3A_237 : vector<16xi32> to vector<16xi32>
            tpu.vector_store %arg10[%swap3A], %swap3A_242 {strides = array<i32>} : memref<128xi32, #tpu.memory_space<vmem>>, vector<16xi32>,
            %mul3A_243 = arith.constant 16 : i32
            %mul3A_244 = arith.muli %add3A_233, %mul3A_243 : i32
            %add3A_245 = arith.constant 128 : i32
            %add3A_246 = arith.addi %add3A_245, %mul3A_244 : i32
            %get3A_247 = arith.index_cast %add3A_246 : i32 to index
            %get3A_248 = tpu.vector_load %arg8[%get3A_247] {strides = array<i32>} : memref<2304xi32, #tpu.memory_space<vmem>>, vector<16xi32>,
            %get3A_249 = vector.shape_cast %get3A_248 : vector<16xi32> to vector<16xi32>
            %sub3A_250 = vector.broadcast %mul3A_0 : i32 to vector<16xi32>
            %sub3A_251 = arith.subi %get3A_249, %sub3A_250 : vector<16xi32>
            %ge3A_252 = arith.constant 0 : i32
            %ge3A_253 = vector.broadcast %ge3A_252 : i32 to vector<16xi32>
            %ge3A_254 = arith.cmpi sge, %sub3A_251, %ge3A_253 : vector<16xi32>
            %lt3A_255 = arith.constant 25000 : i32
            %lt3A_256 = vector.broadcast %lt3A_255 : i32 to vector<16xi32>
            %lt3A_257 = arith.cmpi slt, %sub3A_251, %lt3A_256 : vector<16xi32>
            %and3A_258 = arith.andi %ge3A_254, %lt3A_257 : vector<16xi1>
            %jit3A_259 = arith.constant 25000 : i32
            %broadcast_in_dim3A = vector.broadcast %jit3A_259 : i32 to vector<16xi32>
            %select_n3A_260 = arith.select %and3A_258, %sub3A_251, %broadcast_in_dim3A : vector<16xi1>, vector<16xi32>
            %mul3A_261 = arith.constant 16 : i32
            %mul3A_262 = arith.muli %add3A_233, %mul3A_261 : i32
            %swap3A_263 = arith.index_cast %mul3A_262 : i32 to index
            %swap3A_264 = tpu.vector_load %arg12[%swap3A_263] {strides = array<i32>} : memref<128xi32, #tpu.memory_space<vmem>>, vector<16xi32>,
            %swap3A_265 = vector.shape_cast %swap3A_264 : vector<16xi32> to vector<16xi32>
            %swap3A_266 = vector.shape_cast %select_n3A_260 : vector<16xi32> to vector<16xi32>
            tpu.vector_store %arg12[%swap3A_263], %swap3A_266 {strides = array<i32>} : memref<128xi32, #tpu.memory_space<vmem>>, vector<16xi32>,
          }
          %scan3A_228 = arith.constant 8 : i32
        } else {
        }
        %eq3A_220 = arith.constant 1 : i32
        %eq3A_221 = arith.cmpi eq, %rem3A_156, %eq3A_220 : i32
        %convert_element_type3A_222 = arith.extui %eq3A_221 : i1 to i32
        %cond3A_223 = arith.constant 0 : i32
        %cond3A_224 = arith.cmpi ne, %convert_element_type3A_222, %cond3A_223 : i32
        scf.if %cond3A_224 {
          %scan3A = arith.constant 0 : i32
          %scan3A_225 = arith.constant 8 : i32
          %scan3A_226 = arith.addi %scan3A, %scan3A_225 : i32
          %scan3A_227 = arith.constant 1 : i32
          scf.for %scan3A_229 = %scan3A to %scan3A_226 step %scan3A_227  : i32 {
            %mul3A_230 = arith.constant 1 : i32
            %mul3A_231 = arith.muli %scan3A_229, %mul3A_230 : i32
            %add3A_232 = arith.constant 0 : i32
            %add3A_233 = arith.addi %add3A_232, %mul3A_231 : i32
            %mul3A_234 = arith.constant 16 : i32
            %mul3A_235 = arith.muli %add3A_233, %mul3A_234 : i32
            %get3A = arith.index_cast %mul3A_235 : i32 to index
            %get3A_236 = tpu.vector_load %arg8[%get3A] {strides = array<i32>} : memref<2304xi32, #tpu.memory_space<vmem>>, vector<16xi32>,
            %get3A_237 = vector.shape_cast %get3A_236 : vector<16xi32> to vector<16xi32>
            %mul3A_238 = arith.constant 16 : i32
            %mul3A_239 = arith.muli %add3A_233, %mul3A_238 : i32
            %swap3A = arith.index_cast %mul3A_239 : i32 to index
            %swap3A_240 = tpu.vector_load %arg11[%swap3A] {strides = array<i32>} : memref<128xi32, #tpu.memory_space<vmem>>, vector<16xi32>,
            %swap3A_241 = vector.shape_cast %swap3A_240 : vector<16xi32> to vector<16xi32>
            %swap3A_242 = vector.shape_cast %get3A_237 : vector<16xi32> to vector<16xi32>
            tpu.vector_store %arg11[%swap3A], %swap3A_242 {strides = array<i32>} : memref<128xi32, #tpu.memory_space<vmem>>, vector<16xi32>,
            %mul3A_243 = arith.constant 16 : i32
            %mul3A_244 = arith.muli %add3A_233, %mul3A_243 : i32
            %add3A_245 = arith.constant 128 : i32
            %add3A_246 = arith.addi %add3A_245, %mul3A_244 : i32
            %get3A_247 = arith.index_cast %add3A_246 : i32 to index
            %get3A_248 = tpu.vector_load %arg8[%get3A_247] {strides = array<i32>} : memref<2304xi32, #tpu.memory_space<vmem>>, vector<16xi32>,
            %get3A_249 = vector.shape_cast %get3A_248 : vector<16xi32> to vector<16xi32>
            %sub3A_250 = vector.broadcast %mul3A_0 : i32 to vector<16xi32>
            %sub3A_251 = arith.subi %get3A_249, %sub3A_250 : vector<16xi32>
            %ge3A_252 = arith.constant 0 : i32
            %ge3A_253 = vector.broadcast %ge3A_252 : i32 to vector<16xi32>
            %ge3A_254 = arith.cmpi sge, %sub3A_251, %ge3A_253 : vector<16xi32>
            %lt3A_255 = arith.constant 25000 : i32
            %lt3A_256 = vector.broadcast %lt3A_255 : i32 to vector<16xi32>
            %lt3A_257 = arith.cmpi slt, %sub3A_251, %lt3A_256 : vector<16xi32>
            %and3A_258 = arith.andi %ge3A_254, %lt3A_257 : vector<16xi1>
            %jit3A_259 = arith.constant 25000 : i32
            %broadcast_in_dim3A = vector.broadcast %jit3A_259 : i32 to vector<16xi32>
            %select_n3A_260 = arith.select %and3A_258, %sub3A_251, %broadcast_in_dim3A : vector<16xi1>, vector<16xi32>
            %mul3A_261 = arith.constant 16 : i32
            %mul3A_262 = arith.muli %add3A_233, %mul3A_261 : i32
            %swap3A_263 = arith.index_cast %mul3A_262 : i32 to index
            %swap3A_264 = tpu.vector_load %arg13[%swap3A_263] {strides = array<i32>} : memref<128xi32, #tpu.memory_space<vmem>>, vector<16xi32>,
            %swap3A_265 = vector.shape_cast %swap3A_264 : vector<16xi32> to vector<16xi32>
            %swap3A_266 = vector.shape_cast %select_n3A_260 : vector<16xi32> to vector<16xi32>
            tpu.vector_store %arg13[%swap3A_263], %swap3A_266 {strides = array<i32>} : memref<128xi32, #tpu.memory_space<vmem>>, vector<16xi32>,
          }
          %scan3A_228 = arith.constant 8 : i32
        } else {
        }
      } else {
      }
      %eq3A_190 = arith.constant 2 : i32
      %eq3A_191 = arith.cmpi eq, %rem3A_158, %eq3A_190 : i32
      %convert_element_type3A_192 = arith.extui %eq3A_191 : i1 to i32
      %cond3A_193 = arith.constant 0 : i32
      %cond3A_194 = arith.cmpi ne, %convert_element_type3A_192, %cond3A_193 : i32
      scf.if %cond3A_194 {
        %eq3A_215 = arith.constant 0 : i32
        %eq3A_216 = arith.cmpi eq, %rem3A_156, %eq3A_215 : i32
        %convert_element_type3A_217 = arith.extui %eq3A_216 : i1 to i32
        %cond3A_218 = arith.constant 0 : i32
        %cond3A_219 = arith.cmpi ne, %convert_element_type3A_217, %cond3A_218 : i32
        scf.if %cond3A_219 {
          %scan3A = arith.constant 0 : i32
          %scan3A_225 = arith.constant 8 : i32
          %scan3A_226 = arith.addi %scan3A, %scan3A_225 : i32
          %scan3A_227 = arith.constant 1 : i32
          scf.for %scan3A_229 = %scan3A to %scan3A_226 step %scan3A_227  : i32 {
            %mul3A_230 = arith.constant 1 : i32
            %mul3A_231 = arith.muli %scan3A_229, %mul3A_230 : i32
            %add3A_232 = arith.constant 0 : i32
            %add3A_233 = arith.addi %add3A_232, %mul3A_231 : i32
            %mul3A_234 = arith.constant 16 : i32
            %mul3A_235 = arith.muli %add3A_233, %mul3A_234 : i32
            %get3A = arith.index_cast %mul3A_235 : i32 to index
            %get3A_236 = tpu.vector_load %arg9[%get3A] {strides = array<i32>} : memref<2304xi32, #tpu.memory_space<vmem>>, vector<16xi32>,
            %get3A_237 = vector.shape_cast %get3A_236 : vector<16xi32> to vector<16xi32>
            %mul3A_238 = arith.constant 16 : i32
            %mul3A_239 = arith.muli %add3A_233, %mul3A_238 : i32
            %swap3A = arith.index_cast %mul3A_239 : i32 to index
            %swap3A_240 = tpu.vector_load %arg10[%swap3A] {strides = array<i32>} : memref<128xi32, #tpu.memory_space<vmem>>, vector<16xi32>,
            %swap3A_241 = vector.shape_cast %swap3A_240 : vector<16xi32> to vector<16xi32>
            %swap3A_242 = vector.shape_cast %get3A_237 : vector<16xi32> to vector<16xi32>
            tpu.vector_store %arg10[%swap3A], %swap3A_242 {strides = array<i32>} : memref<128xi32, #tpu.memory_space<vmem>>, vector<16xi32>,
            %mul3A_243 = arith.constant 16 : i32
            %mul3A_244 = arith.muli %add3A_233, %mul3A_243 : i32
            %add3A_245 = arith.constant 128 : i32
            %add3A_246 = arith.addi %add3A_245, %mul3A_244 : i32
            %get3A_247 = arith.index_cast %add3A_246 : i32 to index
            %get3A_248 = tpu.vector_load %arg9[%get3A_247] {strides = array<i32>} : memref<2304xi32, #tpu.memory_space<vmem>>, vector<16xi32>,
            %get3A_249 = vector.shape_cast %get3A_248 : vector<16xi32> to vector<16xi32>
            %sub3A_250 = vector.broadcast %mul3A_0 : i32 to vector<16xi32>
            %sub3A_251 = arith.subi %get3A_249, %sub3A_250 : vector<16xi32>
            %ge3A_252 = arith.constant 0 : i32
            %ge3A_253 = vector.broadcast %ge3A_252 : i32 to vector<16xi32>
            %ge3A_254 = arith.cmpi sge, %sub3A_251, %ge3A_253 : vector<16xi32>
            %lt3A_255 = arith.constant 25000 : i32
            %lt3A_256 = vector.broadcast %lt3A_255 : i32 to vector<16xi32>
            %lt3A_257 = arith.cmpi slt, %sub3A_251, %lt3A_256 : vector<16xi32>
            %and3A_258 = arith.andi %ge3A_254, %lt3A_257 : vector<16xi1>
            %jit3A_259 = arith.constant 25000 : i32
            %broadcast_in_dim3A = vector.broadcast %jit3A_259 : i32 to vector<16xi32>
            %select_n3A_260 = arith.select %and3A_258, %sub3A_251, %broadcast_in_dim3A : vector<16xi1>, vector<16xi32>
            %mul3A_261 = arith.constant 16 : i32
            %mul3A_262 = arith.muli %add3A_233, %mul3A_261 : i32
            %swap3A_263 = arith.index_cast %mul3A_262 : i32 to index
            %swap3A_264 = tpu.vector_load %arg12[%swap3A_263] {strides = array<i32>} : memref<128xi32, #tpu.memory_space<vmem>>, vector<16xi32>,
            %swap3A_265 = vector.shape_cast %swap3A_264 : vector<16xi32> to vector<16xi32>
            %swap3A_266 = vector.shape_cast %select_n3A_260 : vector<16xi32> to vector<16xi32>
            tpu.vector_store %arg12[%swap3A_263], %swap3A_266 {strides = array<i32>} : memref<128xi32, #tpu.memory_space<vmem>>, vector<16xi32>,
          }
          %scan3A_228 = arith.constant 8 : i32
        } else {
        }
        %eq3A_220 = arith.constant 1 : i32
        %eq3A_221 = arith.cmpi eq, %rem3A_156, %eq3A_220 : i32
        %convert_element_type3A_222 = arith.extui %eq3A_221 : i1 to i32
        %cond3A_223 = arith.constant 0 : i32
        %cond3A_224 = arith.cmpi ne, %convert_element_type3A_222, %cond3A_223 : i32
        scf.if %cond3A_224 {
          %scan3A = arith.constant 0 : i32
          %scan3A_225 = arith.constant 8 : i32
          %scan3A_226 = arith.addi %scan3A, %scan3A_225 : i32
          %scan3A_227 = arith.constant 1 : i32
          scf.for %scan3A_229 = %scan3A to %scan3A_226 step %scan3A_227  : i32 {
            %mul3A_230 = arith.constant 1 : i32
            %mul3A_231 = arith.muli %scan3A_229, %mul3A_230 : i32
            %add3A_232 = arith.constant 0 : i32
            %add3A_233 = arith.addi %add3A_232, %mul3A_231 : i32
            %mul3A_234 = arith.constant 16 : i32
            %mul3A_235 = arith.muli %add3A_233, %mul3A_234 : i32
            %get3A = arith.index_cast %mul3A_235 : i32 to index
            %get3A_236 = tpu.vector_load %arg9[%get3A] {strides = array<i32>} : memref<2304xi32, #tpu.memory_space<vmem>>, vector<16xi32>,
            %get3A_237 = vector.shape_cast %get3A_236 : vector<16xi32> to vector<16xi32>
            %mul3A_238 = arith.constant 16 : i32
            %mul3A_239 = arith.muli %add3A_233, %mul3A_238 : i32
            %swap3A = arith.index_cast %mul3A_239 : i32 to index
            %swap3A_240 = tpu.vector_load %arg11[%swap3A] {strides = array<i32>} : memref<128xi32, #tpu.memory_space<vmem>>, vector<16xi32>,
            %swap3A_241 = vector.shape_cast %swap3A_240 : vector<16xi32> to vector<16xi32>
            %swap3A_242 = vector.shape_cast %get3A_237 : vector<16xi32> to vector<16xi32>
            tpu.vector_store %arg11[%swap3A], %swap3A_242 {strides = array<i32>} : memref<128xi32, #tpu.memory_space<vmem>>, vector<16xi32>,
            %mul3A_243 = arith.constant 16 : i32
            %mul3A_244 = arith.muli %add3A_233, %mul3A_243 : i32
            %add3A_245 = arith.constant 128 : i32
            %add3A_246 = arith.addi %add3A_245, %mul3A_244 : i32
            %get3A_247 = arith.index_cast %add3A_246 : i32 to index
            %get3A_248 = tpu.vector_load %arg9[%get3A_247] {strides = array<i32>} : memref<2304xi32, #tpu.memory_space<vmem>>, vector<16xi32>,
            %get3A_249 = vector.shape_cast %get3A_248 : vector<16xi32> to vector<16xi32>
            %sub3A_250 = vector.broadcast %mul3A_0 : i32 to vector<16xi32>
            %sub3A_251 = arith.subi %get3A_249, %sub3A_250 : vector<16xi32>
            %ge3A_252 = arith.constant 0 : i32
            %ge3A_253 = vector.broadcast %ge3A_252 : i32 to vector<16xi32>
            %ge3A_254 = arith.cmpi sge, %sub3A_251, %ge3A_253 : vector<16xi32>
            %lt3A_255 = arith.constant 25000 : i32
            %lt3A_256 = vector.broadcast %lt3A_255 : i32 to vector<16xi32>
            %lt3A_257 = arith.cmpi slt, %sub3A_251, %lt3A_256 : vector<16xi32>
            %and3A_258 = arith.andi %ge3A_254, %lt3A_257 : vector<16xi1>
            %jit3A_259 = arith.constant 25000 : i32
            %broadcast_in_dim3A = vector.broadcast %jit3A_259 : i32 to vector<16xi32>
            %select_n3A_260 = arith.select %and3A_258, %sub3A_251, %broadcast_in_dim3A : vector<16xi1>, vector<16xi32>
            %mul3A_261 = arith.constant 16 : i32
            %mul3A_262 = arith.muli %add3A_233, %mul3A_261 : i32
            %swap3A_263 = arith.index_cast %mul3A_262 : i32 to index
            %swap3A_264 = tpu.vector_load %arg13[%swap3A_263] {strides = array<i32>} : memref<128xi32, #tpu.memory_space<vmem>>, vector<16xi32>,
            %swap3A_265 = vector.shape_cast %swap3A_264 : vector<16xi32> to vector<16xi32>
            %swap3A_266 = vector.shape_cast %select_n3A_260 : vector<16xi32> to vector<16xi32>
            tpu.vector_store %arg13[%swap3A_263], %swap3A_266 {strides = array<i32>} : memref<128xi32, #tpu.memory_space<vmem>>, vector<16xi32>,
          }
          %scan3A_228 = arith.constant 8 : i32
        } else {
        }
      } else {
      }
      %eq3A_195 = arith.constant 0 : i32
      %eq3A_196 = arith.cmpi eq, %rem3A_156, %eq3A_195 : i32
      %convert_element_type3A_197 = arith.extui %eq3A_196 : i1 to i32
      %cond3A_198 = arith.constant 0 : i32
      %cond3A_199 = arith.cmpi ne, %convert_element_type3A_197, %cond3A_198 : i32
      scf.if %cond3A_199 {
        %dma_start3A_215 = arith.constant 0 : i32
        %dma_start3A_216 = arith.constant 0 : i32
        %dma_start3A_217 = tpu.memref_slice %arg3[%dma_start3A_215, %dma_start3A_216] : memref<50000x64xf32, #tpu.memory_space<hbm>> -> memref<50000x64xf32, #tpu.memory_space<hbm>>
        tpu.enqueue_indirect_dma source(%dma_start3A_217 : memref<50000x64xf32, #tpu.memory_space<hbm>>) target(%arg14 : memref<128x64xf32, #tpu.memory_space<vmem>>) offsets(%arg10 : memref<128xi32, #tpu.memory_space<vmem>>) semaphore(%arg19 : memref<!tpu.dma_semaphore, #tpu.memory_space<semaphore_mem>>)
      } else {
      }
      %eq3A_200 = arith.constant 1 : i32
      %eq3A_201 = arith.cmpi eq, %rem3A_156, %eq3A_200 : i32
      %convert_element_type3A_202 = arith.extui %eq3A_201 : i1 to i32
      %cond3A_203 = arith.constant 0 : i32
      %cond3A_204 = arith.cmpi ne, %convert_element_type3A_202, %cond3A_203 : i32
      scf.if %cond3A_204 {
        %dma_start3A_215 = arith.constant 0 : i32
        %dma_start3A_216 = arith.constant 0 : i32
        %dma_start3A_217 = tpu.memref_slice %arg3[%dma_start3A_215, %dma_start3A_216] : memref<50000x64xf32, #tpu.memory_space<hbm>> -> memref<50000x64xf32, #tpu.memory_space<hbm>>
        tpu.enqueue_indirect_dma source(%dma_start3A_217 : memref<50000x64xf32, #tpu.memory_space<hbm>>) target(%arg15 : memref<128x64xf32, #tpu.memory_space<vmem>>) offsets(%arg11 : memref<128xi32, #tpu.memory_space<vmem>>) semaphore(%arg20 : memref<!tpu.dma_semaphore, #tpu.memory_space<semaphore_mem>>)
      } else {
      }
      %ge3A_205 = arith.constant 1 : i32
      %ge3A_206 = arith.cmpi sge, %add3A_154, %ge3A_205 : i32
      %convert_element_type3A_207 = arith.extui %ge3A_206 : i1 to i32
      %cond3A_208 = arith.constant 0 : i32
      %cond3A_209 = arith.cmpi ne, %convert_element_type3A_207, %cond3A_208 : i32
      scf.if %cond3A_209 {
        %add3A_215 = arith.constant 2 : i32
        %add3A_216 = arith.addi %add3A_154, %add3A_215 : i32
        %rem3A_217 = arith.constant 3 : i32
        %rem3A_218 = arith.remsi %add3A_216, %rem3A_217 : i32
        %eq3A_219 = arith.constant 0 : i32
        %eq3A_220 = arith.cmpi eq, %sub3A_160, %eq3A_219 : i32
        %convert_element_type3A_221 = arith.extui %eq3A_220 : i1 to i32
        %cond3A_222 = arith.constant 0 : i32
        %cond3A_223 = arith.cmpi ne, %convert_element_type3A_221, %cond3A_222 : i32
        scf.if %cond3A_223 {
          %dma_wait3A = arith.constant 0 : i32
          %dma_wait3A_254 = arith.constant 0 : i32
          %dma_wait3A_255 = tpu.memref_slice %arg3[%dma_wait3A, %dma_wait3A_254] : memref<50000x64xf32, #tpu.memory_space<hbm>> -> memref<50000x64xf32, #tpu.memory_space<hbm>>
          tpu.wait_indirect_dma semaphore(%arg19 : memref<!tpu.dma_semaphore, #tpu.memory_space<semaphore_mem>>) src(%dma_wait3A_255 : memref<50000x64xf32, #tpu.memory_space<hbm>>) dst(%arg14 : memref<128x64xf32, #tpu.memory_space<vmem>>)
        } else {
        }
        %eq3A_224 = arith.constant 1 : i32
        %eq3A_225 = arith.cmpi eq, %sub3A_160, %eq3A_224 : i32
        %convert_element_type3A_226 = arith.extui %eq3A_225 : i1 to i32
        %cond3A_227 = arith.constant 0 : i32
        %cond3A_228 = arith.cmpi ne, %convert_element_type3A_226, %cond3A_227 : i32
        scf.if %cond3A_228 {
          %dma_wait3A = arith.constant 0 : i32
          %dma_wait3A_254 = arith.constant 0 : i32
          %dma_wait3A_255 = tpu.memref_slice %arg3[%dma_wait3A, %dma_wait3A_254] : memref<50000x64xf32, #tpu.memory_space<hbm>> -> memref<50000x64xf32, #tpu.memory_space<hbm>>
          tpu.wait_indirect_dma semaphore(%arg20 : memref<!tpu.dma_semaphore, #tpu.memory_space<semaphore_mem>>) src(%dma_wait3A_255 : memref<50000x64xf32, #tpu.memory_space<hbm>>) dst(%arg15 : memref<128x64xf32, #tpu.memory_space<vmem>>)
        } else {
        }
        %eq3A_229 = arith.constant 0 : i32
        %eq3A_230 = arith.cmpi eq, %rem3A_218, %eq3A_229 : i32
        %convert_element_type3A_231 = arith.extui %eq3A_230 : i1 to i32
        %cond3A_232 = arith.constant 0 : i32
        %cond3A_233 = arith.cmpi ne, %convert_element_type3A_231, %cond3A_232 : i32
        scf.if %cond3A_233 {
          %eq3A_254 = arith.constant 0 : i32
          %eq3A_255 = arith.cmpi eq, %sub3A_160, %eq3A_254 : i32
          %convert_element_type3A_256 = arith.extui %eq3A_255 : i1 to i32
          %cond3A_257 = arith.constant 0 : i32
          %cond3A_258 = arith.cmpi ne, %convert_element_type3A_256, %cond3A_257 : i32
          scf.if %cond3A_258 {
          } else {
          }
          %eq3A_259 = arith.constant 1 : i32
          %eq3A_260 = arith.cmpi eq, %sub3A_160, %eq3A_259 : i32
          %convert_element_type3A_261 = arith.extui %eq3A_260 : i1 to i32
          %cond3A_262 = arith.constant 0 : i32
          %cond3A_263 = arith.cmpi ne, %convert_element_type3A_261, %cond3A_262 : i32
          scf.if %cond3A_263 {
          } else {
          }
        } else {
        }
        %eq3A_234 = arith.constant 1 : i32
        %eq3A_235 = arith.cmpi eq, %rem3A_218, %eq3A_234 : i32
        %convert_element_type3A_236 = arith.extui %eq3A_235 : i1 to i32
        %cond3A_237 = arith.constant 0 : i32
        %cond3A_238 = arith.cmpi ne, %convert_element_type3A_236, %cond3A_237 : i32
        scf.if %cond3A_238 {
          %eq3A_254 = arith.constant 0 : i32
          %eq3A_255 = arith.cmpi eq, %sub3A_160, %eq3A_254 : i32
          %convert_element_type3A_256 = arith.extui %eq3A_255 : i1 to i32
          %cond3A_257 = arith.constant 0 : i32
          %cond3A_258 = arith.cmpi ne, %convert_element_type3A_256, %cond3A_257 : i32
          scf.if %cond3A_258 {
          } else {
          }
          %eq3A_259 = arith.constant 1 : i32
          %eq3A_260 = arith.cmpi eq, %sub3A_160, %eq3A_259 : i32
          %convert_element_type3A_261 = arith.extui %eq3A_260 : i1 to i32
          %cond3A_262 = arith.constant 0 : i32
          %cond3A_263 = arith.cmpi ne, %convert_element_type3A_261, %cond3A_262 : i32
          scf.if %cond3A_263 {
          } else {
          }
        } else {
        }
        %eq3A_239 = arith.constant 2 : i32
        %eq3A_240 = arith.cmpi eq, %rem3A_218, %eq3A_239 : i32
        %convert_element_type3A_241 = arith.extui %eq3A_240 : i1 to i32
        %cond3A_242 = arith.constant 0 : i32
        %cond3A_243 = arith.cmpi ne, %convert_element_type3A_241, %cond3A_242 : i32
        scf.if %cond3A_243 {
          %eq3A_254 = arith.constant 0 : i32
          %eq3A_255 = arith.cmpi eq, %sub3A_160, %eq3A_254 : i32
          %convert_element_type3A_256 = arith.extui %eq3A_255 : i1 to i32
          %cond3A_257 = arith.constant 0 : i32
          %cond3A_258 = arith.cmpi ne, %convert_element_type3A_256, %cond3A_257 : i32
          scf.if %cond3A_258 {
          } else {
          }
          %eq3A_259 = arith.constant 1 : i32
          %eq3A_260 = arith.cmpi eq, %sub3A_160, %eq3A_259 : i32
          %convert_element_type3A_261 = arith.extui %eq3A_260 : i1 to i32
          %cond3A_262 = arith.constant 0 : i32
          %cond3A_263 = arith.cmpi ne, %convert_element_type3A_261, %cond3A_262 : i32
          scf.if %cond3A_263 {
          } else {
          }
        } else {
        }
        %eq3A_244 = arith.constant 0 : i32
        %eq3A_245 = arith.cmpi eq, %sub3A_160, %eq3A_244 : i32
        %convert_element_type3A_246 = arith.extui %eq3A_245 : i1 to i32
        %cond3A_247 = arith.constant 0 : i32
        %cond3A_248 = arith.cmpi ne, %convert_element_type3A_246, %cond3A_247 : i32
        scf.if %cond3A_248 {
          %dma_start3A_254 = arith.constant 0 : i32
          %dma_start3A_255 = arith.constant 0 : i32
          %dma_start3A_256 = tpu.memref_slice %arg6[%dma_start3A_254, %dma_start3A_255] : memref<25088x64xf32, #tpu.memory_space<vmem_shared>> -> memref<25088x64xf32, #tpu.memory_space<vmem_shared>>
          tpu.enqueue_indirect_dma source(%arg14 : memref<128x64xf32, #tpu.memory_space<vmem>>) target(%dma_start3A_256 : memref<25088x64xf32, #tpu.memory_space<vmem_shared>>) offsets(%arg12 : memref<128xi32, #tpu.memory_space<vmem>>) semaphore(%arg21 : memref<!tpu.dma_semaphore, #tpu.memory_space<semaphore_mem>>) {add = true}
        } else {
        }
        %eq3A_249 = arith.constant 1 : i32
        %eq3A_250 = arith.cmpi eq, %sub3A_160, %eq3A_249 : i32
        %convert_element_type3A_251 = arith.extui %eq3A_250 : i1 to i32
        %cond3A_252 = arith.constant 0 : i32
        %cond3A_253 = arith.cmpi ne, %convert_element_type3A_251, %cond3A_252 : i32
        scf.if %cond3A_253 {
          %dma_start3A_254 = arith.constant 0 : i32
          %dma_start3A_255 = arith.constant 0 : i32
          %dma_start3A_256 = tpu.memref_slice %arg6[%dma_start3A_254, %dma_start3A_255] : memref<25088x64xf32, #tpu.memory_space<vmem_shared>> -> memref<25088x64xf32, #tpu.memory_space<vmem_shared>>
          tpu.enqueue_indirect_dma source(%arg15 : memref<128x64xf32, #tpu.memory_space<vmem>>) target(%dma_start3A_256 : memref<25088x64xf32, #tpu.memory_space<vmem_shared>>) offsets(%arg13 : memref<128xi32, #tpu.memory_space<vmem>>) semaphore(%arg22 : memref<!tpu.dma_semaphore, #tpu.memory_space<semaphore_mem>>) {add = true}
        } else {
        }
      } else {
      }
      %add3A_210 = arith.constant 2 : i32
      %add3A_211 = arith.addi %add3A_154, %add3A_210 : i32
      %lt3A = arith.cmpi slt, %add3A_211, %select_n3A : i32
      %convert_element_type3A_212 = arith.extui %lt3A : i1 to i32
      %cond3A_213 = arith.constant 0 : i32
      %cond3A_214 = arith.cmpi ne, %convert_element_type3A_212, %cond3A_213 : i32
      scf.if %cond3A_214 {
        %add3A_215 = arith.constant 2 : i32
        %add3A_216 = arith.addi %add3A_154, %add3A_215 : i32
        %rem3A_217 = arith.constant 3 : i32
        %rem3A_218 = arith.remsi %add3A_216, %rem3A_217 : i32
        %eq3A_219 = arith.constant 0 : i32
        %eq3A_220 = arith.cmpi eq, %rem3A_218, %eq3A_219 : i32
        %convert_element_type3A_221 = arith.extui %eq3A_220 : i1 to i32
        %cond3A_222 = arith.constant 0 : i32
        %cond3A_223 = arith.cmpi ne, %convert_element_type3A_221, %cond3A_222 : i32
        scf.if %cond3A_223 {
          %add3A_234 = arith.constant 2 : i32
          %add3A_235 = arith.addi %add3A_154, %add3A_234 : i32
          %mul3A_236 = arith.constant 16 : i32
          %mul3A_237 = arith.muli %add3A_235, %mul3A_236 : i32
          %add3A_238 = arith.addi %arg1, %mul3A_237 : i32
          %dma_start3A_239 = arith.constant 0 : i32
          %dma_start3A_240 = tpu.memref_slice %arg2[%add3A_238, %dma_start3A_239] : memref<6250x2304xi32, #tpu.memory_space<hbm>> -> memref<1x2304xi32, #tpu.memory_space<hbm>>
          %dma_start3A_241 = tpu.memref_squeeze %dma_start3A_240 : memref<1x2304xi32, #tpu.memory_space<hbm>> -> memref<2304xi32, #tpu.memory_space<hbm>>
          %dma_start3A_242 = arith.constant 0 : i32
          %dma_start3A_243 = tpu.memref_slice %arg2[%add3A_238, %dma_start3A_242] : memref<6250x2304xi32, #tpu.memory_space<hbm>> -> memref<1x2304xi32, #tpu.memory_space<hbm>>
          %dma_start3A_244 = tpu.memref_squeeze %dma_start3A_243 : memref<1x2304xi32, #tpu.memory_space<hbm>> -> memref<2304xi32, #tpu.memory_space<hbm>>
          tpu.enqueue_dma source(%dma_start3A_244 : memref<2304xi32, #tpu.memory_space<hbm>>) target(%arg7 : memref<2304xi32, #tpu.memory_space<vmem>>) target_semaphore(%arg16 : memref<!tpu.dma_semaphore, #tpu.memory_space<semaphore_mem>>)
        } else {
        }
        %eq3A_224 = arith.constant 1 : i32
        %eq3A_225 = arith.cmpi eq, %rem3A_218, %eq3A_224 : i32
        %convert_element_type3A_226 = arith.extui %eq3A_225 : i1 to i32
        %cond3A_227 = arith.constant 0 : i32
        %cond3A_228 = arith.cmpi ne, %convert_element_type3A_226, %cond3A_227 : i32
        scf.if %cond3A_228 {
          %add3A_234 = arith.constant 2 : i32
          %add3A_235 = arith.addi %add3A_154, %add3A_234 : i32
          %mul3A_236 = arith.constant 16 : i32
          %mul3A_237 = arith.muli %add3A_235, %mul3A_236 : i32
          %add3A_238 = arith.addi %arg1, %mul3A_237 : i32
          %dma_start3A_239 = arith.constant 0 : i32
          %dma_start3A_240 = tpu.memref_slice %arg2[%add3A_238, %dma_start3A_239] : memref<6250x2304xi32, #tpu.memory_space<hbm>> -> memref<1x2304xi32, #tpu.memory_space<hbm>>
          %dma_start3A_241 = tpu.memref_squeeze %dma_start3A_240 : memref<1x2304xi32, #tpu.memory_space<hbm>> -> memref<2304xi32, #tpu.memory_space<hbm>>
          %dma_start3A_242 = arith.constant 0 : i32
          %dma_start3A_243 = tpu.memref_slice %arg2[%add3A_238, %dma_start3A_242] : memref<6250x2304xi32, #tpu.memory_space<hbm>> -> memref<1x2304xi32, #tpu.memory_space<hbm>>
          %dma_start3A_244 = tpu.memref_squeeze %dma_start3A_243 : memref<1x2304xi32, #tpu.memory_space<hbm>> -> memref<2304xi32, #tpu.memory_space<hbm>>
          tpu.enqueue_dma source(%dma_start3A_244 : memref<2304xi32, #tpu.memory_space<hbm>>) target(%arg8 : memref<2304xi32, #tpu.memory_space<vmem>>) target_semaphore(%arg17 : memref<!tpu.dma_semaphore, #tpu.memory_space<semaphore_mem>>)
        } else {
        }
        %eq3A_229 = arith.constant 2 : i32
        %eq3A_230 = arith.cmpi eq, %rem3A_218, %eq3A_229 : i32
        %convert_element_type3A_231 = arith.extui %eq3A_230 : i1 to i32
        %cond3A_232 = arith.constant 0 : i32
        %cond3A_233 = arith.cmpi ne, %convert_element_type3A_231, %cond3A_232 : i32
        scf.if %cond3A_233 {
          %add3A_234 = arith.constant 2 : i32
          %add3A_235 = arith.addi %add3A_154, %add3A_234 : i32
          %mul3A_236 = arith.constant 16 : i32
          %mul3A_237 = arith.muli %add3A_235, %mul3A_236 : i32
          %add3A_238 = arith.addi %arg1, %mul3A_237 : i32
          %dma_start3A_239 = arith.constant 0 : i32
          %dma_start3A_240 = tpu.memref_slice %arg2[%add3A_238, %dma_start3A_239] : memref<6250x2304xi32, #tpu.memory_space<hbm>> -> memref<1x2304xi32, #tpu.memory_space<hbm>>
          %dma_start3A_241 = tpu.memref_squeeze %dma_start3A_240 : memref<1x2304xi32, #tpu.memory_space<hbm>> -> memref<2304xi32, #tpu.memory_space<hbm>>
          %dma_start3A_242 = arith.constant 0 : i32
          %dma_start3A_243 = tpu.memref_slice %arg2[%add3A_238, %dma_start3A_242] : memref<6250x2304xi32, #tpu.memory_space<hbm>> -> memref<1x2304xi32, #tpu.memory_space<hbm>>
          %dma_start3A_244 = tpu.memref_squeeze %dma_start3A_243 : memref<1x2304xi32, #tpu.memory_space<hbm>> -> memref<2304xi32, #tpu.memory_space<hbm>>
          tpu.enqueue_dma source(%dma_start3A_244 : memref<2304xi32, #tpu.memory_space<hbm>>) target(%arg9 : memref<2304xi32, #tpu.memory_space<vmem>>) target_semaphore(%arg18 : memref<!tpu.dma_semaphore, #tpu.memory_space<semaphore_mem>>)
        } else {
        }
      } else {
      }
    }
    %sub3A_71 = arith.constant 1 : i32
    %sub3A_72 = arith.subi %select_n3A, %sub3A_71 : i32
    %rem3A_73 = arith.constant 2 : i32
    %rem3A_74 = arith.remsi %sub3A_72, %rem3A_73 : i32
    %sub3A_75 = arith.constant 1 : i32
    %sub3A_76 = arith.subi %select_n3A, %sub3A_75 : i32
    %rem3A_77 = arith.constant 3 : i32
    %rem3A_78 = arith.remsi %sub3A_76, %rem3A_77 : i32
    %eq3A = arith.constant 0 : i32
    %eq3A_79 = arith.cmpi eq, %rem3A_74, %eq3A : i32
    %convert_element_type3A = arith.extui %eq3A_79 : i1 to i32
    %cond3A = arith.constant 0 : i32
    %cond3A_80 = arith.cmpi ne, %convert_element_type3A, %cond3A : i32
    scf.if %cond3A_80 {
      %dma_wait3A = arith.constant 0 : i32
      %dma_wait3A_152 = arith.constant 0 : i32
      %dma_wait3A_153 = tpu.memref_slice %arg3[%dma_wait3A, %dma_wait3A_152] : memref<50000x64xf32, #tpu.memory_space<hbm>> -> memref<50000x64xf32, #tpu.memory_space<hbm>>
      tpu.wait_indirect_dma semaphore(%arg19 : memref<!tpu.dma_semaphore, #tpu.memory_space<semaphore_mem>>) src(%dma_wait3A_153 : memref<50000x64xf32, #tpu.memory_space<hbm>>) dst(%arg14 : memref<128x64xf32, #tpu.memory_space<vmem>>)
    } else {
    }
    %eq3A_81 = arith.constant 1 : i32
    %eq3A_82 = arith.cmpi eq, %rem3A_74, %eq3A_81 : i32
    %convert_element_type3A_83 = arith.extui %eq3A_82 : i1 to i32
    %cond3A_84 = arith.constant 0 : i32
    %cond3A_85 = arith.cmpi ne, %convert_element_type3A_83, %cond3A_84 : i32
    scf.if %cond3A_85 {
      %dma_wait3A = arith.constant 0 : i32
      %dma_wait3A_152 = arith.constant 0 : i32
      %dma_wait3A_153 = tpu.memref_slice %arg3[%dma_wait3A, %dma_wait3A_152] : memref<50000x64xf32, #tpu.memory_space<hbm>> -> memref<50000x64xf32, #tpu.memory_space<hbm>>
      tpu.wait_indirect_dma semaphore(%arg20 : memref<!tpu.dma_semaphore, #tpu.memory_space<semaphore_mem>>) src(%dma_wait3A_153 : memref<50000x64xf32, #tpu.memory_space<hbm>>) dst(%arg15 : memref<128x64xf32, #tpu.memory_space<vmem>>)
    } else {
    }
    %eq3A_86 = arith.constant 0 : i32
    %eq3A_87 = arith.cmpi eq, %rem3A_78, %eq3A_86 : i32
    %convert_element_type3A_88 = arith.extui %eq3A_87 : i1 to i32
    %cond3A_89 = arith.constant 0 : i32
    %cond3A_90 = arith.cmpi ne, %convert_element_type3A_88, %cond3A_89 : i32
    scf.if %cond3A_90 {
      %eq3A_152 = arith.constant 0 : i32
      %eq3A_153 = arith.cmpi eq, %rem3A_74, %eq3A_152 : i32
      %convert_element_type3A_154 = arith.extui %eq3A_153 : i1 to i32
      %cond3A_155 = arith.constant 0 : i32
      %cond3A_156 = arith.cmpi ne, %convert_element_type3A_154, %cond3A_155 : i32
      scf.if %cond3A_156 {
      } else {
      }
      %eq3A_157 = arith.constant 1 : i32
      %eq3A_158 = arith.cmpi eq, %rem3A_74, %eq3A_157 : i32
      %convert_element_type3A_159 = arith.extui %eq3A_158 : i1 to i32
      %cond3A_160 = arith.constant 0 : i32
      %cond3A_161 = arith.cmpi ne, %convert_element_type3A_159, %cond3A_160 : i32
      scf.if %cond3A_161 {
      } else {
      }
    } else {
    }
    %eq3A_91 = arith.constant 1 : i32
    %eq3A_92 = arith.cmpi eq, %rem3A_78, %eq3A_91 : i32
    %convert_element_type3A_93 = arith.extui %eq3A_92 : i1 to i32
    %cond3A_94 = arith.constant 0 : i32
    %cond3A_95 = arith.cmpi ne, %convert_element_type3A_93, %cond3A_94 : i32
    scf.if %cond3A_95 {
      %eq3A_152 = arith.constant 0 : i32
      %eq3A_153 = arith.cmpi eq, %rem3A_74, %eq3A_152 : i32
      %convert_element_type3A_154 = arith.extui %eq3A_153 : i1 to i32
      %cond3A_155 = arith.constant 0 : i32
      %cond3A_156 = arith.cmpi ne, %convert_element_type3A_154, %cond3A_155 : i32
      scf.if %cond3A_156 {
      } else {
      }
      %eq3A_157 = arith.constant 1 : i32
      %eq3A_158 = arith.cmpi eq, %rem3A_74, %eq3A_157 : i32
      %convert_element_type3A_159 = arith.extui %eq3A_158 : i1 to i32
      %cond3A_160 = arith.constant 0 : i32
      %cond3A_161 = arith.cmpi ne, %convert_element_type3A_159, %cond3A_160 : i32
      scf.if %cond3A_161 {
      } else {
      }
    } else {
    }
    %eq3A_96 = arith.constant 2 : i32
    %eq3A_97 = arith.cmpi eq, %rem3A_78, %eq3A_96 : i32
    %convert_element_type3A_98 = arith.extui %eq3A_97 : i1 to i32
    %cond3A_99 = arith.constant 0 : i32
    %cond3A_100 = arith.cmpi ne, %convert_element_type3A_98, %cond3A_99 : i32
    scf.if %cond3A_100 {
      %eq3A_152 = arith.constant 0 : i32
      %eq3A_153 = arith.cmpi eq, %rem3A_74, %eq3A_152 : i32
      %convert_element_type3A_154 = arith.extui %eq3A_153 : i1 to i32
      %cond3A_155 = arith.constant 0 : i32
      %cond3A_156 = arith.cmpi ne, %convert_element_type3A_154, %cond3A_155 : i32
      scf.if %cond3A_156 {
      } else {
      }
      %eq3A_157 = arith.constant 1 : i32
      %eq3A_158 = arith.cmpi eq, %rem3A_74, %eq3A_157 : i32
      %convert_element_type3A_159 = arith.extui %eq3A_158 : i1 to i32
      %cond3A_160 = arith.constant 0 : i32
      %cond3A_161 = arith.cmpi ne, %convert_element_type3A_159, %cond3A_160 : i32
      scf.if %cond3A_161 {
      } else {
      }
    } else {
    }
    %eq3A_101 = arith.constant 0 : i32
    %eq3A_102 = arith.cmpi eq, %rem3A_74, %eq3A_101 : i32
    %convert_element_type3A_103 = arith.extui %eq3A_102 : i1 to i32
    %cond3A_104 = arith.constant 0 : i32
    %cond3A_105 = arith.cmpi ne, %convert_element_type3A_103, %cond3A_104 : i32
    scf.if %cond3A_105 {
      %dma_start3A_152 = arith.constant 0 : i32
      %dma_start3A_153 = arith.constant 0 : i32
      %dma_start3A_154 = tpu.memref_slice %arg6[%dma_start3A_152, %dma_start3A_153] : memref<25088x64xf32, #tpu.memory_space<vmem_shared>> -> memref<25088x64xf32, #tpu.memory_space<vmem_shared>>
      tpu.enqueue_indirect_dma source(%arg14 : memref<128x64xf32, #tpu.memory_space<vmem>>) target(%dma_start3A_154 : memref<25088x64xf32, #tpu.memory_space<vmem_shared>>) offsets(%arg12 : memref<128xi32, #tpu.memory_space<vmem>>) semaphore(%arg21 : memref<!tpu.dma_semaphore, #tpu.memory_space<semaphore_mem>>) {add = true}
    } else {
    }
    %eq3A_106 = arith.constant 1 : i32
    %eq3A_107 = arith.cmpi eq, %rem3A_74, %eq3A_106 : i32
    %convert_element_type3A_108 = arith.extui %eq3A_107 : i1 to i32
    %cond3A_109 = arith.constant 0 : i32
    %cond3A_110 = arith.cmpi ne, %convert_element_type3A_108, %cond3A_109 : i32
    scf.if %cond3A_110 {
      %dma_start3A_152 = arith.constant 0 : i32
      %dma_start3A_153 = arith.constant 0 : i32
      %dma_start3A_154 = tpu.memref_slice %arg6[%dma_start3A_152, %dma_start3A_153] : memref<25088x64xf32, #tpu.memory_space<vmem_shared>> -> memref<25088x64xf32, #tpu.memory_space<vmem_shared>>
      tpu.enqueue_indirect_dma source(%arg15 : memref<128x64xf32, #tpu.memory_space<vmem>>) target(%dma_start3A_154 : memref<25088x64xf32, #tpu.memory_space<vmem_shared>>) offsets(%arg13 : memref<128xi32, #tpu.memory_space<vmem>>) semaphore(%arg22 : memref<!tpu.dma_semaphore, #tpu.memory_space<semaphore_mem>>) {add = true}
    } else {
    }
    %sub3A_111 = arith.constant 1 : i32
    %sub3A_112 = arith.subi %sub3A_111, %rem3A_74 : i32
    %eq3A_113 = arith.constant 0 : i32
    %eq3A_114 = arith.cmpi eq, %sub3A_112, %eq3A_113 : i32
    %convert_element_type3A_115 = arith.extui %eq3A_114 : i1 to i32
    %cond3A_116 = arith.constant 0 : i32
    %cond3A_117 = arith.cmpi ne, %convert_element_type3A_115, %cond3A_116 : i32
    scf.if %cond3A_117 {
      %dma_wait3A = arith.constant 0 : i32
      %dma_wait3A_152 = arith.constant 0 : i32
      %dma_wait3A_153 = tpu.memref_slice %arg6[%dma_wait3A, %dma_wait3A_152] : memref<25088x64xf32, #tpu.memory_space<vmem_shared>> -> memref<25088x64xf32, #tpu.memory_space<vmem_shared>>
      tpu.wait_indirect_dma semaphore(%arg21 : memref<!tpu.dma_semaphore, #tpu.memory_space<semaphore_mem>>) src(%arg14 : memref<128x64xf32, #tpu.memory_space<vmem>>) dst(%dma_wait3A_153 : memref<25088x64xf32, #tpu.memory_space<vmem_shared>>)
    } else {
    }
    %eq3A_118 = arith.constant 1 : i32
    %eq3A_119 = arith.cmpi eq, %sub3A_112, %eq3A_118 : i32
    %convert_element_type3A_120 = arith.extui %eq3A_119 : i1 to i32
    %cond3A_121 = arith.constant 0 : i32
    %cond3A_122 = arith.cmpi ne, %convert_element_type3A_120, %cond3A_121 : i32
    scf.if %cond3A_122 {
      %dma_wait3A = arith.constant 0 : i32
      %dma_wait3A_152 = arith.constant 0 : i32
      %dma_wait3A_153 = tpu.memref_slice %arg6[%dma_wait3A, %dma_wait3A_152] : memref<25088x64xf32, #tpu.memory_space<vmem_shared>> -> memref<25088x64xf32, #tpu.memory_space<vmem_shared>>
      tpu.wait_indirect_dma semaphore(%arg22 : memref<!tpu.dma_semaphore, #tpu.memory_space<semaphore_mem>>) src(%arg15 : memref<128x64xf32, #tpu.memory_space<vmem>>) dst(%dma_wait3A_153 : memref<25088x64xf32, #tpu.memory_space<vmem_shared>>)
    } else {
    }
    %eq3A_123 = arith.constant 0 : i32
    %eq3A_124 = arith.cmpi eq, %rem3A_74, %eq3A_123 : i32
    %convert_element_type3A_125 = arith.extui %eq3A_124 : i1 to i32
    %cond3A_126 = arith.constant 0 : i32
    %cond3A_127 = arith.cmpi ne, %convert_element_type3A_125, %cond3A_126 : i32
    scf.if %cond3A_127 {
      %dma_wait3A = arith.constant 0 : i32
      %dma_wait3A_152 = arith.constant 0 : i32
      %dma_wait3A_153 = tpu.memref_slice %arg6[%dma_wait3A, %dma_wait3A_152] : memref<25088x64xf32, #tpu.memory_space<vmem_shared>> -> memref<25088x64xf32, #tpu.memory_space<vmem_shared>>
      tpu.wait_indirect_dma semaphore(%arg21 : memref<!tpu.dma_semaphore, #tpu.memory_space<semaphore_mem>>) src(%arg14 : memref<128x64xf32, #tpu.memory_space<vmem>>) dst(%dma_wait3A_153 : memref<25088x64xf32, #tpu.memory_space<vmem_shared>>)
    } else {
    }
    %eq3A_128 = arith.constant 1 : i32
    %eq3A_129 = arith.cmpi eq, %rem3A_74, %eq3A_128 : i32
    %convert_element_type3A_130 = arith.extui %eq3A_129 : i1 to i32
    %cond3A_131 = arith.constant 0 : i32
    %cond3A_132 = arith.cmpi ne, %convert_element_type3A_130, %cond3A_131 : i32
    scf.if %cond3A_132 {
      %dma_wait3A = arith.constant 0 : i32
      %dma_wait3A_152 = arith.constant 0 : i32
      %dma_wait3A_153 = tpu.memref_slice %arg6[%dma_wait3A, %dma_wait3A_152] : memref<25088x64xf32, #tpu.memory_space<vmem_shared>> -> memref<25088x64xf32, #tpu.memory_space<vmem_shared>>
      tpu.wait_indirect_dma semaphore(%arg22 : memref<!tpu.dma_semaphore, #tpu.memory_space<semaphore_mem>>) src(%arg15 : memref<128x64xf32, #tpu.memory_space<vmem>>) dst(%dma_wait3A_153 : memref<25088x64xf32, #tpu.memory_space<vmem_shared>>)
    } else {
    }
    %barrier3A_133 = arith.constant 0 : index
    tpu.barrier barrier_id(%barrier3A_133)
    %sub3A_134 = arith.constant 125 : i32
    %sub3A_135 = arith.subi %sub3A_134, %arg1 : i32
    %sub3A_136 = arith.constant 16 : i32
    %sub3A_137 = arith.constant 1 : i32
    %sub3A_138 = arith.subi %sub3A_136, %sub3A_137 : i32
    %add3A_139 = arith.addi %sub3A_135, %sub3A_138 : i32
    %div3A_140 = arith.constant 16 : i32
    %div3A_141 = arith.divsi %add3A_139, %div3A_140 : i32
    %while3A_142 = arith.constant 16 : i32
    %while3A_143 = arith.constant 0 : i32
    %while3A_144 = arith.subi %div3A_141, %while3A_143 : i32
    %while3A_145 = arith.addi %while3A_143, %while3A_144 : i32
    %while3A_146 = arith.constant 1 : i32
    %while3A_147 = arith.divsi %while3A_144, %while3A_146 : i32
    %while3A_148 = arith.muli %while3A_147, %while3A_146 : i32
    %while3A_149 = arith.addi %while3A_143, %while3A_148 : i32
    %while3A_150 = arith.constant 1 : i32
    scf.for %while3A_152 = %while3A_143 to %while3A_149 step %while3A_150  : i32 {
      %mul3A_153 = arith.muli %while3A_152, %while3A_142 : i32
      %add3A_154 = arith.addi %arg1, %mul3A_153 : i32
      %mul3A_155 = arith.constant 200 : i32
      %mul3A_156 = arith.muli %add3A_154, %mul3A_155 : i32
      %mul3A_157 = arith.constant 200 : i32
      %mul3A_158 = arith.muli %add3A_154, %mul3A_157 : i32
      %add3A_159 = arith.addi %mul3A_0, %mul3A_158 : i32
      "tpu.region"() ({
        %run_scoped3A = tpu.sem_alloc : memref<!tpu.dma_semaphore, #tpu.memory_space<semaphore_mem>>
        %dma_start3A_160 = arith.constant 0 : i32
        %dma_start3A_161 = tpu.memref_slice %arg5[%add3A_159, %dma_start3A_160] : memref<50000x64xf32, #tpu.memory_space<hbm>> -> memref<200x64xf32, #tpu.memory_space<hbm>>
        %dma_start3A_162 = arith.constant 0 : i32
        %dma_start3A_163 = tpu.memref_slice %arg6[%mul3A_156, %dma_start3A_162] : memref<25088x64xf32, #tpu.memory_space<vmem_shared>> -> memref<200x64xf32, #tpu.memory_space<vmem_shared>>
        tpu.enqueue_dma source(%dma_start3A_163 : memref<200x64xf32, #tpu.memory_space<vmem_shared>>) target(%dma_start3A_161 : memref<200x64xf32, #tpu.memory_space<hbm>>) target_semaphore(%run_scoped3A : memref<!tpu.dma_semaphore, #tpu.memory_space<semaphore_mem>>)
        %dma_wait3A = arith.constant 0 : i32
        %dma_wait3A_164 = tpu.memref_slice %arg5[%add3A_159, %dma_wait3A] : memref<50000x64xf32, #tpu.memory_space<hbm>> -> memref<200x64xf32, #tpu.memory_space<hbm>>
        %dma_wait3A_165 = arith.constant 0 : i32
        %dma_wait3A_166 = tpu.memref_slice %arg6[%mul3A_156, %dma_wait3A_165] : memref<25088x64xf32, #tpu.memory_space<vmem_shared>> -> memref<200x64xf32, #tpu.memory_space<vmem_shared>>
        tpu.wait_dma2 semaphore(%run_scoped3A : memref<!tpu.dma_semaphore, #tpu.memory_space<semaphore_mem>>) src(%dma_wait3A_166 : memref<200x64xf32, #tpu.memory_space<vmem_shared>>) dst(%dma_wait3A_164 : memref<200x64xf32, #tpu.memory_space<hbm>>)
        tpu.yield
      }) : () -> ()
    }
    %while3A_151 = arith.constant 1 : i32
    scf.for %while3A_152 = %while3A_149 to %while3A_145 step %while3A_151  : i32 {
      %mul3A_153 = arith.muli %while3A_152, %while3A_142 : i32
      %add3A_154 = arith.addi %arg1, %mul3A_153 : i32
      %mul3A_155 = arith.constant 200 : i32
      %mul3A_156 = arith.muli %add3A_154, %mul3A_155 : i32
      %mul3A_157 = arith.constant 200 : i32
      %mul3A_158 = arith.muli %add3A_154, %mul3A_157 : i32
      %add3A_159 = arith.addi %mul3A_0, %mul3A_158 : i32
      "tpu.region"() ({
        %run_scoped3A = tpu.sem_alloc : memref<!tpu.dma_semaphore, #tpu.memory_space<semaphore_mem>>
        %dma_start3A_160 = arith.constant 0 : i32
        %dma_start3A_161 = tpu.memref_slice %arg5[%add3A_159, %dma_start3A_160] : memref<50000x64xf32, #tpu.memory_space<hbm>> -> memref<200x64xf32, #tpu.memory_space<hbm>>
        %dma_start3A_162 = arith.constant 0 : i32
        %dma_start3A_163 = tpu.memref_slice %arg6[%mul3A_156, %dma_start3A_162] : memref<25088x64xf32, #tpu.memory_space<vmem_shared>> -> memref<200x64xf32, #tpu.memory_space<vmem_shared>>
        tpu.enqueue_dma source(%dma_start3A_163 : memref<200x64xf32, #tpu.memory_space<vmem_shared>>) target(%dma_start3A_161 : memref<200x64xf32, #tpu.memory_space<hbm>>) target_semaphore(%run_scoped3A : memref<!tpu.dma_semaphore, #tpu.memory_space<semaphore_mem>>)
        %dma_wait3A = arith.constant 0 : i32
        %dma_wait3A_164 = tpu.memref_slice %arg5[%add3A_159, %dma_wait3A] : memref<50000x64xf32, #tpu.memory_space<hbm>> -> memref<200x64xf32, #tpu.memory_space<hbm>>
        %dma_wait3A_165 = arith.constant 0 : i32
        %dma_wait3A_166 = tpu.memref_slice %arg6[%mul3A_156, %dma_wait3A_165] : memref<25088x64xf32, #tpu.memory_space<vmem_shared>> -> memref<200x64xf32, #tpu.memory_space<vmem_shared>>
        tpu.wait_dma2 semaphore(%run_scoped3A : memref<!tpu.dma_semaphore, #tpu.memory_space<semaphore_mem>>) src(%dma_wait3A_166 : memref<200x64xf32, #tpu.memory_space<vmem_shared>>) dst(%dma_wait3A_164 : memref<200x64xf32, #tpu.memory_space<hbm>>)
        tpu.yield
      }) : () -> ()
    }
    return
  }
}

#map = affine_map<(d0, d1) -> (0, 0)>
module attributes {stable_mosaic.version = 14 : i64} {
  func.func @_spmm_body(%arg0: i32, %arg1: i32, %arg2: memref<6250x2304xi32, #tpu.memory_space<hbm>>, %arg3: memref<50000x64xf32, #tpu.memory_space<hbm>>, %arg4: memref<392x64xf32, #tpu.memory_space<hbm>>, %arg5: memref<50000x64xf32, #tpu.memory_space<hbm>>, %arg6: memref<25088x64xf32, #tpu.memory_space<vmem_shared>>, %arg7: memref<2304xi32, #tpu.memory_space<vmem>>, %arg8: memref<2304xi32, #tpu.memory_space<vmem>>, %arg9: memref<2304xi32, #tpu.memory_space<vmem>>, %arg10: memref<128xi32, #tpu.memory_space<vmem>>, %arg11: memref<128xi32, #tpu.memory_space<vmem>>, %arg12: memref<128xi32, #tpu.memory_space<vmem>>, %arg13: memref<128xi32, #tpu.memory_space<vmem>>, %arg14: memref<128x64xf32, #tpu.memory_space<vmem>>, %arg15: memref<128x64xf32, #tpu.memory_space<vmem>>, %arg16: memref<!tpu.dma_semaphore, #tpu.memory_space<semaphore_mem>>, %arg17: memref<!tpu.dma_semaphore, #tpu.memory_space<semaphore_mem>>, %arg18: memref<!tpu.dma_semaphore, #tpu.memory_space<semaphore_mem>>, %arg19: memref<!tpu.dma_semaphore, #tpu.memory_space<semaphore_mem>>, %arg20: memref<!tpu.dma_semaphore, #tpu.memory_space<semaphore_mem>>, %arg21: memref<!tpu.dma_semaphore, #tpu.memory_space<semaphore_mem>>, %arg22: memref<!tpu.dma_semaphore, #tpu.memory_space<semaphore_mem>>) attributes {dimension_semantics = [#tpu.dimension_semantics<core_parallel>, #tpu.dimension_semantics<subcore_parallel>], iteration_bounds = array<i64: 2, 16>, scalar_prefetch = 0 : i64, scratch_operands = 17 : i64, tpu.core_type = #tpu.core_type<sc_vector_subcore>, window_params = [{transform_indices = #map}, {transform_indices = #map}, {transform_indices = #map}, {transform_indices = #map}]} {
    %mul3A = arith.constant 25000 : i32
    %mul3A_0 = arith.muli %arg0, %mul3A : i32
    %mul3A_1 = arith.constant 1568 : i32
    %mul3A_2 = arith.muli %arg1, %mul3A_1 : i32
    %add3A = arith.constant 0 : i32
    %add3A_3 = arith.addi %mul3A_2, %add3A : i32
    "tpu.region"() ({
      %run_scoped3A = tpu.sem_alloc : memref<!tpu.dma_semaphore, #tpu.memory_space<semaphore_mem>>
      %dma_start3A_152 = arith.constant 0 : i32
      %dma_start3A_153 = tpu.memref_slice %arg6[%add3A_3, %dma_start3A_152] : memref<25088x64xf32, #tpu.memory_space<vmem_shared>> -> memref<392x64xf32, #tpu.memory_space<vmem_shared>>
      tpu.enqueue_dma source(%arg4 : memref<392x64xf32, #tpu.memory_space<hbm>>) target(%dma_start3A_153 : memref<392x64xf32, #tpu.memory_space<vmem_shared>>) target_semaphore(%run_scoped3A : memref<!tpu.dma_semaphore, #tpu.memory_space<semaphore_mem>>)
      %dma_wait3A = arith.constant 0 : i32
      %dma_wait3A_154 = tpu.memref_slice %arg6[%add3A_3, %dma_wait3A] : memref<25088x64xf32, #tpu.memory_space<vmem_shared>> -> memref<392x64xf32, #tpu.memory_space<vmem_shared>>
      tpu.wait_dma2 semaphore(%run_scoped3A : memref<!tpu.dma_semaphore, #tpu.memory_space<semaphore_mem>>) src(%arg4 : memref<392x64xf32, #tpu.memory_space<hbm>>) dst(%dma_wait3A_154 : memref<392x64xf32, #tpu.memory_space<vmem_shared>>)
      tpu.yield
    }) : () -> ()
    %mul3A_4 = arith.constant 1568 : i32
    %mul3A_5 = arith.muli %arg1, %mul3A_4 : i32
    %add3A_6 = arith.constant 392 : i32
    %add3A_7 = arith.addi %mul3A_5, %add3A_6 : i32
    "tpu.region"() ({
      %run_scoped3A = tpu.sem_alloc : memref<!tpu.dma_semaphore, #tpu.memory_space<semaphore_mem>>
      %dma_start3A_152 = arith.constant 0 : i32
      %dma_start3A_153 = tpu.memref_slice %arg6[%add3A_7, %dma_start3A_152] : memref<25088x64xf32, #tpu.memory_space<vmem_shared>> -> memref<392x64xf32, #tpu.memory_space<vmem_shared>>
      tpu.enqueue_dma source(%arg4 : memref<392x64xf32, #tpu.memory_space<hbm>>) target(%dma_start3A_153 : memref<392x64xf32, #tpu.memory_space<vmem_shared>>) target_semaphore(%run_scoped3A : memref<!tpu.dma_semaphore, #tpu.memory_space<semaphore_mem>>)
      %dma_wait3A = arith.constant 0 : i32
      %dma_wait3A_154 = tpu.memref_slice %arg6[%add3A_7, %dma_wait3A] : memref<25088x64xf32, #tpu.memory_space<vmem_shared>> -> memref<392x64xf32, #tpu.memory_space<vmem_shared>>
      tpu.wait_dma2 semaphore(%run_scoped3A : memref<!tpu.dma_semaphore, #tpu.memory_space<semaphore_mem>>) src(%arg4 : memref<392x64xf32, #tpu.memory_space<hbm>>) dst(%dma_wait3A_154 : memref<392x64xf32, #tpu.memory_space<vmem_shared>>)
      tpu.yield
    }) : () -> ()
    %mul3A_8 = arith.constant 1568 : i32
    %mul3A_9 = arith.muli %arg1, %mul3A_8 : i32
    %add3A_10 = arith.constant 784 : i32
    %add3A_11 = arith.addi %mul3A_9, %add3A_10 : i32
    "tpu.region"() ({
      %run_scoped3A = tpu.sem_alloc : memref<!tpu.dma_semaphore, #tpu.memory_space<semaphore_mem>>
      %dma_start3A_152 = arith.constant 0 : i32
      %dma_start3A_153 = tpu.memref_slice %arg6[%add3A_11, %dma_start3A_152] : memref<25088x64xf32, #tpu.memory_space<vmem_shared>> -> memref<392x64xf32, #tpu.memory_space<vmem_shared>>
      tpu.enqueue_dma source(%arg4 : memref<392x64xf32, #tpu.memory_space<hbm>>) target(%dma_start3A_153 : memref<392x64xf32, #tpu.memory_space<vmem_shared>>) target_semaphore(%run_scoped3A : memref<!tpu.dma_semaphore, #tpu.memory_space<semaphore_mem>>)
      %dma_wait3A = arith.constant 0 : i32
      %dma_wait3A_154 = tpu.memref_slice %arg6[%add3A_11, %dma_wait3A] : memref<25088x64xf32, #tpu.memory_space<vmem_shared>> -> memref<392x64xf32, #tpu.memory_space<vmem_shared>>
      tpu.wait_dma2 semaphore(%run_scoped3A : memref<!tpu.dma_semaphore, #tpu.memory_space<semaphore_mem>>) src(%arg4 : memref<392x64xf32, #tpu.memory_space<hbm>>) dst(%dma_wait3A_154 : memref<392x64xf32, #tpu.memory_space<vmem_shared>>)
      tpu.yield
    }) : () -> ()
    %mul3A_12 = arith.constant 1568 : i32
    %mul3A_13 = arith.muli %arg1, %mul3A_12 : i32
    %add3A_14 = arith.constant 1176 : i32
    %add3A_15 = arith.addi %mul3A_13, %add3A_14 : i32
    "tpu.region"() ({
      %run_scoped3A = tpu.sem_alloc : memref<!tpu.dma_semaphore, #tpu.memory_space<semaphore_mem>>
      %dma_start3A_152 = arith.constant 0 : i32
      %dma_start3A_153 = tpu.memref_slice %arg6[%add3A_15, %dma_start3A_152] : memref<25088x64xf32, #tpu.memory_space<vmem_shared>> -> memref<392x64xf32, #tpu.memory_space<vmem_shared>>
      tpu.enqueue_dma source(%arg4 : memref<392x64xf32, #tpu.memory_space<hbm>>) target(%dma_start3A_153 : memref<392x64xf32, #tpu.memory_space<vmem_shared>>) target_semaphore(%run_scoped3A : memref<!tpu.dma_semaphore, #tpu.memory_space<semaphore_mem>>)
      %dma_wait3A = arith.constant 0 : i32
      %dma_wait3A_154 = tpu.memref_slice %arg6[%add3A_15, %dma_wait3A] : memref<25088x64xf32, #tpu.memory_space<vmem_shared>> -> memref<392x64xf32, #tpu.memory_space<vmem_shared>>
      tpu.wait_dma2 semaphore(%run_scoped3A : memref<!tpu.dma_semaphore, #tpu.memory_space<semaphore_mem>>) src(%arg4 : memref<392x64xf32, #tpu.memory_space<hbm>>) dst(%dma_wait3A_154 : memref<392x64xf32, #tpu.memory_space<vmem_shared>>)
      tpu.yield
    }) : () -> ()
    %barrier3A = arith.constant 0 : index
    tpu.barrier barrier_id(%barrier3A)
    %sub3A = arith.constant 6250 : i32
    %sub3A_16 = arith.subi %sub3A, %arg1 : i32
    %add3A_17 = arith.constant 16 : i32
    %add3A_18 = arith.addi %sub3A_16, %add3A_17 : i32
    %sub3A_19 = arith.constant 1 : i32
    %sub3A_20 = arith.subi %add3A_18, %sub3A_19 : i32
    %jit3A = arith.constant 16 : i32
    %div3A = arith.divsi %sub3A_20, %jit3A : i32
    %sign3A = arith.constant 0 : i32
    %sign3A_21 = arith.cmpi sgt, %sub3A_20, %sign3A : i32
    %sign3A_22 = arith.extui %sign3A_21 : i1 to i32
    %sign3A_23 = arith.constant 0 : i32
    %sign3A_24 = arith.cmpi slt, %sub3A_20, %sign3A_23 : i32
    %sign3A_25 = arith.extui %sign3A_24 : i1 to i32
    %sign3A_26 = arith.subi %sign3A_22, %sign3A_25 : i32
    %sign3A_27 = arith.constant 0 : i32
    %sign3A_28 = arith.cmpi sgt, %jit3A, %sign3A_27 : i32
    %sign3A_29 = arith.extui %sign3A_28 : i1 to i32
    %sign3A_30 = arith.constant 0 : i32
    %sign3A_31 = arith.cmpi slt, %jit3A, %sign3A_30 : i32
    %sign3A_32 = arith.extui %sign3A_31 : i1 to i32
    %sign3A_33 = arith.subi %sign3A_29, %sign3A_32 : i32
    %ne3A = arith.cmpi ne, %sign3A_26, %sign3A_33 : i32
    %rem3A = arith.remsi %sub3A_20, %jit3A : i32
    %ne3A_34 = arith.constant 0 : i32
    %ne3A_35 = arith.cmpi ne, %rem3A, %ne3A_34 : i32
    %and3A = arith.andi %ne3A, %ne3A_35 : i1
    %sub3A_36 = arith.constant 1 : i32
    %sub3A_37 = arith.subi %div3A, %sub3A_36 : i32
    %select_n3A = arith.select %and3A, %sub3A_37, %div3A : i32
    %add3A_38 = arith.constant 0 : i32
    %add3A_39 = arith.addi %arg1, %add3A_38 : i32
    %dma_start3A = arith.constant 0 : i32
    %dma_start3A_40 = tpu.memref_slice %arg2[%add3A_39, %dma_start3A] : memref<6250x2304xi32, #tpu.memory_space<hbm>> -> memref<1x2304xi32, #tpu.memory_space<hbm>>
    %dma_start3A_41 = tpu.memref_squeeze %dma_start3A_40 : memref<1x2304xi32, #tpu.memory_space<hbm>> -> memref<2304xi32, #tpu.memory_space<hbm>>
    %dma_start3A_42 = arith.constant 0 : i32
    %dma_start3A_43 = tpu.memref_slice %arg2[%add3A_39, %dma_start3A_42] : memref<6250x2304xi32, #tpu.memory_space<hbm>> -> memref<1x2304xi32, #tpu.memory_space<hbm>>
    %dma_start3A_44 = tpu.memref_squeeze %dma_start3A_43 : memref<1x2304xi32, #tpu.memory_space<hbm>> -> memref<2304xi32, #tpu.memory_space<hbm>>
    tpu.enqueue_dma source(%dma_start3A_44 : memref<2304xi32, #tpu.memory_space<hbm>>) target(%arg7 : memref<2304xi32, #tpu.memory_space<vmem>>) target_semaphore(%arg16 : memref<!tpu.dma_semaphore, #tpu.memory_space<semaphore_mem>>)
    %add3A_45 = arith.constant 16 : i32
    %add3A_46 = arith.addi %arg1, %add3A_45 : i32
    %dma_start3A_47 = arith.constant 0 : i32
    %dma_start3A_48 = tpu.memref_slice %arg2[%add3A_46, %dma_start3A_47] : memref<6250x2304xi32, #tpu.memory_space<hbm>> -> memref<1x2304xi32, #tpu.memory_space<hbm>>
    %dma_start3A_49 = tpu.memref_squeeze %dma_start3A_48 : memref<1x2304xi32, #tpu.memory_space<hbm>> -> memref<2304xi32, #tpu.memory_space<hbm>>
    %dma_start3A_50 = arith.constant 0 : i32
    %dma_start3A_51 = tpu.memref_slice %arg2[%add3A_46, %dma_start3A_50] : memref<6250x2304xi32, #tpu.memory_space<hbm>> -> memref<1x2304xi32, #tpu.memory_space<hbm>>
    %dma_start3A_52 = tpu.memref_squeeze %dma_start3A_51 : memref<1x2304xi32, #tpu.memory_space<hbm>> -> memref<2304xi32, #tpu.memory_space<hbm>>
    tpu.enqueue_dma source(%dma_start3A_52 : memref<2304xi32, #tpu.memory_space<hbm>>) target(%arg8 : memref<2304xi32, #tpu.memory_space<vmem>>) target_semaphore(%arg17 : memref<!tpu.dma_semaphore, #tpu.memory_space<semaphore_mem>>)
    %sub3A_53 = arith.constant 0 : i32
    %sub3A_54 = arith.subi %select_n3A, %sub3A_53 : i32
    %sub3A_55 = arith.constant 1 : i32
    %sub3A_56 = arith.constant 1 : i32
    %sub3A_57 = arith.subi %sub3A_55, %sub3A_56 : i32
    %add3A_58 = arith.addi %sub3A_54, %sub3A_57 : i32
    %div3A_59 = arith.constant 1 : i32
    %div3A_60 = arith.divsi %add3A_58, %div3A_59 : i32
    %while3A = arith.constant 1 : i32
    %while3A_61 = arith.constant 0 : i32
    %while3A_62 = arith.constant 0 : i32
    %while3A_63 = arith.subi %div3A_60, %while3A_62 : i32
    %while3A_64 = arith.addi %while3A_62, %while3A_63 : i32
    %while3A_65 = arith.constant 1 : i32
    %while3A_66 = arith.divsi %while3A_63, %while3A_65 : i32
    %while3A_67 = arith.muli %while3A_66, %while3A_65 : i32
    %while3A_68 = arith.addi %while3A_62, %while3A_67 : i32
    %while3A_69 = arith.constant 1 : i32
    scf.for %while3A_152 = %while3A_62 to %while3A_68 step %while3A_69  : i32 {
      %mul3A_153 = arith.muli %while3A_152, %while3A : i32
      %add3A_154 = arith.addi %while3A_61, %mul3A_153 : i32
      %rem3A_155 = arith.constant 2 : i32
      %rem3A_156 = arith.remsi %add3A_154, %rem3A_155 : i32
      %rem3A_157 = arith.constant 3 : i32
      %rem3A_158 = arith.remsi %add3A_154, %rem3A_157 : i32
      %sub3A_159 = arith.constant 1 : i32
      %sub3A_160 = arith.subi %sub3A_159, %rem3A_156 : i32
      %eq3A_161 = arith.constant 0 : i32
      %eq3A_162 = arith.cmpi eq, %rem3A_158, %eq3A_161 : i32
      %convert_element_type3A_163 = arith.extui %eq3A_162 : i1 to i32
      %cond3A_164 = arith.constant 0 : i32
      %cond3A_165 = arith.cmpi ne, %convert_element_type3A_163, %cond3A_164 : i32
      scf.if %cond3A_165 {
        %dma_wait3A = arith.constant 0 : i32
        %dma_wait3A_215 = arith.constant 0 : i32
        %dma_wait3A_216 = tpu.memref_slice %arg2[%dma_wait3A, %dma_wait3A_215] : memref<6250x2304xi32, #tpu.memory_space<hbm>> -> memref<1x2304xi32, #tpu.memory_space<hbm>>
        %dma_wait3A_217 = tpu.memref_squeeze %dma_wait3A_216 : memref<1x2304xi32, #tpu.memory_space<hbm>> -> memref<2304xi32, #tpu.memory_space<hbm>>
        %dma_wait3A_218 = arith.constant 0 : i32
        %dma_wait3A_219 = tpu.memref_slice %arg2[%dma_wait3A, %dma_wait3A_218] : memref<6250x2304xi32, #tpu.memory_space<hbm>> -> memref<1x2304xi32, #tpu.memory_space<hbm>>
        %dma_wait3A_220 = tpu.memref_squeeze %dma_wait3A_219 : memref<1x2304xi32, #tpu.memory_space<hbm>> -> memref<2304xi32, #tpu.memory_space<hbm>>
        tpu.wait_dma2 semaphore(%arg16 : memref<!tpu.dma_semaphore, #tpu.memory_space<semaphore_mem>>) src(%dma_wait3A_220 : memref<2304xi32, #tpu.memory_space<hbm>>) dst(%arg7 : memref<2304xi32, #tpu.memory_space<vmem>>)
      } else {
      }
      %eq3A_166 = arith.constant 1 : i32
      %eq3A_167 = arith.cmpi eq, %rem3A_158, %eq3A_166 : i32
      %convert_element_type3A_168 = arith.extui %eq3A_167 : i1 to i32
      %cond3A_169 = arith.constant 0 : i32
      %cond3A_170 = arith.cmpi ne, %convert_element_type3A_168, %cond3A_169 : i32
      scf.if %cond3A_170 {
        %dma_wait3A = arith.constant 0 : i32
        %dma_wait3A_215 = arith.constant 0 : i32
        %dma_wait3A_216 = tpu.memref_slice %arg2[%dma_wait3A, %dma_wait3A_215] : memref<6250x2304xi32, #tpu.memory_space<hbm>> -> memref<1x2304xi32, #tpu.memory_space<hbm>>
        %dma_wait3A_217 = tpu.memref_squeeze %dma_wait3A_216 : memref<1x2304xi32, #tpu.memory_space<hbm>> -> memref<2304xi32, #tpu.memory_space<hbm>>
        %dma_wait3A_218 = arith.constant 0 : i32
        %dma_wait3A_219 = tpu.memref_slice %arg2[%dma_wait3A, %dma_wait3A_218] : memref<6250x2304xi32, #tpu.memory_space<hbm>> -> memref<1x2304xi32, #tpu.memory_space<hbm>>
        %dma_wait3A_220 = tpu.memref_squeeze %dma_wait3A_219 : memref<1x2304xi32, #tpu.memory_space<hbm>> -> memref<2304xi32, #tpu.memory_space<hbm>>
        tpu.wait_dma2 semaphore(%arg17 : memref<!tpu.dma_semaphore, #tpu.memory_space<semaphore_mem>>) src(%dma_wait3A_220 : memref<2304xi32, #tpu.memory_space<hbm>>) dst(%arg8 : memref<2304xi32, #tpu.memory_space<vmem>>)
      } else {
      }
      %eq3A_171 = arith.constant 2 : i32
      %eq3A_172 = arith.cmpi eq, %rem3A_158, %eq3A_171 : i32
      %convert_element_type3A_173 = arith.extui %eq3A_172 : i1 to i32
      %cond3A_174 = arith.constant 0 : i32
      %cond3A_175 = arith.cmpi ne, %convert_element_type3A_173, %cond3A_174 : i32
      scf.if %cond3A_175 {
        %dma_wait3A = arith.constant 0 : i32
        %dma_wait3A_215 = arith.constant 0 : i32
        %dma_wait3A_216 = tpu.memref_slice %arg2[%dma_wait3A, %dma_wait3A_215] : memref<6250x2304xi32, #tpu.memory_space<hbm>> -> memref<1x2304xi32, #tpu.memory_space<hbm>>
        %dma_wait3A_217 = tpu.memref_squeeze %dma_wait3A_216 : memref<1x2304xi32, #tpu.memory_space<hbm>> -> memref<2304xi32, #tpu.memory_space<hbm>>
        %dma_wait3A_218 = arith.constant 0 : i32
        %dma_wait3A_219 = tpu.memref_slice %arg2[%dma_wait3A, %dma_wait3A_218] : memref<6250x2304xi32, #tpu.memory_space<hbm>> -> memref<1x2304xi32, #tpu.memory_space<hbm>>
        %dma_wait3A_220 = tpu.memref_squeeze %dma_wait3A_219 : memref<1x2304xi32, #tpu.memory_space<hbm>> -> memref<2304xi32, #tpu.memory_space<hbm>>
        tpu.wait_dma2 semaphore(%arg18 : memref<!tpu.dma_semaphore, #tpu.memory_space<semaphore_mem>>) src(%dma_wait3A_220 : memref<2304xi32, #tpu.memory_space<hbm>>) dst(%arg9 : memref<2304xi32, #tpu.memory_space<vmem>>)
      } else {
      }
      %ge3A = arith.constant 2 : i32
      %ge3A_176 = arith.cmpi sge, %add3A_154, %ge3A : i32
      %convert_element_type3A_177 = arith.extui %ge3A_176 : i1 to i32
      %cond3A_178 = arith.constant 0 : i32
      %cond3A_179 = arith.cmpi ne, %convert_element_type3A_177, %cond3A_178 : i32
      scf.if %cond3A_179 {
        %eq3A_215 = arith.constant 0 : i32
        %eq3A_216 = arith.cmpi eq, %rem3A_156, %eq3A_215 : i32
        %convert_element_type3A_217 = arith.extui %eq3A_216 : i1 to i32
        %cond3A_218 = arith.constant 0 : i32
        %cond3A_219 = arith.cmpi ne, %convert_element_type3A_217, %cond3A_218 : i32
        scf.if %cond3A_219 {
          %dma_wait3A = arith.constant 0 : i32
          %dma_wait3A_225 = arith.constant 0 : i32
          %dma_wait3A_226 = tpu.memref_slice %arg6[%dma_wait3A, %dma_wait3A_225] : memref<25088x64xf32, #tpu.memory_space<vmem_shared>> -> memref<25088x64xf32, #tpu.memory_space<vmem_shared>>
          tpu.wait_indirect_dma semaphore(%arg21 : memref<!tpu.dma_semaphore, #tpu.memory_space<semaphore_mem>>) src(%arg14 : memref<128x64xf32, #tpu.memory_space<vmem>>) dst(%dma_wait3A_226 : memref<25088x64xf32, #tpu.memory_space<vmem_shared>>)
        } else {
        }
        %eq3A_220 = arith.constant 1 : i32
        %eq3A_221 = arith.cmpi eq, %rem3A_156, %eq3A_220 : i32
        %convert_element_type3A_222 = arith.extui %eq3A_221 : i1 to i32
        %cond3A_223 = arith.constant 0 : i32
        %cond3A_224 = arith.cmpi ne, %convert_element_type3A_222, %cond3A_223 : i32
        scf.if %cond3A_224 {
          %dma_wait3A = arith.constant 0 : i32
          %dma_wait3A_225 = arith.constant 0 : i32
          %dma_wait3A_226 = tpu.memref_slice %arg6[%dma_wait3A, %dma_wait3A_225] : memref<25088x64xf32, #tpu.memory_space<vmem_shared>> -> memref<25088x64xf32, #tpu.memory_space<vmem_shared>>
          tpu.wait_indirect_dma semaphore(%arg22 : memref<!tpu.dma_semaphore, #tpu.memory_space<semaphore_mem>>) src(%arg15 : memref<128x64xf32, #tpu.memory_space<vmem>>) dst(%dma_wait3A_226 : memref<25088x64xf32, #tpu.memory_space<vmem_shared>>)
        } else {
        }
      } else {
      }
      %eq3A_180 = arith.constant 0 : i32
      %eq3A_181 = arith.cmpi eq, %rem3A_158, %eq3A_180 : i32
      %convert_element_type3A_182 = arith.extui %eq3A_181 : i1 to i32
      %cond3A_183 = arith.constant 0 : i32
      %cond3A_184 = arith.cmpi ne, %convert_element_type3A_182, %cond3A_183 : i32
      scf.if %cond3A_184 {
        %eq3A_215 = arith.constant 0 : i32
        %eq3A_216 = arith.cmpi eq, %rem3A_156, %eq3A_215 : i32
        %convert_element_type3A_217 = arith.extui %eq3A_216 : i1 to i32
        %cond3A_218 = arith.constant 0 : i32
        %cond3A_219 = arith.cmpi ne, %convert_element_type3A_217, %cond3A_218 : i32
        scf.if %cond3A_219 {
          %scan3A = arith.constant 0 : i32
          %scan3A_225 = arith.constant 8 : i32
          %scan3A_226 = arith.addi %scan3A, %scan3A_225 : i32
          %scan3A_227 = arith.constant 1 : i32
          scf.for %scan3A_229 = %scan3A to %scan3A_226 step %scan3A_227  : i32 {
            %mul3A_230 = arith.constant 1 : i32
            %mul3A_231 = arith.muli %scan3A_229, %mul3A_230 : i32
            %add3A_232 = arith.constant 0 : i32
            %add3A_233 = arith.addi %add3A_232, %mul3A_231 : i32
            %mul3A_234 = arith.constant 16 : i32
            %mul3A_235 = arith.muli %add3A_233, %mul3A_234 : i32
            %get3A = arith.index_cast %mul3A_235 : i32 to index
            %get3A_236 = tpu.vector_load %arg7[%get3A] {strides = array<i32>} : memref<2304xi32, #tpu.memory_space<vmem>>, vector<16xi32>,
            %get3A_237 = vector.shape_cast %get3A_236 : vector<16xi32> to vector<16xi32>
            %mul3A_238 = arith.constant 16 : i32
            %mul3A_239 = arith.muli %add3A_233, %mul3A_238 : i32
            %swap3A = arith.index_cast %mul3A_239 : i32 to index
            %swap3A_240 = tpu.vector_load %arg10[%swap3A] {strides = array<i32>} : memref<128xi32, #tpu.memory_space<vmem>>, vector<16xi32>,
            %swap3A_241 = vector.shape_cast %swap3A_240 : vector<16xi32> to vector<16xi32>
            %swap3A_242 = vector.shape_cast %get3A_237 : vector<16xi32> to vector<16xi32>
            tpu.vector_store %arg10[%swap3A], %swap3A_242 {strides = array<i32>} : memref<128xi32, #tpu.memory_space<vmem>>, vector<16xi32>,
            %mul3A_243 = arith.constant 16 : i32
            %mul3A_244 = arith.muli %add3A_233, %mul3A_243 : i32
            %add3A_245 = arith.constant 128 : i32
            %add3A_246 = arith.addi %add3A_245, %mul3A_244 : i32
            %get3A_247 = arith.index_cast %add3A_246 : i32 to index
            %get3A_248 = tpu.vector_load %arg7[%get3A_247] {strides = array<i32>} : memref<2304xi32, #tpu.memory_space<vmem>>, vector<16xi32>,
            %get3A_249 = vector.shape_cast %get3A_248 : vector<16xi32> to vector<16xi32>
            %sub3A_250 = vector.broadcast %mul3A_0 : i32 to vector<16xi32>
            %sub3A_251 = arith.subi %get3A_249, %sub3A_250 : vector<16xi32>
            %ge3A_252 = arith.constant 0 : i32
            %ge3A_253 = vector.broadcast %ge3A_252 : i32 to vector<16xi32>
            %ge3A_254 = arith.cmpi sge, %sub3A_251, %ge3A_253 : vector<16xi32>
            %lt3A_255 = arith.constant 25000 : i32
            %lt3A_256 = vector.broadcast %lt3A_255 : i32 to vector<16xi32>
            %lt3A_257 = arith.cmpi slt, %sub3A_251, %lt3A_256 : vector<16xi32>
            %and3A_258 = arith.andi %ge3A_254, %lt3A_257 : vector<16xi1>
            %jit3A_259 = arith.constant 25000 : i32
            %broadcast_in_dim3A = vector.broadcast %jit3A_259 : i32 to vector<16xi32>
            %select_n3A_260 = arith.select %and3A_258, %sub3A_251, %broadcast_in_dim3A : vector<16xi1>, vector<16xi32>
            %mul3A_261 = arith.constant 16 : i32
            %mul3A_262 = arith.muli %add3A_233, %mul3A_261 : i32
            %swap3A_263 = arith.index_cast %mul3A_262 : i32 to index
            %swap3A_264 = tpu.vector_load %arg12[%swap3A_263] {strides = array<i32>} : memref<128xi32, #tpu.memory_space<vmem>>, vector<16xi32>,
            %swap3A_265 = vector.shape_cast %swap3A_264 : vector<16xi32> to vector<16xi32>
            %swap3A_266 = vector.shape_cast %select_n3A_260 : vector<16xi32> to vector<16xi32>
            tpu.vector_store %arg12[%swap3A_263], %swap3A_266 {strides = array<i32>} : memref<128xi32, #tpu.memory_space<vmem>>, vector<16xi32>,
          }
          %scan3A_228 = arith.constant 8 : i32
        } else {
        }
        %eq3A_220 = arith.constant 1 : i32
        %eq3A_221 = arith.cmpi eq, %rem3A_156, %eq3A_220 : i32
        %convert_element_type3A_222 = arith.extui %eq3A_221 : i1 to i32
        %cond3A_223 = arith.constant 0 : i32
        %cond3A_224 = arith.cmpi ne, %convert_element_type3A_222, %cond3A_223 : i32
        scf.if %cond3A_224 {
          %scan3A = arith.constant 0 : i32
          %scan3A_225 = arith.constant 8 : i32
          %scan3A_226 = arith.addi %scan3A, %scan3A_225 : i32
          %scan3A_227 = arith.constant 1 : i32
          scf.for %scan3A_229 = %scan3A to %scan3A_226 step %scan3A_227  : i32 {
            %mul3A_230 = arith.constant 1 : i32
            %mul3A_231 = arith.muli %scan3A_229, %mul3A_230 : i32
            %add3A_232 = arith.constant 0 : i32
            %add3A_233 = arith.addi %add3A_232, %mul3A_231 : i32
            %mul3A_234 = arith.constant 16 : i32
            %mul3A_235 = arith.muli %add3A_233, %mul3A_234 : i32
            %get3A = arith.index_cast %mul3A_235 : i32 to index
            %get3A_236 = tpu.vector_load %arg7[%get3A] {strides = array<i32>} : memref<2304xi32, #tpu.memory_space<vmem>>, vector<16xi32>,
            %get3A_237 = vector.shape_cast %get3A_236 : vector<16xi32> to vector<16xi32>
            %mul3A_238 = arith.constant 16 : i32
            %mul3A_239 = arith.muli %add3A_233, %mul3A_238 : i32
            %swap3A = arith.index_cast %mul3A_239 : i32 to index
            %swap3A_240 = tpu.vector_load %arg11[%swap3A] {strides = array<i32>} : memref<128xi32, #tpu.memory_space<vmem>>, vector<16xi32>,
            %swap3A_241 = vector.shape_cast %swap3A_240 : vector<16xi32> to vector<16xi32>
            %swap3A_242 = vector.shape_cast %get3A_237 : vector<16xi32> to vector<16xi32>
            tpu.vector_store %arg11[%swap3A], %swap3A_242 {strides = array<i32>} : memref<128xi32, #tpu.memory_space<vmem>>, vector<16xi32>,
            %mul3A_243 = arith.constant 16 : i32
            %mul3A_244 = arith.muli %add3A_233, %mul3A_243 : i32
            %add3A_245 = arith.constant 128 : i32
            %add3A_246 = arith.addi %add3A_245, %mul3A_244 : i32
            %get3A_247 = arith.index_cast %add3A_246 : i32 to index
            %get3A_248 = tpu.vector_load %arg7[%get3A_247] {strides = array<i32>} : memref<2304xi32, #tpu.memory_space<vmem>>, vector<16xi32>,
            %get3A_249 = vector.shape_cast %get3A_248 : vector<16xi32> to vector<16xi32>
            %sub3A_250 = vector.broadcast %mul3A_0 : i32 to vector<16xi32>
            %sub3A_251 = arith.subi %get3A_249, %sub3A_250 : vector<16xi32>
            %ge3A_252 = arith.constant 0 : i32
            %ge3A_253 = vector.broadcast %ge3A_252 : i32 to vector<16xi32>
            %ge3A_254 = arith.cmpi sge, %sub3A_251, %ge3A_253 : vector<16xi32>
            %lt3A_255 = arith.constant 25000 : i32
            %lt3A_256 = vector.broadcast %lt3A_255 : i32 to vector<16xi32>
            %lt3A_257 = arith.cmpi slt, %sub3A_251, %lt3A_256 : vector<16xi32>
            %and3A_258 = arith.andi %ge3A_254, %lt3A_257 : vector<16xi1>
            %jit3A_259 = arith.constant 25000 : i32
            %broadcast_in_dim3A = vector.broadcast %jit3A_259 : i32 to vector<16xi32>
            %select_n3A_260 = arith.select %and3A_258, %sub3A_251, %broadcast_in_dim3A : vector<16xi1>, vector<16xi32>
            %mul3A_261 = arith.constant 16 : i32
            %mul3A_262 = arith.muli %add3A_233, %mul3A_261 : i32
            %swap3A_263 = arith.index_cast %mul3A_262 : i32 to index
            %swap3A_264 = tpu.vector_load %arg13[%swap3A_263] {strides = array<i32>} : memref<128xi32, #tpu.memory_space<vmem>>, vector<16xi32>,
            %swap3A_265 = vector.shape_cast %swap3A_264 : vector<16xi32> to vector<16xi32>
            %swap3A_266 = vector.shape_cast %select_n3A_260 : vector<16xi32> to vector<16xi32>
            tpu.vector_store %arg13[%swap3A_263], %swap3A_266 {strides = array<i32>} : memref<128xi32, #tpu.memory_space<vmem>>, vector<16xi32>,
          }
          %scan3A_228 = arith.constant 8 : i32
        } else {
        }
      } else {
      }
      %eq3A_185 = arith.constant 1 : i32
      %eq3A_186 = arith.cmpi eq, %rem3A_158, %eq3A_185 : i32
      %convert_element_type3A_187 = arith.extui %eq3A_186 : i1 to i32
      %cond3A_188 = arith.constant 0 : i32
      %cond3A_189 = arith.cmpi ne, %convert_element_type3A_187, %cond3A_188 : i32
      scf.if %cond3A_189 {
        %eq3A_215 = arith.constant 0 : i32
        %eq3A_216 = arith.cmpi eq, %rem3A_156, %eq3A_215 : i32
        %convert_element_type3A_217 = arith.extui %eq3A_216 : i1 to i32
        %cond3A_218 = arith.constant 0 : i32
        %cond3A_219 = arith.cmpi ne, %convert_element_type3A_217, %cond3A_218 : i32
        scf.if %cond3A_219 {
          %scan3A = arith.constant 0 : i32
          %scan3A_225 = arith.constant 8 : i32
          %scan3A_226 = arith.addi %scan3A, %scan3A_225 : i32
          %scan3A_227 = arith.constant 1 : i32
          scf.for %scan3A_229 = %scan3A to %scan3A_226 step %scan3A_227  : i32 {
            %mul3A_230 = arith.constant 1 : i32
            %mul3A_231 = arith.muli %scan3A_229, %mul3A_230 : i32
            %add3A_232 = arith.constant 0 : i32
            %add3A_233 = arith.addi %add3A_232, %mul3A_231 : i32
            %mul3A_234 = arith.constant 16 : i32
            %mul3A_235 = arith.muli %add3A_233, %mul3A_234 : i32
            %get3A = arith.index_cast %mul3A_235 : i32 to index
            %get3A_236 = tpu.vector_load %arg8[%get3A] {strides = array<i32>} : memref<2304xi32, #tpu.memory_space<vmem>>, vector<16xi32>,
            %get3A_237 = vector.shape_cast %get3A_236 : vector<16xi32> to vector<16xi32>
            %mul3A_238 = arith.constant 16 : i32
            %mul3A_239 = arith.muli %add3A_233, %mul3A_238 : i32
            %swap3A = arith.index_cast %mul3A_239 : i32 to index
            %swap3A_240 = tpu.vector_load %arg10[%swap3A] {strides = array<i32>} : memref<128xi32, #tpu.memory_space<vmem>>, vector<16xi32>,
            %swap3A_241 = vector.shape_cast %swap3A_240 : vector<16xi32> to vector<16xi32>
            %swap3A_242 = vector.shape_cast %get3A_237 : vector<16xi32> to vector<16xi32>
            tpu.vector_store %arg10[%swap3A], %swap3A_242 {strides = array<i32>} : memref<128xi32, #tpu.memory_space<vmem>>, vector<16xi32>,
            %mul3A_243 = arith.constant 16 : i32
            %mul3A_244 = arith.muli %add3A_233, %mul3A_243 : i32
            %add3A_245 = arith.constant 128 : i32
            %add3A_246 = arith.addi %add3A_245, %mul3A_244 : i32
            %get3A_247 = arith.index_cast %add3A_246 : i32 to index
            %get3A_248 = tpu.vector_load %arg8[%get3A_247] {strides = array<i32>} : memref<2304xi32, #tpu.memory_space<vmem>>, vector<16xi32>,
            %get3A_249 = vector.shape_cast %get3A_248 : vector<16xi32> to vector<16xi32>
            %sub3A_250 = vector.broadcast %mul3A_0 : i32 to vector<16xi32>
            %sub3A_251 = arith.subi %get3A_249, %sub3A_250 : vector<16xi32>
            %ge3A_252 = arith.constant 0 : i32
            %ge3A_253 = vector.broadcast %ge3A_252 : i32 to vector<16xi32>
            %ge3A_254 = arith.cmpi sge, %sub3A_251, %ge3A_253 : vector<16xi32>
            %lt3A_255 = arith.constant 25000 : i32
            %lt3A_256 = vector.broadcast %lt3A_255 : i32 to vector<16xi32>
            %lt3A_257 = arith.cmpi slt, %sub3A_251, %lt3A_256 : vector<16xi32>
            %and3A_258 = arith.andi %ge3A_254, %lt3A_257 : vector<16xi1>
            %jit3A_259 = arith.constant 25000 : i32
            %broadcast_in_dim3A = vector.broadcast %jit3A_259 : i32 to vector<16xi32>
            %select_n3A_260 = arith.select %and3A_258, %sub3A_251, %broadcast_in_dim3A : vector<16xi1>, vector<16xi32>
            %mul3A_261 = arith.constant 16 : i32
            %mul3A_262 = arith.muli %add3A_233, %mul3A_261 : i32
            %swap3A_263 = arith.index_cast %mul3A_262 : i32 to index
            %swap3A_264 = tpu.vector_load %arg12[%swap3A_263] {strides = array<i32>} : memref<128xi32, #tpu.memory_space<vmem>>, vector<16xi32>,
            %swap3A_265 = vector.shape_cast %swap3A_264 : vector<16xi32> to vector<16xi32>
            %swap3A_266 = vector.shape_cast %select_n3A_260 : vector<16xi32> to vector<16xi32>
            tpu.vector_store %arg12[%swap3A_263], %swap3A_266 {strides = array<i32>} : memref<128xi32, #tpu.memory_space<vmem>>, vector<16xi32>,
          }
          %scan3A_228 = arith.constant 8 : i32
        } else {
        }
        %eq3A_220 = arith.constant 1 : i32
        %eq3A_221 = arith.cmpi eq, %rem3A_156, %eq3A_220 : i32
        %convert_element_type3A_222 = arith.extui %eq3A_221 : i1 to i32
        %cond3A_223 = arith.constant 0 : i32
        %cond3A_224 = arith.cmpi ne, %convert_element_type3A_222, %cond3A_223 : i32
        scf.if %cond3A_224 {
          %scan3A = arith.constant 0 : i32
          %scan3A_225 = arith.constant 8 : i32
          %scan3A_226 = arith.addi %scan3A, %scan3A_225 : i32
          %scan3A_227 = arith.constant 1 : i32
          scf.for %scan3A_229 = %scan3A to %scan3A_226 step %scan3A_227  : i32 {
            %mul3A_230 = arith.constant 1 : i32
            %mul3A_231 = arith.muli %scan3A_229, %mul3A_230 : i32
            %add3A_232 = arith.constant 0 : i32
            %add3A_233 = arith.addi %add3A_232, %mul3A_231 : i32
            %mul3A_234 = arith.constant 16 : i32
            %mul3A_235 = arith.muli %add3A_233, %mul3A_234 : i32
            %get3A = arith.index_cast %mul3A_235 : i32 to index
            %get3A_236 = tpu.vector_load %arg8[%get3A] {strides = array<i32>} : memref<2304xi32, #tpu.memory_space<vmem>>, vector<16xi32>,
            %get3A_237 = vector.shape_cast %get3A_236 : vector<16xi32> to vector<16xi32>
            %mul3A_238 = arith.constant 16 : i32
            %mul3A_239 = arith.muli %add3A_233, %mul3A_238 : i32
            %swap3A = arith.index_cast %mul3A_239 : i32 to index
            %swap3A_240 = tpu.vector_load %arg11[%swap3A] {strides = array<i32>} : memref<128xi32, #tpu.memory_space<vmem>>, vector<16xi32>,
            %swap3A_241 = vector.shape_cast %swap3A_240 : vector<16xi32> to vector<16xi32>
            %swap3A_242 = vector.shape_cast %get3A_237 : vector<16xi32> to vector<16xi32>
            tpu.vector_store %arg11[%swap3A], %swap3A_242 {strides = array<i32>} : memref<128xi32, #tpu.memory_space<vmem>>, vector<16xi32>,
            %mul3A_243 = arith.constant 16 : i32
            %mul3A_244 = arith.muli %add3A_233, %mul3A_243 : i32
            %add3A_245 = arith.constant 128 : i32
            %add3A_246 = arith.addi %add3A_245, %mul3A_244 : i32
            %get3A_247 = arith.index_cast %add3A_246 : i32 to index
            %get3A_248 = tpu.vector_load %arg8[%get3A_247] {strides = array<i32>} : memref<2304xi32, #tpu.memory_space<vmem>>, vector<16xi32>,
            %get3A_249 = vector.shape_cast %get3A_248 : vector<16xi32> to vector<16xi32>
            %sub3A_250 = vector.broadcast %mul3A_0 : i32 to vector<16xi32>
            %sub3A_251 = arith.subi %get3A_249, %sub3A_250 : vector<16xi32>
            %ge3A_252 = arith.constant 0 : i32
            %ge3A_253 = vector.broadcast %ge3A_252 : i32 to vector<16xi32>
            %ge3A_254 = arith.cmpi sge, %sub3A_251, %ge3A_253 : vector<16xi32>
            %lt3A_255 = arith.constant 25000 : i32
            %lt3A_256 = vector.broadcast %lt3A_255 : i32 to vector<16xi32>
            %lt3A_257 = arith.cmpi slt, %sub3A_251, %lt3A_256 : vector<16xi32>
            %and3A_258 = arith.andi %ge3A_254, %lt3A_257 : vector<16xi1>
            %jit3A_259 = arith.constant 25000 : i32
            %broadcast_in_dim3A = vector.broadcast %jit3A_259 : i32 to vector<16xi32>
            %select_n3A_260 = arith.select %and3A_258, %sub3A_251, %broadcast_in_dim3A : vector<16xi1>, vector<16xi32>
            %mul3A_261 = arith.constant 16 : i32
            %mul3A_262 = arith.muli %add3A_233, %mul3A_261 : i32
            %swap3A_263 = arith.index_cast %mul3A_262 : i32 to index
            %swap3A_264 = tpu.vector_load %arg13[%swap3A_263] {strides = array<i32>} : memref<128xi32, #tpu.memory_space<vmem>>, vector<16xi32>,
            %swap3A_265 = vector.shape_cast %swap3A_264 : vector<16xi32> to vector<16xi32>
            %swap3A_266 = vector.shape_cast %select_n3A_260 : vector<16xi32> to vector<16xi32>
            tpu.vector_store %arg13[%swap3A_263], %swap3A_266 {strides = array<i32>} : memref<128xi32, #tpu.memory_space<vmem>>, vector<16xi32>,
          }
          %scan3A_228 = arith.constant 8 : i32
        } else {
        }
      } else {
      }
      %eq3A_190 = arith.constant 2 : i32
      %eq3A_191 = arith.cmpi eq, %rem3A_158, %eq3A_190 : i32
      %convert_element_type3A_192 = arith.extui %eq3A_191 : i1 to i32
      %cond3A_193 = arith.constant 0 : i32
      %cond3A_194 = arith.cmpi ne, %convert_element_type3A_192, %cond3A_193 : i32
      scf.if %cond3A_194 {
        %eq3A_215 = arith.constant 0 : i32
        %eq3A_216 = arith.cmpi eq, %rem3A_156, %eq3A_215 : i32
        %convert_element_type3A_217 = arith.extui %eq3A_216 : i1 to i32
        %cond3A_218 = arith.constant 0 : i32
        %cond3A_219 = arith.cmpi ne, %convert_element_type3A_217, %cond3A_218 : i32
        scf.if %cond3A_219 {
          %scan3A = arith.constant 0 : i32
          %scan3A_225 = arith.constant 8 : i32
          %scan3A_226 = arith.addi %scan3A, %scan3A_225 : i32
          %scan3A_227 = arith.constant 1 : i32
          scf.for %scan3A_229 = %scan3A to %scan3A_226 step %scan3A_227  : i32 {
            %mul3A_230 = arith.constant 1 : i32
            %mul3A_231 = arith.muli %scan3A_229, %mul3A_230 : i32
            %add3A_232 = arith.constant 0 : i32
            %add3A_233 = arith.addi %add3A_232, %mul3A_231 : i32
            %mul3A_234 = arith.constant 16 : i32
            %mul3A_235 = arith.muli %add3A_233, %mul3A_234 : i32
            %get3A = arith.index_cast %mul3A_235 : i32 to index
            %get3A_236 = tpu.vector_load %arg9[%get3A] {strides = array<i32>} : memref<2304xi32, #tpu.memory_space<vmem>>, vector<16xi32>,
            %get3A_237 = vector.shape_cast %get3A_236 : vector<16xi32> to vector<16xi32>
            %mul3A_238 = arith.constant 16 : i32
            %mul3A_239 = arith.muli %add3A_233, %mul3A_238 : i32
            %swap3A = arith.index_cast %mul3A_239 : i32 to index
            %swap3A_240 = tpu.vector_load %arg10[%swap3A] {strides = array<i32>} : memref<128xi32, #tpu.memory_space<vmem>>, vector<16xi32>,
            %swap3A_241 = vector.shape_cast %swap3A_240 : vector<16xi32> to vector<16xi32>
            %swap3A_242 = vector.shape_cast %get3A_237 : vector<16xi32> to vector<16xi32>
            tpu.vector_store %arg10[%swap3A], %swap3A_242 {strides = array<i32>} : memref<128xi32, #tpu.memory_space<vmem>>, vector<16xi32>,
            %mul3A_243 = arith.constant 16 : i32
            %mul3A_244 = arith.muli %add3A_233, %mul3A_243 : i32
            %add3A_245 = arith.constant 128 : i32
            %add3A_246 = arith.addi %add3A_245, %mul3A_244 : i32
            %get3A_247 = arith.index_cast %add3A_246 : i32 to index
            %get3A_248 = tpu.vector_load %arg9[%get3A_247] {strides = array<i32>} : memref<2304xi32, #tpu.memory_space<vmem>>, vector<16xi32>,
            %get3A_249 = vector.shape_cast %get3A_248 : vector<16xi32> to vector<16xi32>
            %sub3A_250 = vector.broadcast %mul3A_0 : i32 to vector<16xi32>
            %sub3A_251 = arith.subi %get3A_249, %sub3A_250 : vector<16xi32>
            %ge3A_252 = arith.constant 0 : i32
            %ge3A_253 = vector.broadcast %ge3A_252 : i32 to vector<16xi32>
            %ge3A_254 = arith.cmpi sge, %sub3A_251, %ge3A_253 : vector<16xi32>
            %lt3A_255 = arith.constant 25000 : i32
            %lt3A_256 = vector.broadcast %lt3A_255 : i32 to vector<16xi32>
            %lt3A_257 = arith.cmpi slt, %sub3A_251, %lt3A_256 : vector<16xi32>
            %and3A_258 = arith.andi %ge3A_254, %lt3A_257 : vector<16xi1>
            %jit3A_259 = arith.constant 25000 : i32
            %broadcast_in_dim3A = vector.broadcast %jit3A_259 : i32 to vector<16xi32>
            %select_n3A_260 = arith.select %and3A_258, %sub3A_251, %broadcast_in_dim3A : vector<16xi1>, vector<16xi32>
            %mul3A_261 = arith.constant 16 : i32
            %mul3A_262 = arith.muli %add3A_233, %mul3A_261 : i32
            %swap3A_263 = arith.index_cast %mul3A_262 : i32 to index
            %swap3A_264 = tpu.vector_load %arg12[%swap3A_263] {strides = array<i32>} : memref<128xi32, #tpu.memory_space<vmem>>, vector<16xi32>,
            %swap3A_265 = vector.shape_cast %swap3A_264 : vector<16xi32> to vector<16xi32>
            %swap3A_266 = vector.shape_cast %select_n3A_260 : vector<16xi32> to vector<16xi32>
            tpu.vector_store %arg12[%swap3A_263], %swap3A_266 {strides = array<i32>} : memref<128xi32, #tpu.memory_space<vmem>>, vector<16xi32>,
          }
          %scan3A_228 = arith.constant 8 : i32
        } else {
        }
        %eq3A_220 = arith.constant 1 : i32
        %eq3A_221 = arith.cmpi eq, %rem3A_156, %eq3A_220 : i32
        %convert_element_type3A_222 = arith.extui %eq3A_221 : i1 to i32
        %cond3A_223 = arith.constant 0 : i32
        %cond3A_224 = arith.cmpi ne, %convert_element_type3A_222, %cond3A_223 : i32
        scf.if %cond3A_224 {
          %scan3A = arith.constant 0 : i32
          %scan3A_225 = arith.constant 8 : i32
          %scan3A_226 = arith.addi %scan3A, %scan3A_225 : i32
          %scan3A_227 = arith.constant 1 : i32
          scf.for %scan3A_229 = %scan3A to %scan3A_226 step %scan3A_227  : i32 {
            %mul3A_230 = arith.constant 1 : i32
            %mul3A_231 = arith.muli %scan3A_229, %mul3A_230 : i32
            %add3A_232 = arith.constant 0 : i32
            %add3A_233 = arith.addi %add3A_232, %mul3A_231 : i32
            %mul3A_234 = arith.constant 16 : i32
            %mul3A_235 = arith.muli %add3A_233, %mul3A_234 : i32
            %get3A = arith.index_cast %mul3A_235 : i32 to index
            %get3A_236 = tpu.vector_load %arg9[%get3A] {strides = array<i32>} : memref<2304xi32, #tpu.memory_space<vmem>>, vector<16xi32>,
            %get3A_237 = vector.shape_cast %get3A_236 : vector<16xi32> to vector<16xi32>
            %mul3A_238 = arith.constant 16 : i32
            %mul3A_239 = arith.muli %add3A_233, %mul3A_238 : i32
            %swap3A = arith.index_cast %mul3A_239 : i32 to index
            %swap3A_240 = tpu.vector_load %arg11[%swap3A] {strides = array<i32>} : memref<128xi32, #tpu.memory_space<vmem>>, vector<16xi32>,
            %swap3A_241 = vector.shape_cast %swap3A_240 : vector<16xi32> to vector<16xi32>
            %swap3A_242 = vector.shape_cast %get3A_237 : vector<16xi32> to vector<16xi32>
            tpu.vector_store %arg11[%swap3A], %swap3A_242 {strides = array<i32>} : memref<128xi32, #tpu.memory_space<vmem>>, vector<16xi32>,
            %mul3A_243 = arith.constant 16 : i32
            %mul3A_244 = arith.muli %add3A_233, %mul3A_243 : i32
            %add3A_245 = arith.constant 128 : i32
            %add3A_246 = arith.addi %add3A_245, %mul3A_244 : i32
            %get3A_247 = arith.index_cast %add3A_246 : i32 to index
            %get3A_248 = tpu.vector_load %arg9[%get3A_247] {strides = array<i32>} : memref<2304xi32, #tpu.memory_space<vmem>>, vector<16xi32>,
            %get3A_249 = vector.shape_cast %get3A_248 : vector<16xi32> to vector<16xi32>
            %sub3A_250 = vector.broadcast %mul3A_0 : i32 to vector<16xi32>
            %sub3A_251 = arith.subi %get3A_249, %sub3A_250 : vector<16xi32>
            %ge3A_252 = arith.constant 0 : i32
            %ge3A_253 = vector.broadcast %ge3A_252 : i32 to vector<16xi32>
            %ge3A_254 = arith.cmpi sge, %sub3A_251, %ge3A_253 : vector<16xi32>
            %lt3A_255 = arith.constant 25000 : i32
            %lt3A_256 = vector.broadcast %lt3A_255 : i32 to vector<16xi32>
            %lt3A_257 = arith.cmpi slt, %sub3A_251, %lt3A_256 : vector<16xi32>
            %and3A_258 = arith.andi %ge3A_254, %lt3A_257 : vector<16xi1>
            %jit3A_259 = arith.constant 25000 : i32
            %broadcast_in_dim3A = vector.broadcast %jit3A_259 : i32 to vector<16xi32>
            %select_n3A_260 = arith.select %and3A_258, %sub3A_251, %broadcast_in_dim3A : vector<16xi1>, vector<16xi32>
            %mul3A_261 = arith.constant 16 : i32
            %mul3A_262 = arith.muli %add3A_233, %mul3A_261 : i32
            %swap3A_263 = arith.index_cast %mul3A_262 : i32 to index
            %swap3A_264 = tpu.vector_load %arg13[%swap3A_263] {strides = array<i32>} : memref<128xi32, #tpu.memory_space<vmem>>, vector<16xi32>,
            %swap3A_265 = vector.shape_cast %swap3A_264 : vector<16xi32> to vector<16xi32>
            %swap3A_266 = vector.shape_cast %select_n3A_260 : vector<16xi32> to vector<16xi32>
            tpu.vector_store %arg13[%swap3A_263], %swap3A_266 {strides = array<i32>} : memref<128xi32, #tpu.memory_space<vmem>>, vector<16xi32>,
          }
          %scan3A_228 = arith.constant 8 : i32
        } else {
        }
      } else {
      }
      %eq3A_195 = arith.constant 0 : i32
      %eq3A_196 = arith.cmpi eq, %rem3A_156, %eq3A_195 : i32
      %convert_element_type3A_197 = arith.extui %eq3A_196 : i1 to i32
      %cond3A_198 = arith.constant 0 : i32
      %cond3A_199 = arith.cmpi ne, %convert_element_type3A_197, %cond3A_198 : i32
      scf.if %cond3A_199 {
        %dma_start3A_215 = arith.constant 0 : i32
        %dma_start3A_216 = arith.constant 0 : i32
        %dma_start3A_217 = tpu.memref_slice %arg3[%dma_start3A_215, %dma_start3A_216] : memref<50000x64xf32, #tpu.memory_space<hbm>> -> memref<50000x64xf32, #tpu.memory_space<hbm>>
        tpu.enqueue_indirect_dma source(%dma_start3A_217 : memref<50000x64xf32, #tpu.memory_space<hbm>>) target(%arg14 : memref<128x64xf32, #tpu.memory_space<vmem>>) offsets(%arg10 : memref<128xi32, #tpu.memory_space<vmem>>) semaphore(%arg19 : memref<!tpu.dma_semaphore, #tpu.memory_space<semaphore_mem>>)
      } else {
      }
      %eq3A_200 = arith.constant 1 : i32
      %eq3A_201 = arith.cmpi eq, %rem3A_156, %eq3A_200 : i32
      %convert_element_type3A_202 = arith.extui %eq3A_201 : i1 to i32
      %cond3A_203 = arith.constant 0 : i32
      %cond3A_204 = arith.cmpi ne, %convert_element_type3A_202, %cond3A_203 : i32
      scf.if %cond3A_204 {
        %dma_start3A_215 = arith.constant 0 : i32
        %dma_start3A_216 = arith.constant 0 : i32
        %dma_start3A_217 = tpu.memref_slice %arg3[%dma_start3A_215, %dma_start3A_216] : memref<50000x64xf32, #tpu.memory_space<hbm>> -> memref<50000x64xf32, #tpu.memory_space<hbm>>
        tpu.enqueue_indirect_dma source(%dma_start3A_217 : memref<50000x64xf32, #tpu.memory_space<hbm>>) target(%arg15 : memref<128x64xf32, #tpu.memory_space<vmem>>) offsets(%arg11 : memref<128xi32, #tpu.memory_space<vmem>>) semaphore(%arg20 : memref<!tpu.dma_semaphore, #tpu.memory_space<semaphore_mem>>)
      } else {
      }
      %ge3A_205 = arith.constant 1 : i32
      %ge3A_206 = arith.cmpi sge, %add3A_154, %ge3A_205 : i32
      %convert_element_type3A_207 = arith.extui %ge3A_206 : i1 to i32
      %cond3A_208 = arith.constant 0 : i32
      %cond3A_209 = arith.cmpi ne, %convert_element_type3A_207, %cond3A_208 : i32
      scf.if %cond3A_209 {
        %add3A_215 = arith.constant 2 : i32
        %add3A_216 = arith.addi %add3A_154, %add3A_215 : i32
        %rem3A_217 = arith.constant 3 : i32
        %rem3A_218 = arith.remsi %add3A_216, %rem3A_217 : i32
        %eq3A_219 = arith.constant 0 : i32
        %eq3A_220 = arith.cmpi eq, %sub3A_160, %eq3A_219 : i32
        %convert_element_type3A_221 = arith.extui %eq3A_220 : i1 to i32
        %cond3A_222 = arith.constant 0 : i32
        %cond3A_223 = arith.cmpi ne, %convert_element_type3A_221, %cond3A_222 : i32
        scf.if %cond3A_223 {
          %dma_wait3A = arith.constant 0 : i32
          %dma_wait3A_254 = arith.constant 0 : i32
          %dma_wait3A_255 = tpu.memref_slice %arg3[%dma_wait3A, %dma_wait3A_254] : memref<50000x64xf32, #tpu.memory_space<hbm>> -> memref<50000x64xf32, #tpu.memory_space<hbm>>
          tpu.wait_indirect_dma semaphore(%arg19 : memref<!tpu.dma_semaphore, #tpu.memory_space<semaphore_mem>>) src(%dma_wait3A_255 : memref<50000x64xf32, #tpu.memory_space<hbm>>) dst(%arg14 : memref<128x64xf32, #tpu.memory_space<vmem>>)
        } else {
        }
        %eq3A_224 = arith.constant 1 : i32
        %eq3A_225 = arith.cmpi eq, %sub3A_160, %eq3A_224 : i32
        %convert_element_type3A_226 = arith.extui %eq3A_225 : i1 to i32
        %cond3A_227 = arith.constant 0 : i32
        %cond3A_228 = arith.cmpi ne, %convert_element_type3A_226, %cond3A_227 : i32
        scf.if %cond3A_228 {
          %dma_wait3A = arith.constant 0 : i32
          %dma_wait3A_254 = arith.constant 0 : i32
          %dma_wait3A_255 = tpu.memref_slice %arg3[%dma_wait3A, %dma_wait3A_254] : memref<50000x64xf32, #tpu.memory_space<hbm>> -> memref<50000x64xf32, #tpu.memory_space<hbm>>
          tpu.wait_indirect_dma semaphore(%arg20 : memref<!tpu.dma_semaphore, #tpu.memory_space<semaphore_mem>>) src(%dma_wait3A_255 : memref<50000x64xf32, #tpu.memory_space<hbm>>) dst(%arg15 : memref<128x64xf32, #tpu.memory_space<vmem>>)
        } else {
        }
        %eq3A_229 = arith.constant 0 : i32
        %eq3A_230 = arith.cmpi eq, %rem3A_218, %eq3A_229 : i32
        %convert_element_type3A_231 = arith.extui %eq3A_230 : i1 to i32
        %cond3A_232 = arith.constant 0 : i32
        %cond3A_233 = arith.cmpi ne, %convert_element_type3A_231, %cond3A_232 : i32
        scf.if %cond3A_233 {
          %eq3A_254 = arith.constant 0 : i32
          %eq3A_255 = arith.cmpi eq, %sub3A_160, %eq3A_254 : i32
          %convert_element_type3A_256 = arith.extui %eq3A_255 : i1 to i32
          %cond3A_257 = arith.constant 0 : i32
          %cond3A_258 = arith.cmpi ne, %convert_element_type3A_256, %cond3A_257 : i32
          scf.if %cond3A_258 {
          } else {
          }
          %eq3A_259 = arith.constant 1 : i32
          %eq3A_260 = arith.cmpi eq, %sub3A_160, %eq3A_259 : i32
          %convert_element_type3A_261 = arith.extui %eq3A_260 : i1 to i32
          %cond3A_262 = arith.constant 0 : i32
          %cond3A_263 = arith.cmpi ne, %convert_element_type3A_261, %cond3A_262 : i32
          scf.if %cond3A_263 {
          } else {
          }
        } else {
        }
        %eq3A_234 = arith.constant 1 : i32
        %eq3A_235 = arith.cmpi eq, %rem3A_218, %eq3A_234 : i32
        %convert_element_type3A_236 = arith.extui %eq3A_235 : i1 to i32
        %cond3A_237 = arith.constant 0 : i32
        %cond3A_238 = arith.cmpi ne, %convert_element_type3A_236, %cond3A_237 : i32
        scf.if %cond3A_238 {
          %eq3A_254 = arith.constant 0 : i32
          %eq3A_255 = arith.cmpi eq, %sub3A_160, %eq3A_254 : i32
          %convert_element_type3A_256 = arith.extui %eq3A_255 : i1 to i32
          %cond3A_257 = arith.constant 0 : i32
          %cond3A_258 = arith.cmpi ne, %convert_element_type3A_256, %cond3A_257 : i32
          scf.if %cond3A_258 {
          } else {
          }
          %eq3A_259 = arith.constant 1 : i32
          %eq3A_260 = arith.cmpi eq, %sub3A_160, %eq3A_259 : i32
          %convert_element_type3A_261 = arith.extui %eq3A_260 : i1 to i32
          %cond3A_262 = arith.constant 0 : i32
          %cond3A_263 = arith.cmpi ne, %convert_element_type3A_261, %cond3A_262 : i32
          scf.if %cond3A_263 {
          } else {
          }
        } else {
        }
        %eq3A_239 = arith.constant 2 : i32
        %eq3A_240 = arith.cmpi eq, %rem3A_218, %eq3A_239 : i32
        %convert_element_type3A_241 = arith.extui %eq3A_240 : i1 to i32
        %cond3A_242 = arith.constant 0 : i32
        %cond3A_243 = arith.cmpi ne, %convert_element_type3A_241, %cond3A_242 : i32
        scf.if %cond3A_243 {
          %eq3A_254 = arith.constant 0 : i32
          %eq3A_255 = arith.cmpi eq, %sub3A_160, %eq3A_254 : i32
          %convert_element_type3A_256 = arith.extui %eq3A_255 : i1 to i32
          %cond3A_257 = arith.constant 0 : i32
          %cond3A_258 = arith.cmpi ne, %convert_element_type3A_256, %cond3A_257 : i32
          scf.if %cond3A_258 {
          } else {
          }
          %eq3A_259 = arith.constant 1 : i32
          %eq3A_260 = arith.cmpi eq, %sub3A_160, %eq3A_259 : i32
          %convert_element_type3A_261 = arith.extui %eq3A_260 : i1 to i32
          %cond3A_262 = arith.constant 0 : i32
          %cond3A_263 = arith.cmpi ne, %convert_element_type3A_261, %cond3A_262 : i32
          scf.if %cond3A_263 {
          } else {
          }
        } else {
        }
        %eq3A_244 = arith.constant 0 : i32
        %eq3A_245 = arith.cmpi eq, %sub3A_160, %eq3A_244 : i32
        %convert_element_type3A_246 = arith.extui %eq3A_245 : i1 to i32
        %cond3A_247 = arith.constant 0 : i32
        %cond3A_248 = arith.cmpi ne, %convert_element_type3A_246, %cond3A_247 : i32
        scf.if %cond3A_248 {
          %dma_start3A_254 = arith.constant 0 : i32
          %dma_start3A_255 = arith.constant 0 : i32
          %dma_start3A_256 = tpu.memref_slice %arg6[%dma_start3A_254, %dma_start3A_255] : memref<25088x64xf32, #tpu.memory_space<vmem_shared>> -> memref<25088x64xf32, #tpu.memory_space<vmem_shared>>
          tpu.enqueue_indirect_dma source(%arg14 : memref<128x64xf32, #tpu.memory_space<vmem>>) target(%dma_start3A_256 : memref<25088x64xf32, #tpu.memory_space<vmem_shared>>) offsets(%arg12 : memref<128xi32, #tpu.memory_space<vmem>>) semaphore(%arg21 : memref<!tpu.dma_semaphore, #tpu.memory_space<semaphore_mem>>) {add = true}
        } else {
        }
        %eq3A_249 = arith.constant 1 : i32
        %eq3A_250 = arith.cmpi eq, %sub3A_160, %eq3A_249 : i32
        %convert_element_type3A_251 = arith.extui %eq3A_250 : i1 to i32
        %cond3A_252 = arith.constant 0 : i32
        %cond3A_253 = arith.cmpi ne, %convert_element_type3A_251, %cond3A_252 : i32
        scf.if %cond3A_253 {
          %dma_start3A_254 = arith.constant 0 : i32
          %dma_start3A_255 = arith.constant 0 : i32
          %dma_start3A_256 = tpu.memref_slice %arg6[%dma_start3A_254, %dma_start3A_255] : memref<25088x64xf32, #tpu.memory_space<vmem_shared>> -> memref<25088x64xf32, #tpu.memory_space<vmem_shared>>
          tpu.enqueue_indirect_dma source(%arg15 : memref<128x64xf32, #tpu.memory_space<vmem>>) target(%dma_start3A_256 : memref<25088x64xf32, #tpu.memory_space<vmem_shared>>) offsets(%arg13 : memref<128xi32, #tpu.memory_space<vmem>>) semaphore(%arg22 : memref<!tpu.dma_semaphore, #tpu.memory_space<semaphore_mem>>) {add = true}
        } else {
        }
      } else {
      }
      %add3A_210 = arith.constant 2 : i32
      %add3A_211 = arith.addi %add3A_154, %add3A_210 : i32
      %lt3A = arith.cmpi slt, %add3A_211, %select_n3A : i32
      %convert_element_type3A_212 = arith.extui %lt3A : i1 to i32
      %cond3A_213 = arith.constant 0 : i32
      %cond3A_214 = arith.cmpi ne, %convert_element_type3A_212, %cond3A_213 : i32
      scf.if %cond3A_214 {
        %add3A_215 = arith.constant 2 : i32
        %add3A_216 = arith.addi %add3A_154, %add3A_215 : i32
        %rem3A_217 = arith.constant 3 : i32
        %rem3A_218 = arith.remsi %add3A_216, %rem3A_217 : i32
        %eq3A_219 = arith.constant 0 : i32
        %eq3A_220 = arith.cmpi eq, %rem3A_218, %eq3A_219 : i32
        %convert_element_type3A_221 = arith.extui %eq3A_220 : i1 to i32
        %cond3A_222 = arith.constant 0 : i32
        %cond3A_223 = arith.cmpi ne, %convert_element_type3A_221, %cond3A_222 : i32
        scf.if %cond3A_223 {
          %add3A_234 = arith.constant 2 : i32
          %add3A_235 = arith.addi %add3A_154, %add3A_234 : i32
          %mul3A_236 = arith.constant 16 : i32
          %mul3A_237 = arith.muli %add3A_235, %mul3A_236 : i32
          %add3A_238 = arith.addi %arg1, %mul3A_237 : i32
          %dma_start3A_239 = arith.constant 0 : i32
          %dma_start3A_240 = tpu.memref_slice %arg2[%add3A_238, %dma_start3A_239] : memref<6250x2304xi32, #tpu.memory_space<hbm>> -> memref<1x2304xi32, #tpu.memory_space<hbm>>
          %dma_start3A_241 = tpu.memref_squeeze %dma_start3A_240 : memref<1x2304xi32, #tpu.memory_space<hbm>> -> memref<2304xi32, #tpu.memory_space<hbm>>
          %dma_start3A_242 = arith.constant 0 : i32
          %dma_start3A_243 = tpu.memref_slice %arg2[%add3A_238, %dma_start3A_242] : memref<6250x2304xi32, #tpu.memory_space<hbm>> -> memref<1x2304xi32, #tpu.memory_space<hbm>>
          %dma_start3A_244 = tpu.memref_squeeze %dma_start3A_243 : memref<1x2304xi32, #tpu.memory_space<hbm>> -> memref<2304xi32, #tpu.memory_space<hbm>>
          tpu.enqueue_dma source(%dma_start3A_244 : memref<2304xi32, #tpu.memory_space<hbm>>) target(%arg7 : memref<2304xi32, #tpu.memory_space<vmem>>) target_semaphore(%arg16 : memref<!tpu.dma_semaphore, #tpu.memory_space<semaphore_mem>>)
        } else {
        }
        %eq3A_224 = arith.constant 1 : i32
        %eq3A_225 = arith.cmpi eq, %rem3A_218, %eq3A_224 : i32
        %convert_element_type3A_226 = arith.extui %eq3A_225 : i1 to i32
        %cond3A_227 = arith.constant 0 : i32
        %cond3A_228 = arith.cmpi ne, %convert_element_type3A_226, %cond3A_227 : i32
        scf.if %cond3A_228 {
          %add3A_234 = arith.constant 2 : i32
          %add3A_235 = arith.addi %add3A_154, %add3A_234 : i32
          %mul3A_236 = arith.constant 16 : i32
          %mul3A_237 = arith.muli %add3A_235, %mul3A_236 : i32
          %add3A_238 = arith.addi %arg1, %mul3A_237 : i32
          %dma_start3A_239 = arith.constant 0 : i32
          %dma_start3A_240 = tpu.memref_slice %arg2[%add3A_238, %dma_start3A_239] : memref<6250x2304xi32, #tpu.memory_space<hbm>> -> memref<1x2304xi32, #tpu.memory_space<hbm>>
          %dma_start3A_241 = tpu.memref_squeeze %dma_start3A_240 : memref<1x2304xi32, #tpu.memory_space<hbm>> -> memref<2304xi32, #tpu.memory_space<hbm>>
          %dma_start3A_242 = arith.constant 0 : i32
          %dma_start3A_243 = tpu.memref_slice %arg2[%add3A_238, %dma_start3A_242] : memref<6250x2304xi32, #tpu.memory_space<hbm>> -> memref<1x2304xi32, #tpu.memory_space<hbm>>
          %dma_start3A_244 = tpu.memref_squeeze %dma_start3A_243 : memref<1x2304xi32, #tpu.memory_space<hbm>> -> memref<2304xi32, #tpu.memory_space<hbm>>
          tpu.enqueue_dma source(%dma_start3A_244 : memref<2304xi32, #tpu.memory_space<hbm>>) target(%arg8 : memref<2304xi32, #tpu.memory_space<vmem>>) target_semaphore(%arg17 : memref<!tpu.dma_semaphore, #tpu.memory_space<semaphore_mem>>)
        } else {
        }
        %eq3A_229 = arith.constant 2 : i32
        %eq3A_230 = arith.cmpi eq, %rem3A_218, %eq3A_229 : i32
        %convert_element_type3A_231 = arith.extui %eq3A_230 : i1 to i32
        %cond3A_232 = arith.constant 0 : i32
        %cond3A_233 = arith.cmpi ne, %convert_element_type3A_231, %cond3A_232 : i32
        scf.if %cond3A_233 {
          %add3A_234 = arith.constant 2 : i32
          %add3A_235 = arith.addi %add3A_154, %add3A_234 : i32
          %mul3A_236 = arith.constant 16 : i32
          %mul3A_237 = arith.muli %add3A_235, %mul3A_236 : i32
          %add3A_238 = arith.addi %arg1, %mul3A_237 : i32
          %dma_start3A_239 = arith.constant 0 : i32
          %dma_start3A_240 = tpu.memref_slice %arg2[%add3A_238, %dma_start3A_239] : memref<6250x2304xi32, #tpu.memory_space<hbm>> -> memref<1x2304xi32, #tpu.memory_space<hbm>>
          %dma_start3A_241 = tpu.memref_squeeze %dma_start3A_240 : memref<1x2304xi32, #tpu.memory_space<hbm>> -> memref<2304xi32, #tpu.memory_space<hbm>>
          %dma_start3A_242 = arith.constant 0 : i32
          %dma_start3A_243 = tpu.memref_slice %arg2[%add3A_238, %dma_start3A_242] : memref<6250x2304xi32, #tpu.memory_space<hbm>> -> memref<1x2304xi32, #tpu.memory_space<hbm>>
          %dma_start3A_244 = tpu.memref_squeeze %dma_start3A_243 : memref<1x2304xi32, #tpu.memory_space<hbm>> -> memref<2304xi32, #tpu.memory_space<hbm>>
          tpu.enqueue_dma source(%dma_start3A_244 : memref<2304xi32, #tpu.memory_space<hbm>>) target(%arg9 : memref<2304xi32, #tpu.memory_space<vmem>>) target_semaphore(%arg18 : memref<!tpu.dma_semaphore, #tpu.memory_space<semaphore_mem>>)
        } else {
        }
      } else {
      }
    }
    %while3A_70 = arith.constant 1 : i32
    scf.for %while3A_152 = %while3A_68 to %while3A_64 step %while3A_70  : i32 {
      %mul3A_153 = arith.muli %while3A_152, %while3A : i32
      %add3A_154 = arith.addi %while3A_61, %mul3A_153 : i32
      %rem3A_155 = arith.constant 2 : i32
      %rem3A_156 = arith.remsi %add3A_154, %rem3A_155 : i32
      %rem3A_157 = arith.constant 3 : i32
      %rem3A_158 = arith.remsi %add3A_154, %rem3A_157 : i32
      %sub3A_159 = arith.constant 1 : i32
      %sub3A_160 = arith.subi %sub3A_159, %rem3A_156 : i32
      %eq3A_161 = arith.constant 0 : i32
      %eq3A_162 = arith.cmpi eq, %rem3A_158, %eq3A_161 : i32
      %convert_element_type3A_163 = arith.extui %eq3A_162 : i1 to i32
      %cond3A_164 = arith.constant 0 : i32
      %cond3A_165 = arith.cmpi ne, %convert_element_type3A_163, %cond3A_164 : i32
      scf.if %cond3A_165 {
        %dma_wait3A = arith.constant 0 : i32
        %dma_wait3A_215 = arith.constant 0 : i32
        %dma_wait3A_216 = tpu.memref_slice %arg2[%dma_wait3A, %dma_wait3A_215] : memref<6250x2304xi32, #tpu.memory_space<hbm>> -> memref<1x2304xi32, #tpu.memory_space<hbm>>
        %dma_wait3A_217 = tpu.memref_squeeze %dma_wait3A_216 : memref<1x2304xi32, #tpu.memory_space<hbm>> -> memref<2304xi32, #tpu.memory_space<hbm>>
        %dma_wait3A_218 = arith.constant 0 : i32
        %dma_wait3A_219 = tpu.memref_slice %arg2[%dma_wait3A, %dma_wait3A_218] : memref<6250x2304xi32, #tpu.memory_space<hbm>> -> memref<1x2304xi32, #tpu.memory_space<hbm>>
        %dma_wait3A_220 = tpu.memref_squeeze %dma_wait3A_219 : memref<1x2304xi32, #tpu.memory_space<hbm>> -> memref<2304xi32, #tpu.memory_space<hbm>>
        tpu.wait_dma2 semaphore(%arg16 : memref<!tpu.dma_semaphore, #tpu.memory_space<semaphore_mem>>) src(%dma_wait3A_220 : memref<2304xi32, #tpu.memory_space<hbm>>) dst(%arg7 : memref<2304xi32, #tpu.memory_space<vmem>>)
      } else {
      }
      %eq3A_166 = arith.constant 1 : i32
      %eq3A_167 = arith.cmpi eq, %rem3A_158, %eq3A_166 : i32
      %convert_element_type3A_168 = arith.extui %eq3A_167 : i1 to i32
      %cond3A_169 = arith.constant 0 : i32
      %cond3A_170 = arith.cmpi ne, %convert_element_type3A_168, %cond3A_169 : i32
      scf.if %cond3A_170 {
        %dma_wait3A = arith.constant 0 : i32
        %dma_wait3A_215 = arith.constant 0 : i32
        %dma_wait3A_216 = tpu.memref_slice %arg2[%dma_wait3A, %dma_wait3A_215] : memref<6250x2304xi32, #tpu.memory_space<hbm>> -> memref<1x2304xi32, #tpu.memory_space<hbm>>
        %dma_wait3A_217 = tpu.memref_squeeze %dma_wait3A_216 : memref<1x2304xi32, #tpu.memory_space<hbm>> -> memref<2304xi32, #tpu.memory_space<hbm>>
        %dma_wait3A_218 = arith.constant 0 : i32
        %dma_wait3A_219 = tpu.memref_slice %arg2[%dma_wait3A, %dma_wait3A_218] : memref<6250x2304xi32, #tpu.memory_space<hbm>> -> memref<1x2304xi32, #tpu.memory_space<hbm>>
        %dma_wait3A_220 = tpu.memref_squeeze %dma_wait3A_219 : memref<1x2304xi32, #tpu.memory_space<hbm>> -> memref<2304xi32, #tpu.memory_space<hbm>>
        tpu.wait_dma2 semaphore(%arg17 : memref<!tpu.dma_semaphore, #tpu.memory_space<semaphore_mem>>) src(%dma_wait3A_220 : memref<2304xi32, #tpu.memory_space<hbm>>) dst(%arg8 : memref<2304xi32, #tpu.memory_space<vmem>>)
      } else {
      }
      %eq3A_171 = arith.constant 2 : i32
      %eq3A_172 = arith.cmpi eq, %rem3A_158, %eq3A_171 : i32
      %convert_element_type3A_173 = arith.extui %eq3A_172 : i1 to i32
      %cond3A_174 = arith.constant 0 : i32
      %cond3A_175 = arith.cmpi ne, %convert_element_type3A_173, %cond3A_174 : i32
      scf.if %cond3A_175 {
        %dma_wait3A = arith.constant 0 : i32
        %dma_wait3A_215 = arith.constant 0 : i32
        %dma_wait3A_216 = tpu.memref_slice %arg2[%dma_wait3A, %dma_wait3A_215] : memref<6250x2304xi32, #tpu.memory_space<hbm>> -> memref<1x2304xi32, #tpu.memory_space<hbm>>
        %dma_wait3A_217 = tpu.memref_squeeze %dma_wait3A_216 : memref<1x2304xi32, #tpu.memory_space<hbm>> -> memref<2304xi32, #tpu.memory_space<hbm>>
        %dma_wait3A_218 = arith.constant 0 : i32
        %dma_wait3A_219 = tpu.memref_slice %arg2[%dma_wait3A, %dma_wait3A_218] : memref<6250x2304xi32, #tpu.memory_space<hbm>> -> memref<1x2304xi32, #tpu.memory_space<hbm>>
        %dma_wait3A_220 = tpu.memref_squeeze %dma_wait3A_219 : memref<1x2304xi32, #tpu.memory_space<hbm>> -> memref<2304xi32, #tpu.memory_space<hbm>>
        tpu.wait_dma2 semaphore(%arg18 : memref<!tpu.dma_semaphore, #tpu.memory_space<semaphore_mem>>) src(%dma_wait3A_220 : memref<2304xi32, #tpu.memory_space<hbm>>) dst(%arg9 : memref<2304xi32, #tpu.memory_space<vmem>>)
      } else {
      }
      %ge3A = arith.constant 2 : i32
      %ge3A_176 = arith.cmpi sge, %add3A_154, %ge3A : i32
      %convert_element_type3A_177 = arith.extui %ge3A_176 : i1 to i32
      %cond3A_178 = arith.constant 0 : i32
      %cond3A_179 = arith.cmpi ne, %convert_element_type3A_177, %cond3A_178 : i32
      scf.if %cond3A_179 {
        %eq3A_215 = arith.constant 0 : i32
        %eq3A_216 = arith.cmpi eq, %rem3A_156, %eq3A_215 : i32
        %convert_element_type3A_217 = arith.extui %eq3A_216 : i1 to i32
        %cond3A_218 = arith.constant 0 : i32
        %cond3A_219 = arith.cmpi ne, %convert_element_type3A_217, %cond3A_218 : i32
        scf.if %cond3A_219 {
          %dma_wait3A = arith.constant 0 : i32
          %dma_wait3A_225 = arith.constant 0 : i32
          %dma_wait3A_226 = tpu.memref_slice %arg6[%dma_wait3A, %dma_wait3A_225] : memref<25088x64xf32, #tpu.memory_space<vmem_shared>> -> memref<25088x64xf32, #tpu.memory_space<vmem_shared>>
          tpu.wait_indirect_dma semaphore(%arg21 : memref<!tpu.dma_semaphore, #tpu.memory_space<semaphore_mem>>) src(%arg14 : memref<128x64xf32, #tpu.memory_space<vmem>>) dst(%dma_wait3A_226 : memref<25088x64xf32, #tpu.memory_space<vmem_shared>>)
        } else {
        }
        %eq3A_220 = arith.constant 1 : i32
        %eq3A_221 = arith.cmpi eq, %rem3A_156, %eq3A_220 : i32
        %convert_element_type3A_222 = arith.extui %eq3A_221 : i1 to i32
        %cond3A_223 = arith.constant 0 : i32
        %cond3A_224 = arith.cmpi ne, %convert_element_type3A_222, %cond3A_223 : i32
        scf.if %cond3A_224 {
          %dma_wait3A = arith.constant 0 : i32
          %dma_wait3A_225 = arith.constant 0 : i32
          %dma_wait3A_226 = tpu.memref_slice %arg6[%dma_wait3A, %dma_wait3A_225] : memref<25088x64xf32, #tpu.memory_space<vmem_shared>> -> memref<25088x64xf32, #tpu.memory_space<vmem_shared>>
          tpu.wait_indirect_dma semaphore(%arg22 : memref<!tpu.dma_semaphore, #tpu.memory_space<semaphore_mem>>) src(%arg15 : memref<128x64xf32, #tpu.memory_space<vmem>>) dst(%dma_wait3A_226 : memref<25088x64xf32, #tpu.memory_space<vmem_shared>>)
        } else {
        }
      } else {
      }
      %eq3A_180 = arith.constant 0 : i32
      %eq3A_181 = arith.cmpi eq, %rem3A_158, %eq3A_180 : i32
      %convert_element_type3A_182 = arith.extui %eq3A_181 : i1 to i32
      %cond3A_183 = arith.constant 0 : i32
      %cond3A_184 = arith.cmpi ne, %convert_element_type3A_182, %cond3A_183 : i32
      scf.if %cond3A_184 {
        %eq3A_215 = arith.constant 0 : i32
        %eq3A_216 = arith.cmpi eq, %rem3A_156, %eq3A_215 : i32
        %convert_element_type3A_217 = arith.extui %eq3A_216 : i1 to i32
        %cond3A_218 = arith.constant 0 : i32
        %cond3A_219 = arith.cmpi ne, %convert_element_type3A_217, %cond3A_218 : i32
        scf.if %cond3A_219 {
          %scan3A = arith.constant 0 : i32
          %scan3A_225 = arith.constant 8 : i32
          %scan3A_226 = arith.addi %scan3A, %scan3A_225 : i32
          %scan3A_227 = arith.constant 1 : i32
          scf.for %scan3A_229 = %scan3A to %scan3A_226 step %scan3A_227  : i32 {
            %mul3A_230 = arith.constant 1 : i32
            %mul3A_231 = arith.muli %scan3A_229, %mul3A_230 : i32
            %add3A_232 = arith.constant 0 : i32
            %add3A_233 = arith.addi %add3A_232, %mul3A_231 : i32
            %mul3A_234 = arith.constant 16 : i32
            %mul3A_235 = arith.muli %add3A_233, %mul3A_234 : i32
            %get3A = arith.index_cast %mul3A_235 : i32 to index
            %get3A_236 = tpu.vector_load %arg7[%get3A] {strides = array<i32>} : memref<2304xi32, #tpu.memory_space<vmem>>, vector<16xi32>,
            %get3A_237 = vector.shape_cast %get3A_236 : vector<16xi32> to vector<16xi32>
            %mul3A_238 = arith.constant 16 : i32
            %mul3A_239 = arith.muli %add3A_233, %mul3A_238 : i32
            %swap3A = arith.index_cast %mul3A_239 : i32 to index
            %swap3A_240 = tpu.vector_load %arg10[%swap3A] {strides = array<i32>} : memref<128xi32, #tpu.memory_space<vmem>>, vector<16xi32>,
            %swap3A_241 = vector.shape_cast %swap3A_240 : vector<16xi32> to vector<16xi32>
            %swap3A_242 = vector.shape_cast %get3A_237 : vector<16xi32> to vector<16xi32>
            tpu.vector_store %arg10[%swap3A], %swap3A_242 {strides = array<i32>} : memref<128xi32, #tpu.memory_space<vmem>>, vector<16xi32>,
            %mul3A_243 = arith.constant 16 : i32
            %mul3A_244 = arith.muli %add3A_233, %mul3A_243 : i32
            %add3A_245 = arith.constant 128 : i32
            %add3A_246 = arith.addi %add3A_245, %mul3A_244 : i32
            %get3A_247 = arith.index_cast %add3A_246 : i32 to index
            %get3A_248 = tpu.vector_load %arg7[%get3A_247] {strides = array<i32>} : memref<2304xi32, #tpu.memory_space<vmem>>, vector<16xi32>,
            %get3A_249 = vector.shape_cast %get3A_248 : vector<16xi32> to vector<16xi32>
            %sub3A_250 = vector.broadcast %mul3A_0 : i32 to vector<16xi32>
            %sub3A_251 = arith.subi %get3A_249, %sub3A_250 : vector<16xi32>
            %ge3A_252 = arith.constant 0 : i32
            %ge3A_253 = vector.broadcast %ge3A_252 : i32 to vector<16xi32>
            %ge3A_254 = arith.cmpi sge, %sub3A_251, %ge3A_253 : vector<16xi32>
            %lt3A_255 = arith.constant 25000 : i32
            %lt3A_256 = vector.broadcast %lt3A_255 : i32 to vector<16xi32>
            %lt3A_257 = arith.cmpi slt, %sub3A_251, %lt3A_256 : vector<16xi32>
            %and3A_258 = arith.andi %ge3A_254, %lt3A_257 : vector<16xi1>
            %jit3A_259 = arith.constant 25000 : i32
            %broadcast_in_dim3A = vector.broadcast %jit3A_259 : i32 to vector<16xi32>
            %select_n3A_260 = arith.select %and3A_258, %sub3A_251, %broadcast_in_dim3A : vector<16xi1>, vector<16xi32>
            %mul3A_261 = arith.constant 16 : i32
            %mul3A_262 = arith.muli %add3A_233, %mul3A_261 : i32
            %swap3A_263 = arith.index_cast %mul3A_262 : i32 to index
            %swap3A_264 = tpu.vector_load %arg12[%swap3A_263] {strides = array<i32>} : memref<128xi32, #tpu.memory_space<vmem>>, vector<16xi32>,
            %swap3A_265 = vector.shape_cast %swap3A_264 : vector<16xi32> to vector<16xi32>
            %swap3A_266 = vector.shape_cast %select_n3A_260 : vector<16xi32> to vector<16xi32>
            tpu.vector_store %arg12[%swap3A_263], %swap3A_266 {strides = array<i32>} : memref<128xi32, #tpu.memory_space<vmem>>, vector<16xi32>,
          }
          %scan3A_228 = arith.constant 8 : i32
        } else {
        }
        %eq3A_220 = arith.constant 1 : i32
        %eq3A_221 = arith.cmpi eq, %rem3A_156, %eq3A_220 : i32
        %convert_element_type3A_222 = arith.extui %eq3A_221 : i1 to i32
        %cond3A_223 = arith.constant 0 : i32
        %cond3A_224 = arith.cmpi ne, %convert_element_type3A_222, %cond3A_223 : i32
        scf.if %cond3A_224 {
          %scan3A = arith.constant 0 : i32
          %scan3A_225 = arith.constant 8 : i32
          %scan3A_226 = arith.addi %scan3A, %scan3A_225 : i32
          %scan3A_227 = arith.constant 1 : i32
          scf.for %scan3A_229 = %scan3A to %scan3A_226 step %scan3A_227  : i32 {
            %mul3A_230 = arith.constant 1 : i32
            %mul3A_231 = arith.muli %scan3A_229, %mul3A_230 : i32
            %add3A_232 = arith.constant 0 : i32
            %add3A_233 = arith.addi %add3A_232, %mul3A_231 : i32
            %mul3A_234 = arith.constant 16 : i32
            %mul3A_235 = arith.muli %add3A_233, %mul3A_234 : i32
            %get3A = arith.index_cast %mul3A_235 : i32 to index
            %get3A_236 = tpu.vector_load %arg7[%get3A] {strides = array<i32>} : memref<2304xi32, #tpu.memory_space<vmem>>, vector<16xi32>,
            %get3A_237 = vector.shape_cast %get3A_236 : vector<16xi32> to vector<16xi32>
            %mul3A_238 = arith.constant 16 : i32
            %mul3A_239 = arith.muli %add3A_233, %mul3A_238 : i32
            %swap3A = arith.index_cast %mul3A_239 : i32 to index
            %swap3A_240 = tpu.vector_load %arg11[%swap3A] {strides = array<i32>} : memref<128xi32, #tpu.memory_space<vmem>>, vector<16xi32>,
            %swap3A_241 = vector.shape_cast %swap3A_240 : vector<16xi32> to vector<16xi32>
            %swap3A_242 = vector.shape_cast %get3A_237 : vector<16xi32> to vector<16xi32>
            tpu.vector_store %arg11[%swap3A], %swap3A_242 {strides = array<i32>} : memref<128xi32, #tpu.memory_space<vmem>>, vector<16xi32>,
            %mul3A_243 = arith.constant 16 : i32
            %mul3A_244 = arith.muli %add3A_233, %mul3A_243 : i32
            %add3A_245 = arith.constant 128 : i32
            %add3A_246 = arith.addi %add3A_245, %mul3A_244 : i32
            %get3A_247 = arith.index_cast %add3A_246 : i32 to index
            %get3A_248 = tpu.vector_load %arg7[%get3A_247] {strides = array<i32>} : memref<2304xi32, #tpu.memory_space<vmem>>, vector<16xi32>,
            %get3A_249 = vector.shape_cast %get3A_248 : vector<16xi32> to vector<16xi32>
            %sub3A_250 = vector.broadcast %mul3A_0 : i32 to vector<16xi32>
            %sub3A_251 = arith.subi %get3A_249, %sub3A_250 : vector<16xi32>
            %ge3A_252 = arith.constant 0 : i32
            %ge3A_253 = vector.broadcast %ge3A_252 : i32 to vector<16xi32>
            %ge3A_254 = arith.cmpi sge, %sub3A_251, %ge3A_253 : vector<16xi32>
            %lt3A_255 = arith.constant 25000 : i32
            %lt3A_256 = vector.broadcast %lt3A_255 : i32 to vector<16xi32>
            %lt3A_257 = arith.cmpi slt, %sub3A_251, %lt3A_256 : vector<16xi32>
            %and3A_258 = arith.andi %ge3A_254, %lt3A_257 : vector<16xi1>
            %jit3A_259 = arith.constant 25000 : i32
            %broadcast_in_dim3A = vector.broadcast %jit3A_259 : i32 to vector<16xi32>
            %select_n3A_260 = arith.select %and3A_258, %sub3A_251, %broadcast_in_dim3A : vector<16xi1>, vector<16xi32>
            %mul3A_261 = arith.constant 16 : i32
            %mul3A_262 = arith.muli %add3A_233, %mul3A_261 : i32
            %swap3A_263 = arith.index_cast %mul3A_262 : i32 to index
            %swap3A_264 = tpu.vector_load %arg13[%swap3A_263] {strides = array<i32>} : memref<128xi32, #tpu.memory_space<vmem>>, vector<16xi32>,
            %swap3A_265 = vector.shape_cast %swap3A_264 : vector<16xi32> to vector<16xi32>
            %swap3A_266 = vector.shape_cast %select_n3A_260 : vector<16xi32> to vector<16xi32>
            tpu.vector_store %arg13[%swap3A_263], %swap3A_266 {strides = array<i32>} : memref<128xi32, #tpu.memory_space<vmem>>, vector<16xi32>,
          }
          %scan3A_228 = arith.constant 8 : i32
        } else {
        }
      } else {
      }
      %eq3A_185 = arith.constant 1 : i32
      %eq3A_186 = arith.cmpi eq, %rem3A_158, %eq3A_185 : i32
      %convert_element_type3A_187 = arith.extui %eq3A_186 : i1 to i32
      %cond3A_188 = arith.constant 0 : i32
      %cond3A_189 = arith.cmpi ne, %convert_element_type3A_187, %cond3A_188 : i32
      scf.if %cond3A_189 {
        %eq3A_215 = arith.constant 0 : i32
        %eq3A_216 = arith.cmpi eq, %rem3A_156, %eq3A_215 : i32
        %convert_element_type3A_217 = arith.extui %eq3A_216 : i1 to i32
        %cond3A_218 = arith.constant 0 : i32
        %cond3A_219 = arith.cmpi ne, %convert_element_type3A_217, %cond3A_218 : i32
        scf.if %cond3A_219 {
          %scan3A = arith.constant 0 : i32
          %scan3A_225 = arith.constant 8 : i32
          %scan3A_226 = arith.addi %scan3A, %scan3A_225 : i32
          %scan3A_227 = arith.constant 1 : i32
          scf.for %scan3A_229 = %scan3A to %scan3A_226 step %scan3A_227  : i32 {
            %mul3A_230 = arith.constant 1 : i32
            %mul3A_231 = arith.muli %scan3A_229, %mul3A_230 : i32
            %add3A_232 = arith.constant 0 : i32
            %add3A_233 = arith.addi %add3A_232, %mul3A_231 : i32
            %mul3A_234 = arith.constant 16 : i32
            %mul3A_235 = arith.muli %add3A_233, %mul3A_234 : i32
            %get3A = arith.index_cast %mul3A_235 : i32 to index
            %get3A_236 = tpu.vector_load %arg8[%get3A] {strides = array<i32>} : memref<2304xi32, #tpu.memory_space<vmem>>, vector<16xi32>,
            %get3A_237 = vector.shape_cast %get3A_236 : vector<16xi32> to vector<16xi32>
            %mul3A_238 = arith.constant 16 : i32
            %mul3A_239 = arith.muli %add3A_233, %mul3A_238 : i32
            %swap3A = arith.index_cast %mul3A_239 : i32 to index
            %swap3A_240 = tpu.vector_load %arg10[%swap3A] {strides = array<i32>} : memref<128xi32, #tpu.memory_space<vmem>>, vector<16xi32>,
            %swap3A_241 = vector.shape_cast %swap3A_240 : vector<16xi32> to vector<16xi32>
            %swap3A_242 = vector.shape_cast %get3A_237 : vector<16xi32> to vector<16xi32>
            tpu.vector_store %arg10[%swap3A], %swap3A_242 {strides = array<i32>} : memref<128xi32, #tpu.memory_space<vmem>>, vector<16xi32>,
            %mul3A_243 = arith.constant 16 : i32
            %mul3A_244 = arith.muli %add3A_233, %mul3A_243 : i32
            %add3A_245 = arith.constant 128 : i32
            %add3A_246 = arith.addi %add3A_245, %mul3A_244 : i32
            %get3A_247 = arith.index_cast %add3A_246 : i32 to index
            %get3A_248 = tpu.vector_load %arg8[%get3A_247] {strides = array<i32>} : memref<2304xi32, #tpu.memory_space<vmem>>, vector<16xi32>,
            %get3A_249 = vector.shape_cast %get3A_248 : vector<16xi32> to vector<16xi32>
            %sub3A_250 = vector.broadcast %mul3A_0 : i32 to vector<16xi32>
            %sub3A_251 = arith.subi %get3A_249, %sub3A_250 : vector<16xi32>
            %ge3A_252 = arith.constant 0 : i32
            %ge3A_253 = vector.broadcast %ge3A_252 : i32 to vector<16xi32>
            %ge3A_254 = arith.cmpi sge, %sub3A_251, %ge3A_253 : vector<16xi32>
            %lt3A_255 = arith.constant 25000 : i32
            %lt3A_256 = vector.broadcast %lt3A_255 : i32 to vector<16xi32>
            %lt3A_257 = arith.cmpi slt, %sub3A_251, %lt3A_256 : vector<16xi32>
            %and3A_258 = arith.andi %ge3A_254, %lt3A_257 : vector<16xi1>
            %jit3A_259 = arith.constant 25000 : i32
            %broadcast_in_dim3A = vector.broadcast %jit3A_259 : i32 to vector<16xi32>
            %select_n3A_260 = arith.select %and3A_258, %sub3A_251, %broadcast_in_dim3A : vector<16xi1>, vector<16xi32>
            %mul3A_261 = arith.constant 16 : i32
            %mul3A_262 = arith.muli %add3A_233, %mul3A_261 : i32
            %swap3A_263 = arith.index_cast %mul3A_262 : i32 to index
            %swap3A_264 = tpu.vector_load %arg12[%swap3A_263] {strides = array<i32>} : memref<128xi32, #tpu.memory_space<vmem>>, vector<16xi32>,
            %swap3A_265 = vector.shape_cast %swap3A_264 : vector<16xi32> to vector<16xi32>
            %swap3A_266 = vector.shape_cast %select_n3A_260 : vector<16xi32> to vector<16xi32>
            tpu.vector_store %arg12[%swap3A_263], %swap3A_266 {strides = array<i32>} : memref<128xi32, #tpu.memory_space<vmem>>, vector<16xi32>,
          }
          %scan3A_228 = arith.constant 8 : i32
        } else {
        }
        %eq3A_220 = arith.constant 1 : i32
        %eq3A_221 = arith.cmpi eq, %rem3A_156, %eq3A_220 : i32
        %convert_element_type3A_222 = arith.extui %eq3A_221 : i1 to i32
        %cond3A_223 = arith.constant 0 : i32
        %cond3A_224 = arith.cmpi ne, %convert_element_type3A_222, %cond3A_223 : i32
        scf.if %cond3A_224 {
          %scan3A = arith.constant 0 : i32
          %scan3A_225 = arith.constant 8 : i32
          %scan3A_226 = arith.addi %scan3A, %scan3A_225 : i32
          %scan3A_227 = arith.constant 1 : i32
          scf.for %scan3A_229 = %scan3A to %scan3A_226 step %scan3A_227  : i32 {
            %mul3A_230 = arith.constant 1 : i32
            %mul3A_231 = arith.muli %scan3A_229, %mul3A_230 : i32
            %add3A_232 = arith.constant 0 : i32
            %add3A_233 = arith.addi %add3A_232, %mul3A_231 : i32
            %mul3A_234 = arith.constant 16 : i32
            %mul3A_235 = arith.muli %add3A_233, %mul3A_234 : i32
            %get3A = arith.index_cast %mul3A_235 : i32 to index
            %get3A_236 = tpu.vector_load %arg8[%get3A] {strides = array<i32>} : memref<2304xi32, #tpu.memory_space<vmem>>, vector<16xi32>,
            %get3A_237 = vector.shape_cast %get3A_236 : vector<16xi32> to vector<16xi32>
            %mul3A_238 = arith.constant 16 : i32
            %mul3A_239 = arith.muli %add3A_233, %mul3A_238 : i32
            %swap3A = arith.index_cast %mul3A_239 : i32 to index
            %swap3A_240 = tpu.vector_load %arg11[%swap3A] {strides = array<i32>} : memref<128xi32, #tpu.memory_space<vmem>>, vector<16xi32>,
            %swap3A_241 = vector.shape_cast %swap3A_240 : vector<16xi32> to vector<16xi32>
            %swap3A_242 = vector.shape_cast %get3A_237 : vector<16xi32> to vector<16xi32>
            tpu.vector_store %arg11[%swap3A], %swap3A_242 {strides = array<i32>} : memref<128xi32, #tpu.memory_space<vmem>>, vector<16xi32>,
            %mul3A_243 = arith.constant 16 : i32
            %mul3A_244 = arith.muli %add3A_233, %mul3A_243 : i32
            %add3A_245 = arith.constant 128 : i32
            %add3A_246 = arith.addi %add3A_245, %mul3A_244 : i32
            %get3A_247 = arith.index_cast %add3A_246 : i32 to index
            %get3A_248 = tpu.vector_load %arg8[%get3A_247] {strides = array<i32>} : memref<2304xi32, #tpu.memory_space<vmem>>, vector<16xi32>,
            %get3A_249 = vector.shape_cast %get3A_248 : vector<16xi32> to vector<16xi32>
            %sub3A_250 = vector.broadcast %mul3A_0 : i32 to vector<16xi32>
            %sub3A_251 = arith.subi %get3A_249, %sub3A_250 : vector<16xi32>
            %ge3A_252 = arith.constant 0 : i32
            %ge3A_253 = vector.broadcast %ge3A_252 : i32 to vector<16xi32>
            %ge3A_254 = arith.cmpi sge, %sub3A_251, %ge3A_253 : vector<16xi32>
            %lt3A_255 = arith.constant 25000 : i32
            %lt3A_256 = vector.broadcast %lt3A_255 : i32 to vector<16xi32>
            %lt3A_257 = arith.cmpi slt, %sub3A_251, %lt3A_256 : vector<16xi32>
            %and3A_258 = arith.andi %ge3A_254, %lt3A_257 : vector<16xi1>
            %jit3A_259 = arith.constant 25000 : i32
            %broadcast_in_dim3A = vector.broadcast %jit3A_259 : i32 to vector<16xi32>
            %select_n3A_260 = arith.select %and3A_258, %sub3A_251, %broadcast_in_dim3A : vector<16xi1>, vector<16xi32>
            %mul3A_261 = arith.constant 16 : i32
            %mul3A_262 = arith.muli %add3A_233, %mul3A_261 : i32
            %swap3A_263 = arith.index_cast %mul3A_262 : i32 to index
            %swap3A_264 = tpu.vector_load %arg13[%swap3A_263] {strides = array<i32>} : memref<128xi32, #tpu.memory_space<vmem>>, vector<16xi32>,
            %swap3A_265 = vector.shape_cast %swap3A_264 : vector<16xi32> to vector<16xi32>
            %swap3A_266 = vector.shape_cast %select_n3A_260 : vector<16xi32> to vector<16xi32>
            tpu.vector_store %arg13[%swap3A_263], %swap3A_266 {strides = array<i32>} : memref<128xi32, #tpu.memory_space<vmem>>, vector<16xi32>,
          }
          %scan3A_228 = arith.constant 8 : i32
        } else {
        }
      } else {
      }
      %eq3A_190 = arith.constant 2 : i32
      %eq3A_191 = arith.cmpi eq, %rem3A_158, %eq3A_190 : i32
      %convert_element_type3A_192 = arith.extui %eq3A_191 : i1 to i32
      %cond3A_193 = arith.constant 0 : i32
      %cond3A_194 = arith.cmpi ne, %convert_element_type3A_192, %cond3A_193 : i32
      scf.if %cond3A_194 {
        %eq3A_215 = arith.constant 0 : i32
        %eq3A_216 = arith.cmpi eq, %rem3A_156, %eq3A_215 : i32
        %convert_element_type3A_217 = arith.extui %eq3A_216 : i1 to i32
        %cond3A_218 = arith.constant 0 : i32
        %cond3A_219 = arith.cmpi ne, %convert_element_type3A_217, %cond3A_218 : i32
        scf.if %cond3A_219 {
          %scan3A = arith.constant 0 : i32
          %scan3A_225 = arith.constant 8 : i32
          %scan3A_226 = arith.addi %scan3A, %scan3A_225 : i32
          %scan3A_227 = arith.constant 1 : i32
          scf.for %scan3A_229 = %scan3A to %scan3A_226 step %scan3A_227  : i32 {
            %mul3A_230 = arith.constant 1 : i32
            %mul3A_231 = arith.muli %scan3A_229, %mul3A_230 : i32
            %add3A_232 = arith.constant 0 : i32
            %add3A_233 = arith.addi %add3A_232, %mul3A_231 : i32
            %mul3A_234 = arith.constant 16 : i32
            %mul3A_235 = arith.muli %add3A_233, %mul3A_234 : i32
            %get3A = arith.index_cast %mul3A_235 : i32 to index
            %get3A_236 = tpu.vector_load %arg9[%get3A] {strides = array<i32>} : memref<2304xi32, #tpu.memory_space<vmem>>, vector<16xi32>,
            %get3A_237 = vector.shape_cast %get3A_236 : vector<16xi32> to vector<16xi32>
            %mul3A_238 = arith.constant 16 : i32
            %mul3A_239 = arith.muli %add3A_233, %mul3A_238 : i32
            %swap3A = arith.index_cast %mul3A_239 : i32 to index
            %swap3A_240 = tpu.vector_load %arg10[%swap3A] {strides = array<i32>} : memref<128xi32, #tpu.memory_space<vmem>>, vector<16xi32>,
            %swap3A_241 = vector.shape_cast %swap3A_240 : vector<16xi32> to vector<16xi32>
            %swap3A_242 = vector.shape_cast %get3A_237 : vector<16xi32> to vector<16xi32>
            tpu.vector_store %arg10[%swap3A], %swap3A_242 {strides = array<i32>} : memref<128xi32, #tpu.memory_space<vmem>>, vector<16xi32>,
            %mul3A_243 = arith.constant 16 : i32
            %mul3A_244 = arith.muli %add3A_233, %mul3A_243 : i32
            %add3A_245 = arith.constant 128 : i32
            %add3A_246 = arith.addi %add3A_245, %mul3A_244 : i32
            %get3A_247 = arith.index_cast %add3A_246 : i32 to index
            %get3A_248 = tpu.vector_load %arg9[%get3A_247] {strides = array<i32>} : memref<2304xi32, #tpu.memory_space<vmem>>, vector<16xi32>,
            %get3A_249 = vector.shape_cast %get3A_248 : vector<16xi32> to vector<16xi32>
            %sub3A_250 = vector.broadcast %mul3A_0 : i32 to vector<16xi32>
            %sub3A_251 = arith.subi %get3A_249, %sub3A_250 : vector<16xi32>
            %ge3A_252 = arith.constant 0 : i32
            %ge3A_253 = vector.broadcast %ge3A_252 : i32 to vector<16xi32>
            %ge3A_254 = arith.cmpi sge, %sub3A_251, %ge3A_253 : vector<16xi32>
            %lt3A_255 = arith.constant 25000 : i32
            %lt3A_256 = vector.broadcast %lt3A_255 : i32 to vector<16xi32>
            %lt3A_257 = arith.cmpi slt, %sub3A_251, %lt3A_256 : vector<16xi32>
            %and3A_258 = arith.andi %ge3A_254, %lt3A_257 : vector<16xi1>
            %jit3A_259 = arith.constant 25000 : i32
            %broadcast_in_dim3A = vector.broadcast %jit3A_259 : i32 to vector<16xi32>
            %select_n3A_260 = arith.select %and3A_258, %sub3A_251, %broadcast_in_dim3A : vector<16xi1>, vector<16xi32>
            %mul3A_261 = arith.constant 16 : i32
            %mul3A_262 = arith.muli %add3A_233, %mul3A_261 : i32
            %swap3A_263 = arith.index_cast %mul3A_262 : i32 to index
            %swap3A_264 = tpu.vector_load %arg12[%swap3A_263] {strides = array<i32>} : memref<128xi32, #tpu.memory_space<vmem>>, vector<16xi32>,
            %swap3A_265 = vector.shape_cast %swap3A_264 : vector<16xi32> to vector<16xi32>
            %swap3A_266 = vector.shape_cast %select_n3A_260 : vector<16xi32> to vector<16xi32>
            tpu.vector_store %arg12[%swap3A_263], %swap3A_266 {strides = array<i32>} : memref<128xi32, #tpu.memory_space<vmem>>, vector<16xi32>,
          }
          %scan3A_228 = arith.constant 8 : i32
        } else {
        }
        %eq3A_220 = arith.constant 1 : i32
        %eq3A_221 = arith.cmpi eq, %rem3A_156, %eq3A_220 : i32
        %convert_element_type3A_222 = arith.extui %eq3A_221 : i1 to i32
        %cond3A_223 = arith.constant 0 : i32
        %cond3A_224 = arith.cmpi ne, %convert_element_type3A_222, %cond3A_223 : i32
        scf.if %cond3A_224 {
          %scan3A = arith.constant 0 : i32
          %scan3A_225 = arith.constant 8 : i32
          %scan3A_226 = arith.addi %scan3A, %scan3A_225 : i32
          %scan3A_227 = arith.constant 1 : i32
          scf.for %scan3A_229 = %scan3A to %scan3A_226 step %scan3A_227  : i32 {
            %mul3A_230 = arith.constant 1 : i32
            %mul3A_231 = arith.muli %scan3A_229, %mul3A_230 : i32
            %add3A_232 = arith.constant 0 : i32
            %add3A_233 = arith.addi %add3A_232, %mul3A_231 : i32
            %mul3A_234 = arith.constant 16 : i32
            %mul3A_235 = arith.muli %add3A_233, %mul3A_234 : i32
            %get3A = arith.index_cast %mul3A_235 : i32 to index
            %get3A_236 = tpu.vector_load %arg9[%get3A] {strides = array<i32>} : memref<2304xi32, #tpu.memory_space<vmem>>, vector<16xi32>,
            %get3A_237 = vector.shape_cast %get3A_236 : vector<16xi32> to vector<16xi32>
            %mul3A_238 = arith.constant 16 : i32
            %mul3A_239 = arith.muli %add3A_233, %mul3A_238 : i32
            %swap3A = arith.index_cast %mul3A_239 : i32 to index
            %swap3A_240 = tpu.vector_load %arg11[%swap3A] {strides = array<i32>} : memref<128xi32, #tpu.memory_space<vmem>>, vector<16xi32>,
            %swap3A_241 = vector.shape_cast %swap3A_240 : vector<16xi32> to vector<16xi32>
            %swap3A_242 = vector.shape_cast %get3A_237 : vector<16xi32> to vector<16xi32>
            tpu.vector_store %arg11[%swap3A], %swap3A_242 {strides = array<i32>} : memref<128xi32, #tpu.memory_space<vmem>>, vector<16xi32>,
            %mul3A_243 = arith.constant 16 : i32
            %mul3A_244 = arith.muli %add3A_233, %mul3A_243 : i32
            %add3A_245 = arith.constant 128 : i32
            %add3A_246 = arith.addi %add3A_245, %mul3A_244 : i32
            %get3A_247 = arith.index_cast %add3A_246 : i32 to index
            %get3A_248 = tpu.vector_load %arg9[%get3A_247] {strides = array<i32>} : memref<2304xi32, #tpu.memory_space<vmem>>, vector<16xi32>,
            %get3A_249 = vector.shape_cast %get3A_248 : vector<16xi32> to vector<16xi32>
            %sub3A_250 = vector.broadcast %mul3A_0 : i32 to vector<16xi32>
            %sub3A_251 = arith.subi %get3A_249, %sub3A_250 : vector<16xi32>
            %ge3A_252 = arith.constant 0 : i32
            %ge3A_253 = vector.broadcast %ge3A_252 : i32 to vector<16xi32>
            %ge3A_254 = arith.cmpi sge, %sub3A_251, %ge3A_253 : vector<16xi32>
            %lt3A_255 = arith.constant 25000 : i32
            %lt3A_256 = vector.broadcast %lt3A_255 : i32 to vector<16xi32>
            %lt3A_257 = arith.cmpi slt, %sub3A_251, %lt3A_256 : vector<16xi32>
            %and3A_258 = arith.andi %ge3A_254, %lt3A_257 : vector<16xi1>
            %jit3A_259 = arith.constant 25000 : i32
            %broadcast_in_dim3A = vector.broadcast %jit3A_259 : i32 to vector<16xi32>
            %select_n3A_260 = arith.select %and3A_258, %sub3A_251, %broadcast_in_dim3A : vector<16xi1>, vector<16xi32>
            %mul3A_261 = arith.constant 16 : i32
            %mul3A_262 = arith.muli %add3A_233, %mul3A_261 : i32
            %swap3A_263 = arith.index_cast %mul3A_262 : i32 to index
            %swap3A_264 = tpu.vector_load %arg13[%swap3A_263] {strides = array<i32>} : memref<128xi32, #tpu.memory_space<vmem>>, vector<16xi32>,
            %swap3A_265 = vector.shape_cast %swap3A_264 : vector<16xi32> to vector<16xi32>
            %swap3A_266 = vector.shape_cast %select_n3A_260 : vector<16xi32> to vector<16xi32>
            tpu.vector_store %arg13[%swap3A_263], %swap3A_266 {strides = array<i32>} : memref<128xi32, #tpu.memory_space<vmem>>, vector<16xi32>,
          }
          %scan3A_228 = arith.constant 8 : i32
        } else {
        }
      } else {
      }
      %eq3A_195 = arith.constant 0 : i32
      %eq3A_196 = arith.cmpi eq, %rem3A_156, %eq3A_195 : i32
      %convert_element_type3A_197 = arith.extui %eq3A_196 : i1 to i32
      %cond3A_198 = arith.constant 0 : i32
      %cond3A_199 = arith.cmpi ne, %convert_element_type3A_197, %cond3A_198 : i32
      scf.if %cond3A_199 {
        %dma_start3A_215 = arith.constant 0 : i32
        %dma_start3A_216 = arith.constant 0 : i32
        %dma_start3A_217 = tpu.memref_slice %arg3[%dma_start3A_215, %dma_start3A_216] : memref<50000x64xf32, #tpu.memory_space<hbm>> -> memref<50000x64xf32, #tpu.memory_space<hbm>>
        tpu.enqueue_indirect_dma source(%dma_start3A_217 : memref<50000x64xf32, #tpu.memory_space<hbm>>) target(%arg14 : memref<128x64xf32, #tpu.memory_space<vmem>>) offsets(%arg10 : memref<128xi32, #tpu.memory_space<vmem>>) semaphore(%arg19 : memref<!tpu.dma_semaphore, #tpu.memory_space<semaphore_mem>>)
      } else {
      }
      %eq3A_200 = arith.constant 1 : i32
      %eq3A_201 = arith.cmpi eq, %rem3A_156, %eq3A_200 : i32
      %convert_element_type3A_202 = arith.extui %eq3A_201 : i1 to i32
      %cond3A_203 = arith.constant 0 : i32
      %cond3A_204 = arith.cmpi ne, %convert_element_type3A_202, %cond3A_203 : i32
      scf.if %cond3A_204 {
        %dma_start3A_215 = arith.constant 0 : i32
        %dma_start3A_216 = arith.constant 0 : i32
        %dma_start3A_217 = tpu.memref_slice %arg3[%dma_start3A_215, %dma_start3A_216] : memref<50000x64xf32, #tpu.memory_space<hbm>> -> memref<50000x64xf32, #tpu.memory_space<hbm>>
        tpu.enqueue_indirect_dma source(%dma_start3A_217 : memref<50000x64xf32, #tpu.memory_space<hbm>>) target(%arg15 : memref<128x64xf32, #tpu.memory_space<vmem>>) offsets(%arg11 : memref<128xi32, #tpu.memory_space<vmem>>) semaphore(%arg20 : memref<!tpu.dma_semaphore, #tpu.memory_space<semaphore_mem>>)
      } else {
      }
      %ge3A_205 = arith.constant 1 : i32
      %ge3A_206 = arith.cmpi sge, %add3A_154, %ge3A_205 : i32
      %convert_element_type3A_207 = arith.extui %ge3A_206 : i1 to i32
      %cond3A_208 = arith.constant 0 : i32
      %cond3A_209 = arith.cmpi ne, %convert_element_type3A_207, %cond3A_208 : i32
      scf.if %cond3A_209 {
        %add3A_215 = arith.constant 2 : i32
        %add3A_216 = arith.addi %add3A_154, %add3A_215 : i32
        %rem3A_217 = arith.constant 3 : i32
        %rem3A_218 = arith.remsi %add3A_216, %rem3A_217 : i32
        %eq3A_219 = arith.constant 0 : i32
        %eq3A_220 = arith.cmpi eq, %sub3A_160, %eq3A_219 : i32
        %convert_element_type3A_221 = arith.extui %eq3A_220 : i1 to i32
        %cond3A_222 = arith.constant 0 : i32
        %cond3A_223 = arith.cmpi ne, %convert_element_type3A_221, %cond3A_222 : i32
        scf.if %cond3A_223 {
          %dma_wait3A = arith.constant 0 : i32
          %dma_wait3A_254 = arith.constant 0 : i32
          %dma_wait3A_255 = tpu.memref_slice %arg3[%dma_wait3A, %dma_wait3A_254] : memref<50000x64xf32, #tpu.memory_space<hbm>> -> memref<50000x64xf32, #tpu.memory_space<hbm>>
          tpu.wait_indirect_dma semaphore(%arg19 : memref<!tpu.dma_semaphore, #tpu.memory_space<semaphore_mem>>) src(%dma_wait3A_255 : memref<50000x64xf32, #tpu.memory_space<hbm>>) dst(%arg14 : memref<128x64xf32, #tpu.memory_space<vmem>>)
        } else {
        }
        %eq3A_224 = arith.constant 1 : i32
        %eq3A_225 = arith.cmpi eq, %sub3A_160, %eq3A_224 : i32
        %convert_element_type3A_226 = arith.extui %eq3A_225 : i1 to i32
        %cond3A_227 = arith.constant 0 : i32
        %cond3A_228 = arith.cmpi ne, %convert_element_type3A_226, %cond3A_227 : i32
        scf.if %cond3A_228 {
          %dma_wait3A = arith.constant 0 : i32
          %dma_wait3A_254 = arith.constant 0 : i32
          %dma_wait3A_255 = tpu.memref_slice %arg3[%dma_wait3A, %dma_wait3A_254] : memref<50000x64xf32, #tpu.memory_space<hbm>> -> memref<50000x64xf32, #tpu.memory_space<hbm>>
          tpu.wait_indirect_dma semaphore(%arg20 : memref<!tpu.dma_semaphore, #tpu.memory_space<semaphore_mem>>) src(%dma_wait3A_255 : memref<50000x64xf32, #tpu.memory_space<hbm>>) dst(%arg15 : memref<128x64xf32, #tpu.memory_space<vmem>>)
        } else {
        }
        %eq3A_229 = arith.constant 0 : i32
        %eq3A_230 = arith.cmpi eq, %rem3A_218, %eq3A_229 : i32
        %convert_element_type3A_231 = arith.extui %eq3A_230 : i1 to i32
        %cond3A_232 = arith.constant 0 : i32
        %cond3A_233 = arith.cmpi ne, %convert_element_type3A_231, %cond3A_232 : i32
        scf.if %cond3A_233 {
          %eq3A_254 = arith.constant 0 : i32
          %eq3A_255 = arith.cmpi eq, %sub3A_160, %eq3A_254 : i32
          %convert_element_type3A_256 = arith.extui %eq3A_255 : i1 to i32
          %cond3A_257 = arith.constant 0 : i32
          %cond3A_258 = arith.cmpi ne, %convert_element_type3A_256, %cond3A_257 : i32
          scf.if %cond3A_258 {
          } else {
          }
          %eq3A_259 = arith.constant 1 : i32
          %eq3A_260 = arith.cmpi eq, %sub3A_160, %eq3A_259 : i32
          %convert_element_type3A_261 = arith.extui %eq3A_260 : i1 to i32
          %cond3A_262 = arith.constant 0 : i32
          %cond3A_263 = arith.cmpi ne, %convert_element_type3A_261, %cond3A_262 : i32
          scf.if %cond3A_263 {
          } else {
          }
        } else {
        }
        %eq3A_234 = arith.constant 1 : i32
        %eq3A_235 = arith.cmpi eq, %rem3A_218, %eq3A_234 : i32
        %convert_element_type3A_236 = arith.extui %eq3A_235 : i1 to i32
        %cond3A_237 = arith.constant 0 : i32
        %cond3A_238 = arith.cmpi ne, %convert_element_type3A_236, %cond3A_237 : i32
        scf.if %cond3A_238 {
          %eq3A_254 = arith.constant 0 : i32
          %eq3A_255 = arith.cmpi eq, %sub3A_160, %eq3A_254 : i32
          %convert_element_type3A_256 = arith.extui %eq3A_255 : i1 to i32
          %cond3A_257 = arith.constant 0 : i32
          %cond3A_258 = arith.cmpi ne, %convert_element_type3A_256, %cond3A_257 : i32
          scf.if %cond3A_258 {
          } else {
          }
          %eq3A_259 = arith.constant 1 : i32
          %eq3A_260 = arith.cmpi eq, %sub3A_160, %eq3A_259 : i32
          %convert_element_type3A_261 = arith.extui %eq3A_260 : i1 to i32
          %cond3A_262 = arith.constant 0 : i32
          %cond3A_263 = arith.cmpi ne, %convert_element_type3A_261, %cond3A_262 : i32
          scf.if %cond3A_263 {
          } else {
          }
        } else {
        }
        %eq3A_239 = arith.constant 2 : i32
        %eq3A_240 = arith.cmpi eq, %rem3A_218, %eq3A_239 : i32
        %convert_element_type3A_241 = arith.extui %eq3A_240 : i1 to i32
        %cond3A_242 = arith.constant 0 : i32
        %cond3A_243 = arith.cmpi ne, %convert_element_type3A_241, %cond3A_242 : i32
        scf.if %cond3A_243 {
          %eq3A_254 = arith.constant 0 : i32
          %eq3A_255 = arith.cmpi eq, %sub3A_160, %eq3A_254 : i32
          %convert_element_type3A_256 = arith.extui %eq3A_255 : i1 to i32
          %cond3A_257 = arith.constant 0 : i32
          %cond3A_258 = arith.cmpi ne, %convert_element_type3A_256, %cond3A_257 : i32
          scf.if %cond3A_258 {
          } else {
          }
          %eq3A_259 = arith.constant 1 : i32
          %eq3A_260 = arith.cmpi eq, %sub3A_160, %eq3A_259 : i32
          %convert_element_type3A_261 = arith.extui %eq3A_260 : i1 to i32
          %cond3A_262 = arith.constant 0 : i32
          %cond3A_263 = arith.cmpi ne, %convert_element_type3A_261, %cond3A_262 : i32
          scf.if %cond3A_263 {
          } else {
          }
        } else {
        }
        %eq3A_244 = arith.constant 0 : i32
        %eq3A_245 = arith.cmpi eq, %sub3A_160, %eq3A_244 : i32
        %convert_element_type3A_246 = arith.extui %eq3A_245 : i1 to i32
        %cond3A_247 = arith.constant 0 : i32
        %cond3A_248 = arith.cmpi ne, %convert_element_type3A_246, %cond3A_247 : i32
        scf.if %cond3A_248 {
          %dma_start3A_254 = arith.constant 0 : i32
          %dma_start3A_255 = arith.constant 0 : i32
          %dma_start3A_256 = tpu.memref_slice %arg6[%dma_start3A_254, %dma_start3A_255] : memref<25088x64xf32, #tpu.memory_space<vmem_shared>> -> memref<25088x64xf32, #tpu.memory_space<vmem_shared>>
          tpu.enqueue_indirect_dma source(%arg14 : memref<128x64xf32, #tpu.memory_space<vmem>>) target(%dma_start3A_256 : memref<25088x64xf32, #tpu.memory_space<vmem_shared>>) offsets(%arg12 : memref<128xi32, #tpu.memory_space<vmem>>) semaphore(%arg21 : memref<!tpu.dma_semaphore, #tpu.memory_space<semaphore_mem>>) {add = true}
        } else {
        }
        %eq3A_249 = arith.constant 1 : i32
        %eq3A_250 = arith.cmpi eq, %sub3A_160, %eq3A_249 : i32
        %convert_element_type3A_251 = arith.extui %eq3A_250 : i1 to i32
        %cond3A_252 = arith.constant 0 : i32
        %cond3A_253 = arith.cmpi ne, %convert_element_type3A_251, %cond3A_252 : i32
        scf.if %cond3A_253 {
          %dma_start3A_254 = arith.constant 0 : i32
          %dma_start3A_255 = arith.constant 0 : i32
          %dma_start3A_256 = tpu.memref_slice %arg6[%dma_start3A_254, %dma_start3A_255] : memref<25088x64xf32, #tpu.memory_space<vmem_shared>> -> memref<25088x64xf32, #tpu.memory_space<vmem_shared>>
          tpu.enqueue_indirect_dma source(%arg15 : memref<128x64xf32, #tpu.memory_space<vmem>>) target(%dma_start3A_256 : memref<25088x64xf32, #tpu.memory_space<vmem_shared>>) offsets(%arg13 : memref<128xi32, #tpu.memory_space<vmem>>) semaphore(%arg22 : memref<!tpu.dma_semaphore, #tpu.memory_space<semaphore_mem>>) {add = true}
        } else {
        }
      } else {
      }
      %add3A_210 = arith.constant 2 : i32
      %add3A_211 = arith.addi %add3A_154, %add3A_210 : i32
      %lt3A = arith.cmpi slt, %add3A_211, %select_n3A : i32
      %convert_element_type3A_212 = arith.extui %lt3A : i1 to i32
      %cond3A_213 = arith.constant 0 : i32
      %cond3A_214 = arith.cmpi ne, %convert_element_type3A_212, %cond3A_213 : i32
      scf.if %cond3A_214 {
        %add3A_215 = arith.constant 2 : i32
        %add3A_216 = arith.addi %add3A_154, %add3A_215 : i32
        %rem3A_217 = arith.constant 3 : i32
        %rem3A_218 = arith.remsi %add3A_216, %rem3A_217 : i32
        %eq3A_219 = arith.constant 0 : i32
        %eq3A_220 = arith.cmpi eq, %rem3A_218, %eq3A_219 : i32
        %convert_element_type3A_221 = arith.extui %eq3A_220 : i1 to i32
        %cond3A_222 = arith.constant 0 : i32
        %cond3A_223 = arith.cmpi ne, %convert_element_type3A_221, %cond3A_222 : i32
        scf.if %cond3A_223 {
          %add3A_234 = arith.constant 2 : i32
          %add3A_235 = arith.addi %add3A_154, %add3A_234 : i32
          %mul3A_236 = arith.constant 16 : i32
          %mul3A_237 = arith.muli %add3A_235, %mul3A_236 : i32
          %add3A_238 = arith.addi %arg1, %mul3A_237 : i32
          %dma_start3A_239 = arith.constant 0 : i32
          %dma_start3A_240 = tpu.memref_slice %arg2[%add3A_238, %dma_start3A_239] : memref<6250x2304xi32, #tpu.memory_space<hbm>> -> memref<1x2304xi32, #tpu.memory_space<hbm>>
          %dma_start3A_241 = tpu.memref_squeeze %dma_start3A_240 : memref<1x2304xi32, #tpu.memory_space<hbm>> -> memref<2304xi32, #tpu.memory_space<hbm>>
          %dma_start3A_242 = arith.constant 0 : i32
          %dma_start3A_243 = tpu.memref_slice %arg2[%add3A_238, %dma_start3A_242] : memref<6250x2304xi32, #tpu.memory_space<hbm>> -> memref<1x2304xi32, #tpu.memory_space<hbm>>
          %dma_start3A_244 = tpu.memref_squeeze %dma_start3A_243 : memref<1x2304xi32, #tpu.memory_space<hbm>> -> memref<2304xi32, #tpu.memory_space<hbm>>
          tpu.enqueue_dma source(%dma_start3A_244 : memref<2304xi32, #tpu.memory_space<hbm>>) target(%arg7 : memref<2304xi32, #tpu.memory_space<vmem>>) target_semaphore(%arg16 : memref<!tpu.dma_semaphore, #tpu.memory_space<semaphore_mem>>)
        } else {
        }
        %eq3A_224 = arith.constant 1 : i32
        %eq3A_225 = arith.cmpi eq, %rem3A_218, %eq3A_224 : i32
        %convert_element_type3A_226 = arith.extui %eq3A_225 : i1 to i32
        %cond3A_227 = arith.constant 0 : i32
        %cond3A_228 = arith.cmpi ne, %convert_element_type3A_226, %cond3A_227 : i32
        scf.if %cond3A_228 {
          %add3A_234 = arith.constant 2 : i32
          %add3A_235 = arith.addi %add3A_154, %add3A_234 : i32
          %mul3A_236 = arith.constant 16 : i32
          %mul3A_237 = arith.muli %add3A_235, %mul3A_236 : i32
          %add3A_238 = arith.addi %arg1, %mul3A_237 : i32
          %dma_start3A_239 = arith.constant 0 : i32
          %dma_start3A_240 = tpu.memref_slice %arg2[%add3A_238, %dma_start3A_239] : memref<6250x2304xi32, #tpu.memory_space<hbm>> -> memref<1x2304xi32, #tpu.memory_space<hbm>>
          %dma_start3A_241 = tpu.memref_squeeze %dma_start3A_240 : memref<1x2304xi32, #tpu.memory_space<hbm>> -> memref<2304xi32, #tpu.memory_space<hbm>>
          %dma_start3A_242 = arith.constant 0 : i32
          %dma_start3A_243 = tpu.memref_slice %arg2[%add3A_238, %dma_start3A_242] : memref<6250x2304xi32, #tpu.memory_space<hbm>> -> memref<1x2304xi32, #tpu.memory_space<hbm>>
          %dma_start3A_244 = tpu.memref_squeeze %dma_start3A_243 : memref<1x2304xi32, #tpu.memory_space<hbm>> -> memref<2304xi32, #tpu.memory_space<hbm>>
          tpu.enqueue_dma source(%dma_start3A_244 : memref<2304xi32, #tpu.memory_space<hbm>>) target(%arg8 : memref<2304xi32, #tpu.memory_space<vmem>>) target_semaphore(%arg17 : memref<!tpu.dma_semaphore, #tpu.memory_space<semaphore_mem>>)
        } else {
        }
        %eq3A_229 = arith.constant 2 : i32
        %eq3A_230 = arith.cmpi eq, %rem3A_218, %eq3A_229 : i32
        %convert_element_type3A_231 = arith.extui %eq3A_230 : i1 to i32
        %cond3A_232 = arith.constant 0 : i32
        %cond3A_233 = arith.cmpi ne, %convert_element_type3A_231, %cond3A_232 : i32
        scf.if %cond3A_233 {
          %add3A_234 = arith.constant 2 : i32
          %add3A_235 = arith.addi %add3A_154, %add3A_234 : i32
          %mul3A_236 = arith.constant 16 : i32
          %mul3A_237 = arith.muli %add3A_235, %mul3A_236 : i32
          %add3A_238 = arith.addi %arg1, %mul3A_237 : i32
          %dma_start3A_239 = arith.constant 0 : i32
          %dma_start3A_240 = tpu.memref_slice %arg2[%add3A_238, %dma_start3A_239] : memref<6250x2304xi32, #tpu.memory_space<hbm>> -> memref<1x2304xi32, #tpu.memory_space<hbm>>
          %dma_start3A_241 = tpu.memref_squeeze %dma_start3A_240 : memref<1x2304xi32, #tpu.memory_space<hbm>> -> memref<2304xi32, #tpu.memory_space<hbm>>
          %dma_start3A_242 = arith.constant 0 : i32
          %dma_start3A_243 = tpu.memref_slice %arg2[%add3A_238, %dma_start3A_242] : memref<6250x2304xi32, #tpu.memory_space<hbm>> -> memref<1x2304xi32, #tpu.memory_space<hbm>>
          %dma_start3A_244 = tpu.memref_squeeze %dma_start3A_243 : memref<1x2304xi32, #tpu.memory_space<hbm>> -> memref<2304xi32, #tpu.memory_space<hbm>>
          tpu.enqueue_dma source(%dma_start3A_244 : memref<2304xi32, #tpu.memory_space<hbm>>) target(%arg9 : memref<2304xi32, #tpu.memory_space<vmem>>) target_semaphore(%arg18 : memref<!tpu.dma_semaphore, #tpu.memory_space<semaphore_mem>>)
        } else {
        }
      } else {
      }
    }
    %sub3A_71 = arith.constant 1 : i32
    %sub3A_72 = arith.subi %select_n3A, %sub3A_71 : i32
    %rem3A_73 = arith.constant 2 : i32
    %rem3A_74 = arith.remsi %sub3A_72, %rem3A_73 : i32
    %sub3A_75 = arith.constant 1 : i32
    %sub3A_76 = arith.subi %select_n3A, %sub3A_75 : i32
    %rem3A_77 = arith.constant 3 : i32
    %rem3A_78 = arith.remsi %sub3A_76, %rem3A_77 : i32
    %eq3A = arith.constant 0 : i32
    %eq3A_79 = arith.cmpi eq, %rem3A_74, %eq3A : i32
    %convert_element_type3A = arith.extui %eq3A_79 : i1 to i32
    %cond3A = arith.constant 0 : i32
    %cond3A_80 = arith.cmpi ne, %convert_element_type3A, %cond3A : i32
    scf.if %cond3A_80 {
      %dma_wait3A = arith.constant 0 : i32
      %dma_wait3A_152 = arith.constant 0 : i32
      %dma_wait3A_153 = tpu.memref_slice %arg3[%dma_wait3A, %dma_wait3A_152] : memref<50000x64xf32, #tpu.memory_space<hbm>> -> memref<50000x64xf32, #tpu.memory_space<hbm>>
      tpu.wait_indirect_dma semaphore(%arg19 : memref<!tpu.dma_semaphore, #tpu.memory_space<semaphore_mem>>) src(%dma_wait3A_153 : memref<50000x64xf32, #tpu.memory_space<hbm>>) dst(%arg14 : memref<128x64xf32, #tpu.memory_space<vmem>>)
    } else {
    }
    %eq3A_81 = arith.constant 1 : i32
    %eq3A_82 = arith.cmpi eq, %rem3A_74, %eq3A_81 : i32
    %convert_element_type3A_83 = arith.extui %eq3A_82 : i1 to i32
    %cond3A_84 = arith.constant 0 : i32
    %cond3A_85 = arith.cmpi ne, %convert_element_type3A_83, %cond3A_84 : i32
    scf.if %cond3A_85 {
      %dma_wait3A = arith.constant 0 : i32
      %dma_wait3A_152 = arith.constant 0 : i32
      %dma_wait3A_153 = tpu.memref_slice %arg3[%dma_wait3A, %dma_wait3A_152] : memref<50000x64xf32, #tpu.memory_space<hbm>> -> memref<50000x64xf32, #tpu.memory_space<hbm>>
      tpu.wait_indirect_dma semaphore(%arg20 : memref<!tpu.dma_semaphore, #tpu.memory_space<semaphore_mem>>) src(%dma_wait3A_153 : memref<50000x64xf32, #tpu.memory_space<hbm>>) dst(%arg15 : memref<128x64xf32, #tpu.memory_space<vmem>>)
    } else {
    }
    %eq3A_86 = arith.constant 0 : i32
    %eq3A_87 = arith.cmpi eq, %rem3A_78, %eq3A_86 : i32
    %convert_element_type3A_88 = arith.extui %eq3A_87 : i1 to i32
    %cond3A_89 = arith.constant 0 : i32
    %cond3A_90 = arith.cmpi ne, %convert_element_type3A_88, %cond3A_89 : i32
    scf.if %cond3A_90 {
      %eq3A_152 = arith.constant 0 : i32
      %eq3A_153 = arith.cmpi eq, %rem3A_74, %eq3A_152 : i32
      %convert_element_type3A_154 = arith.extui %eq3A_153 : i1 to i32
      %cond3A_155 = arith.constant 0 : i32
      %cond3A_156 = arith.cmpi ne, %convert_element_type3A_154, %cond3A_155 : i32
      scf.if %cond3A_156 {
      } else {
      }
      %eq3A_157 = arith.constant 1 : i32
      %eq3A_158 = arith.cmpi eq, %rem3A_74, %eq3A_157 : i32
      %convert_element_type3A_159 = arith.extui %eq3A_158 : i1 to i32
      %cond3A_160 = arith.constant 0 : i32
      %cond3A_161 = arith.cmpi ne, %convert_element_type3A_159, %cond3A_160 : i32
      scf.if %cond3A_161 {
      } else {
      }
    } else {
    }
    %eq3A_91 = arith.constant 1 : i32
    %eq3A_92 = arith.cmpi eq, %rem3A_78, %eq3A_91 : i32
    %convert_element_type3A_93 = arith.extui %eq3A_92 : i1 to i32
    %cond3A_94 = arith.constant 0 : i32
    %cond3A_95 = arith.cmpi ne, %convert_element_type3A_93, %cond3A_94 : i32
    scf.if %cond3A_95 {
      %eq3A_152 = arith.constant 0 : i32
      %eq3A_153 = arith.cmpi eq, %rem3A_74, %eq3A_152 : i32
      %convert_element_type3A_154 = arith.extui %eq3A_153 : i1 to i32
      %cond3A_155 = arith.constant 0 : i32
      %cond3A_156 = arith.cmpi ne, %convert_element_type3A_154, %cond3A_155 : i32
      scf.if %cond3A_156 {
      } else {
      }
      %eq3A_157 = arith.constant 1 : i32
      %eq3A_158 = arith.cmpi eq, %rem3A_74, %eq3A_157 : i32
      %convert_element_type3A_159 = arith.extui %eq3A_158 : i1 to i32
      %cond3A_160 = arith.constant 0 : i32
      %cond3A_161 = arith.cmpi ne, %convert_element_type3A_159, %cond3A_160 : i32
      scf.if %cond3A_161 {
      } else {
      }
    } else {
    }
    %eq3A_96 = arith.constant 2 : i32
    %eq3A_97 = arith.cmpi eq, %rem3A_78, %eq3A_96 : i32
    %convert_element_type3A_98 = arith.extui %eq3A_97 : i1 to i32
    %cond3A_99 = arith.constant 0 : i32
    %cond3A_100 = arith.cmpi ne, %convert_element_type3A_98, %cond3A_99 : i32
    scf.if %cond3A_100 {
      %eq3A_152 = arith.constant 0 : i32
      %eq3A_153 = arith.cmpi eq, %rem3A_74, %eq3A_152 : i32
      %convert_element_type3A_154 = arith.extui %eq3A_153 : i1 to i32
      %cond3A_155 = arith.constant 0 : i32
      %cond3A_156 = arith.cmpi ne, %convert_element_type3A_154, %cond3A_155 : i32
      scf.if %cond3A_156 {
      } else {
      }
      %eq3A_157 = arith.constant 1 : i32
      %eq3A_158 = arith.cmpi eq, %rem3A_74, %eq3A_157 : i32
      %convert_element_type3A_159 = arith.extui %eq3A_158 : i1 to i32
      %cond3A_160 = arith.constant 0 : i32
      %cond3A_161 = arith.cmpi ne, %convert_element_type3A_159, %cond3A_160 : i32
      scf.if %cond3A_161 {
      } else {
      }
    } else {
    }
    %eq3A_101 = arith.constant 0 : i32
    %eq3A_102 = arith.cmpi eq, %rem3A_74, %eq3A_101 : i32
    %convert_element_type3A_103 = arith.extui %eq3A_102 : i1 to i32
    %cond3A_104 = arith.constant 0 : i32
    %cond3A_105 = arith.cmpi ne, %convert_element_type3A_103, %cond3A_104 : i32
    scf.if %cond3A_105 {
      %dma_start3A_152 = arith.constant 0 : i32
      %dma_start3A_153 = arith.constant 0 : i32
      %dma_start3A_154 = tpu.memref_slice %arg6[%dma_start3A_152, %dma_start3A_153] : memref<25088x64xf32, #tpu.memory_space<vmem_shared>> -> memref<25088x64xf32, #tpu.memory_space<vmem_shared>>
      tpu.enqueue_indirect_dma source(%arg14 : memref<128x64xf32, #tpu.memory_space<vmem>>) target(%dma_start3A_154 : memref<25088x64xf32, #tpu.memory_space<vmem_shared>>) offsets(%arg12 : memref<128xi32, #tpu.memory_space<vmem>>) semaphore(%arg21 : memref<!tpu.dma_semaphore, #tpu.memory_space<semaphore_mem>>) {add = true}
    } else {
    }
    %eq3A_106 = arith.constant 1 : i32
    %eq3A_107 = arith.cmpi eq, %rem3A_74, %eq3A_106 : i32
    %convert_element_type3A_108 = arith.extui %eq3A_107 : i1 to i32
    %cond3A_109 = arith.constant 0 : i32
    %cond3A_110 = arith.cmpi ne, %convert_element_type3A_108, %cond3A_109 : i32
    scf.if %cond3A_110 {
      %dma_start3A_152 = arith.constant 0 : i32
      %dma_start3A_153 = arith.constant 0 : i32
      %dma_start3A_154 = tpu.memref_slice %arg6[%dma_start3A_152, %dma_start3A_153] : memref<25088x64xf32, #tpu.memory_space<vmem_shared>> -> memref<25088x64xf32, #tpu.memory_space<vmem_shared>>
      tpu.enqueue_indirect_dma source(%arg15 : memref<128x64xf32, #tpu.memory_space<vmem>>) target(%dma_start3A_154 : memref<25088x64xf32, #tpu.memory_space<vmem_shared>>) offsets(%arg13 : memref<128xi32, #tpu.memory_space<vmem>>) semaphore(%arg22 : memref<!tpu.dma_semaphore, #tpu.memory_space<semaphore_mem>>) {add = true}
    } else {
    }
    %sub3A_111 = arith.constant 1 : i32
    %sub3A_112 = arith.subi %sub3A_111, %rem3A_74 : i32
    %eq3A_113 = arith.constant 0 : i32
    %eq3A_114 = arith.cmpi eq, %sub3A_112, %eq3A_113 : i32
    %convert_element_type3A_115 = arith.extui %eq3A_114 : i1 to i32
    %cond3A_116 = arith.constant 0 : i32
    %cond3A_117 = arith.cmpi ne, %convert_element_type3A_115, %cond3A_116 : i32
    scf.if %cond3A_117 {
      %dma_wait3A = arith.constant 0 : i32
      %dma_wait3A_152 = arith.constant 0 : i32
      %dma_wait3A_153 = tpu.memref_slice %arg6[%dma_wait3A, %dma_wait3A_152] : memref<25088x64xf32, #tpu.memory_space<vmem_shared>> -> memref<25088x64xf32, #tpu.memory_space<vmem_shared>>
      tpu.wait_indirect_dma semaphore(%arg21 : memref<!tpu.dma_semaphore, #tpu.memory_space<semaphore_mem>>) src(%arg14 : memref<128x64xf32, #tpu.memory_space<vmem>>) dst(%dma_wait3A_153 : memref<25088x64xf32, #tpu.memory_space<vmem_shared>>)
    } else {
    }
    %eq3A_118 = arith.constant 1 : i32
    %eq3A_119 = arith.cmpi eq, %sub3A_112, %eq3A_118 : i32
    %convert_element_type3A_120 = arith.extui %eq3A_119 : i1 to i32
    %cond3A_121 = arith.constant 0 : i32
    %cond3A_122 = arith.cmpi ne, %convert_element_type3A_120, %cond3A_121 : i32
    scf.if %cond3A_122 {
      %dma_wait3A = arith.constant 0 : i32
      %dma_wait3A_152 = arith.constant 0 : i32
      %dma_wait3A_153 = tpu.memref_slice %arg6[%dma_wait3A, %dma_wait3A_152] : memref<25088x64xf32, #tpu.memory_space<vmem_shared>> -> memref<25088x64xf32, #tpu.memory_space<vmem_shared>>
      tpu.wait_indirect_dma semaphore(%arg22 : memref<!tpu.dma_semaphore, #tpu.memory_space<semaphore_mem>>) src(%arg15 : memref<128x64xf32, #tpu.memory_space<vmem>>) dst(%dma_wait3A_153 : memref<25088x64xf32, #tpu.memory_space<vmem_shared>>)
    } else {
    }
    %eq3A_123 = arith.constant 0 : i32
    %eq3A_124 = arith.cmpi eq, %rem3A_74, %eq3A_123 : i32
    %convert_element_type3A_125 = arith.extui %eq3A_124 : i1 to i32
    %cond3A_126 = arith.constant 0 : i32
    %cond3A_127 = arith.cmpi ne, %convert_element_type3A_125, %cond3A_126 : i32
    scf.if %cond3A_127 {
      %dma_wait3A = arith.constant 0 : i32
      %dma_wait3A_152 = arith.constant 0 : i32
      %dma_wait3A_153 = tpu.memref_slice %arg6[%dma_wait3A, %dma_wait3A_152] : memref<25088x64xf32, #tpu.memory_space<vmem_shared>> -> memref<25088x64xf32, #tpu.memory_space<vmem_shared>>
      tpu.wait_indirect_dma semaphore(%arg21 : memref<!tpu.dma_semaphore, #tpu.memory_space<semaphore_mem>>) src(%arg14 : memref<128x64xf32, #tpu.memory_space<vmem>>) dst(%dma_wait3A_153 : memref<25088x64xf32, #tpu.memory_space<vmem_shared>>)
    } else {
    }
    %eq3A_128 = arith.constant 1 : i32
    %eq3A_129 = arith.cmpi eq, %rem3A_74, %eq3A_128 : i32
    %convert_element_type3A_130 = arith.extui %eq3A_129 : i1 to i32
    %cond3A_131 = arith.constant 0 : i32
    %cond3A_132 = arith.cmpi ne, %convert_element_type3A_130, %cond3A_131 : i32
    scf.if %cond3A_132 {
      %dma_wait3A = arith.constant 0 : i32
      %dma_wait3A_152 = arith.constant 0 : i32
      %dma_wait3A_153 = tpu.memref_slice %arg6[%dma_wait3A, %dma_wait3A_152] : memref<25088x64xf32, #tpu.memory_space<vmem_shared>> -> memref<25088x64xf32, #tpu.memory_space<vmem_shared>>
      tpu.wait_indirect_dma semaphore(%arg22 : memref<!tpu.dma_semaphore, #tpu.memory_space<semaphore_mem>>) src(%arg15 : memref<128x64xf32, #tpu.memory_space<vmem>>) dst(%dma_wait3A_153 : memref<25088x64xf32, #tpu.memory_space<vmem_shared>>)
    } else {
    }
    %barrier3A_133 = arith.constant 0 : index
    tpu.barrier barrier_id(%barrier3A_133)
    %sub3A_134 = arith.constant 125 : i32
    %sub3A_135 = arith.subi %sub3A_134, %arg1 : i32
    %sub3A_136 = arith.constant 16 : i32
    %sub3A_137 = arith.constant 1 : i32
    %sub3A_138 = arith.subi %sub3A_136, %sub3A_137 : i32
    %add3A_139 = arith.addi %sub3A_135, %sub3A_138 : i32
    %div3A_140 = arith.constant 16 : i32
    %div3A_141 = arith.divsi %add3A_139, %div3A_140 : i32
    %while3A_142 = arith.constant 16 : i32
    %while3A_143 = arith.constant 0 : i32
    %while3A_144 = arith.subi %div3A_141, %while3A_143 : i32
    %while3A_145 = arith.addi %while3A_143, %while3A_144 : i32
    %while3A_146 = arith.constant 1 : i32
    %while3A_147 = arith.divsi %while3A_144, %while3A_146 : i32
    %while3A_148 = arith.muli %while3A_147, %while3A_146 : i32
    %while3A_149 = arith.addi %while3A_143, %while3A_148 : i32
    %while3A_150 = arith.constant 1 : i32
    scf.for %while3A_152 = %while3A_143 to %while3A_149 step %while3A_150  : i32 {
      %mul3A_153 = arith.muli %while3A_152, %while3A_142 : i32
      %add3A_154 = arith.addi %arg1, %mul3A_153 : i32
      %mul3A_155 = arith.constant 200 : i32
      %mul3A_156 = arith.muli %add3A_154, %mul3A_155 : i32
      %mul3A_157 = arith.constant 200 : i32
      %mul3A_158 = arith.muli %add3A_154, %mul3A_157 : i32
      %add3A_159 = arith.addi %mul3A_0, %mul3A_158 : i32
      "tpu.region"() ({
        %run_scoped3A = tpu.sem_alloc : memref<!tpu.dma_semaphore, #tpu.memory_space<semaphore_mem>>
        %dma_start3A_160 = arith.constant 0 : i32
        %dma_start3A_161 = tpu.memref_slice %arg5[%add3A_159, %dma_start3A_160] : memref<50000x64xf32, #tpu.memory_space<hbm>> -> memref<200x64xf32, #tpu.memory_space<hbm>>
        %dma_start3A_162 = arith.constant 0 : i32
        %dma_start3A_163 = tpu.memref_slice %arg6[%mul3A_156, %dma_start3A_162] : memref<25088x64xf32, #tpu.memory_space<vmem_shared>> -> memref<200x64xf32, #tpu.memory_space<vmem_shared>>
        tpu.enqueue_dma source(%dma_start3A_163 : memref<200x64xf32, #tpu.memory_space<vmem_shared>>) target(%dma_start3A_161 : memref<200x64xf32, #tpu.memory_space<hbm>>) target_semaphore(%run_scoped3A : memref<!tpu.dma_semaphore, #tpu.memory_space<semaphore_mem>>)
        %dma_wait3A = arith.constant 0 : i32
        %dma_wait3A_164 = tpu.memref_slice %arg5[%add3A_159, %dma_wait3A] : memref<50000x64xf32, #tpu.memory_space<hbm>> -> memref<200x64xf32, #tpu.memory_space<hbm>>
        %dma_wait3A_165 = arith.constant 0 : i32
        %dma_wait3A_166 = tpu.memref_slice %arg6[%mul3A_156, %dma_wait3A_165] : memref<25088x64xf32, #tpu.memory_space<vmem_shared>> -> memref<200x64xf32, #tpu.memory_space<vmem_shared>>
        tpu.wait_dma2 semaphore(%run_scoped3A : memref<!tpu.dma_semaphore, #tpu.memory_space<semaphore_mem>>) src(%dma_wait3A_166 : memref<200x64xf32, #tpu.memory_space<vmem_shared>>) dst(%dma_wait3A_164 : memref<200x64xf32, #tpu.memory_space<hbm>>)
        tpu.yield
      }) : () -> ()
    }
    %while3A_151 = arith.constant 1 : i32
    scf.for %while3A_152 = %while3A_149 to %while3A_145 step %while3A_151  : i32 {
      %mul3A_153 = arith.muli %while3A_152, %while3A_142 : i32
      %add3A_154 = arith.addi %arg1, %mul3A_153 : i32
      %mul3A_155 = arith.constant 200 : i32
      %mul3A_156 = arith.muli %add3A_154, %mul3A_155 : i32
      %mul3A_157 = arith.constant 200 : i32
      %mul3A_158 = arith.muli %add3A_154, %mul3A_157 : i32
      %add3A_159 = arith.addi %mul3A_0, %mul3A_158 : i32
      "tpu.region"() ({
        %run_scoped3A = tpu.sem_alloc : memref<!tpu.dma_semaphore, #tpu.memory_space<semaphore_mem>>
        %dma_start3A_160 = arith.constant 0 : i32
        %dma_start3A_161 = tpu.memref_slice %arg5[%add3A_159, %dma_start3A_160] : memref<50000x64xf32, #tpu.memory_space<hbm>> -> memref<200x64xf32, #tpu.memory_space<hbm>>
        %dma_start3A_162 = arith.constant 0 : i32
        %dma_start3A_163 = tpu.memref_slice %arg6[%mul3A_156, %dma_start3A_162] : memref<25088x64xf32, #tpu.memory_space<vmem_shared>> -> memref<200x64xf32, #tpu.memory_space<vmem_shared>>
        tpu.enqueue_dma source(%dma_start3A_163 : memref<200x64xf32, #tpu.memory_space<vmem_shared>>) target(%dma_start3A_161 : memref<200x64xf32, #tpu.memory_space<hbm>>) target_semaphore(%run_scoped3A : memref<!tpu.dma_semaphore, #tpu.memory_space<semaphore_mem>>)
        %dma_wait3A = arith.constant 0 : i32
        %dma_wait3A_164 = tpu.memref_slice %arg5[%add3A_159, %dma_wait3A] : memref<50000x64xf32, #tpu.memory_space<hbm>> -> memref<200x64xf32, #tpu.memory_space<hbm>>
        %dma_wait3A_165 = arith.constant 0 : i32
        %dma_wait3A_166 = tpu.memref_slice %arg6[%mul3A_156, %dma_wait3A_165] : memref<25088x64xf32, #tpu.memory_space<vmem_shared>> -> memref<200x64xf32, #tpu.memory_space<vmem_shared>>
        tpu.wait_dma2 semaphore(%run_scoped3A : memref<!tpu.dma_semaphore, #tpu.memory_space<semaphore_mem>>) src(%dma_wait3A_166 : memref<200x64xf32, #tpu.memory_space<vmem_shared>>) dst(%dma_wait3A_164 : memref<200x64xf32, #tpu.memory_space<hbm>>)
        tpu.yield
      }) : () -> ()
    }
    return
  }
}

module attributes {stable_mosaic.version = 14 : i64} {
  func.func @_item_emb_body(%arg0: i32, %arg1: memref<1000x64xf32, #tpu.memory_space<vmem>>, %arg2: memref<64x64xf32, #tpu.memory_space<vmem>>, %arg3: memref<1000x64xf32, #tpu.memory_space<vmem>>, %arg4: memref<1x64xf32, #tpu.memory_space<vmem>>, %arg5: memref<1000x64xf32, #tpu.memory_space<vmem>>) attributes {dimension_semantics = [#tpu.dimension_semantics<arbitrary>], iteration_bounds = array<i64: 25>, scalar_prefetch = 0 : i64, scratch_operands = 0 : i64, tpu.core_type = #tpu.core_type<tc>, window_params = [{transform_indices = @transform_0, window_bounds = array<i64: 1000, 64>}, {pipeline_mode = #tpu.pipeline_mode<synchronous>, transform_indices = @transform_1, window_bounds = array<i64: 64, 64>}, {transform_indices = @transform_2, window_bounds = array<i64: 1000, 64>}, {pipeline_mode = #tpu.pipeline_mode<synchronous>, transform_indices = @transform_3, window_bounds = array<i64: 1, 64>}, {transform_indices = @transform_4, window_bounds = array<i64: 1000, 64>}]} {
    %get3A = arith.constant 0 : index
    %get3A_0 = arith.constant 0 : index
    %get3A_1 = vector.load %arg1[%get3A, %get3A_0] : memref<1000x64xf32, #tpu.memory_space<vmem>>, vector<1000x64xf32>
    %get3A_2 = arith.constant 0 : index
    %get3A_3 = arith.constant 0 : index
    %get3A_4 = vector.load %arg2[%get3A_2, %get3A_3] : memref<64x64xf32, #tpu.memory_space<vmem>>, vector<64x64xf32>
    %dot_general3A = arith.constant dense<0.000000e+00> : vector<1000x64xf32>
    %dot_general3A_5 = tpu.matmul %get3A_1, %get3A_4, %dot_general3A {dimension_numbers = #tpu.dot_dimension_numbers<[1], [1], [0], [0], [0, 0, 1, 0], [], []>, transpose_lhs_hint = false} : vector<1000x64xf32>, vector<64x64xf32>, vector<1000x64xf32> -> vector<1000x64xf32>
    %get3A_6 = arith.constant 0 : index
    %get3A_7 = arith.constant 0 : index
    %get3A_8 = vector.load %arg3[%get3A_6, %get3A_7] : memref<1000x64xf32, #tpu.memory_space<vmem>>, vector<1000x64xf32>
    %add3A = arith.addf %get3A_8, %dot_general3A_5 : vector<1000x64xf32>
    %get3A_9 = arith.constant 0 : index
    %get3A_10 = arith.constant 0 : index
    %get3A_11 = vector.load %arg4[%get3A_9, %get3A_10] : memref<1x64xf32, #tpu.memory_space<vmem>>, vector<1x64xf32>
    %add3A_12 = vector.broadcast %get3A_11 : vector<1x64xf32> to vector<1000x64xf32>
    %add3A_13 = arith.addf %add3A, %add3A_12 : vector<1000x64xf32>
    %swap3A = arith.constant 0 : index
    %swap3A_14 = arith.constant 0 : index
    %swap3A_15 = vector.load %arg5[%swap3A, %swap3A_14] : memref<1000x64xf32, #tpu.memory_space<vmem>>, vector<1000x64xf32>
    tpu.vector_store %arg5[%swap3A, %swap3A_14], %add3A_13 {strides = array<i32>} : memref<1000x64xf32, #tpu.memory_space<vmem>>, vector<1000x64xf32>,
    return
  }
  func.func @transform_0(%arg0: i32) -> (i32, i32) {
    %c0_i32 = arith.constant 0 : i32
    %c0_i32_0 = arith.constant 0 : i32
    return %arg0, %c0_i32 : i32, i32
  }
  func.func @transform_1(%arg0: i32) -> (i32, i32) {
    %c0_i32 = arith.constant 0 : i32
    %c0_i32_0 = arith.constant 0 : i32
    %c0_i32_1 = arith.constant 0 : i32
    return %c0_i32, %c0_i32_0 : i32, i32
  }
  func.func @transform_2(%arg0: i32) -> (i32, i32) {
    %c0_i32 = arith.constant 0 : i32
    %c0_i32_0 = arith.constant 0 : i32
    return %arg0, %c0_i32 : i32, i32
  }
  func.func @transform_3(%arg0: i32) -> (i32, i32) {
    %c0_i32 = arith.constant 0 : i32
    %c0_i32_0 = arith.constant 0 : i32
    %c0_i32_1 = arith.constant 0 : i32
    return %c0_i32, %c0_i32_0 : i32, i32
  }
  func.func @transform_4(%arg0: i32) -> (i32, i32) {
    %c0_i32 = arith.constant 0 : i32
    %c0_i32_0 = arith.constant 0 : i32
    return %arg0, %c0_i32 : i32, i32
  }
}

module attributes {stable_mosaic.version = 14 : i64} {
  func.func @_mean4_body(%arg0: i32, %arg1: memref<1000x64xf32, #tpu.memory_space<vmem>>, %arg2: memref<1000x64xf32, #tpu.memory_space<vmem>>, %arg3: memref<1000x64xf32, #tpu.memory_space<vmem>>, %arg4: memref<1000x64xf32, #tpu.memory_space<vmem>>, %arg5: memref<1000x64xf32, #tpu.memory_space<vmem>>) attributes {dimension_semantics = [#tpu.dimension_semantics<arbitrary>], iteration_bounds = array<i64: 50>, scalar_prefetch = 0 : i64, scratch_operands = 0 : i64, tpu.core_type = #tpu.core_type<tc>, window_params = [{transform_indices = @transform_0, window_bounds = array<i64: 1000, 64>}, {transform_indices = @transform_1, window_bounds = array<i64: 1000, 64>}, {transform_indices = @transform_2, window_bounds = array<i64: 1000, 64>}, {transform_indices = @transform_3, window_bounds = array<i64: 1000, 64>}, {transform_indices = @transform_4, window_bounds = array<i64: 1000, 64>}]} {
    %get3A = arith.constant 0 : index
    %get3A_0 = arith.constant 0 : index
    %get3A_1 = vector.load %arg1[%get3A, %get3A_0] : memref<1000x64xf32, #tpu.memory_space<vmem>>, vector<1000x64xf32>
    %get3A_2 = arith.constant 0 : index
    %get3A_3 = arith.constant 0 : index
    %get3A_4 = vector.load %arg2[%get3A_2, %get3A_3] : memref<1000x64xf32, #tpu.memory_space<vmem>>, vector<1000x64xf32>
    %add3A = arith.addf %get3A_1, %get3A_4 : vector<1000x64xf32>
    %get3A_5 = arith.constant 0 : index
    %get3A_6 = arith.constant 0 : index
    %get3A_7 = vector.load %arg3[%get3A_5, %get3A_6] : memref<1000x64xf32, #tpu.memory_space<vmem>>, vector<1000x64xf32>
    %add3A_8 = arith.addf %add3A, %get3A_7 : vector<1000x64xf32>
    %get3A_9 = arith.constant 0 : index
    %get3A_10 = arith.constant 0 : index
    %get3A_11 = vector.load %arg4[%get3A_9, %get3A_10] : memref<1000x64xf32, #tpu.memory_space<vmem>>, vector<1000x64xf32>
    %add3A_12 = arith.addf %add3A_8, %get3A_11 : vector<1000x64xf32>
    %mul3A = arith.constant 2.500000e-01 : f32
    %mul3A_13 = vector.broadcast %mul3A : f32 to vector<1000x64xf32>
    %mul3A_14 = arith.mulf %add3A_12, %mul3A_13 : vector<1000x64xf32>
    %swap3A = arith.constant 0 : index
    %swap3A_15 = arith.constant 0 : index
    %swap3A_16 = vector.load %arg5[%swap3A, %swap3A_15] : memref<1000x64xf32, #tpu.memory_space<vmem>>, vector<1000x64xf32>
    tpu.vector_store %arg5[%swap3A, %swap3A_15], %mul3A_14 {strides = array<i32>} : memref<1000x64xf32, #tpu.memory_space<vmem>>, vector<1000x64xf32>,
    return
  }
  func.func @transform_0(%arg0: i32) -> (i32, i32) {
    %c0_i32 = arith.constant 0 : i32
    %c0_i32_0 = arith.constant 0 : i32
    return %arg0, %c0_i32 : i32, i32
  }
  func.func @transform_1(%arg0: i32) -> (i32, i32) {
    %c0_i32 = arith.constant 0 : i32
    %c0_i32_0 = arith.constant 0 : i32
    return %arg0, %c0_i32 : i32, i32
  }
  func.func @transform_2(%arg0: i32) -> (i32, i32) {
    %c0_i32 = arith.constant 0 : i32
    %c0_i32_0 = arith.constant 0 : i32
    return %arg0, %c0_i32 : i32, i32
  }
  func.func @transform_3(%arg0: i32) -> (i32, i32) {
    %c0_i32 = arith.constant 0 : i32
    %c0_i32_0 = arith.constant 0 : i32
    return %arg0, %c0_i32 : i32, i32
  }
  func.func @transform_4(%arg0: i32) -> (i32, i32) {
    %c0_i32 = arith.constant 0 : i32
    %c0_i32_0 = arith.constant 0 : i32
    return %arg0, %c0_i32 : i32, i32
  }
}

</mosaic_0001>

<sc_bundles>
// kernel: kernel.10.cloned.1.call-start
scs
__scs_entry_jumppad:
0x0: {  	(pc) =	sbr.rel $0x88, $3  }
0x1: {  	(tag) =	ssettag $0x0;
	lr =	simm.s32 $0x1  }
0x2: {  	[smem:$0x3F9A] =	sst lr;
	_ =	strace $0xD0000000  }
0x3: {  	_ = 	snop  }
0x4: {  	_ = 	snop  }
0x5: {  	_ = 	snop  }
0x6: {  	_ = 	snop  }
0x7: {  	_ = 	snop  }
__scs_overlays_trampoline_lowered:
0x8: {  	[smem:$0x3FA9] =	sst s0  }
0x9: {  	[smem:$0x3FAA] =	sst s1  }
0xa: {  	[smem:$0x3FAB] =	sst s2  }
0xb: {  	[smem:$0x3FAC] =	sst s3  }
0xc: {  	[smem:$0x3FAD] =	sst s4  }
0xd: {  	[smem:$0x3FAE] =	sst s5  }
0xe: {  	[smem:$0x3FAF] =	sst s6  }
0xf: {  	[smem:$0x3FB0] =	sst s7  }
0x10: {  	[smem:$0x3FB1] =	sst s8  }
0x11: {  	[smem:$0x3FB2] =	sst s9;
	s0 =	simm.s32 @!p0 $0x0  }
0x12: {  	s1 =	sld [smem:$0x3F98];
	s0 =	simm.s32 @p0 $0x1  }
0x13: {  	[smem:$0x3FB3] =	sst s0;
	s0 =	simm.s32 @!p1 $0x0  }
0x14: {  	s2 =	sld [smem:$0x3F97];
	s0 =	simm.s32 @p1 $0x1  }
0x15: {  	[smem:$0x3FB4] =	sst s0;
	s0 =	simm.s32 @!p2 $0x0  }
0x16: {  	s3 =	sld [smem:$0x3FDB];
	s0 =	simm.s32 @p2 $0x1  }
0x17: {  	s4 =	simm.s32 $0x1BF5;
	[smem:$0x3FB6] =	sst s0  }
0x18: {  	s0 =	sld [smem:$0x3F99];
	_ =	swait.ge [sflag:s4], $0x0  }
0x19: {  	s7 =	sld [smem:$0x3F9A]  }
0x1a: {  	s8 =	sadd.s32 $0xFFFFE003, lr  }
0x1b: {  	s9 =	sadd.s32 $0xFFFFFEF7, lr;
	s5 =	simm.s32 $0xFFFFFFFF;
	p2 =	slt.u32 s8, $0xFFFFF086  }
0x1c: {  	p1 =	slt.u32 s9, $0xF7A;
	s5 =	simm.s32 @!p2 $0x0  }
0x1d: {  	s5 =	simm.s32 @p1 $0x1;
	p0 =	seq.s32 s7, s2  }
0x1e: {  	s7 =	smul.u32 @!p0 $0xF7A, s2;
	p2 =	seq.s32 @!p0 s5, $0x0  }
0x1f: {  	s9 =	smul.u32 $0xF7A, s1;
	s8 =	simm.s32 @!p0 $0x1BF5;
	p2 =	por !p2, p0  }
0x20: {  	[sflag:s8] =	ssyncset.s32 @!p0 $0xFFFFF086;
	s6 =	sadd.s32 @!p0 s3, s7;
	s7 =	simm.s32 @!p0 $0x108  }
0x21: {  	s3 =	sadd.s32 s3, s9;
	s6 =	sadd.s32 @!p0 $0x88, s6;
	s7 =	simm.s32 @p2 $0x1082  }
0x22: {  	[simem:s7], [sflag:s8] =	dma.local @!p0 [hbm:s6], $0xF7A  }
0x23: {  	s9 =	sor.u32 $0xD0000000, s2;
	s6 =	simm.s32 $0x108;
	_ =	swait.ge @!p0 [sflag:s8], $0x0  }
0x24: {  	s3 =	sadd.s32 $0x88, s3;
	s6 =	simm.s32 @!p1 $0x1082;
	[sflag:s4] =	ssyncset.s32 $0xFFFFF086  }
0x25: {  	[simem:s6], [sflag:s4] =	dma.local [hbm:s3], $0xF7A  }
0x26: {  	[smem:$0x3F9A] =	sst s1;
	(tag) =	ssettag s2;
	_ =	strace s9  }
0x27: {  	s1 =	sld [smem:$0x3FAA]  }
0x28: {  	s2 =	sld [smem:$0x3FAB]  }
0x29: {  	s4 =	sld [smem:$0x3FAD]  }
0x2a: {  	p0 =	seq.s32 s5, $0x0;
	s5 =	sld [smem:$0x3FAE]  }
0x2b: {  	s6 =	sld [smem:$0x3FAF]  }
0x2c: {  	s7 =	sld [smem:$0x3FB0]  }
0x2d: {  	s3 =	simm.s32 $0x108;
	s8 =	sld [smem:$0x3FB1]  }
0x2e: {  	s3 =	simm.s32 @!p0 $0x1082;
	s9 =	sld [smem:$0x3FB2]  }
0x2f: {  	lr =	sadd.s32 s0, s3;
	s0 =	sld [smem:$0x3FA9]  }
0x30: {  	s3 =	sld [smem:$0x3FAC]  }
0x31: {  	[smem:$0x3FB5] =	sst s10  }
0x32: {  	s10 =	sld [smem:$0x3FB3];
	_ =	sdelay $0x3  }
0x33: {  	p0 =	seq.s32 s10, $0x1;
	s10 =	sld [smem:$0x3FB5];
	_ =	sdelay $0x3  }
0x34: {  	[smem:$0x3FB5] =	sst s10  }
0x35: {  	s10 =	sld [smem:$0x3FB4];
	_ =	sdelay $0x3  }
0x36: {  	p1 =	seq.s32 s10, $0x1;
	s10 =	sld [smem:$0x3FB5];
	_ =	sdelay $0x3  }
0x37: {  	[smem:$0x3FB5] =	sst s10  }
0x38: {  	s10 =	sld [smem:$0x3FB6]  }
0x39: {  	_ = 	snop;
	(pc) =	sbr.ind lr, $3  }
0x3a: {  	_ = 	snop  }
0x3b: {  	_ = 	snop  }
0x3c: {  	p2 =	seq.s32 s10, $0x1;
	s10 =	sld [smem:$0x3FB5]  }
0x3d: {  	_ =	shalt  }
0x3e: {  	_ =	shalt  }
0x3f: {  	_ =	shalt  }
0x40: {  	_ =	shalt  }
0x41: {  	_ =	shalt  }
0x42: {  	_ =	shalt  }
0x43: {  	_ =	shalt  }
0x44: {  	_ =	shalt  }
0x45: {  	_ =	shalt  }
0x46: {  	_ =	shalt  }
0x47: {  	_ =	shalt  }
0x48: {  	_ =	shalt  }
0x49: {  	_ =	shalt  }
0x4a: {  	_ =	shalt  }
0x4b: {  	_ =	shalt  }
0x4c: {  	_ =	shalt  }
0x4d: {  	_ =	shalt  }
0x4e: {  	_ =	shalt  }
0x4f: {  	_ =	shalt  }
0x50: {  	_ =	shalt  }
0x51: {  	_ =	shalt  }
0x52: {  	_ =	shalt  }
0x53: {  	_ =	shalt  }
0x54: {  	_ =	shalt  }
0x55: {  	_ =	shalt  }
0x56: {  	_ =	shalt  }
0x57: {  	_ =	shalt  }
0x58: {  	_ =	shalt  }
0x59: {  	_ =	shalt  }
0x5a: {  	_ =	shalt  }
0x5b: {  	_ =	shalt  }
0x5c: {  	_ =	shalt  }
0x5d: {  	_ =	shalt  }
0x5e: {  	_ =	shalt  }
0x5f: {  	_ =	shalt  }
0x60: {  	_ =	shalt  }
0x61: {  	_ =	shalt  }
0x62: {  	_ =	shalt  }
0x63: {  	_ =	shalt  }
0x64: {  	_ =	shalt  }
0x65: {  	_ =	shalt  }
0x66: {  	_ =	shalt  }
0x67: {  	_ =	shalt  }
0x68: {  	_ =	shalt  }
0x69: {  	_ =	shalt  }
0x6a: {  	_ =	shalt  }
0x6b: {  	_ =	shalt  }
0x6c: {  	_ =	shalt  }
0x6d: {  	_ =	shalt  }
0x6e: {  	_ =	shalt  }
0x6f: {  	_ =	shalt  }
0x70: {  	_ =	shalt  }
0x71: {  	_ =	shalt  }
0x72: {  	_ =	shalt  }
0x73: {  	_ =	shalt  }
0x74: {  	_ =	shalt  }
0x75: {  	_ =	shalt  }
0x76: {  	_ =	shalt  }
0x77: {  	_ =	shalt  }
0x78: {  	_ =	shalt  }
0x79: {  	_ =	shalt  }
0x7a: {  	_ =	shalt  }
0x7b: {  	_ =	shalt  }
0x7c: {  	_ =	shalt  }
0x7d: {  	_ =	shalt  }
0x7e: {  	_ =	shalt  }
0x7f: {  	_ =	shalt  }
0x80: {  	_ =	shalt  }
0x81: {  	_ =	shalt  }
0x82: {  	_ =	shalt  }
0x83: {  	_ =	shalt  }
0x84: {  	_ =	shalt  }
0x85: {  	_ =	shalt  }
0x86: {  	_ =	shalt  }
0x87: {  	_ =	shalt  }
.Lfunc_end0:
.L_simem_size_0:
called_computation.2_lowered:
.L_overlay_start_0:
0x88: {  	s2 =	sld [smem:$0x3FD9]  }
0x89: {  	s3 =	sld [smem:$0x3FFE];
	_ =	sdelay $0x1  }
0x8a: {  	s1 =	srdreg.scid  }
0x8b: {  	s0 =	sand.u32 $0x1, s1  }
0x8c: {  	s14 =	sshll.u32 s0, $0xA;
	s2 =	sadd.s32 s3, s2  }
0x8d: {  	s2 =	sadd.s32 s2, s14  }
0x8e: {  	[smem:$0x3FC1] =	sst s2  }
0x8f: {  	_ = 	snop  }
0x90: {  	s2 =	sld [smem:$0x3FD0];
	_ =	sdelay $0x2  }
0x91: {  	s15 =	simm.s32 $0xA;
	s4 =	simm.s32 $0x10  }
0x92: {  	[smem:s4], [sflag:s15] =	dma.local [hbm:s2], $0x1  }
0x93: {  	_ =	swait.eq [sflag:s15], $0x1  }
0x94: {  	[sflag:s15] =	ssyncset.done $0x0  }
0x95: {  	[sflag:s15] =	ssyncadd.s32 $0xFFFFFFFF  }
0x96: {  	s16 =	sld [smem:$0x11];
	(tm) =	ssettm $0x1  }
0x97: {  	s17 =	sld [smem:$0x3FFB];
	_ =	sdelay $0x3  }
0x98: {  	_ =	strace s17  }
0x99: {  	s3 =	sld [smem:$0x3FFC];
	_ =	sdelay $0x3  }
0x9a: {  	_ =	strace s3  }
0x9b: {  	s3 =	sld [smem:$0x3FFD];
	_ =	sdelay $0x3  }
0x9c: {  	_ =	strace s3  }
0x9d: {  	_ =	strace $0x8FFFFFFF  }
0x9e: {  	s18 =	sld [smem:$0x3FDB];
	_ =	sdelay $0x1  }
0x9f: {  	s19 =	simm.s32 $_scs_section_size  }
0xa0: {  	s5 =	simm.s32 $_size__tile_overlayer_lowered;
	s6 =	simm.s32 $_tile_overlayer_lowered  }
0xa1: {  	s22 =	simm.s32 $0x1BFF;
	s21 =	sshll.u32 s6, $0x1;
	s3 =	sadd.s32 s19, s18  }
0xa2: {  	s7 =	simm.s32 $0x0;
	s20 =	sshll.u32 s5, $0x1;
	s5 =	sadd.s32 s21, s3  }
0xa3: {  	[timem:s7], [sflag:s22] =	dma.local [hbm:s5], s20  }
0xa4: {  	_ =	swait.ge [sflag:s22], s20  }
0xa5: {  	s4 =	ssub.s32 $0x0, s20;
	[sflag:s22] =	ssyncset.done $0x0  }
0xa6: {  	[sflag:s22] =	ssyncadd.s32 s4;
	_ =	sdelay $0x1  }
0xa7: {  	s23 =	simm.s32 $0x1B8B  }
0xa8: {  	_ =	swait.ge [sflag:s23], $0x1  }
0xa9: {  	[sflag:s23] =	ssyncset.done $0x0  }
0xaa: {  	s25 =	simm.s32 $0x1B8E;
	s24 =	sld [smem:$0x3FFE];
	[sflag:s23] =	ssyncadd.s32 $0xFFFFFFFF  }
0xab: {  	s26 =	simm.s32 $execute0_lowered;
	[smem:$0x3FD2] =	sst s25  }
0xac: {  	s5 =	sshll.u32 s26, $0x1;
	_ =	strace $0x8000004C;
	[dreg:$0x1] =	wrdreg $0xFFFFFFFF  }
0xad: {  	s28 =	simm.s32 $_size_execute0_lowered;
	s3 =	sadd.s32 s3, s5;
	[dreg:$0x0] =	wrdreg $0x0  }
0xae: {  	s5 =	sshll.u32 s28, $0x1;
	[dreg:$0x2] =	wrdreg s3  }
0xaf: {  	[dreg:$0x3] =	wrdreg s5  }
0xb0: {  	[dreg:$0x4] =	wrdreg $0xC0  }
0xb1: {  	_ =	task [dreg:s7], $0x5FFFF  }
0xb2: {  	[dreg:$0x1] =	wrdreg $0xFFFFFFFF  }
0xb3: {  	[dreg:$0x0] =	wrdreg $0x60  }
0xb4: {  	[dreg:$0x2] =	wrdreg s24  }
0xb5: {  	[dreg:$0x3] =	wrdreg s16  }
0xb6: {  	[dreg:$0x4] =	wrdreg $0x0  }
0xb7: {  	[dreg:$0x5] =	wrdreg $0x9  }
0xb8: {  	_ =	task.clear_ibuf [dreg:s7], $0x6FFFF;
	_ =	strace $0x9000004C  }
0xb9: {  	s29 =	simm.s32 $0x9;
	_ =	strace $0x8000004E  }
0xba: {  	_ =	swait.ge [sflag:s29], $0x1  }
0xbb: {  	[sflag:s29] =	ssyncadd.s32 $0xFFFFFFFF  }
0xbc: {  	_ =	strace $0x9000004E  }
0xbd: {  	_ =	sfence  }
0xbe: {  	s30 =	sld [smem:$0x0];
	_ =	sdelay $0x2  }
0xbf: {  	s31 =	sshll.u32 s1, $0xD;
	s1 =	sshrl.u32 s1, $0x2  }
0xc0: {  	s3 =	sand.u32 $0x4000, s31;
	s1 =	sadd.s32 s1, s30  }
0xc1: {  	s0 =	sor.u32 s3, s0;
	s1 =	sshll.u32 s1, $0x11  }
0xc2: {  	s0 =	sor.u32 s1, s0  }
0xc3: {  	s0 =	sadd.s32 $0x8F2B, s0  }
0xc4: {  	[sflag:s0] =	ssyncadd.remote.s32 $0x1  }
0xc5: {  	_ =	sfence.sel $0xFFFF  }
0xc6: {  	[dreg:$0x0] =	wrdreg $0xFFFFFFFF;
	(pc) =	sbr.abs _section_cstart, $3  }
0xc7: {  	[dreg:$0x1] =	wrdreg $0xFFFFFFFF  }
0xc8: {  	_ =	task.clear_ibuf [dreg:s7], $0x2FFFF;
	_ =	strace $0x9FFFFFFF  }
0xc9: {  	(tm) =	ssettm $0x7FFFFFFF  }
tec
execute0_lowered:
.L_overlay_start_1:
0x0: {  	(tag) =	ssettag $0x1  }
0x1: {  	s0 =	rddreg [dreg:$0x0]  }
0x2: {  	s1 =	rddreg [dreg:$0x1]  }
0x3: {  	s2 =	rddreg [dreg:$0x2]  }
0x4: {  	s3 =	simm.s32 $0x0;
	s4 =	srdreg.scid;
	s15 =	stileid.u32  }
0x5: {  	s28 =	simm.s32 $0x1A400;
	s29 =	simm.s32 $0x1A500;
	s8 =	smul.u32 $0x62000, s15  }
0x6: {  	s30 =	simm.s32 $0x19A00;
	s31 =	simm.s32 $0x1A300;
	s25 =	smul.u32 $0x900, s15  }
0x7: {  	[smem:$0x7FF] =	sst s3;
	s4 =	sand.u32 $0x1, s4;
	s26 =	smul.u32 $0x120, s15  }
0x8: {  	s9 =	sadd.s32 $0x3200, s0;
	s5 =	sadd.s32 $0x1BAA00, s0;
	s22 =	smul.u32 $0x640, s15  }
0x9: {  	s24 =	sshll.u32 s15, $0x6;
	s12 =	ssub.s32 $0x1879, s15;
	s6 =	smul.u32 $0x30D40, s4  }
0xa: {  	_ =	strace $0x8000004D;
	s7 =	ssub.s32 $0x2, s4;
	s4 =	smul.u32 $0x61A8, s4  }
0xb: {  	s18 =	sand.u32 $0x10, s12;
	s10 =	sshrl.u32 s7, $0x1;
	s23 =	sshrl.u32 s8, $0x2  }
0xc: {  	s17 =	sadd.s32 s9, s26;
	s0 =	sadd.s32 s6, s0;
	s11 =	ssub.s32 s7, s10  }
0xd: {  	s8 =	sadd.s32 s23, s2;
	s6 =	sor.u32 $0x1C08, s24;
	s7 =	sshrl.u32 s25, $0x3  }
0xe: {  	s23 =	ssub.s32 $0x8C, s15;
	s15 =	smul.u32 $0xC800, s15;
	[dreg:$0x4] =	wrdreg s17  }
0xf: {  	s24 =	sadd.s32 $0x2400, s17;
	s17 =	simm.s32 $0x8;
	v0 =	vmov s4;
	s4 =	simm.s32 $0x0  }
0x10: {  	s13 =	sadd.s32 $0x6200, s8;
	s16 =	sadd.s32 $0xC400, s8;
	s20 =	sadd.s32 $0x12600, s8  }
0x11: {  	s14 =	sadd.s32 s9, s7;
	s7 =	sshrl.u32 s12, $0x4;
	s10 =	sshrl.u32 s23, $0x4  }
0x12: {  	s11 =	smax.u32 s11, $0x1;
	s12 =	simm.s32 $0x7;
	s0 =	sadd.s32 s22, s0  }
0x13: {  	[dreg:$0x7] =	wrdreg s24;
	s25 =	sshrl.u32 s8, $0x3;
	s22 =	simm.s32 $0x19100  }
0x14: {  	s23 =	simm.s32 $0x80;
	s24 =	simm.s32 $0x1A380;
	s14 =	sadd.s32 $0x1200, s14  }
0x15: {  	s21 =	sand.u32 $0x1, s7;
	[dreg:$0x6] =	wrdreg s11;
	s15 =	sshrl.u32 s15, $0x2  }
0x16: {  	[dreg:$0x8] =	wrdreg s25;
	s26 =	sshrl.u32 s13, $0x3;
	s19 =	sshrl.u32 s16, $0x3  }
0x17: {  	s20 =	sshrl.u32 s20, $0x3;
	s25 =	simm.s32 $0x1C500;
	[dreg:$0x5] =	wrdreg s14  }
0x18: {  	p0 =	seq.s32 s21, $0x1;
	s14 =	sadd.s32 $0x21C600, s0;
	s15 =	sadd.s32 s15, s2  }
0x19: {  	[dreg:$0x9] =	wrdreg s26;
	s21 =	simm.s32 $0x18800;
	s26 =	simm.s32 $0x4  }
0x1a: {  	s0 =	simm.s32 $0x3;
	s12 =	simm.s32 @!p0 $0x6;
	p0 =	seq.s32 s18, $0x0  }
.LBB2_1:
0x1b: {  	s8 =	rddreg [dreg:$0x8]  }
0x1c: {  	[spmem:s8], [sflag:s6] =	dma.local [hbm:s1], $0xC40  }
0x1d: {  	_ =	swait.ge [sflag:s17], $0xC40  }
0x1e: {  	[sflag:s17] =	ssyncset.done $0x0  }
0x1f: {  	s13 =	rddreg [dreg:$0x9];
	[sflag:s17] =	ssyncadd.s32 $0xFFFFF3C0  }
0x20: {  	[spmem:s13], [sflag:s6] =	dma.local [hbm:s1], $0xC40  }
0x21: {  	_ =	swait.ge [sflag:s17], $0xC40  }
0x22: {  	[sflag:s17] =	ssyncset.done $0x0  }
0x23: {  	[sflag:s17] =	ssyncadd.s32 $0xFFFFF3C0  }
0x24: {  	[spmem:s19], [sflag:s6] =	dma.local [hbm:s1], $0xC40  }
0x25: {  	_ =	swait.ge [sflag:s17], $0xC40  }
0x26: {  	[sflag:s17] =	ssyncset.done $0x0  }
0x27: {  	[sflag:s17] =	ssyncadd.s32 $0xFFFFF3C0  }
0x28: {  	[spmem:s20], [sflag:s6] =	dma.local [hbm:s1], $0xC40  }
0x29: {  	_ =	swait.ge [sflag:s17], $0xC40  }
0x2a: {  	[sflag:s17] =	ssyncset.done $0x0  }
0x2b: {  	[sflag:s17] =	ssyncadd.s32 $0xFFFFF3C0  }
0x2c: {  	[bflag:$0x0] =	sbarrier.arrive $0xFFFF  }
.Ltmp0:
0x2d: {  	s16 =	rddreg [dreg:$0x4];
	(pc) =	sbr.rel .LBB2_2-.Ltmp0, $4  }
0x2e: {  	s18 =	rddreg [dreg:$0x5]  }
0x2f: {  	[tilespmem:s21], [sflag:$0x1] =	stream.linear.gather [hbm4b:s16+s3], $0x900, $0x38;
	[tilespmem:$0x1E500] =	vst v63  }
0x30: {  	s9 =	simm.s32 $0x2;
	s8 =	simm.s32 $0x0;
	s13 =	rddreg [dreg:$0x7]  }
0x31: {  	[tilespmem:s22], [sflag:$0x2] =	stream.linear.gather [hbm4b:s18+s3], $0x900, $0x38;
	[tilespmem:$0x1E500] =	vst v63  }
.LBB2_20:
0x32: {  	p1 =	seq.s32 s16, $0x1  }
0x33: {  	[tilespmem:s22], [sflag:$0x2] =	stream.linear.gather @p1 [hbm4b:s13+s3], $0x900, $0x38;
	[tilespmem:$0x1E500] =	vst v63  }
0x34: {  	_ = 	snop  }
0x35: {  	[tilespmem:s21], [sflag:$0x1] =	stream.linear.gather @!p1 [hbm4b:s13+s3], $0x900, $0x38;
	[tilespmem:$0x1E500] =	vst v63  }
.LBB2_22:
0x36: {  	s8 =	sadd.s32 $0x1, s8  }
0x37: {  	p1 =	sne.s32 s7, s8  }
.Ltmp1:
0x38: {  	_ = 	snop;
	(pc) =	sbr.rel @!p1 .LBB2_23-.Ltmp1, $2  }
0x39: {  	_ =	sdelay $0x2  }
0x3a: {  	s9 =	sadd.s32 $0x1, s9;
	s13 =	sadd.s32 $0x1200, s13  }
.LBB2_2:
0x3b: {  	s16 =	smulhi.u32 $0xAAAAAAAB, s8;
	_ =	sdelay $0x1  }
0x3c: {  	s16 =	sshrl.u32 s16, $0x1  }
0x3d: {  	s18 =	smul.u32 $0x3, s16;
	_ =	sdelay $0x1  }
0x3e: {  	s16 =	sadd.s32 $0x1, s18;
	p1 =	seq.s32 s18, s8  }
0x3f: {  	p2 =	seq.s32 @!p1 s16, s8  }
0x40: {  	p2 =	por p1, p2  }
.Ltmp2:
0x41: {  	_ = 	snop;
	(pc) =	sbr.rel @!p2 .LBB2_3-.Ltmp2, $2  }
0x42: {  	_ =	sdelay $0x2  }
0x43: {  	p3 =	sne.s32 s18, s8;
	s16 =	sand.u32 $0x1, s8  }
0x44: {  	p4 =	slt.u32 s8, $0x2  }
.Ltmp3:
0x45: {  	s18 =	simm.s32 @!p1 $0x2;
	(pc) =	sbr.rel @p4 .LBB2_6-.Ltmp3, $4  }
.Ltmp4:
0x46: {  	s18 =	simm.s32 @p1 $0x1;
	(pc) =	sbr.rel @!p4 .LBB2_5-.Ltmp4, $4  }
0x47: {  	_ =	swait.ge [sflag:s18], $0x900  }
0x48: {  	[sflag:s18] =	ssyncset.done $0x0  }
0x49: {  	p2 =	por p3, p3;
	p1 =	por $0x0, $0x0;
	[sflag:s18] =	ssyncadd.s32 $0xFFFFF700  }
0x4a: {  	_ = 	snop  }
.LBB2_3:
0x4b: {  	_ =	swait.ge [sflag:s0], $0x900  }
0x4c: {  	[sflag:s0] =	ssyncset.done $0x0  }
0x4d: {  	p1 =	por $0x1, $0x1;
	p2 =	por $0x0, $0x0;
	[sflag:s0] =	ssyncadd.s32 $0xFFFFF700  }
.LBB2_5:
0x4e: {  	p4 =	seq.s32 s16, $0x1;
	s18 =	simm.s32 $0x7  }
0x4f: {  	s18 =	simm.s32 @!p4 $0x6  }
0x50: {  	_ =	swait.ge [sflag:s18], $0x2000  }
0x51: {  	[sflag:s18] =	ssyncset.done $0x0  }
0x52: {  	[sflag:s18] =	ssyncadd.s32 $0xFFFFE000  }
.LBB2_6:
.Ltmp5:
0x53: {  	(pc) =	sbr.rel @p3 .LBB2_8-.Ltmp5, $1  }
0x54: {  	_ =	sdelay $0x3  }
0x55: {  	p3 =	seq.s32 s16, $0x1  }
0x56: {  	v1 =	vld @p3 [tilespmem:$0x18880];
	_ =	sdelay $0x1  }
0x57: {  	v2 =	vld @p3 [tilespmem:$0x18890]  }
0x58: {  	v3 =	vld @p3 [tilespmem:$0x18810]  }
0x59: {  	v4 =	vld @p3 [tilespmem:$0x188A0]  }
0x5a: {  	v5 =	vld @p3 [tilespmem:$0x18820];
	v1 =	vsub.s32 @p3 v1, v0  }
0x5b: {  	v6 =	vld @p3 [tilespmem:$0x188B0];
	v1 =	vmin.u32 @p3 v1, $0x61A8  }
0x5c: {  	[tilespmem:$0x1A480] =	vst @p3 v1;
	v1 =	vsub.s32 @p3 v2, v0;
	v2 =	vld @p3 [tilespmem:$0x18830]  }
0x5d: {  	[tilespmem:$0x1A390] =	vst @p3 v3;
	v3 =	vld @p3 [tilespmem:$0x188C0];
	v1 =	vmin.u32 @p3 v1, $0x61A8  }
0x5e: {  	[tilespmem:$0x1A490] =	vst @p3 v1;
	v1 =	vsub.s32 @p3 v4, v0;
	v4 =	vld @p3 [tilespmem:$0x18840]  }
0x5f: {  	[tilespmem:$0x1A3A0] =	vst @p3 v5;
	v5 =	vld @p3 [tilespmem:$0x188D0];
	v1 =	vmin.u32 @p3 v1, $0x61A8  }
0x60: {  	[tilespmem:$0x1A4A0] =	vst @p3 v1;
	v1 =	vsub.s32 @p3 v6, v0;
	v6 =	vld @p3 [tilespmem:$0x18850]  }
0x61: {  	[tilespmem:$0x1A3B0] =	vst @p3 v2;
	v2 =	vld [tilespmem:$0x18800];
	v1 =	vmin.u32 @p3 v1, $0x61A8  }
0x62: {  	[tilespmem:$0x1A4B0] =	vst @p3 v1;
	v1 =	vsub.s32 @p3 v3, v0;
	v3 =	vld @p3 [tilespmem:$0x188E0]  }
0x63: {  	[tilespmem:$0x1A3C0] =	vst @p3 v4;
	v1 =	vmin.u32 @p3 v1, $0x61A8;
	v4 =	vld @p3 [tilespmem:$0x18860]  }
0x64: {  	[tilespmem:$0x1A4C0] =	vst @p3 v1;
	v1 =	vsub.s32 @p3 v5, v0;
	v5 =	vld @p3 [tilespmem:$0x188F0]  }
0x65: {  	[tilespmem:$0x1A3D0] =	vst @p3 v6;
	v1 =	vmin.u32 @p3 v1, $0x61A8;
	v6 =	vld @p3 [tilespmem:$0x18870]  }
0x66: {  	[tilespmem:$0x1A4D0] =	vst @p3 v1;
	v1 =	vld @!p3 [tilespmem:$0x18880]  }
0x67: {  	[tilespmem:$0x1A380] =	vst @p3 v2;
	v3 =	vsub.s32 @p3 v3, v0  }
0x68: {  	[tilespmem:$0x1A3E0] =	vst @p3 v4;
	v3 =	vmin.u32 @p3 v3, $0x61A8;
	v4 =	vld @!p3 [tilespmem:$0x18890]  }
0x69: {  	[tilespmem:$0x1A4E0] =	vst @p3 v3;
	v3 =	vsub.s32 @p3 v5, v0;
	v5 =	vld @!p3 [tilespmem:$0x18810]  }
0x6a: {  	[tilespmem:$0x1A3F0] =	vst @p3 v6;
	v3 =	vmin.u32 @p3 v3, $0x61A8;
	v6 =	vld @!p3 [tilespmem:$0x188A0]  }
0x6b: {  	[tilespmem:$0x1A4F0] =	vst @p3 v3;
	v1 =	vsub.s32 @!p3 v1, v0;
	v3 =	vld @!p3 [tilespmem:$0x18820]  }
0x6c: {  	[tilespmem:$0x1A300] =	vst @!p3 v2;
	v2 =	vld @!p3 [tilespmem:$0x188B0];
	v1 =	vmin.u32 @!p3 v1, $0x61A8  }
0x6d: {  	[tilespmem:$0x1A400] =	vst @!p3 v1;
	v1 =	vsub.s32 @!p3 v4, v0;
	v4 =	vld @!p3 [tilespmem:$0x18830]  }
0x6e: {  	[tilespmem:$0x1A310] =	vst @!p3 v5;
	v1 =	vmin.u32 @!p3 v1, $0x61A8;
	v5 =	vld @!p3 [tilespmem:$0x188C0]  }
0x6f: {  	[tilespmem:$0x1A410] =	vst @!p3 v1;
	v1 =	vsub.s32 @!p3 v6, v0;
	v6 =	vld @!p3 [tilespmem:$0x18840]  }
0x70: {  	[tilespmem:$0x1A320] =	vst @!p3 v3;
	v1 =	vmin.u32 @!p3 v1, $0x61A8;
	v3 =	vld @!p3 [tilespmem:$0x188D0]  }
0x71: {  	[tilespmem:$0x1A420] =	vst @!p3 v1;
	v1 =	vsub.s32 @!p3 v2, v0;
	v2 =	vld @!p3 [tilespmem:$0x18850]  }
0x72: {  	[tilespmem:$0x1A330] =	vst @!p3 v4;
	v1 =	vmin.u32 @!p3 v1, $0x61A8;
	v4 =	vld @!p3 [tilespmem:$0x188E0]  }
0x73: {  	[tilespmem:$0x1A430] =	vst @!p3 v1;
	v1 =	vsub.s32 @!p3 v5, v0;
	v5 =	vld @!p3 [tilespmem:$0x18860]  }
0x74: {  	[tilespmem:$0x1A340] =	vst @!p3 v6;
	v1 =	vmin.u32 @!p3 v1, $0x61A8;
	v6 =	vld @!p3 [tilespmem:$0x188F0]  }
0x75: {  	[tilespmem:$0x1A440] =	vst @!p3 v1;
	v1 =	vsub.s32 @!p3 v3, v0;
	v3 =	vld @!p3 [tilespmem:$0x18870]  }
0x76: {  	[tilespmem:$0x1A350] =	vst @!p3 v2;
	v1 =	vmin.u32 @!p3 v1, $0x61A8  }
0x77: {  	[tilespmem:$0x1A450] =	vst @!p3 v1;
	v1 =	vsub.s32 @!p3 v4, v0  }
0x78: {  	[tilespmem:$0x1A360] =	vst @!p3 v5;
	v1 =	vmin.u32 @!p3 v1, $0x61A8  }
0x79: {  	[tilespmem:$0x1A460] =	vst @!p3 v1;
	v1 =	vsub.s32 @!p3 v6, v0  }
0x7a: {  	[tilespmem:$0x1A370] =	vst @!p3 v3;
	v1 =	vmin.u32 @!p3 v1, $0x61A8  }
0x7b: {  	[tilespmem:$0x1A470] =	vst @!p3 v1  }
.LBB2_8:
.Ltmp6:
0x7c: {  	(pc) =	sbr.rel @!p2 .LBB2_10-.Ltmp6, $1  }
0x7d: {  	_ =	sdelay $0x3  }
0x7e: {  	p2 =	seq.s32 s16, $0x1  }
0x7f: {  	v1 =	vld @p2 [tilespmem:$0x19180];
	_ =	sdelay $0x1  }
0x80: {  	v2 =	vld @p2 [tilespmem:$0x19190]  }
0x81: {  	v3 =	vld @p2 [tilespmem:$0x19110]  }
0x82: {  	v4 =	vld @p2 [tilespmem:$0x191A0]  }
0x83: {  	v5 =	vld @p2 [tilespmem:$0x19120];
	v1 =	vsub.s32 @p2 v1, v0  }
0x84: {  	v6 =	vld @p2 [tilespmem:$0x191B0];
	v1 =	vmin.u32 @p2 v1, $0x61A8  }
0x85: {  	[tilespmem:$0x1A480] =	vst @p2 v1;
	v1 =	vsub.s32 @p2 v2, v0;
	v2 =	vld @p2 [tilespmem:$0x19130]  }
0x86: {  	[tilespmem:$0x1A390] =	vst @p2 v3;
	v3 =	vld @p2 [tilespmem:$0x191C0];
	v1 =	vmin.u32 @p2 v1, $0x61A8  }
0x87: {  	[tilespmem:$0x1A490] =	vst @p2 v1;
	v1 =	vsub.s32 @p2 v4, v0;
	v4 =	vld @p2 [tilespmem:$0x19140]  }
0x88: {  	[tilespmem:$0x1A3A0] =	vst @p2 v5;
	v5 =	vld @p2 [tilespmem:$0x191D0];
	v1 =	vmin.u32 @p2 v1, $0x61A8  }
0x89: {  	[tilespmem:$0x1A4A0] =	vst @p2 v1;
	v1 =	vsub.s32 @p2 v6, v0;
	v6 =	vld @p2 [tilespmem:$0x19150]  }
0x8a: {  	[tilespmem:$0x1A3B0] =	vst @p2 v2;
	v2 =	vld [tilespmem:$0x19100];
	v1 =	vmin.u32 @p2 v1, $0x61A8  }
0x8b: {  	[tilespmem:$0x1A4B0] =	vst @p2 v1;
	v1 =	vsub.s32 @p2 v3, v0;
	v3 =	vld @p2 [tilespmem:$0x191E0]  }
0x8c: {  	[tilespmem:$0x1A3C0] =	vst @p2 v4;
	v1 =	vmin.u32 @p2 v1, $0x61A8;
	v4 =	vld @p2 [tilespmem:$0x19160]  }
0x8d: {  	[tilespmem:$0x1A4C0] =	vst @p2 v1;
	v1 =	vsub.s32 @p2 v5, v0;
	v5 =	vld @p2 [tilespmem:$0x191F0]  }
0x8e: {  	[tilespmem:$0x1A3D0] =	vst @p2 v6;
	v1 =	vmin.u32 @p2 v1, $0x61A8;
	v6 =	vld @p2 [tilespmem:$0x19170]  }
0x8f: {  	[tilespmem:$0x1A4D0] =	vst @p2 v1;
	v1 =	vld @!p2 [tilespmem:$0x19180]  }
0x90: {  	[tilespmem:$0x1A380] =	vst @p2 v2;
	v3 =	vsub.s32 @p2 v3, v0  }
0x91: {  	[tilespmem:$0x1A3E0] =	vst @p2 v4;
	v3 =	vmin.u32 @p2 v3, $0x61A8;
	v4 =	vld @!p2 [tilespmem:$0x19190]  }
0x92: {  	[tilespmem:$0x1A4E0] =	vst @p2 v3;
	v3 =	vsub.s32 @p2 v5, v0;
	v5 =	vld @!p2 [tilespmem:$0x19110]  }
0x93: {  	[tilespmem:$0x1A3F0] =	vst @p2 v6;
	v3 =	vmin.u32 @p2 v3, $0x61A8;
	v6 =	vld @!p2 [tilespmem:$0x191A0]  }
0x94: {  	[tilespmem:$0x1A4F0] =	vst @p2 v3;
	v1 =	vsub.s32 @!p2 v1, v0;
	v3 =	vld @!p2 [tilespmem:$0x19120]  }
0x95: {  	[tilespmem:$0x1A300] =	vst @!p2 v2;
	v2 =	vld @!p2 [tilespmem:$0x191B0];
	v1 =	vmin.u32 @!p2 v1, $0x61A8  }
0x96: {  	[tilespmem:$0x1A400] =	vst @!p2 v1;
	v1 =	vsub.s32 @!p2 v4, v0;
	v4 =	vld @!p2 [tilespmem:$0x19130]  }
0x97: {  	[tilespmem:$0x1A310] =	vst @!p2 v5;
	v1 =	vmin.u32 @!p2 v1, $0x61A8;
	v5 =	vld @!p2 [tilespmem:$0x191C0]  }
0x98: {  	[tilespmem:$0x1A410] =	vst @!p2 v1;
	v1 =	vsub.s32 @!p2 v6, v0;
	v6 =	vld @!p2 [tilespmem:$0x19140]  }
0x99: {  	[tilespmem:$0x1A320] =	vst @!p2 v3;
	v1 =	vmin.u32 @!p2 v1, $0x61A8;
	v3 =	vld @!p2 [tilespmem:$0x191D0]  }
0x9a: {  	[tilespmem:$0x1A420] =	vst @!p2 v1;
	v1 =	vsub.s32 @!p2 v2, v0;
	v2 =	vld @!p2 [tilespmem:$0x19150]  }
0x9b: {  	[tilespmem:$0x1A330] =	vst @!p2 v4;
	v1 =	vmin.u32 @!p2 v1, $0x61A8;
	v4 =	vld @!p2 [tilespmem:$0x191E0]  }
0x9c: {  	[tilespmem:$0x1A430] =	vst @!p2 v1;
	v1 =	vsub.s32 @!p2 v5, v0;
	v5 =	vld @!p2 [tilespmem:$0x19160]  }
0x9d: {  	[tilespmem:$0x1A340] =	vst @!p2 v6;
	v1 =	vmin.u32 @!p2 v1, $0x61A8;
	v6 =	vld @!p2 [tilespmem:$0x191F0]  }
0x9e: {  	[tilespmem:$0x1A440] =	vst @!p2 v1;
	v1 =	vsub.s32 @!p2 v3, v0;
	v3 =	vld @!p2 [tilespmem:$0x19170]  }
0x9f: {  	[tilespmem:$0x1A350] =	vst @!p2 v2;
	v1 =	vmin.u32 @!p2 v1, $0x61A8  }
0xa0: {  	[tilespmem:$0x1A450] =	vst @!p2 v1;
	v1 =	vsub.s32 @!p2 v4, v0  }
0xa1: {  	[tilespmem:$0x1A360] =	vst @!p2 v5;
	v1 =	vmin.u32 @!p2 v1, $0x61A8  }
0xa2: {  	[tilespmem:$0x1A460] =	vst @!p2 v1;
	v1 =	vsub.s32 @!p2 v6, v0  }
0xa3: {  	[tilespmem:$0x1A370] =	vst @!p2 v3;
	v1 =	vmin.u32 @!p2 v1, $0x61A8  }
0xa4: {  	[tilespmem:$0x1A470] =	vst @!p2 v1  }
.LBB2_10:
.Ltmp7:
0xa5: {  	(pc) =	sbr.rel @!p1 .LBB2_13-.Ltmp7, $2  }
0xa6: {  	_ =	sdelay $0x2  }
0xa7: {  	p2 =	seq.s32 s16, $0x1  }
.Ltmp8:
0xa8: {  	(pc) =	sbr.rel @!p2 .LBB2_12-.Ltmp8, $2  }
0xa9: {  	_ =	sdelay $0x2  }
0xaa: {  	v1 =	vld [tilespmem:$0x19A00]  }
0xab: {  	v2 =	vld [tilespmem:$0x19A80];
	_ =	sdelay $0x1  }
0xac: {  	v3 =	vld [tilespmem:$0x19A90]  }
0xad: {  	v4 =	vld [tilespmem:$0x19A10]  }
0xae: {  	v5 =	vld [tilespmem:$0x19AA0]  }
0xaf: {  	v6 =	vld [tilespmem:$0x19A20];
	v2 =	vsub.s32 v2, v0  }
0xb0: {  	[tilespmem:$0x1A380] =	vst v1;
	v1 =	vmin.u32 v2, $0x61A8;
	v2 =	vld [tilespmem:$0x19AB0]  }
0xb1: {  	[tilespmem:$0x1A480] =	vst v1;
	v1 =	vsub.s32 v3, v0;
	v3 =	vld [tilespmem:$0x19A30]  }
0xb2: {  	v58 =	vld [tilespmem:$0x19AC0];
	[tilespmem:$0x1A390] =	vst v4;
	v1 =	vmin.u32 v1, $0x61A8  }
0xb3: {  	v59 =	vld [tilespmem:$0x19A40];
	[tilespmem:$0x1A490] =	vst v1;
	v1 =	vsub.s32 v5, v0  }
0xb4: {  	v60 =	vld [tilespmem:$0x19AD0];
	[tilespmem:$0x1A3A0] =	vst v6;
	v1 =	vmin.u32 v1, $0x61A8  }
0xb5: {  	v61 =	vld [tilespmem:$0x19A60];
	[tilespmem:$0x1A4A0] =	vst v1;
	v1 =	vsub.s32 v2, v0  }
0xb6: {  	[tilespmem:$0x1A3B0] =	vst v3;
	v1 =	vmin.u32 v1, $0x61A8;
	v3 =	vld [tilespmem:$0x19AE0]  }
0xb7: {  	v63 =	vld [tilespmem:$0x19A70];
	[tilespmem:$0x1A4B0] =	vst v1;
	v1 =	vsub.s32 v58, v0  }
0xb8: {  	v62 =	vld [tilespmem:$0x19AF0];
	[tilespmem:$0x1A3C0] =	vst v59;
	v1 =	vmin.u32 v1, $0x61A8  }
0xb9: {  	v2 =	vld [tilespmem:$0x19A50];
	[tilespmem:$0x1A4C0] =	vst v1;
	v1 =	vsub.s32 v60, v0  }
0xba: {  	[tilespmem:$0x1A3E0] =	vst v61;
	v1 =	vmin.u32 v1, $0x61A8  }
.Ltmp9:
0xbb: {  	[tilespmem:$0x1A4D0] =	vst v1;
	v1 =	vsub.s32 v3, v0;
	(pc) =	sbr.rel .LBB2_17-.Ltmp9, $4  }
0xbc: {  	[tilespmem:$0x1A3F0] =	vst v63;
	v1 =	vmin.u32 v1, $0x61A8  }
0xbd: {  	[tilespmem:$0x1A4E0] =	vst v1;
	v1 =	vsub.s32 v62, v0  }
0xbe: {  	[tilespmem:$0x1A3D0] =	vst v2;
	v1 =	vmin.u32 v1, $0x61A8  }
0xbf: {  	[tilespmem:$0x1A4F0] =	vst v1  }
.LBB2_13:
.Ltmp10:
0xc0: {  	(pc) =	sbr.rel @p2 .LBB2_17-.Ltmp10, $4  }
.Ltmp11:
0xc1: {  	(pc) =	sbr.rel @!p2 .LBB2_14-.Ltmp11, $4  }
0xc2: {  	_ = 	snop  }
0xc3: {  	_ = 	snop  }
0xc4: {  	_ = 	snop  }
0xc5: {  	_ = 	snop  }
.LBB2_12:
0xc6: {  	v2 =	vld [tilespmem:$0x19A80];
	_ =	sdelay $0x1  }
0xc7: {  	v3 =	vld [tilespmem:$0x19A90]  }
0xc8: {  	v4 =	vld [tilespmem:$0x19A10]  }
0xc9: {  	v5 =	vld [tilespmem:$0x19AA0]  }
0xca: {  	v6 =	vld [tilespmem:$0x19A20];
	v2 =	vsub.s32 v2, v0  }
0xcb: {  	[tilespmem:$0x1A300] =	vst v1;
	v1 =	vmin.u32 v2, $0x61A8;
	v2 =	vld [tilespmem:$0x19AB0]  }
0xcc: {  	[tilespmem:$0x1A400] =	vst v1;
	v1 =	vsub.s32 v3, v0;
	v3 =	vld [tilespmem:$0x19A30]  }
0xcd: {  	v58 =	vld [tilespmem:$0x19AC0];
	[tilespmem:$0x1A310] =	vst v4;
	v1 =	vmin.u32 v1, $0x61A8  }
0xce: {  	v59 =	vld [tilespmem:$0x19A40];
	[tilespmem:$0x1A410] =	vst v1;
	v1 =	vsub.s32 v5, v0  }
0xcf: {  	v60 =	vld [tilespmem:$0x19AD0];
	[tilespmem:$0x1A320] =	vst v6;
	v1 =	vmin.u32 v1, $0x61A8  }
0xd0: {  	v61 =	vld [tilespmem:$0x19A60];
	[tilespmem:$0x1A420] =	vst v1;
	v1 =	vsub.s32 v2, v0  }
0xd1: {  	[tilespmem:$0x1A330] =	vst v3;
	v1 =	vmin.u32 v1, $0x61A8;
	v3 =	vld [tilespmem:$0x19AE0]  }
0xd2: {  	v63 =	vld [tilespmem:$0x19A70];
	[tilespmem:$0x1A430] =	vst v1;
	v1 =	vsub.s32 v58, v0  }
0xd3: {  	v62 =	vld [tilespmem:$0x19AF0];
	[tilespmem:$0x1A340] =	vst v59;
	v1 =	vmin.u32 v1, $0x61A8  }
0xd4: {  	v2 =	vld [tilespmem:$0x19A50];
	[tilespmem:$0x1A440] =	vst v1;
	v1 =	vsub.s32 v60, v0  }
0xd5: {  	[tilespmem:$0x1A360] =	vst v61;
	v1 =	vmin.u32 v1, $0x61A8  }
0xd6: {  	[tilespmem:$0x1A450] =	vst v1;
	v1 =	vsub.s32 v3, v0  }
0xd7: {  	[tilespmem:$0x1A370] =	vst v63;
	v1 =	vmin.u32 v1, $0x61A8  }
0xd8: {  	[tilespmem:$0x1A460] =	vst v1;
	v1 =	vsub.s32 v62, v0  }
0xd9: {  	[tilespmem:$0x1A350] =	vst v2;
	v1 =	vmin.u32 v1, $0x61A8  }
0xda: {  	[tilespmem:$0x1A470] =	vst v1  }
.LBB2_14:
0xdb: {  	p1 =	sne.s32 s16, $0x0  }
.Ltmp12:
0xdc: {  	_ = 	snop;
	(pc) =	sbr.rel @p1 .LBB2_17-.Ltmp12, $2  }
0xdd: {  	_ =	sdelay $0x2  }
0xde: {  	[tilespmem:s29], [sflag:$0x4] =	stream.indirect.gather [hbm4b:s5+s23], $0x40, s31, s23, $0xb8;
	[tilespmem:$0x1E500] =	vst v63  }
0xdf: {  	p1 =	seq.s32 s8, $0x0  }
.Ltmp13:
0xe0: {  	s16 =	simm.s32 @!p1 $0x5;
	(pc) =	sbr.rel .LBB2_18-.Ltmp13, $4  }
0xe1: {  	_ =	swait.ge @!p1 [sflag:s16], $0x2000  }
0xe2: {  	s18 =	simm.s32 @!p1 $0x1A480;
	[sflag:s16] =	ssyncset.done @!p1 $0x0  }
0xe3: {  	s11 =	simm.s32 @!p1 $0x1C500;
	[sflag:s16] =	ssyncadd.s32 @!p1 $0xFFFFE000;
	s16 =	simm.s32 @!p1 $0x80  }
0xe4: {  	[spmem:s2] =	stream.indirect.scatter.add.f32 @!p1 [tilespmem:s11], [sflag:$0x7], $0x40, s18, s16, $0xb8;
	[tilespmem:$0x1E500] =	vst v63  }
.LBB2_17:
0xe5: {  	[tilespmem:s25], [sflag:$0x5] =	stream.indirect.gather [hbm4b:s5+s23], $0x40, s24, s23, $0xb8;
	[tilespmem:$0x1E500] =	vst v63  }
0xe6: {  	_ =	swait.ge [sflag:s26], $0x2000  }
0xe7: {  	[sflag:s26] =	ssyncset.done $0x0  }
0xe8: {  	[sflag:s26] =	ssyncadd.s32 $0xFFFFE000  }
0xe9: {  	[spmem:s2] =	stream.indirect.scatter.add.f32 [tilespmem:s29], [sflag:$0x6], $0x40, s28, s23, $0xb8;
	[tilespmem:$0x1E500] =	vst v63  }
.LBB2_18:
0xea: {  	s11 =	sadd.s32 $0x2, s8  }
0xeb: {  	p1 =	sge.u32 s11, s7  }
.Ltmp14:
0xec: {  	_ = 	snop;
	(pc) =	sbr.rel @p1 .LBB2_22-.Ltmp14, $1  }
0xed: {  	_ =	sdelay $0x3  }
0xee: {  	s11 =	smulhi.u32 $0xAAAAAAAB, s9;
	_ =	sdelay $0x1  }
0xef: {  	s11 =	sshrl.u32 s11, $0x1  }
0xf0: {  	s11 =	smul.u32 $0x3, s11;
	_ =	sdelay $0x1  }
0xf1: {  	s11 =	ssub.s32 $0x2, s11  }
0xf2: {  	s16 =	sadd.s32 s11, s8  }
0xf3: {  	p1 =	seq.s32 s16, $0x2  }
.Ltmp15:
0xf4: {  	_ = 	snop;
	(pc) =	sbr.rel @!p1 .LBB2_20-.Ltmp15, $1  }
0xf5: {  	_ =	sdelay $0x3  }
.Ltmp16:
0xf6: {  	(pc) =	sbr.rel .LBB2_22-.Ltmp16, $2  }
0xf7: {  	_ =	sdelay $0x2  }
0xf8: {  	[tilespmem:s30], [sflag:$0x3] =	stream.linear.gather [hbm4b:s13+s3], $0x900, $0x38;
	[tilespmem:$0x1E500] =	vst v63  }
.LBB2_23:
0xf9: {  	s8 =	simm.s32 @p0 $0x5  }
0xfa: {  	_ =	swait.ge @p0 [sflag:s8], $0x2000  }
0xfb: {  	s9 =	simm.s32 @p0 $0x1A480;
	[sflag:s8] =	ssyncset.done @p0 $0x0  }
0xfc: {  	s11 =	simm.s32 @p0 $0x1C500;
	[sflag:s8] =	ssyncadd.s32 @p0 $0xFFFFE000;
	s8 =	simm.s32 @p0 $0x80  }
0xfd: {  	[spmem:s2] =	stream.indirect.scatter.add.f32 @p0 [tilespmem:s11], [sflag:$0x7], $0x40, s9, s8, $0xb8;
	[tilespmem:$0x1E500] =	vst v63  }
0xfe: {  	s8 =	simm.s32 @!p0 $0x4  }
0xff: {  	_ =	swait.ge @!p0 [sflag:s8], $0x2000  }
0x100: {  	s9 =	simm.s32 @!p0 $0x1A400;
	[sflag:s8] =	ssyncset.done @!p0 $0x0  }
0x101: {  	s11 =	simm.s32 @!p0 $0x1A500;
	[sflag:s8] =	ssyncadd.s32 @!p0 $0xFFFFE000;
	s8 =	simm.s32 @!p0 $0x80  }
0x102: {  	[spmem:s2] =	stream.indirect.scatter.add.f32 @!p0 [tilespmem:s11], [sflag:$0x6], $0x40, s9, s8, $0xb8;
	[tilespmem:$0x1E500] =	vst v63  }
0x103: {  	_ =	swait.ge [sflag:s12], $0x2000  }
0x104: {  	s8 =	simm.s32 @!p0 $0x6;
	[sflag:s12] =	ssyncset.done $0x0  }
0x105: {  	s8 =	simm.s32 @p0 $0x7;
	[sflag:s12] =	ssyncadd.s32 $0xFFFFE000  }
0x106: {  	_ =	swait.ge [sflag:s8], $0x2000  }
0x107: {  	p1 =	sne.s32 s10, $0x1;
	[sflag:s8] =	ssyncset.done $0x0  }
.Ltmp17:
0x108: {  	[sflag:s8] =	ssyncadd.s32 $0xFFFFE000;
	(pc) =	sbr.rel @!p1 .LBB2_25-.Ltmp17, $4  }
0x109: {  	s18 =	sshrl.u32 s15, $0x3;
	[bflag:$0x0] =	sbarrier.arrive $0xFFFF  }
0x10a: {  	[hbm:s14], [sflag:s6] =	dma.local [spmem:s18], $0x640  }
0x10b: {  	s13 =	smov.u32 s14;
	_ =	swait.ge [sflag:s17], $0x640  }
0x10c: {  	s9 =	sadd.s32 $0x32000, s15;
	s8 =	sadd.s32 $0xFFFFFFFF, s10;
	[sflag:s17] =	ssyncset.done $0x0  }
.LBB2_24:
0x10d: {  	s11 =	sshrl.u32 s9, $0x3  }
0x10e: {  	[sflag:s17] =	ssyncadd.s32 $0xFFFFF9C0;
	s13 =	sadd.s32 $0x6400, s13;
	p1 =	sne.s32 s8, $0x1  }
0x10f: {  	[hbm:s13], [sflag:s6] =	dma.local [spmem:s11], $0x640  }
.Ltmp18:
0x110: {  	_ = 	snop;
	(pc) =	sbr.rel @p1 .LBB2_24-.Ltmp18, $4  }
0x111: {  	_ = 	snop  }
0x112: {  	s8 =	sadd.s32 $0xFFFFFFFF, s8  }
0x113: {  	_ =	swait.ge [sflag:s17], $0x640  }
0x114: {  	s9 =	sadd.s32 $0x32000, s9;
	[sflag:s17] =	ssyncset.done $0x0  }
.LBB2_25:
0x115: {  	s4 =	sadd.s32 $0x1, s4;
	s8 =	rddreg [dreg:$0x6]  }
0x116: {  	p1 =	sne.s32 s4, s8  }
.Ltmp19:
0x117: {  	_ = 	snop;
	(pc) =	sbr.rel @p1 .LBB2_1-.Ltmp19, $2  }
0x118: {  	_ =	sdelay $0x2  }
0x119: {  	[sflag:s17] =	ssyncadd.s32 $0xFFFFF9C0  }
0x11a: {  	_ =	sfence.sel $0x180000  }
0x11b: {  	[bflag:$0x0] =	sbarrier.arrive $0xFFFF  }
0x11c: {  	_ =	strace $0x9000004D  }
0x11d: {  	s0 =	stileid.u32;
	[bflag:$0x2] =	sbarrier.arrive $0xFFFF  }
0x11e: {  	p0 =	sne.s32 s0, $0x0;
	s0 =	rddreg [dreg:$0x3]  }
0x11f: {  	s0 =	sadd.s32 @!p0 $0x100000, s0  }
0x120: {  	[sflag:s0] =	ssyncadd.tile.s32 @!p0 $0x1;
	_ =	shalt  }
.Lfunc_end2:
_tile_overlayer_lowered:
.L_overlay_start_2:
0x121: {  	(tag) =	ssettag $0x2  }
0x122: {  	s0 =	rddreg [dreg:$0x0];
	s2 =	stileid.u32  }
0x123: {  	s1 =	rddreg [dreg:$0x1];
	p0 =	sne.s32 s2, $0x0  }
0x124: {  	s3 =	rddreg [dreg:$0x2];
	[bflag:$0x3] =	sbarrier.arrive $0xFFFF;
	s2 =	simm.s32 @!p0 $0x1C08  }
0x125: {  	[timem:s3], [sflag:s2] =	dma.local @!p0 [hbm:s0], s1  }
0x126: {  	s0 =	simm.s32 @!p0 $0x8  }
0x127: {  	_ =	swait.ge @!p0 [sflag:s0], s1  }
0x128: {  	s1 =	ssub.s32 @!p0 $0x0, s1;
	[sflag:s0] =	ssyncset.done @!p0 $0x0  }
0x129: {  	[sflag:s0] =	ssyncadd.s32 @!p0 s1  }
0x12a: {  	[bflag:$0x3] =	sbarrier.arrive $0xFFFF  }
0x12b: {  	_ =	shalt  }

// kernel: kernel.13.cloned.1.call-start
scs
__scs_entry_jumppad:
0x0: {  	(pc) =	sbr.rel $0x88, $3  }
0x1: {  	(tag) =	ssettag $0x0;
	lr =	simm.s32 $0x1  }
0x2: {  	[smem:$0x3F9A] =	sst lr;
	_ =	strace $0xD0000000  }
0x3: {  	_ = 	snop  }
0x4: {  	_ = 	snop  }
0x5: {  	_ = 	snop  }
0x6: {  	_ = 	snop  }
0x7: {  	_ = 	snop  }
__scs_overlays_trampoline_lowered:
0x8: {  	[smem:$0x3FA9] =	sst s0  }
0x9: {  	[smem:$0x3FAA] =	sst s1  }
0xa: {  	[smem:$0x3FAB] =	sst s2  }
0xb: {  	[smem:$0x3FAC] =	sst s3  }
0xc: {  	[smem:$0x3FAD] =	sst s4  }
0xd: {  	[smem:$0x3FAE] =	sst s5  }
0xe: {  	[smem:$0x3FAF] =	sst s6  }
0xf: {  	[smem:$0x3FB0] =	sst s7  }
0x10: {  	[smem:$0x3FB1] =	sst s8  }
0x11: {  	[smem:$0x3FB2] =	sst s9;
	s0 =	simm.s32 @!p0 $0x0  }
0x12: {  	s1 =	sld [smem:$0x3F98];
	s0 =	simm.s32 @p0 $0x1  }
0x13: {  	[smem:$0x3FB3] =	sst s0;
	s0 =	simm.s32 @!p1 $0x0  }
0x14: {  	s2 =	sld [smem:$0x3F97];
	s0 =	simm.s32 @p1 $0x1  }
0x15: {  	[smem:$0x3FB4] =	sst s0;
	s0 =	simm.s32 @!p2 $0x0  }
0x16: {  	s3 =	sld [smem:$0x3FDB];
	s0 =	simm.s32 @p2 $0x1  }
0x17: {  	s4 =	simm.s32 $0x1BF5;
	[smem:$0x3FB6] =	sst s0  }
0x18: {  	s0 =	sld [smem:$0x3F99];
	_ =	swait.ge [sflag:s4], $0x0  }
0x19: {  	s7 =	sld [smem:$0x3F9A]  }
0x1a: {  	s8 =	sadd.s32 $0xFFFFE003, lr  }
0x1b: {  	s9 =	sadd.s32 $0xFFFFFEF7, lr;
	s5 =	simm.s32 $0xFFFFFFFF;
	p2 =	slt.u32 s8, $0xFFFFF086  }
0x1c: {  	p1 =	slt.u32 s9, $0xF7A;
	s5 =	simm.s32 @!p2 $0x0  }
0x1d: {  	s5 =	simm.s32 @p1 $0x1;
	p0 =	seq.s32 s7, s2  }
0x1e: {  	s7 =	smul.u32 @!p0 $0xF7A, s2;
	p2 =	seq.s32 @!p0 s5, $0x0  }
0x1f: {  	s9 =	smul.u32 $0xF7A, s1;
	s8 =	simm.s32 @!p0 $0x1BF5;
	p2 =	por !p2, p0  }
0x20: {  	[sflag:s8] =	ssyncset.s32 @!p0 $0xFFFFF086;
	s6 =	sadd.s32 @!p0 s3, s7;
	s7 =	simm.s32 @!p0 $0x108  }
0x21: {  	s3 =	sadd.s32 s3, s9;
	s6 =	sadd.s32 @!p0 $0x88, s6;
	s7 =	simm.s32 @p2 $0x1082  }
0x22: {  	[simem:s7], [sflag:s8] =	dma.local @!p0 [hbm:s6], $0xF7A  }
0x23: {  	s9 =	sor.u32 $0xD0000000, s2;
	s6 =	simm.s32 $0x108;
	_ =	swait.ge @!p0 [sflag:s8], $0x0  }
0x24: {  	s3 =	sadd.s32 $0x88, s3;
	s6 =	simm.s32 @!p1 $0x1082;
	[sflag:s4] =	ssyncset.s32 $0xFFFFF086  }
0x25: {  	[simem:s6], [sflag:s4] =	dma.local [hbm:s3], $0xF7A  }
0x26: {  	[smem:$0x3F9A] =	sst s1;
	(tag) =	ssettag s2;
	_ =	strace s9  }
0x27: {  	s1 =	sld [smem:$0x3FAA]  }
0x28: {  	s2 =	sld [smem:$0x3FAB]  }
0x29: {  	s4 =	sld [smem:$0x3FAD]  }
0x2a: {  	p0 =	seq.s32 s5, $0x0;
	s5 =	sld [smem:$0x3FAE]  }
0x2b: {  	s6 =	sld [smem:$0x3FAF]  }
0x2c: {  	s7 =	sld [smem:$0x3FB0]  }
0x2d: {  	s3 =	simm.s32 $0x108;
	s8 =	sld [smem:$0x3FB1]  }
0x2e: {  	s3 =	simm.s32 @!p0 $0x1082;
	s9 =	sld [smem:$0x3FB2]  }
0x2f: {  	lr =	sadd.s32 s0, s3;
	s0 =	sld [smem:$0x3FA9]  }
0x30: {  	s3 =	sld [smem:$0x3FAC]  }
0x31: {  	[smem:$0x3FB5] =	sst s10  }
0x32: {  	s10 =	sld [smem:$0x3FB3];
	_ =	sdelay $0x3  }
0x33: {  	p0 =	seq.s32 s10, $0x1;
	s10 =	sld [smem:$0x3FB5];
	_ =	sdelay $0x3  }
0x34: {  	[smem:$0x3FB5] =	sst s10  }
0x35: {  	s10 =	sld [smem:$0x3FB4];
	_ =	sdelay $0x3  }
0x36: {  	p1 =	seq.s32 s10, $0x1;
	s10 =	sld [smem:$0x3FB5];
	_ =	sdelay $0x3  }
0x37: {  	[smem:$0x3FB5] =	sst s10  }
0x38: {  	s10 =	sld [smem:$0x3FB6]  }
0x39: {  	_ = 	snop;
	(pc) =	sbr.ind lr, $3  }
0x3a: {  	_ = 	snop  }
0x3b: {  	_ = 	snop  }
0x3c: {  	p2 =	seq.s32 s10, $0x1;
	s10 =	sld [smem:$0x3FB5]  }
0x3d: {  	_ =	shalt  }
0x3e: {  	_ =	shalt  }
0x3f: {  	_ =	shalt  }
0x40: {  	_ =	shalt  }
0x41: {  	_ =	shalt  }
0x42: {  	_ =	shalt  }
0x43: {  	_ =	shalt  }
0x44: {  	_ =	shalt  }
0x45: {  	_ =	shalt  }
0x46: {  	_ =	shalt  }
0x47: {  	_ =	shalt  }
0x48: {  	_ =	shalt  }
0x49: {  	_ =	shalt  }
0x4a: {  	_ =	shalt  }
0x4b: {  	_ =	shalt  }
0x4c: {  	_ =	shalt  }
0x4d: {  	_ =	shalt  }
0x4e: {  	_ =	shalt  }
0x4f: {  	_ =	shalt  }
0x50: {  	_ =	shalt  }
0x51: {  	_ =	shalt  }
0x52: {  	_ =	shalt  }
0x53: {  	_ =	shalt  }
0x54: {  	_ =	shalt  }
0x55: {  	_ =	shalt  }
0x56: {  	_ =	shalt  }
0x57: {  	_ =	shalt  }
0x58: {  	_ =	shalt  }
0x59: {  	_ =	shalt  }
0x5a: {  	_ =	shalt  }
0x5b: {  	_ =	shalt  }
0x5c: {  	_ =	shalt  }
0x5d: {  	_ =	shalt  }
0x5e: {  	_ =	shalt  }
0x5f: {  	_ =	shalt  }
0x60: {  	_ =	shalt  }
0x61: {  	_ =	shalt  }
0x62: {  	_ =	shalt  }
0x63: {  	_ =	shalt  }
0x64: {  	_ =	shalt  }
0x65: {  	_ =	shalt  }
0x66: {  	_ =	shalt  }
0x67: {  	_ =	shalt  }
0x68: {  	_ =	shalt  }
0x69: {  	_ =	shalt  }
0x6a: {  	_ =	shalt  }
0x6b: {  	_ =	shalt  }
0x6c: {  	_ =	shalt  }
0x6d: {  	_ =	shalt  }
0x6e: {  	_ =	shalt  }
0x6f: {  	_ =	shalt  }
0x70: {  	_ =	shalt  }
0x71: {  	_ =	shalt  }
0x72: {  	_ =	shalt  }
0x73: {  	_ =	shalt  }
0x74: {  	_ =	shalt  }
0x75: {  	_ =	shalt  }
0x76: {  	_ =	shalt  }
0x77: {  	_ =	shalt  }
0x78: {  	_ =	shalt  }
0x79: {  	_ =	shalt  }
0x7a: {  	_ =	shalt  }
0x7b: {  	_ =	shalt  }
0x7c: {  	_ =	shalt  }
0x7d: {  	_ =	shalt  }
0x7e: {  	_ =	shalt  }
0x7f: {  	_ =	shalt  }
0x80: {  	_ =	shalt  }
0x81: {  	_ =	shalt  }
0x82: {  	_ =	shalt  }
0x83: {  	_ =	shalt  }
0x84: {  	_ =	shalt  }
0x85: {  	_ =	shalt  }
0x86: {  	_ =	shalt  }
0x87: {  	_ =	shalt  }
.Lfunc_end0:
.L_simem_size_0:
called_computation.3_lowered:
.L_overlay_start_0:
0x88: {  	s2 =	sld [smem:$0x3FD9]  }
0x89: {  	s3 =	sld [smem:$0x3FFE];
	_ =	sdelay $0x1  }
0x8a: {  	s1 =	srdreg.scid  }
0x8b: {  	s0 =	sand.u32 $0x1, s1  }
0x8c: {  	s14 =	sshll.u32 s0, $0xA;
	s2 =	sadd.s32 s3, s2  }
0x8d: {  	s2 =	sadd.s32 s2, s14  }
0x8e: {  	[smem:$0x3FC1] =	sst s2  }
0x8f: {  	_ = 	snop  }
0x90: {  	s2 =	sld [smem:$0x3FD0];
	_ =	sdelay $0x2  }
0x91: {  	s15 =	simm.s32 $0xA;
	s4 =	simm.s32 $0x10  }
0x92: {  	[smem:s4], [sflag:s15] =	dma.local [hbm:s2], $0x1  }
0x93: {  	_ =	swait.eq [sflag:s15], $0x1  }
0x94: {  	[sflag:s15] =	ssyncset.done $0x0  }
0x95: {  	[sflag:s15] =	ssyncadd.s32 $0xFFFFFFFF  }
0x96: {  	s16 =	sld [smem:$0x11];
	(tm) =	ssettm $0x1  }
0x97: {  	s17 =	sld [smem:$0x3FFB];
	_ =	sdelay $0x3  }
0x98: {  	_ =	strace s17  }
0x99: {  	s3 =	sld [smem:$0x3FFC];
	_ =	sdelay $0x3  }
0x9a: {  	_ =	strace s3  }
0x9b: {  	s3 =	sld [smem:$0x3FFD];
	_ =	sdelay $0x3  }
0x9c: {  	_ =	strace s3  }
0x9d: {  	_ =	strace $0x8FFFFFFF  }
0x9e: {  	s18 =	sld [smem:$0x3FDB];
	_ =	sdelay $0x1  }
0x9f: {  	s19 =	simm.s32 $_scs_section_size  }
0xa0: {  	s5 =	simm.s32 $_size__tile_overlayer_lowered;
	s6 =	simm.s32 $_tile_overlayer_lowered  }
0xa1: {  	s22 =	simm.s32 $0x1BFF;
	s21 =	sshll.u32 s6, $0x1;
	s3 =	sadd.s32 s19, s18  }
0xa2: {  	s7 =	simm.s32 $0x0;
	s20 =	sshll.u32 s5, $0x1;
	s5 =	sadd.s32 s21, s3  }
0xa3: {  	[timem:s7], [sflag:s22] =	dma.local [hbm:s5], s20  }
0xa4: {  	_ =	swait.ge [sflag:s22], s20  }
0xa5: {  	s4 =	ssub.s32 $0x0, s20;
	[sflag:s22] =	ssyncset.done $0x0  }
0xa6: {  	[sflag:s22] =	ssyncadd.s32 s4;
	_ =	sdelay $0x1  }
0xa7: {  	s23 =	simm.s32 $0x1B8B  }
0xa8: {  	_ =	swait.ge [sflag:s23], $0x1  }
0xa9: {  	[sflag:s23] =	ssyncset.done $0x0  }
0xaa: {  	s25 =	simm.s32 $0x1B8E;
	s24 =	sld [smem:$0x3FFE];
	[sflag:s23] =	ssyncadd.s32 $0xFFFFFFFF  }
0xab: {  	s26 =	simm.s32 $execute0_lowered;
	[smem:$0x3FD2] =	sst s25  }
0xac: {  	s5 =	sshll.u32 s26, $0x1;
	_ =	strace $0x8000004F;
	[dreg:$0x1] =	wrdreg $0xFFFFFFFF  }
0xad: {  	s28 =	simm.s32 $_size_execute0_lowered;
	s3 =	sadd.s32 s3, s5;
	[dreg:$0x0] =	wrdreg $0x0  }
0xae: {  	s5 =	sshll.u32 s28, $0x1;
	[dreg:$0x2] =	wrdreg s3  }
0xaf: {  	[dreg:$0x3] =	wrdreg s5  }
0xb0: {  	[dreg:$0x4] =	wrdreg $0xC0  }
0xb1: {  	_ =	task [dreg:s7], $0x5FFFF  }
0xb2: {  	[dreg:$0x1] =	wrdreg $0xFFFFFFFF  }
0xb3: {  	[dreg:$0x0] =	wrdreg $0x60  }
0xb4: {  	[dreg:$0x2] =	wrdreg s24  }
0xb5: {  	[dreg:$0x3] =	wrdreg s16  }
0xb6: {  	[dreg:$0x4] =	wrdreg $0x0  }
0xb7: {  	[dreg:$0x5] =	wrdreg $0x9  }
0xb8: {  	_ =	task.clear_ibuf [dreg:s7], $0x6FFFF;
	_ =	strace $0x9000004F  }
0xb9: {  	s29 =	simm.s32 $0x9;
	_ =	strace $0x80000051  }
0xba: {  	_ =	swait.ge [sflag:s29], $0x1  }
0xbb: {  	[sflag:s29] =	ssyncadd.s32 $0xFFFFFFFF  }
0xbc: {  	_ =	strace $0x90000051  }
0xbd: {  	_ =	sfence  }
0xbe: {  	s30 =	sld [smem:$0x0];
	_ =	sdelay $0x2  }
0xbf: {  	s31 =	sshll.u32 s1, $0xD;
	s1 =	sshrl.u32 s1, $0x2  }
0xc0: {  	s3 =	sand.u32 $0x4000, s31;
	s1 =	sadd.s32 s1, s30  }
0xc1: {  	s0 =	sor.u32 s3, s0;
	s1 =	sshll.u32 s1, $0x11  }
0xc2: {  	s0 =	sor.u32 s1, s0  }
0xc3: {  	s0 =	sadd.s32 $0x8F2B, s0  }
0xc4: {  	[sflag:s0] =	ssyncadd.remote.s32 $0x1  }
0xc5: {  	_ =	sfence.sel $0xFFFF  }
0xc6: {  	[dreg:$0x0] =	wrdreg $0xFFFFFFFF;
	(pc) =	sbr.abs _section_cstart, $3  }
0xc7: {  	[dreg:$0x1] =	wrdreg $0xFFFFFFFF  }
0xc8: {  	_ =	task.clear_ibuf [dreg:s7], $0x2FFFF;
	_ =	strace $0x9FFFFFFF  }
0xc9: {  	(tm) =	ssettm $0x7FFFFFFF  }
tec
execute0_lowered:
.L_overlay_start_1:
0x0: {  	(tag) =	ssettag $0x1  }
0x1: {  	s0 =	rddreg [dreg:$0x0]  }
0x2: {  	s1 =	rddreg [dreg:$0x1]  }
0x3: {  	s2 =	rddreg [dreg:$0x2]  }
0x4: {  	s3 =	simm.s32 $0x0;
	s4 =	srdreg.scid;
	s15 =	stileid.u32  }
0x5: {  	s28 =	simm.s32 $0x1A400;
	s29 =	simm.s32 $0x1A500;
	s8 =	smul.u32 $0x62000, s15  }
0x6: {  	s30 =	simm.s32 $0x19A00;
	s31 =	simm.s32 $0x1A300;
	s25 =	smul.u32 $0x900, s15  }
0x7: {  	[smem:$0x7FF] =	sst s3;
	s4 =	sand.u32 $0x1, s4;
	s26 =	smul.u32 $0x120, s15  }
0x8: {  	s9 =	sadd.s32 $0x3200, s0;
	s5 =	sadd.s32 $0x21C600, s0;
	s22 =	smul.u32 $0x640, s15  }
0x9: {  	s24 =	sshll.u32 s15, $0x6;
	s12 =	ssub.s32 $0x1879, s15;
	s6 =	smul.u32 $0x30D40, s4  }
0xa: {  	_ =	strace $0x80000050;
	s7 =	ssub.s32 $0x2, s4;
	s4 =	smul.u32 $0x61A8, s4  }
0xb: {  	s18 =	sand.u32 $0x10, s12;
	s10 =	sshrl.u32 s7, $0x1;
	s23 =	sshrl.u32 s8, $0x2  }
0xc: {  	s17 =	sadd.s32 s9, s26;
	s0 =	sadd.s32 s6, s0;
	s11 =	ssub.s32 s7, s10  }
0xd: {  	s8 =	sadd.s32 s23, s2;
	s6 =	sor.u32 $0x1C08, s24;
	s7 =	sshrl.u32 s25, $0x3  }
0xe: {  	s23 =	ssub.s32 $0x8C, s15;
	s15 =	smul.u32 $0xC800, s15;
	[dreg:$0x4] =	wrdreg s17  }
0xf: {  	s24 =	sadd.s32 $0x2400, s17;
	s17 =	simm.s32 $0x8;
	v0 =	vmov s4;
	s4 =	simm.s32 $0x0  }
0x10: {  	s13 =	sadd.s32 $0x6200, s8;
	s16 =	sadd.s32 $0xC400, s8;
	s20 =	sadd.s32 $0x12600, s8  }
0x11: {  	s14 =	sadd.s32 s9, s7;
	s7 =	sshrl.u32 s12, $0x4;
	s10 =	sshrl.u32 s23, $0x4  }
0x12: {  	s11 =	smax.u32 s11, $0x1;
	s12 =	simm.s32 $0x7;
	s0 =	sadd.s32 s22, s0  }
0x13: {  	[dreg:$0x7] =	wrdreg s24;
	s25 =	sshrl.u32 s8, $0x3;
	s22 =	simm.s32 $0x19100  }
0x14: {  	s23 =	simm.s32 $0x80;
	s24 =	simm.s32 $0x1A380;
	s14 =	sadd.s32 $0x1200, s14  }
0x15: {  	s21 =	sand.u32 $0x1, s7;
	[dreg:$0x6] =	wrdreg s11;
	s15 =	sshrl.u32 s15, $0x2  }
0x16: {  	[dreg:$0x8] =	wrdreg s25;
	s26 =	sshrl.u32 s13, $0x3;
	s19 =	sshrl.u32 s16, $0x3  }
0x17: {  	s20 =	sshrl.u32 s20, $0x3;
	s25 =	simm.s32 $0x1C500;
	[dreg:$0x5] =	wrdreg s14  }
0x18: {  	p0 =	seq.s32 s21, $0x1;
	s14 =	sadd.s32 $0x27E200, s0;
	s15 =	sadd.s32 s15, s2  }
0x19: {  	[dreg:$0x9] =	wrdreg s26;
	s21 =	simm.s32 $0x18800;
	s26 =	simm.s32 $0x4  }
0x1a: {  	s0 =	simm.s32 $0x3;
	s12 =	simm.s32 @!p0 $0x6;
	p0 =	seq.s32 s18, $0x0  }
.LBB2_1:
0x1b: {  	s8 =	rddreg [dreg:$0x8]  }
0x1c: {  	[spmem:s8], [sflag:s6] =	dma.local [hbm:s1], $0xC40  }
0x1d: {  	_ =	swait.ge [sflag:s17], $0xC40  }
0x1e: {  	[sflag:s17] =	ssyncset.done $0x0  }
0x1f: {  	s13 =	rddreg [dreg:$0x9];
	[sflag:s17] =	ssyncadd.s32 $0xFFFFF3C0  }
0x20: {  	[spmem:s13], [sflag:s6] =	dma.local [hbm:s1], $0xC40  }
0x21: {  	_ =	swait.ge [sflag:s17], $0xC40  }
0x22: {  	[sflag:s17] =	ssyncset.done $0x0  }
0x23: {  	[sflag:s17] =	ssyncadd.s32 $0xFFFFF3C0  }
0x24: {  	[spmem:s19], [sflag:s6] =	dma.local [hbm:s1], $0xC40  }
0x25: {  	_ =	swait.ge [sflag:s17], $0xC40  }
0x26: {  	[sflag:s17] =	ssyncset.done $0x0  }
0x27: {  	[sflag:s17] =	ssyncadd.s32 $0xFFFFF3C0  }
0x28: {  	[spmem:s20], [sflag:s6] =	dma.local [hbm:s1], $0xC40  }
0x29: {  	_ =	swait.ge [sflag:s17], $0xC40  }
0x2a: {  	[sflag:s17] =	ssyncset.done $0x0  }
0x2b: {  	[sflag:s17] =	ssyncadd.s32 $0xFFFFF3C0  }
0x2c: {  	[bflag:$0x0] =	sbarrier.arrive $0xFFFF  }
.Ltmp0:
0x2d: {  	s16 =	rddreg [dreg:$0x4];
	(pc) =	sbr.rel .LBB2_2-.Ltmp0, $4  }
0x2e: {  	s18 =	rddreg [dreg:$0x5]  }
0x2f: {  	[tilespmem:s21], [sflag:$0x1] =	stream.linear.gather [hbm4b:s16+s3], $0x900, $0x38;
	[tilespmem:$0x1E500] =	vst v63  }
0x30: {  	s9 =	simm.s32 $0x2;
	s8 =	simm.s32 $0x0;
	s13 =	rddreg [dreg:$0x7]  }
0x31: {  	[tilespmem:s22], [sflag:$0x2] =	stream.linear.gather [hbm4b:s18+s3], $0x900, $0x38;
	[tilespmem:$0x1E500] =	vst v63  }
.LBB2_20:
0x32: {  	p1 =	seq.s32 s16, $0x1  }
0x33: {  	[tilespmem:s22], [sflag:$0x2] =	stream.linear.gather @p1 [hbm4b:s13+s3], $0x900, $0x38;
	[tilespmem:$0x1E500] =	vst v63  }
0x34: {  	_ = 	snop  }
0x35: {  	[tilespmem:s21], [sflag:$0x1] =	stream.linear.gather @!p1 [hbm4b:s13+s3], $0x900, $0x38;
	[tilespmem:$0x1E500] =	vst v63  }
.LBB2_22:
0x36: {  	s8 =	sadd.s32 $0x1, s8  }
0x37: {  	p1 =	sne.s32 s7, s8  }
.Ltmp1:
0x38: {  	_ = 	snop;
	(pc) =	sbr.rel @!p1 .LBB2_23-.Ltmp1, $2  }
0x39: {  	_ =	sdelay $0x2  }
0x3a: {  	s9 =	sadd.s32 $0x1, s9;
	s13 =	sadd.s32 $0x1200, s13  }
.LBB2_2:
0x3b: {  	s16 =	smulhi.u32 $0xAAAAAAAB, s8;
	_ =	sdelay $0x1  }
0x3c: {  	s16 =	sshrl.u32 s16, $0x1  }
0x3d: {  	s18 =	smul.u32 $0x3, s16;
	_ =	sdelay $0x1  }
0x3e: {  	s16 =	sadd.s32 $0x1, s18;
	p1 =	seq.s32 s18, s8  }
0x3f: {  	p2 =	seq.s32 @!p1 s16, s8  }
0x40: {  	p2 =	por p1, p2  }
.Ltmp2:
0x41: {  	_ = 	snop;
	(pc) =	sbr.rel @!p2 .LBB2_3-.Ltmp2, $2  }
0x42: {  	_ =	sdelay $0x2  }
0x43: {  	p3 =	sne.s32 s18, s8;
	s16 =	sand.u32 $0x1, s8  }
0x44: {  	p4 =	slt.u32 s8, $0x2  }
.Ltmp3:
0x45: {  	s18 =	simm.s32 @!p1 $0x2;
	(pc) =	sbr.rel @p4 .LBB2_6-.Ltmp3, $4  }
.Ltmp4:
0x46: {  	s18 =	simm.s32 @p1 $0x1;
	(pc) =	sbr.rel @!p4 .LBB2_5-.Ltmp4, $4  }
0x47: {  	_ =	swait.ge [sflag:s18], $0x900  }
0x48: {  	[sflag:s18] =	ssyncset.done $0x0  }
0x49: {  	p2 =	por p3, p3;
	p1 =	por $0x0, $0x0;
	[sflag:s18] =	ssyncadd.s32 $0xFFFFF700  }
0x4a: {  	_ = 	snop  }
.LBB2_3:
0x4b: {  	_ =	swait.ge [sflag:s0], $0x900  }
0x4c: {  	[sflag:s0] =	ssyncset.done $0x0  }
0x4d: {  	p1 =	por $0x1, $0x1;
	p2 =	por $0x0, $0x0;
	[sflag:s0] =	ssyncadd.s32 $0xFFFFF700  }
.LBB2_5:
0x4e: {  	p4 =	seq.s32 s16, $0x1;
	s18 =	simm.s32 $0x7  }
0x4f: {  	s18 =	simm.s32 @!p4 $0x6  }
0x50: {  	_ =	swait.ge [sflag:s18], $0x2000  }
0x51: {  	[sflag:s18] =	ssyncset.done $0x0  }
0x52: {  	[sflag:s18] =	ssyncadd.s32 $0xFFFFE000  }
.LBB2_6:
.Ltmp5:
0x53: {  	(pc) =	sbr.rel @p3 .LBB2_8-.Ltmp5, $1  }
0x54: {  	_ =	sdelay $0x3  }
0x55: {  	p3 =	seq.s32 s16, $0x1  }
0x56: {  	v1 =	vld @p3 [tilespmem:$0x18880];
	_ =	sdelay $0x1  }
0x57: {  	v2 =	vld @p3 [tilespmem:$0x18890]  }
0x58: {  	v3 =	vld @p3 [tilespmem:$0x18810]  }
0x59: {  	v4 =	vld @p3 [tilespmem:$0x188A0]  }
0x5a: {  	v5 =	vld @p3 [tilespmem:$0x18820];
	v1 =	vsub.s32 @p3 v1, v0  }
0x5b: {  	v6 =	vld @p3 [tilespmem:$0x188B0];
	v1 =	vmin.u32 @p3 v1, $0x61A8  }
0x5c: {  	[tilespmem:$0x1A480] =	vst @p3 v1;
	v1 =	vsub.s32 @p3 v2, v0;
	v2 =	vld @p3 [tilespmem:$0x18830]  }
0x5d: {  	[tilespmem:$0x1A390] =	vst @p3 v3;
	v3 =	vld @p3 [tilespmem:$0x188C0];
	v1 =	vmin.u32 @p3 v1, $0x61A8  }
0x5e: {  	[tilespmem:$0x1A490] =	vst @p3 v1;
	v1 =	vsub.s32 @p3 v4, v0;
	v4 =	vld @p3 [tilespmem:$0x18840]  }
0x5f: {  	[tilespmem:$0x1A3A0] =	vst @p3 v5;
	v5 =	vld @p3 [tilespmem:$0x188D0];
	v1 =	vmin.u32 @p3 v1, $0x61A8  }
0x60: {  	[tilespmem:$0x1A4A0] =	vst @p3 v1;
	v1 =	vsub.s32 @p3 v6, v0;
	v6 =	vld @p3 [tilespmem:$0x18850]  }
0x61: {  	[tilespmem:$0x1A3B0] =	vst @p3 v2;
	v2 =	vld [tilespmem:$0x18800];
	v1 =	vmin.u32 @p3 v1, $0x61A8  }
0x62: {  	[tilespmem:$0x1A4B0] =	vst @p3 v1;
	v1 =	vsub.s32 @p3 v3, v0;
	v3 =	vld @p3 [tilespmem:$0x188E0]  }
0x63: {  	[tilespmem:$0x1A3C0] =	vst @p3 v4;
	v1 =	vmin.u32 @p3 v1, $0x61A8;
	v4 =	vld @p3 [tilespmem:$0x18860]  }
0x64: {  	[tilespmem:$0x1A4C0] =	vst @p3 v1;
	v1 =	vsub.s32 @p3 v5, v0;
	v5 =	vld @p3 [tilespmem:$0x188F0]  }
0x65: {  	[tilespmem:$0x1A3D0] =	vst @p3 v6;
	v1 =	vmin.u32 @p3 v1, $0x61A8;
	v6 =	vld @p3 [tilespmem:$0x18870]  }
0x66: {  	[tilespmem:$0x1A4D0] =	vst @p3 v1;
	v1 =	vld @!p3 [tilespmem:$0x18880]  }
0x67: {  	[tilespmem:$0x1A380] =	vst @p3 v2;
	v3 =	vsub.s32 @p3 v3, v0  }
0x68: {  	[tilespmem:$0x1A3E0] =	vst @p3 v4;
	v3 =	vmin.u32 @p3 v3, $0x61A8;
	v4 =	vld @!p3 [tilespmem:$0x18890]  }
0x69: {  	[tilespmem:$0x1A4E0] =	vst @p3 v3;
	v3 =	vsub.s32 @p3 v5, v0;
	v5 =	vld @!p3 [tilespmem:$0x18810]  }
0x6a: {  	[tilespmem:$0x1A3F0] =	vst @p3 v6;
	v3 =	vmin.u32 @p3 v3, $0x61A8;
	v6 =	vld @!p3 [tilespmem:$0x188A0]  }
0x6b: {  	[tilespmem:$0x1A4F0] =	vst @p3 v3;
	v1 =	vsub.s32 @!p3 v1, v0;
	v3 =	vld @!p3 [tilespmem:$0x18820]  }
0x6c: {  	[tilespmem:$0x1A300] =	vst @!p3 v2;
	v2 =	vld @!p3 [tilespmem:$0x188B0];
	v1 =	vmin.u32 @!p3 v1, $0x61A8  }
0x6d: {  	[tilespmem:$0x1A400] =	vst @!p3 v1;
	v1 =	vsub.s32 @!p3 v4, v0;
	v4 =	vld @!p3 [tilespmem:$0x18830]  }
0x6e: {  	[tilespmem:$0x1A310] =	vst @!p3 v5;
	v1 =	vmin.u32 @!p3 v1, $0x61A8;
	v5 =	vld @!p3 [tilespmem:$0x188C0]  }
0x6f: {  	[tilespmem:$0x1A410] =	vst @!p3 v1;
	v1 =	vsub.s32 @!p3 v6, v0;
	v6 =	vld @!p3 [tilespmem:$0x18840]  }
0x70: {  	[tilespmem:$0x1A320] =	vst @!p3 v3;
	v1 =	vmin.u32 @!p3 v1, $0x61A8;
	v3 =	vld @!p3 [tilespmem:$0x188D0]  }
0x71: {  	[tilespmem:$0x1A420] =	vst @!p3 v1;
	v1 =	vsub.s32 @!p3 v2, v0;
	v2 =	vld @!p3 [tilespmem:$0x18850]  }
0x72: {  	[tilespmem:$0x1A330] =	vst @!p3 v4;
	v1 =	vmin.u32 @!p3 v1, $0x61A8;
	v4 =	vld @!p3 [tilespmem:$0x188E0]  }
0x73: {  	[tilespmem:$0x1A430] =	vst @!p3 v1;
	v1 =	vsub.s32 @!p3 v5, v0;
	v5 =	vld @!p3 [tilespmem:$0x18860]  }
0x74: {  	[tilespmem:$0x1A340] =	vst @!p3 v6;
	v1 =	vmin.u32 @!p3 v1, $0x61A8;
	v6 =	vld @!p3 [tilespmem:$0x188F0]  }
0x75: {  	[tilespmem:$0x1A440] =	vst @!p3 v1;
	v1 =	vsub.s32 @!p3 v3, v0;
	v3 =	vld @!p3 [tilespmem:$0x18870]  }
0x76: {  	[tilespmem:$0x1A350] =	vst @!p3 v2;
	v1 =	vmin.u32 @!p3 v1, $0x61A8  }
0x77: {  	[tilespmem:$0x1A450] =	vst @!p3 v1;
	v1 =	vsub.s32 @!p3 v4, v0  }
0x78: {  	[tilespmem:$0x1A360] =	vst @!p3 v5;
	v1 =	vmin.u32 @!p3 v1, $0x61A8  }
0x79: {  	[tilespmem:$0x1A460] =	vst @!p3 v1;
	v1 =	vsub.s32 @!p3 v6, v0  }
0x7a: {  	[tilespmem:$0x1A370] =	vst @!p3 v3;
	v1 =	vmin.u32 @!p3 v1, $0x61A8  }
0x7b: {  	[tilespmem:$0x1A470] =	vst @!p3 v1  }
.LBB2_8:
.Ltmp6:
0x7c: {  	(pc) =	sbr.rel @!p2 .LBB2_10-.Ltmp6, $1  }
0x7d: {  	_ =	sdelay $0x3  }
0x7e: {  	p2 =	seq.s32 s16, $0x1  }
0x7f: {  	v1 =	vld @p2 [tilespmem:$0x19180];
	_ =	sdelay $0x1  }
0x80: {  	v2 =	vld @p2 [tilespmem:$0x19190]  }
0x81: {  	v3 =	vld @p2 [tilespmem:$0x19110]  }
0x82: {  	v4 =	vld @p2 [tilespmem:$0x191A0]  }
0x83: {  	v5 =	vld @p2 [tilespmem:$0x19120];
	v1 =	vsub.s32 @p2 v1, v0  }
0x84: {  	v6 =	vld @p2 [tilespmem:$0x191B0];
	v1 =	vmin.u32 @p2 v1, $0x61A8  }
0x85: {  	[tilespmem:$0x1A480] =	vst @p2 v1;
	v1 =	vsub.s32 @p2 v2, v0;
	v2 =	vld @p2 [tilespmem:$0x19130]  }
0x86: {  	[tilespmem:$0x1A390] =	vst @p2 v3;
	v3 =	vld @p2 [tilespmem:$0x191C0];
	v1 =	vmin.u32 @p2 v1, $0x61A8  }
0x87: {  	[tilespmem:$0x1A490] =	vst @p2 v1;
	v1 =	vsub.s32 @p2 v4, v0;
	v4 =	vld @p2 [tilespmem:$0x19140]  }
0x88: {  	[tilespmem:$0x1A3A0] =	vst @p2 v5;
	v5 =	vld @p2 [tilespmem:$0x191D0];
	v1 =	vmin.u32 @p2 v1, $0x61A8  }
0x89: {  	[tilespmem:$0x1A4A0] =	vst @p2 v1;
	v1 =	vsub.s32 @p2 v6, v0;
	v6 =	vld @p2 [tilespmem:$0x19150]  }
0x8a: {  	[tilespmem:$0x1A3B0] =	vst @p2 v2;
	v2 =	vld [tilespmem:$0x19100];
	v1 =	vmin.u32 @p2 v1, $0x61A8  }
0x8b: {  	[tilespmem:$0x1A4B0] =	vst @p2 v1;
	v1 =	vsub.s32 @p2 v3, v0;
	v3 =	vld @p2 [tilespmem:$0x191E0]  }
0x8c: {  	[tilespmem:$0x1A3C0] =	vst @p2 v4;
	v1 =	vmin.u32 @p2 v1, $0x61A8;
	v4 =	vld @p2 [tilespmem:$0x19160]  }
0x8d: {  	[tilespmem:$0x1A4C0] =	vst @p2 v1;
	v1 =	vsub.s32 @p2 v5, v0;
	v5 =	vld @p2 [tilespmem:$0x191F0]  }
0x8e: {  	[tilespmem:$0x1A3D0] =	vst @p2 v6;
	v1 =	vmin.u32 @p2 v1, $0x61A8;
	v6 =	vld @p2 [tilespmem:$0x19170]  }
0x8f: {  	[tilespmem:$0x1A4D0] =	vst @p2 v1;
	v1 =	vld @!p2 [tilespmem:$0x19180]  }
0x90: {  	[tilespmem:$0x1A380] =	vst @p2 v2;
	v3 =	vsub.s32 @p2 v3, v0  }
0x91: {  	[tilespmem:$0x1A3E0] =	vst @p2 v4;
	v3 =	vmin.u32 @p2 v3, $0x61A8;
	v4 =	vld @!p2 [tilespmem:$0x19190]  }
0x92: {  	[tilespmem:$0x1A4E0] =	vst @p2 v3;
	v3 =	vsub.s32 @p2 v5, v0;
	v5 =	vld @!p2 [tilespmem:$0x19110]  }
0x93: {  	[tilespmem:$0x1A3F0] =	vst @p2 v6;
	v3 =	vmin.u32 @p2 v3, $0x61A8;
	v6 =	vld @!p2 [tilespmem:$0x191A0]  }
0x94: {  	[tilespmem:$0x1A4F0] =	vst @p2 v3;
	v1 =	vsub.s32 @!p2 v1, v0;
	v3 =	vld @!p2 [tilespmem:$0x19120]  }
0x95: {  	[tilespmem:$0x1A300] =	vst @!p2 v2;
	v2 =	vld @!p2 [tilespmem:$0x191B0];
	v1 =	vmin.u32 @!p2 v1, $0x61A8  }
0x96: {  	[tilespmem:$0x1A400] =	vst @!p2 v1;
	v1 =	vsub.s32 @!p2 v4, v0;
	v4 =	vld @!p2 [tilespmem:$0x19130]  }
0x97: {  	[tilespmem:$0x1A310] =	vst @!p2 v5;
	v1 =	vmin.u32 @!p2 v1, $0x61A8;
	v5 =	vld @!p2 [tilespmem:$0x191C0]  }
0x98: {  	[tilespmem:$0x1A410] =	vst @!p2 v1;
	v1 =	vsub.s32 @!p2 v6, v0;
	v6 =	vld @!p2 [tilespmem:$0x19140]  }
0x99: {  	[tilespmem:$0x1A320] =	vst @!p2 v3;
	v1 =	vmin.u32 @!p2 v1, $0x61A8;
	v3 =	vld @!p2 [tilespmem:$0x191D0]  }
0x9a: {  	[tilespmem:$0x1A420] =	vst @!p2 v1;
	v1 =	vsub.s32 @!p2 v2, v0;
	v2 =	vld @!p2 [tilespmem:$0x19150]  }
0x9b: {  	[tilespmem:$0x1A330] =	vst @!p2 v4;
	v1 =	vmin.u32 @!p2 v1, $0x61A8;
	v4 =	vld @!p2 [tilespmem:$0x191E0]  }
0x9c: {  	[tilespmem:$0x1A430] =	vst @!p2 v1;
	v1 =	vsub.s32 @!p2 v5, v0;
	v5 =	vld @!p2 [tilespmem:$0x19160]  }
0x9d: {  	[tilespmem:$0x1A340] =	vst @!p2 v6;
	v1 =	vmin.u32 @!p2 v1, $0x61A8;
	v6 =	vld @!p2 [tilespmem:$0x191F0]  }
0x9e: {  	[tilespmem:$0x1A440] =	vst @!p2 v1;
	v1 =	vsub.s32 @!p2 v3, v0;
	v3 =	vld @!p2 [tilespmem:$0x19170]  }
0x9f: {  	[tilespmem:$0x1A350] =	vst @!p2 v2;
	v1 =	vmin.u32 @!p2 v1, $0x61A8  }
0xa0: {  	[tilespmem:$0x1A450] =	vst @!p2 v1;
	v1 =	vsub.s32 @!p2 v4, v0  }
0xa1: {  	[tilespmem:$0x1A360] =	vst @!p2 v5;
	v1 =	vmin.u32 @!p2 v1, $0x61A8  }
0xa2: {  	[tilespmem:$0x1A460] =	vst @!p2 v1;
	v1 =	vsub.s32 @!p2 v6, v0  }
0xa3: {  	[tilespmem:$0x1A370] =	vst @!p2 v3;
	v1 =	vmin.u32 @!p2 v1, $0x61A8  }
0xa4: {  	[tilespmem:$0x1A470] =	vst @!p2 v1  }
.LBB2_10:
.Ltmp7:
0xa5: {  	(pc) =	sbr.rel @!p1 .LBB2_13-.Ltmp7, $2  }
0xa6: {  	_ =	sdelay $0x2  }
0xa7: {  	p2 =	seq.s32 s16, $0x1  }
.Ltmp8:
0xa8: {  	(pc) =	sbr.rel @!p2 .LBB2_12-.Ltmp8, $2  }
0xa9: {  	_ =	sdelay $0x2  }
0xaa: {  	v1 =	vld [tilespmem:$0x19A00]  }
0xab: {  	v2 =	vld [tilespmem:$0x19A80];
	_ =	sdelay $0x1  }
0xac: {  	v3 =	vld [tilespmem:$0x19A90]  }
0xad: {  	v4 =	vld [tilespmem:$0x19A10]  }
0xae: {  	v5 =	vld [tilespmem:$0x19AA0]  }
0xaf: {  	v6 =	vld [tilespmem:$0x19A20];
	v2 =	vsub.s32 v2, v0  }
0xb0: {  	[tilespmem:$0x1A380] =	vst v1;
	v1 =	vmin.u32 v2, $0x61A8;
	v2 =	vld [tilespmem:$0x19AB0]  }
0xb1: {  	[tilespmem:$0x1A480] =	vst v1;
	v1 =	vsub.s32 v3, v0;
	v3 =	vld [tilespmem:$0x19A30]  }
0xb2: {  	v58 =	vld [tilespmem:$0x19AC0];
	[tilespmem:$0x1A390] =	vst v4;
	v1 =	vmin.u32 v1, $0x61A8  }
0xb3: {  	v59 =	vld [tilespmem:$0x19A40];
	[tilespmem:$0x1A490] =	vst v1;
	v1 =	vsub.s32 v5, v0  }
0xb4: {  	v60 =	vld [tilespmem:$0x19AD0];
	[tilespmem:$0x1A3A0] =	vst v6;
	v1 =	vmin.u32 v1, $0x61A8  }
0xb5: {  	v61 =	vld [tilespmem:$0x19A60];
	[tilespmem:$0x1A4A0] =	vst v1;
	v1 =	vsub.s32 v2, v0  }
0xb6: {  	[tilespmem:$0x1A3B0] =	vst v3;
	v1 =	vmin.u32 v1, $0x61A8;
	v3 =	vld [tilespmem:$0x19AE0]  }
0xb7: {  	v63 =	vld [tilespmem:$0x19A70];
	[tilespmem:$0x1A4B0] =	vst v1;
	v1 =	vsub.s32 v58, v0  }
0xb8: {  	v62 =	vld [tilespmem:$0x19AF0];
	[tilespmem:$0x1A3C0] =	vst v59;
	v1 =	vmin.u32 v1, $0x61A8  }
0xb9: {  	v2 =	vld [tilespmem:$0x19A50];
	[tilespmem:$0x1A4C0] =	vst v1;
	v1 =	vsub.s32 v60, v0  }
0xba: {  	[tilespmem:$0x1A3E0] =	vst v61;
	v1 =	vmin.u32 v1, $0x61A8  }
.Ltmp9:
0xbb: {  	[tilespmem:$0x1A4D0] =	vst v1;
	v1 =	vsub.s32 v3, v0;
	(pc) =	sbr.rel .LBB2_17-.Ltmp9, $4  }
0xbc: {  	[tilespmem:$0x1A3F0] =	vst v63;
	v1 =	vmin.u32 v1, $0x61A8  }
0xbd: {  	[tilespmem:$0x1A4E0] =	vst v1;
	v1 =	vsub.s32 v62, v0  }
0xbe: {  	[tilespmem:$0x1A3D0] =	vst v2;
	v1 =	vmin.u32 v1, $0x61A8  }
0xbf: {  	[tilespmem:$0x1A4F0] =	vst v1  }
.LBB2_13:
.Ltmp10:
0xc0: {  	(pc) =	sbr.rel @p2 .LBB2_17-.Ltmp10, $4  }
.Ltmp11:
0xc1: {  	(pc) =	sbr.rel @!p2 .LBB2_14-.Ltmp11, $4  }
0xc2: {  	_ = 	snop  }
0xc3: {  	_ = 	snop  }
0xc4: {  	_ = 	snop  }
0xc5: {  	_ = 	snop  }
.LBB2_12:
0xc6: {  	v2 =	vld [tilespmem:$0x19A80];
	_ =	sdelay $0x1  }
0xc7: {  	v3 =	vld [tilespmem:$0x19A90]  }
0xc8: {  	v4 =	vld [tilespmem:$0x19A10]  }
0xc9: {  	v5 =	vld [tilespmem:$0x19AA0]  }
0xca: {  	v6 =	vld [tilespmem:$0x19A20];
	v2 =	vsub.s32 v2, v0  }
0xcb: {  	[tilespmem:$0x1A300] =	vst v1;
	v1 =	vmin.u32 v2, $0x61A8;
	v2 =	vld [tilespmem:$0x19AB0]  }
0xcc: {  	[tilespmem:$0x1A400] =	vst v1;
	v1 =	vsub.s32 v3, v0;
	v3 =	vld [tilespmem:$0x19A30]  }
0xcd: {  	v58 =	vld [tilespmem:$0x19AC0];
	[tilespmem:$0x1A310] =	vst v4;
	v1 =	vmin.u32 v1, $0x61A8  }
0xce: {  	v59 =	vld [tilespmem:$0x19A40];
	[tilespmem:$0x1A410] =	vst v1;
	v1 =	vsub.s32 v5, v0  }
0xcf: {  	v60 =	vld [tilespmem:$0x19AD0];
	[tilespmem:$0x1A320] =	vst v6;
	v1 =	vmin.u32 v1, $0x61A8  }
0xd0: {  	v61 =	vld [tilespmem:$0x19A60];
	[tilespmem:$0x1A420] =	vst v1;
	v1 =	vsub.s32 v2, v0  }
0xd1: {  	[tilespmem:$0x1A330] =	vst v3;
	v1 =	vmin.u32 v1, $0x61A8;
	v3 =	vld [tilespmem:$0x19AE0]  }
0xd2: {  	v63 =	vld [tilespmem:$0x19A70];
	[tilespmem:$0x1A430] =	vst v1;
	v1 =	vsub.s32 v58, v0  }
0xd3: {  	v62 =	vld [tilespmem:$0x19AF0];
	[tilespmem:$0x1A340] =	vst v59;
	v1 =	vmin.u32 v1, $0x61A8  }
0xd4: {  	v2 =	vld [tilespmem:$0x19A50];
	[tilespmem:$0x1A440] =	vst v1;
	v1 =	vsub.s32 v60, v0  }
0xd5: {  	[tilespmem:$0x1A360] =	vst v61;
	v1 =	vmin.u32 v1, $0x61A8  }
0xd6: {  	[tilespmem:$0x1A450] =	vst v1;
	v1 =	vsub.s32 v3, v0  }
0xd7: {  	[tilespmem:$0x1A370] =	vst v63;
	v1 =	vmin.u32 v1, $0x61A8  }
0xd8: {  	[tilespmem:$0x1A460] =	vst v1;
	v1 =	vsub.s32 v62, v0  }
0xd9: {  	[tilespmem:$0x1A350] =	vst v2;
	v1 =	vmin.u32 v1, $0x61A8  }
0xda: {  	[tilespmem:$0x1A470] =	vst v1  }
.LBB2_14:
0xdb: {  	p1 =	sne.s32 s16, $0x0  }
.Ltmp12:
0xdc: {  	_ = 	snop;
	(pc) =	sbr.rel @p1 .LBB2_17-.Ltmp12, $2  }
0xdd: {  	_ =	sdelay $0x2  }
0xde: {  	[tilespmem:s29], [sflag:$0x4] =	stream.indirect.gather [hbm4b:s5+s23], $0x40, s31, s23, $0xb8;
	[tilespmem:$0x1E500] =	vst v63  }
0xdf: {  	p1 =	seq.s32 s8, $0x0  }
.Ltmp13:
0xe0: {  	s16 =	simm.s32 @!p1 $0x5;
	(pc) =	sbr.rel .LBB2_18-.Ltmp13, $4  }
0xe1: {  	_ =	swait.ge @!p1 [sflag:s16], $0x2000  }
0xe2: {  	s18 =	simm.s32 @!p1 $0x1A480;
	[sflag:s16] =	ssyncset.done @!p1 $0x0  }
0xe3: {  	s11 =	simm.s32 @!p1 $0x1C500;
	[sflag:s16] =	ssyncadd.s32 @!p1 $0xFFFFE000;
	s16 =	simm.s32 @!p1 $0x80  }
0xe4: {  	[spmem:s2] =	stream.indirect.scatter.add.f32 @!p1 [tilespmem:s11], [sflag:$0x7], $0x40, s18, s16, $0xb8;
	[tilespmem:$0x1E500] =	vst v63  }
.LBB2_17:
0xe5: {  	[tilespmem:s25], [sflag:$0x5] =	stream.indirect.gather [hbm4b:s5+s23], $0x40, s24, s23, $0xb8;
	[tilespmem:$0x1E500] =	vst v63  }
0xe6: {  	_ =	swait.ge [sflag:s26], $0x2000  }
0xe7: {  	[sflag:s26] =	ssyncset.done $0x0  }
0xe8: {  	[sflag:s26] =	ssyncadd.s32 $0xFFFFE000  }
0xe9: {  	[spmem:s2] =	stream.indirect.scatter.add.f32 [tilespmem:s29], [sflag:$0x6], $0x40, s28, s23, $0xb8;
	[tilespmem:$0x1E500] =	vst v63  }
.LBB2_18:
0xea: {  	s11 =	sadd.s32 $0x2, s8  }
0xeb: {  	p1 =	sge.u32 s11, s7  }
.Ltmp14:
0xec: {  	_ = 	snop;
	(pc) =	sbr.rel @p1 .LBB2_22-.Ltmp14, $1  }
0xed: {  	_ =	sdelay $0x3  }
0xee: {  	s11 =	smulhi.u32 $0xAAAAAAAB, s9;
	_ =	sdelay $0x1  }
0xef: {  	s11 =	sshrl.u32 s11, $0x1  }
0xf0: {  	s11 =	smul.u32 $0x3, s11;
	_ =	sdelay $0x1  }
0xf1: {  	s11 =	ssub.s32 $0x2, s11  }
0xf2: {  	s16 =	sadd.s32 s11, s8  }
0xf3: {  	p1 =	seq.s32 s16, $0x2  }
.Ltmp15:
0xf4: {  	_ = 	snop;
	(pc) =	sbr.rel @!p1 .LBB2_20-.Ltmp15, $1  }
0xf5: {  	_ =	sdelay $0x3  }
.Ltmp16:
0xf6: {  	(pc) =	sbr.rel .LBB2_22-.Ltmp16, $2  }
0xf7: {  	_ =	sdelay $0x2  }
0xf8: {  	[tilespmem:s30], [sflag:$0x3] =	stream.linear.gather [hbm4b:s13+s3], $0x900, $0x38;
	[tilespmem:$0x1E500] =	vst v63  }
.LBB2_23:
0xf9: {  	s8 =	simm.s32 @p0 $0x5  }
0xfa: {  	_ =	swait.ge @p0 [sflag:s8], $0x2000  }
0xfb: {  	s9 =	simm.s32 @p0 $0x1A480;
	[sflag:s8] =	ssyncset.done @p0 $0x0  }
0xfc: {  	s11 =	simm.s32 @p0 $0x1C500;
	[sflag:s8] =	ssyncadd.s32 @p0 $0xFFFFE000;
	s8 =	simm.s32 @p0 $0x80  }
0xfd: {  	[spmem:s2] =	stream.indirect.scatter.add.f32 @p0 [tilespmem:s11], [sflag:$0x7], $0x40, s9, s8, $0xb8;
	[tilespmem:$0x1E500] =	vst v63  }
0xfe: {  	s8 =	simm.s32 @!p0 $0x4  }
0xff: {  	_ =	swait.ge @!p0 [sflag:s8], $0x2000  }
0x100: {  	s9 =	simm.s32 @!p0 $0x1A400;
	[sflag:s8] =	ssyncset.done @!p0 $0x0  }
0x101: {  	s11 =	simm.s32 @!p0 $0x1A500;
	[sflag:s8] =	ssyncadd.s32 @!p0 $0xFFFFE000;
	s8 =	simm.s32 @!p0 $0x80  }
0x102: {  	[spmem:s2] =	stream.indirect.scatter.add.f32 @!p0 [tilespmem:s11], [sflag:$0x6], $0x40, s9, s8, $0xb8;
	[tilespmem:$0x1E500] =	vst v63  }
0x103: {  	_ =	swait.ge [sflag:s12], $0x2000  }
0x104: {  	s8 =	simm.s32 @!p0 $0x6;
	[sflag:s12] =	ssyncset.done $0x0  }
0x105: {  	s8 =	simm.s32 @p0 $0x7;
	[sflag:s12] =	ssyncadd.s32 $0xFFFFE000  }
0x106: {  	_ =	swait.ge [sflag:s8], $0x2000  }
0x107: {  	p1 =	sne.s32 s10, $0x1;
	[sflag:s8] =	ssyncset.done $0x0  }
.Ltmp17:
0x108: {  	[sflag:s8] =	ssyncadd.s32 $0xFFFFE000;
	(pc) =	sbr.rel @!p1 .LBB2_25-.Ltmp17, $4  }
0x109: {  	s18 =	sshrl.u32 s15, $0x3;
	[bflag:$0x0] =	sbarrier.arrive $0xFFFF  }
0x10a: {  	[hbm:s14], [sflag:s6] =	dma.local [spmem:s18], $0x640  }
0x10b: {  	s13 =	smov.u32 s14;
	_ =	swait.ge [sflag:s17], $0x640  }
0x10c: {  	s9 =	sadd.s32 $0x32000, s15;
	s8 =	sadd.s32 $0xFFFFFFFF, s10;
	[sflag:s17] =	ssyncset.done $0x0  }
.LBB2_24:
0x10d: {  	s11 =	sshrl.u32 s9, $0x3  }
0x10e: {  	[sflag:s17] =	ssyncadd.s32 $0xFFFFF9C0;
	s13 =	sadd.s32 $0x6400, s13;
	p1 =	sne.s32 s8, $0x1  }
0x10f: {  	[hbm:s13], [sflag:s6] =	dma.local [spmem:s11], $0x640  }
.Ltmp18:
0x110: {  	_ = 	snop;
	(pc) =	sbr.rel @p1 .LBB2_24-.Ltmp18, $4  }
0x111: {  	_ = 	snop  }
0x112: {  	s8 =	sadd.s32 $0xFFFFFFFF, s8  }
0x113: {  	_ =	swait.ge [sflag:s17], $0x640  }
0x114: {  	s9 =	sadd.s32 $0x32000, s9;
	[sflag:s17] =	ssyncset.done $0x0  }
.LBB2_25:
0x115: {  	s4 =	sadd.s32 $0x1, s4;
	s8 =	rddreg [dreg:$0x6]  }
0x116: {  	p1 =	sne.s32 s4, s8  }
.Ltmp19:
0x117: {  	_ = 	snop;
	(pc) =	sbr.rel @p1 .LBB2_1-.Ltmp19, $2  }
0x118: {  	_ =	sdelay $0x2  }
0x119: {  	[sflag:s17] =	ssyncadd.s32 $0xFFFFF9C0  }
0x11a: {  	_ =	sfence.sel $0x180000  }
0x11b: {  	[bflag:$0x0] =	sbarrier.arrive $0xFFFF  }
0x11c: {  	_ =	strace $0x90000050  }
0x11d: {  	s0 =	stileid.u32;
	[bflag:$0x2] =	sbarrier.arrive $0xFFFF  }
0x11e: {  	p0 =	sne.s32 s0, $0x0;
	s0 =	rddreg [dreg:$0x3]  }
0x11f: {  	s0 =	sadd.s32 @!p0 $0x100000, s0  }
0x120: {  	[sflag:s0] =	ssyncadd.tile.s32 @!p0 $0x1;
	_ =	shalt  }
.Lfunc_end2:
_tile_overlayer_lowered:
.L_overlay_start_2:
0x121: {  	(tag) =	ssettag $0x2  }
0x122: {  	s0 =	rddreg [dreg:$0x0];
	s2 =	stileid.u32  }
0x123: {  	s1 =	rddreg [dreg:$0x1];
	p0 =	sne.s32 s2, $0x0  }
0x124: {  	s3 =	rddreg [dreg:$0x2];
	[bflag:$0x3] =	sbarrier.arrive $0xFFFF;
	s2 =	simm.s32 @!p0 $0x1C08  }
0x125: {  	[timem:s3], [sflag:s2] =	dma.local @!p0 [hbm:s0], s1  }
0x126: {  	s0 =	simm.s32 @!p0 $0x8  }
0x127: {  	_ =	swait.ge @!p0 [sflag:s0], s1  }
0x128: {  	s1 =	ssub.s32 @!p0 $0x0, s1;
	[sflag:s0] =	ssyncset.done @!p0 $0x0  }
0x129: {  	[sflag:s0] =	ssyncadd.s32 @!p0 s1  }
0x12a: {  	[bflag:$0x3] =	sbarrier.arrive $0xFFFF  }
0x12b: {  	_ =	shalt  }

// kernel: kernel.7.cloned.1.call-start
scs
__scs_entry_jumppad:
0x0: {  	(pc) =	sbr.rel $0x88, $3  }
0x1: {  	(tag) =	ssettag $0x0;
	lr =	simm.s32 $0x1  }
0x2: {  	[smem:$0x3F9A] =	sst lr;
	_ =	strace $0xD0000000  }
0x3: {  	_ = 	snop  }
0x4: {  	_ = 	snop  }
0x5: {  	_ = 	snop  }
0x6: {  	_ = 	snop  }
0x7: {  	_ = 	snop  }
__scs_overlays_trampoline_lowered:
0x8: {  	[smem:$0x3FA9] =	sst s0  }
0x9: {  	[smem:$0x3FAA] =	sst s1  }
0xa: {  	[smem:$0x3FAB] =	sst s2  }
0xb: {  	[smem:$0x3FAC] =	sst s3  }
0xc: {  	[smem:$0x3FAD] =	sst s4  }
0xd: {  	[smem:$0x3FAE] =	sst s5  }
0xe: {  	[smem:$0x3FAF] =	sst s6  }
0xf: {  	[smem:$0x3FB0] =	sst s7  }
0x10: {  	[smem:$0x3FB1] =	sst s8  }
0x11: {  	[smem:$0x3FB2] =	sst s9;
	s0 =	simm.s32 @!p0 $0x0  }
0x12: {  	s1 =	sld [smem:$0x3F98];
	s0 =	simm.s32 @p0 $0x1  }
0x13: {  	[smem:$0x3FB3] =	sst s0;
	s0 =	simm.s32 @!p1 $0x0  }
0x14: {  	s2 =	sld [smem:$0x3F97];
	s0 =	simm.s32 @p1 $0x1  }
0x15: {  	[smem:$0x3FB4] =	sst s0;
	s0 =	simm.s32 @!p2 $0x0  }
0x16: {  	s3 =	sld [smem:$0x3FDB];
	s0 =	simm.s32 @p2 $0x1  }
0x17: {  	s4 =	simm.s32 $0x1BF5;
	[smem:$0x3FB6] =	sst s0  }
0x18: {  	s0 =	sld [smem:$0x3F99];
	_ =	swait.ge [sflag:s4], $0x0  }
0x19: {  	s7 =	sld [smem:$0x3F9A]  }
0x1a: {  	s8 =	sadd.s32 $0xFFFFE003, lr  }
0x1b: {  	s9 =	sadd.s32 $0xFFFFFEF7, lr;
	s5 =	simm.s32 $0xFFFFFFFF;
	p2 =	slt.u32 s8, $0xFFFFF086  }
0x1c: {  	p1 =	slt.u32 s9, $0xF7A;
	s5 =	simm.s32 @!p2 $0x0  }
0x1d: {  	s5 =	simm.s32 @p1 $0x1;
	p0 =	seq.s32 s7, s2  }
0x1e: {  	s7 =	smul.u32 @!p0 $0xF7A, s2;
	p2 =	seq.s32 @!p0 s5, $0x0  }
0x1f: {  	s9 =	smul.u32 $0xF7A, s1;
	s8 =	simm.s32 @!p0 $0x1BF5;
	p2 =	por !p2, p0  }
0x20: {  	[sflag:s8] =	ssyncset.s32 @!p0 $0xFFFFF086;
	s6 =	sadd.s32 @!p0 s3, s7;
	s7 =	simm.s32 @!p0 $0x108  }
0x21: {  	s3 =	sadd.s32 s3, s9;
	s6 =	sadd.s32 @!p0 $0x88, s6;
	s7 =	simm.s32 @p2 $0x1082  }
0x22: {  	[simem:s7], [sflag:s8] =	dma.local @!p0 [hbm:s6], $0xF7A  }
0x23: {  	s9 =	sor.u32 $0xD0000000, s2;
	s6 =	simm.s32 $0x108;
	_ =	swait.ge @!p0 [sflag:s8], $0x0  }
0x24: {  	s3 =	sadd.s32 $0x88, s3;
	s6 =	simm.s32 @!p1 $0x1082;
	[sflag:s4] =	ssyncset.s32 $0xFFFFF086  }
0x25: {  	[simem:s6], [sflag:s4] =	dma.local [hbm:s3], $0xF7A  }
0x26: {  	[smem:$0x3F9A] =	sst s1;
	(tag) =	ssettag s2;
	_ =	strace s9  }
0x27: {  	s1 =	sld [smem:$0x3FAA]  }
0x28: {  	s2 =	sld [smem:$0x3FAB]  }
0x29: {  	s4 =	sld [smem:$0x3FAD]  }
0x2a: {  	p0 =	seq.s32 s5, $0x0;
	s5 =	sld [smem:$0x3FAE]  }
0x2b: {  	s6 =	sld [smem:$0x3FAF]  }
0x2c: {  	s7 =	sld [smem:$0x3FB0]  }
0x2d: {  	s3 =	simm.s32 $0x108;
	s8 =	sld [smem:$0x3FB1]  }
0x2e: {  	s3 =	simm.s32 @!p0 $0x1082;
	s9 =	sld [smem:$0x3FB2]  }
0x2f: {  	lr =	sadd.s32 s0, s3;
	s0 =	sld [smem:$0x3FA9]  }
0x30: {  	s3 =	sld [smem:$0x3FAC]  }
0x31: {  	[smem:$0x3FB5] =	sst s10  }
0x32: {  	s10 =	sld [smem:$0x3FB3];
	_ =	sdelay $0x3  }
0x33: {  	p0 =	seq.s32 s10, $0x1;
	s10 =	sld [smem:$0x3FB5];
	_ =	sdelay $0x3  }
0x34: {  	[smem:$0x3FB5] =	sst s10  }
0x35: {  	s10 =	sld [smem:$0x3FB4];
	_ =	sdelay $0x3  }
0x36: {  	p1 =	seq.s32 s10, $0x1;
	s10 =	sld [smem:$0x3FB5];
	_ =	sdelay $0x3  }
0x37: {  	[smem:$0x3FB5] =	sst s10  }
0x38: {  	s10 =	sld [smem:$0x3FB6]  }
0x39: {  	_ = 	snop;
	(pc) =	sbr.ind lr, $3  }
0x3a: {  	_ = 	snop  }
0x3b: {  	_ = 	snop  }
0x3c: {  	p2 =	seq.s32 s10, $0x1;
	s10 =	sld [smem:$0x3FB5]  }
0x3d: {  	_ =	shalt  }
0x3e: {  	_ =	shalt  }
0x3f: {  	_ =	shalt  }
0x40: {  	_ =	shalt  }
0x41: {  	_ =	shalt  }
0x42: {  	_ =	shalt  }
0x43: {  	_ =	shalt  }
0x44: {  	_ =	shalt  }
0x45: {  	_ =	shalt  }
0x46: {  	_ =	shalt  }
0x47: {  	_ =	shalt  }
0x48: {  	_ =	shalt  }
0x49: {  	_ =	shalt  }
0x4a: {  	_ =	shalt  }
0x4b: {  	_ =	shalt  }
0x4c: {  	_ =	shalt  }
0x4d: {  	_ =	shalt  }
0x4e: {  	_ =	shalt  }
0x4f: {  	_ =	shalt  }
0x50: {  	_ =	shalt  }
0x51: {  	_ =	shalt  }
0x52: {  	_ =	shalt  }
0x53: {  	_ =	shalt  }
0x54: {  	_ =	shalt  }
0x55: {  	_ =	shalt  }
0x56: {  	_ =	shalt  }
0x57: {  	_ =	shalt  }
0x58: {  	_ =	shalt  }
0x59: {  	_ =	shalt  }
0x5a: {  	_ =	shalt  }
0x5b: {  	_ =	shalt  }
0x5c: {  	_ =	shalt  }
0x5d: {  	_ =	shalt  }
0x5e: {  	_ =	shalt  }
0x5f: {  	_ =	shalt  }
0x60: {  	_ =	shalt  }
0x61: {  	_ =	shalt  }
0x62: {  	_ =	shalt  }
0x63: {  	_ =	shalt  }
0x64: {  	_ =	shalt  }
0x65: {  	_ =	shalt  }
0x66: {  	_ =	shalt  }
0x67: {  	_ =	shalt  }
0x68: {  	_ =	shalt  }
0x69: {  	_ =	shalt  }
0x6a: {  	_ =	shalt  }
0x6b: {  	_ =	shalt  }
0x6c: {  	_ =	shalt  }
0x6d: {  	_ =	shalt  }
0x6e: {  	_ =	shalt  }
0x6f: {  	_ =	shalt  }
0x70: {  	_ =	shalt  }
0x71: {  	_ =	shalt  }
0x72: {  	_ =	shalt  }
0x73: {  	_ =	shalt  }
0x74: {  	_ =	shalt  }
0x75: {  	_ =	shalt  }
0x76: {  	_ =	shalt  }
0x77: {  	_ =	shalt  }
0x78: {  	_ =	shalt  }
0x79: {  	_ =	shalt  }
0x7a: {  	_ =	shalt  }
0x7b: {  	_ =	shalt  }
0x7c: {  	_ =	shalt  }
0x7d: {  	_ =	shalt  }
0x7e: {  	_ =	shalt  }
0x7f: {  	_ =	shalt  }
0x80: {  	_ =	shalt  }
0x81: {  	_ =	shalt  }
0x82: {  	_ =	shalt  }
0x83: {  	_ =	shalt  }
0x84: {  	_ =	shalt  }
0x85: {  	_ =	shalt  }
0x86: {  	_ =	shalt  }
0x87: {  	_ =	shalt  }
.Lfunc_end0:
.L_simem_size_0:
called_computation.1_lowered:
.L_overlay_start_0:
0x88: {  	s2 =	sld [smem:$0x3FD9]  }
0x89: {  	s3 =	sld [smem:$0x3FFE];
	_ =	sdelay $0x1  }
0x8a: {  	s1 =	srdreg.scid  }
0x8b: {  	s0 =	sand.u32 $0x1, s1  }
0x8c: {  	s14 =	sshll.u32 s0, $0xA;
	s2 =	sadd.s32 s3, s2  }
0x8d: {  	s2 =	sadd.s32 s2, s14  }
0x8e: {  	[smem:$0x3FC1] =	sst s2  }
0x8f: {  	_ = 	snop  }
0x90: {  	s2 =	sld [smem:$0x3FD0];
	_ =	sdelay $0x2  }
0x91: {  	s15 =	simm.s32 $0xA;
	s4 =	simm.s32 $0x10  }
0x92: {  	[smem:s4], [sflag:s15] =	dma.local [hbm:s2], $0x1  }
0x93: {  	_ =	swait.eq [sflag:s15], $0x1  }
0x94: {  	[sflag:s15] =	ssyncset.done $0x0  }
0x95: {  	[sflag:s15] =	ssyncadd.s32 $0xFFFFFFFF  }
0x96: {  	s16 =	sld [smem:$0x11];
	(tm) =	ssettm $0x1  }
0x97: {  	s17 =	sld [smem:$0x3FFB];
	_ =	sdelay $0x3  }
0x98: {  	_ =	strace s17  }
0x99: {  	s3 =	sld [smem:$0x3FFC];
	_ =	sdelay $0x3  }
0x9a: {  	_ =	strace s3  }
0x9b: {  	s3 =	sld [smem:$0x3FFD];
	_ =	sdelay $0x3  }
0x9c: {  	_ =	strace s3  }
0x9d: {  	_ =	strace $0x8FFFFFFF  }
0x9e: {  	s18 =	sld [smem:$0x3FDB];
	_ =	sdelay $0x1  }
0x9f: {  	s19 =	simm.s32 $_scs_section_size  }
0xa0: {  	s5 =	simm.s32 $_size__tile_overlayer_lowered;
	s6 =	simm.s32 $_tile_overlayer_lowered  }
0xa1: {  	s22 =	simm.s32 $0x1BFF;
	s21 =	sshll.u32 s6, $0x1;
	s3 =	sadd.s32 s19, s18  }
0xa2: {  	s7 =	simm.s32 $0x0;
	s20 =	sshll.u32 s5, $0x1;
	s5 =	sadd.s32 s21, s3  }
0xa3: {  	[timem:s7], [sflag:s22] =	dma.local [hbm:s5], s20  }
0xa4: {  	_ =	swait.ge [sflag:s22], s20  }
0xa5: {  	s4 =	ssub.s32 $0x0, s20;
	[sflag:s22] =	ssyncset.done $0x0  }
0xa6: {  	[sflag:s22] =	ssyncadd.s32 s4;
	_ =	sdelay $0x1  }
0xa7: {  	s23 =	simm.s32 $0x1B8B  }
0xa8: {  	_ =	swait.ge [sflag:s23], $0x1  }
0xa9: {  	[sflag:s23] =	ssyncset.done $0x0  }
0xaa: {  	s25 =	simm.s32 $0x1B8E;
	s24 =	sld [smem:$0x3FFE];
	[sflag:s23] =	ssyncadd.s32 $0xFFFFFFFF  }
0xab: {  	s26 =	simm.s32 $execute0_lowered;
	[smem:$0x3FD2] =	sst s25  }
0xac: {  	s5 =	sshll.u32 s26, $0x1;
	_ =	strace $0x80000049;
	[dreg:$0x1] =	wrdreg $0xFFFFFFFF  }
0xad: {  	s28 =	simm.s32 $_size_execute0_lowered;
	s3 =	sadd.s32 s3, s5;
	[dreg:$0x0] =	wrdreg $0x0  }
0xae: {  	s5 =	sshll.u32 s28, $0x1;
	[dreg:$0x2] =	wrdreg s3  }
0xaf: {  	[dreg:$0x3] =	wrdreg s5  }
0xb0: {  	[dreg:$0x4] =	wrdreg $0xC0  }
0xb1: {  	_ =	task [dreg:s7], $0x5FFFF  }
0xb2: {  	[dreg:$0x1] =	wrdreg $0xFFFFFFFF  }
0xb3: {  	[dreg:$0x0] =	wrdreg $0x60  }
0xb4: {  	[dreg:$0x2] =	wrdreg s24  }
0xb5: {  	[dreg:$0x3] =	wrdreg s16  }
0xb6: {  	[dreg:$0x4] =	wrdreg $0x0  }
0xb7: {  	[dreg:$0x5] =	wrdreg $0x9  }
0xb8: {  	_ =	task.clear_ibuf [dreg:s7], $0x6FFFF;
	_ =	strace $0x90000049  }
0xb9: {  	s29 =	simm.s32 $0x9;
	_ =	strace $0x8000004B  }
0xba: {  	_ =	swait.ge [sflag:s29], $0x1  }
0xbb: {  	[sflag:s29] =	ssyncadd.s32 $0xFFFFFFFF  }
0xbc: {  	_ =	strace $0x9000004B  }
0xbd: {  	_ =	sfence  }
0xbe: {  	s30 =	sld [smem:$0x0];
	_ =	sdelay $0x2  }
0xbf: {  	s31 =	sshll.u32 s1, $0xD;
	s1 =	sshrl.u32 s1, $0x2  }
0xc0: {  	s3 =	sand.u32 $0x4000, s31;
	s1 =	sadd.s32 s1, s30  }
0xc1: {  	s0 =	sor.u32 s3, s0;
	s1 =	sshll.u32 s1, $0x11  }
0xc2: {  	s0 =	sor.u32 s1, s0  }
0xc3: {  	s0 =	sadd.s32 $0x8F2B, s0  }
0xc4: {  	[sflag:s0] =	ssyncadd.remote.s32 $0x1  }
0xc5: {  	_ =	sfence.sel $0xFFFF  }
0xc6: {  	[dreg:$0x0] =	wrdreg $0xFFFFFFFF;
	(pc) =	sbr.abs _section_cstart, $3  }
0xc7: {  	[dreg:$0x1] =	wrdreg $0xFFFFFFFF  }
0xc8: {  	_ =	task.clear_ibuf [dreg:s7], $0x2FFFF;
	_ =	strace $0x9FFFFFFF  }
0xc9: {  	(tm) =	ssettm $0x7FFFFFFF  }
tec
execute0_lowered:
.L_overlay_start_1:
0x0: {  	(tag) =	ssettag $0x1  }
0x1: {  	s0 =	rddreg [dreg:$0x0]  }
0x2: {  	s1 =	rddreg [dreg:$0x1]  }
0x3: {  	s2 =	rddreg [dreg:$0x2]  }
0x4: {  	s3 =	simm.s32 $0x0;
	s4 =	srdreg.scid;
	s15 =	stileid.u32  }
0x5: {  	s28 =	simm.s32 $0x1A400;
	s29 =	simm.s32 $0x1A500;
	s8 =	smul.u32 $0x62000, s15  }
0x6: {  	s30 =	simm.s32 $0x19A00;
	s31 =	simm.s32 $0x1A300;
	s25 =	smul.u32 $0x900, s15  }
0x7: {  	[smem:$0x7FF] =	sst s3;
	s4 =	sand.u32 $0x1, s4;
	s26 =	smul.u32 $0x120, s15  }
0x8: {  	s9 =	sadd.s32 $0x3200, s0;
	s5 =	sadd.s32 $0x3D5800, s0;
	s22 =	smul.u32 $0x640, s15  }
0x9: {  	s24 =	sshll.u32 s15, $0x6;
	s12 =	ssub.s32 $0x1879, s15;
	s6 =	smul.u32 $0x30D40, s4  }
0xa: {  	_ =	strace $0x8000004A;
	s7 =	ssub.s32 $0x2, s4;
	s4 =	smul.u32 $0x61A8, s4  }
0xb: {  	s18 =	sand.u32 $0x10, s12;
	s10 =	sshrl.u32 s7, $0x1;
	s23 =	sshrl.u32 s8, $0x2  }
0xc: {  	s17 =	sadd.s32 s9, s26;
	s0 =	sadd.s32 s6, s0;
	s11 =	ssub.s32 s7, s10  }
0xd: {  	s8 =	sadd.s32 s23, s2;
	s6 =	sor.u32 $0x1C08, s24;
	s7 =	sshrl.u32 s25, $0x3  }
0xe: {  	s23 =	ssub.s32 $0x8C, s15;
	s15 =	smul.u32 $0xC800, s15;
	[dreg:$0x4] =	wrdreg s17  }
0xf: {  	s24 =	sadd.s32 $0x2400, s17;
	s17 =	simm.s32 $0x8;
	v0 =	vmov s4;
	s4 =	simm.s32 $0x0  }
0x10: {  	s13 =	sadd.s32 $0x6200, s8;
	s16 =	sadd.s32 $0xC400, s8;
	s20 =	sadd.s32 $0x12600, s8  }
0x11: {  	s14 =	sadd.s32 s9, s7;
	s7 =	sshrl.u32 s12, $0x4;
	s10 =	sshrl.u32 s23, $0x4  }
0x12: {  	s11 =	smax.u32 s11, $0x1;
	s12 =	simm.s32 $0x7;
	s0 =	sadd.s32 s22, s0  }
0x13: {  	[dreg:$0x7] =	wrdreg s24;
	s25 =	sshrl.u32 s8, $0x3;
	s22 =	simm.s32 $0x19100  }
0x14: {  	s23 =	simm.s32 $0x80;
	s24 =	simm.s32 $0x1A380;
	s14 =	sadd.s32 $0x1200, s14  }
0x15: {  	s21 =	sand.u32 $0x1, s7;
	[dreg:$0x6] =	wrdreg s11;
	s15 =	sshrl.u32 s15, $0x2  }
0x16: {  	[dreg:$0x8] =	wrdreg s25;
	s26 =	sshrl.u32 s13, $0x3;
	s19 =	sshrl.u32 s16, $0x3  }
0x17: {  	s20 =	sshrl.u32 s20, $0x3;
	s25 =	simm.s32 $0x1C500;
	[dreg:$0x5] =	wrdreg s14  }
0x18: {  	p0 =	seq.s32 s21, $0x1;
	s14 =	sadd.s32 $0x1BAA00, s0;
	s15 =	sadd.s32 s15, s2  }
0x19: {  	[dreg:$0x9] =	wrdreg s26;
	s21 =	simm.s32 $0x18800;
	s26 =	simm.s32 $0x4  }
0x1a: {  	s0 =	simm.s32 $0x3;
	s12 =	simm.s32 @!p0 $0x6;
	p0 =	seq.s32 s18, $0x0  }
.LBB2_1:
0x1b: {  	s8 =	rddreg [dreg:$0x8]  }
0x1c: {  	[spmem:s8], [sflag:s6] =	dma.local [hbm:s1], $0xC40  }
0x1d: {  	_ =	swait.ge [sflag:s17], $0xC40  }
0x1e: {  	[sflag:s17] =	ssyncset.done $0x0  }
0x1f: {  	s13 =	rddreg [dreg:$0x9];
	[sflag:s17] =	ssyncadd.s32 $0xFFFFF3C0  }
0x20: {  	[spmem:s13], [sflag:s6] =	dma.local [hbm:s1], $0xC40  }
0x21: {  	_ =	swait.ge [sflag:s17], $0xC40  }
0x22: {  	[sflag:s17] =	ssyncset.done $0x0  }
0x23: {  	[sflag:s17] =	ssyncadd.s32 $0xFFFFF3C0  }
0x24: {  	[spmem:s19], [sflag:s6] =	dma.local [hbm:s1], $0xC40  }
0x25: {  	_ =	swait.ge [sflag:s17], $0xC40  }
0x26: {  	[sflag:s17] =	ssyncset.done $0x0  }
0x27: {  	[sflag:s17] =	ssyncadd.s32 $0xFFFFF3C0  }
0x28: {  	[spmem:s20], [sflag:s6] =	dma.local [hbm:s1], $0xC40  }
0x29: {  	_ =	swait.ge [sflag:s17], $0xC40  }
0x2a: {  	[sflag:s17] =	ssyncset.done $0x0  }
0x2b: {  	[sflag:s17] =	ssyncadd.s32 $0xFFFFF3C0  }
0x2c: {  	[bflag:$0x0] =	sbarrier.arrive $0xFFFF  }
.Ltmp0:
0x2d: {  	s16 =	rddreg [dreg:$0x4];
	(pc) =	sbr.rel .LBB2_2-.Ltmp0, $4  }
0x2e: {  	s18 =	rddreg [dreg:$0x5]  }
0x2f: {  	[tilespmem:s21], [sflag:$0x1] =	stream.linear.gather [hbm4b:s16+s3], $0x900, $0x38;
	[tilespmem:$0x1E500] =	vst v63  }
0x30: {  	s9 =	simm.s32 $0x2;
	s8 =	simm.s32 $0x0;
	s13 =	rddreg [dreg:$0x7]  }
0x31: {  	[tilespmem:s22], [sflag:$0x2] =	stream.linear.gather [hbm4b:s18+s3], $0x900, $0x38;
	[tilespmem:$0x1E500] =	vst v63  }
.LBB2_20:
0x32: {  	p1 =	seq.s32 s16, $0x1  }
0x33: {  	[tilespmem:s22], [sflag:$0x2] =	stream.linear.gather @p1 [hbm4b:s13+s3], $0x900, $0x38;
	[tilespmem:$0x1E500] =	vst v63  }
0x34: {  	_ = 	snop  }
0x35: {  	[tilespmem:s21], [sflag:$0x1] =	stream.linear.gather @!p1 [hbm4b:s13+s3], $0x900, $0x38;
	[tilespmem:$0x1E500] =	vst v63  }
.LBB2_22:
0x36: {  	s8 =	sadd.s32 $0x1, s8  }
0x37: {  	p1 =	sne.s32 s7, s8  }
.Ltmp1:
0x38: {  	_ = 	snop;
	(pc) =	sbr.rel @!p1 .LBB2_23-.Ltmp1, $2  }
0x39: {  	_ =	sdelay $0x2  }
0x3a: {  	s9 =	sadd.s32 $0x1, s9;
	s13 =	sadd.s32 $0x1200, s13  }
.LBB2_2:
0x3b: {  	s16 =	smulhi.u32 $0xAAAAAAAB, s8;
	_ =	sdelay $0x1  }
0x3c: {  	s16 =	sshrl.u32 s16, $0x1  }
0x3d: {  	s18 =	smul.u32 $0x3, s16;
	_ =	sdelay $0x1  }
0x3e: {  	s16 =	sadd.s32 $0x1, s18;
	p1 =	seq.s32 s18, s8  }
0x3f: {  	p2 =	seq.s32 @!p1 s16, s8  }
0x40: {  	p2 =	por p1, p2  }
.Ltmp2:
0x41: {  	_ = 	snop;
	(pc) =	sbr.rel @!p2 .LBB2_3-.Ltmp2, $2  }
0x42: {  	_ =	sdelay $0x2  }
0x43: {  	p3 =	sne.s32 s18, s8;
	s16 =	sand.u32 $0x1, s8  }
0x44: {  	p4 =	slt.u32 s8, $0x2  }
.Ltmp3:
0x45: {  	s18 =	simm.s32 @!p1 $0x2;
	(pc) =	sbr.rel @p4 .LBB2_6-.Ltmp3, $4  }
.Ltmp4:
0x46: {  	s18 =	simm.s32 @p1 $0x1;
	(pc) =	sbr.rel @!p4 .LBB2_5-.Ltmp4, $4  }
0x47: {  	_ =	swait.ge [sflag:s18], $0x900  }
0x48: {  	[sflag:s18] =	ssyncset.done $0x0  }
0x49: {  	p2 =	por p3, p3;
	p1 =	por $0x0, $0x0;
	[sflag:s18] =	ssyncadd.s32 $0xFFFFF700  }
0x4a: {  	_ = 	snop  }
.LBB2_3:
0x4b: {  	_ =	swait.ge [sflag:s0], $0x900  }
0x4c: {  	[sflag:s0] =	ssyncset.done $0x0  }
0x4d: {  	p1 =	por $0x1, $0x1;
	p2 =	por $0x0, $0x0;
	[sflag:s0] =	ssyncadd.s32 $0xFFFFF700  }
.LBB2_5:
0x4e: {  	p4 =	seq.s32 s16, $0x1;
	s18 =	simm.s32 $0x7  }
0x4f: {  	s18 =	simm.s32 @!p4 $0x6  }
0x50: {  	_ =	swait.ge [sflag:s18], $0x2000  }
0x51: {  	[sflag:s18] =	ssyncset.done $0x0  }
0x52: {  	[sflag:s18] =	ssyncadd.s32 $0xFFFFE000  }
.LBB2_6:
.Ltmp5:
0x53: {  	(pc) =	sbr.rel @p3 .LBB2_8-.Ltmp5, $1  }
0x54: {  	_ =	sdelay $0x3  }
0x55: {  	p3 =	seq.s32 s16, $0x1  }
0x56: {  	v1 =	vld @p3 [tilespmem:$0x18880];
	_ =	sdelay $0x1  }
0x57: {  	v2 =	vld @p3 [tilespmem:$0x18890]  }
0x58: {  	v3 =	vld @p3 [tilespmem:$0x18810]  }
0x59: {  	v4 =	vld @p3 [tilespmem:$0x188A0]  }
0x5a: {  	v5 =	vld @p3 [tilespmem:$0x18820];
	v1 =	vsub.s32 @p3 v1, v0  }
0x5b: {  	v6 =	vld @p3 [tilespmem:$0x188B0];
	v1 =	vmin.u32 @p3 v1, $0x61A8  }
0x5c: {  	[tilespmem:$0x1A480] =	vst @p3 v1;
	v1 =	vsub.s32 @p3 v2, v0;
	v2 =	vld @p3 [tilespmem:$0x18830]  }
0x5d: {  	[tilespmem:$0x1A390] =	vst @p3 v3;
	v3 =	vld @p3 [tilespmem:$0x188C0];
	v1 =	vmin.u32 @p3 v1, $0x61A8  }
0x5e: {  	[tilespmem:$0x1A490] =	vst @p3 v1;
	v1 =	vsub.s32 @p3 v4, v0;
	v4 =	vld @p3 [tilespmem:$0x18840]  }
0x5f: {  	[tilespmem:$0x1A3A0] =	vst @p3 v5;
	v5 =	vld @p3 [tilespmem:$0x188D0];
	v1 =	vmin.u32 @p3 v1, $0x61A8  }
0x60: {  	[tilespmem:$0x1A4A0] =	vst @p3 v1;
	v1 =	vsub.s32 @p3 v6, v0;
	v6 =	vld @p3 [tilespmem:$0x18850]  }
0x61: {  	[tilespmem:$0x1A3B0] =	vst @p3 v2;
	v2 =	vld [tilespmem:$0x18800];
	v1 =	vmin.u32 @p3 v1, $0x61A8  }
0x62: {  	[tilespmem:$0x1A4B0] =	vst @p3 v1;
	v1 =	vsub.s32 @p3 v3, v0;
	v3 =	vld @p3 [tilespmem:$0x188E0]  }
0x63: {  	[tilespmem:$0x1A3C0] =	vst @p3 v4;
	v1 =	vmin.u32 @p3 v1, $0x61A8;
	v4 =	vld @p3 [tilespmem:$0x18860]  }
0x64: {  	[tilespmem:$0x1A4C0] =	vst @p3 v1;
	v1 =	vsub.s32 @p3 v5, v0;
	v5 =	vld @p3 [tilespmem:$0x188F0]  }
0x65: {  	[tilespmem:$0x1A3D0] =	vst @p3 v6;
	v1 =	vmin.u32 @p3 v1, $0x61A8;
	v6 =	vld @p3 [tilespmem:$0x18870]  }
0x66: {  	[tilespmem:$0x1A4D0] =	vst @p3 v1;
	v1 =	vld @!p3 [tilespmem:$0x18880]  }
0x67: {  	[tilespmem:$0x1A380] =	vst @p3 v2;
	v3 =	vsub.s32 @p3 v3, v0  }
0x68: {  	[tilespmem:$0x1A3E0] =	vst @p3 v4;
	v3 =	vmin.u32 @p3 v3, $0x61A8;
	v4 =	vld @!p3 [tilespmem:$0x18890]  }
0x69: {  	[tilespmem:$0x1A4E0] =	vst @p3 v3;
	v3 =	vsub.s32 @p3 v5, v0;
	v5 =	vld @!p3 [tilespmem:$0x18810]  }
0x6a: {  	[tilespmem:$0x1A3F0] =	vst @p3 v6;
	v3 =	vmin.u32 @p3 v3, $0x61A8;
	v6 =	vld @!p3 [tilespmem:$0x188A0]  }
0x6b: {  	[tilespmem:$0x1A4F0] =	vst @p3 v3;
	v1 =	vsub.s32 @!p3 v1, v0;
	v3 =	vld @!p3 [tilespmem:$0x18820]  }
0x6c: {  	[tilespmem:$0x1A300] =	vst @!p3 v2;
	v2 =	vld @!p3 [tilespmem:$0x188B0];
	v1 =	vmin.u32 @!p3 v1, $0x61A8  }
0x6d: {  	[tilespmem:$0x1A400] =	vst @!p3 v1;
	v1 =	vsub.s32 @!p3 v4, v0;
	v4 =	vld @!p3 [tilespmem:$0x18830]  }
0x6e: {  	[tilespmem:$0x1A310] =	vst @!p3 v5;
	v1 =	vmin.u32 @!p3 v1, $0x61A8;
	v5 =	vld @!p3 [tilespmem:$0x188C0]  }
0x6f: {  	[tilespmem:$0x1A410] =	vst @!p3 v1;
	v1 =	vsub.s32 @!p3 v6, v0;
	v6 =	vld @!p3 [tilespmem:$0x18840]  }
0x70: {  	[tilespmem:$0x1A320] =	vst @!p3 v3;
	v1 =	vmin.u32 @!p3 v1, $0x61A8;
	v3 =	vld @!p3 [tilespmem:$0x188D0]  }
0x71: {  	[tilespmem:$0x1A420] =	vst @!p3 v1;
	v1 =	vsub.s32 @!p3 v2, v0;
	v2 =	vld @!p3 [tilespmem:$0x18850]  }
0x72: {  	[tilespmem:$0x1A330] =	vst @!p3 v4;
	v1 =	vmin.u32 @!p3 v1, $0x61A8;
	v4 =	vld @!p3 [tilespmem:$0x188E0]  }
0x73: {  	[tilespmem:$0x1A430] =	vst @!p3 v1;
	v1 =	vsub.s32 @!p3 v5, v0;
	v5 =	vld @!p3 [tilespmem:$0x18860]  }
0x74: {  	[tilespmem:$0x1A340] =	vst @!p3 v6;
	v1 =	vmin.u32 @!p3 v1, $0x61A8;
	v6 =	vld @!p3 [tilespmem:$0x188F0]  }
0x75: {  	[tilespmem:$0x1A440] =	vst @!p3 v1;
	v1 =	vsub.s32 @!p3 v3, v0;
	v3 =	vld @!p3 [tilespmem:$0x18870]  }
0x76: {  	[tilespmem:$0x1A350] =	vst @!p3 v2;
	v1 =	vmin.u32 @!p3 v1, $0x61A8  }
0x77: {  	[tilespmem:$0x1A450] =	vst @!p3 v1;
	v1 =	vsub.s32 @!p3 v4, v0  }
0x78: {  	[tilespmem:$0x1A360] =	vst @!p3 v5;
	v1 =	vmin.u32 @!p3 v1, $0x61A8  }
0x79: {  	[tilespmem:$0x1A460] =	vst @!p3 v1;
	v1 =	vsub.s32 @!p3 v6, v0  }
0x7a: {  	[tilespmem:$0x1A370] =	vst @!p3 v3;
	v1 =	vmin.u32 @!p3 v1, $0x61A8  }
0x7b: {  	[tilespmem:$0x1A470] =	vst @!p3 v1  }
.LBB2_8:
.Ltmp6:
0x7c: {  	(pc) =	sbr.rel @!p2 .LBB2_10-.Ltmp6, $1  }
0x7d: {  	_ =	sdelay $0x3  }
0x7e: {  	p2 =	seq.s32 s16, $0x1  }
0x7f: {  	v1 =	vld @p2 [tilespmem:$0x19180];
	_ =	sdelay $0x1  }
0x80: {  	v2 =	vld @p2 [tilespmem:$0x19190]  }
0x81: {  	v3 =	vld @p2 [tilespmem:$0x19110]  }
0x82: {  	v4 =	vld @p2 [tilespmem:$0x191A0]  }
0x83: {  	v5 =	vld @p2 [tilespmem:$0x19120];
	v1 =	vsub.s32 @p2 v1, v0  }
0x84: {  	v6 =	vld @p2 [tilespmem:$0x191B0];
	v1 =	vmin.u32 @p2 v1, $0x61A8  }
0x85: {  	[tilespmem:$0x1A480] =	vst @p2 v1;
	v1 =	vsub.s32 @p2 v2, v0;
	v2 =	vld @p2 [tilespmem:$0x19130]  }
0x86: {  	[tilespmem:$0x1A390] =	vst @p2 v3;
	v3 =	vld @p2 [tilespmem:$0x191C0];
	v1 =	vmin.u32 @p2 v1, $0x61A8  }
0x87: {  	[tilespmem:$0x1A490] =	vst @p2 v1;
	v1 =	vsub.s32 @p2 v4, v0;
	v4 =	vld @p2 [tilespmem:$0x19140]  }
0x88: {  	[tilespmem:$0x1A3A0] =	vst @p2 v5;
	v5 =	vld @p2 [tilespmem:$0x191D0];
	v1 =	vmin.u32 @p2 v1, $0x61A8  }
0x89: {  	[tilespmem:$0x1A4A0] =	vst @p2 v1;
	v1 =	vsub.s32 @p2 v6, v0;
	v6 =	vld @p2 [tilespmem:$0x19150]  }
0x8a: {  	[tilespmem:$0x1A3B0] =	vst @p2 v2;
	v2 =	vld [tilespmem:$0x19100];
	v1 =	vmin.u32 @p2 v1, $0x61A8  }
0x8b: {  	[tilespmem:$0x1A4B0] =	vst @p2 v1;
	v1 =	vsub.s32 @p2 v3, v0;
	v3 =	vld @p2 [tilespmem:$0x191E0]  }
0x8c: {  	[tilespmem:$0x1A3C0] =	vst @p2 v4;
	v1 =	vmin.u32 @p2 v1, $0x61A8;
	v4 =	vld @p2 [tilespmem:$0x19160]  }
0x8d: {  	[tilespmem:$0x1A4C0] =	vst @p2 v1;
	v1 =	vsub.s32 @p2 v5, v0;
	v5 =	vld @p2 [tilespmem:$0x191F0]  }
0x8e: {  	[tilespmem:$0x1A3D0] =	vst @p2 v6;
	v1 =	vmin.u32 @p2 v1, $0x61A8;
	v6 =	vld @p2 [tilespmem:$0x19170]  }
0x8f: {  	[tilespmem:$0x1A4D0] =	vst @p2 v1;
	v1 =	vld @!p2 [tilespmem:$0x19180]  }
0x90: {  	[tilespmem:$0x1A380] =	vst @p2 v2;
	v3 =	vsub.s32 @p2 v3, v0  }
0x91: {  	[tilespmem:$0x1A3E0] =	vst @p2 v4;
	v3 =	vmin.u32 @p2 v3, $0x61A8;
	v4 =	vld @!p2 [tilespmem:$0x19190]  }
0x92: {  	[tilespmem:$0x1A4E0] =	vst @p2 v3;
	v3 =	vsub.s32 @p2 v5, v0;
	v5 =	vld @!p2 [tilespmem:$0x19110]  }
0x93: {  	[tilespmem:$0x1A3F0] =	vst @p2 v6;
	v3 =	vmin.u32 @p2 v3, $0x61A8;
	v6 =	vld @!p2 [tilespmem:$0x191A0]  }
0x94: {  	[tilespmem:$0x1A4F0] =	vst @p2 v3;
	v1 =	vsub.s32 @!p2 v1, v0;
	v3 =	vld @!p2 [tilespmem:$0x19120]  }
0x95: {  	[tilespmem:$0x1A300] =	vst @!p2 v2;
	v2 =	vld @!p2 [tilespmem:$0x191B0];
	v1 =	vmin.u32 @!p2 v1, $0x61A8  }
0x96: {  	[tilespmem:$0x1A400] =	vst @!p2 v1;
	v1 =	vsub.s32 @!p2 v4, v0;
	v4 =	vld @!p2 [tilespmem:$0x19130]  }
0x97: {  	[tilespmem:$0x1A310] =	vst @!p2 v5;
	v1 =	vmin.u32 @!p2 v1, $0x61A8;
	v5 =	vld @!p2 [tilespmem:$0x191C0]  }
0x98: {  	[tilespmem:$0x1A410] =	vst @!p2 v1;
	v1 =	vsub.s32 @!p2 v6, v0;
	v6 =	vld @!p2 [tilespmem:$0x19140]  }
0x99: {  	[tilespmem:$0x1A320] =	vst @!p2 v3;
	v1 =	vmin.u32 @!p2 v1, $0x61A8;
	v3 =	vld @!p2 [tilespmem:$0x191D0]  }
0x9a: {  	[tilespmem:$0x1A420] =	vst @!p2 v1;
	v1 =	vsub.s32 @!p2 v2, v0;
	v2 =	vld @!p2 [tilespmem:$0x19150]  }
0x9b: {  	[tilespmem:$0x1A330] =	vst @!p2 v4;
	v1 =	vmin.u32 @!p2 v1, $0x61A8;
	v4 =	vld @!p2 [tilespmem:$0x191E0]  }
0x9c: {  	[tilespmem:$0x1A430] =	vst @!p2 v1;
	v1 =	vsub.s32 @!p2 v5, v0;
	v5 =	vld @!p2 [tilespmem:$0x19160]  }
0x9d: {  	[tilespmem:$0x1A340] =	vst @!p2 v6;
	v1 =	vmin.u32 @!p2 v1, $0x61A8;
	v6 =	vld @!p2 [tilespmem:$0x191F0]  }
0x9e: {  	[tilespmem:$0x1A440] =	vst @!p2 v1;
	v1 =	vsub.s32 @!p2 v3, v0;
	v3 =	vld @!p2 [tilespmem:$0x19170]  }
0x9f: {  	[tilespmem:$0x1A350] =	vst @!p2 v2;
	v1 =	vmin.u32 @!p2 v1, $0x61A8  }
0xa0: {  	[tilespmem:$0x1A450] =	vst @!p2 v1;
	v1 =	vsub.s32 @!p2 v4, v0  }
0xa1: {  	[tilespmem:$0x1A360] =	vst @!p2 v5;
	v1 =	vmin.u32 @!p2 v1, $0x61A8  }
0xa2: {  	[tilespmem:$0x1A460] =	vst @!p2 v1;
	v1 =	vsub.s32 @!p2 v6, v0  }
0xa3: {  	[tilespmem:$0x1A370] =	vst @!p2 v3;
	v1 =	vmin.u32 @!p2 v1, $0x61A8  }
0xa4: {  	[tilespmem:$0x1A470] =	vst @!p2 v1  }
.LBB2_10:
.Ltmp7:
0xa5: {  	(pc) =	sbr.rel @!p1 .LBB2_13-.Ltmp7, $2  }
0xa6: {  	_ =	sdelay $0x2  }
0xa7: {  	p2 =	seq.s32 s16, $0x1  }
.Ltmp8:
0xa8: {  	(pc) =	sbr.rel @!p2 .LBB2_12-.Ltmp8, $2  }
0xa9: {  	_ =	sdelay $0x2  }
0xaa: {  	v1 =	vld [tilespmem:$0x19A00]  }
0xab: {  	v2 =	vld [tilespmem:$0x19A80];
	_ =	sdelay $0x1  }
0xac: {  	v3 =	vld [tilespmem:$0x19A90]  }
0xad: {  	v4 =	vld [tilespmem:$0x19A10]  }
0xae: {  	v5 =	vld [tilespmem:$0x19AA0]  }
0xaf: {  	v6 =	vld [tilespmem:$0x19A20];
	v2 =	vsub.s32 v2, v0  }
0xb0: {  	[tilespmem:$0x1A380] =	vst v1;
	v1 =	vmin.u32 v2, $0x61A8;
	v2 =	vld [tilespmem:$0x19AB0]  }
0xb1: {  	[tilespmem:$0x1A480] =	vst v1;
	v1 =	vsub.s32 v3, v0;
	v3 =	vld [tilespmem:$0x19A30]  }
0xb2: {  	v58 =	vld [tilespmem:$0x19AC0];
	[tilespmem:$0x1A390] =	vst v4;
	v1 =	vmin.u32 v1, $0x61A8  }
0xb3: {  	v59 =	vld [tilespmem:$0x19A40];
	[tilespmem:$0x1A490] =	vst v1;
	v1 =	vsub.s32 v5, v0  }
0xb4: {  	v60 =	vld [tilespmem:$0x19AD0];
	[tilespmem:$0x1A3A0] =	vst v6;
	v1 =	vmin.u32 v1, $0x61A8  }
0xb5: {  	v61 =	vld [tilespmem:$0x19A60];
	[tilespmem:$0x1A4A0] =	vst v1;
	v1 =	vsub.s32 v2, v0  }
0xb6: {  	[tilespmem:$0x1A3B0] =	vst v3;
	v1 =	vmin.u32 v1, $0x61A8;
	v3 =	vld [tilespmem:$0x19AE0]  }
0xb7: {  	v63 =	vld [tilespmem:$0x19A70];
	[tilespmem:$0x1A4B0] =	vst v1;
	v1 =	vsub.s32 v58, v0  }
0xb8: {  	v62 =	vld [tilespmem:$0x19AF0];
	[tilespmem:$0x1A3C0] =	vst v59;
	v1 =	vmin.u32 v1, $0x61A8  }
0xb9: {  	v2 =	vld [tilespmem:$0x19A50];
	[tilespmem:$0x1A4C0] =	vst v1;
	v1 =	vsub.s32 v60, v0  }
0xba: {  	[tilespmem:$0x1A3E0] =	vst v61;
	v1 =	vmin.u32 v1, $0x61A8  }
.Ltmp9:
0xbb: {  	[tilespmem:$0x1A4D0] =	vst v1;
	v1 =	vsub.s32 v3, v0;
	(pc) =	sbr.rel .LBB2_17-.Ltmp9, $4  }
0xbc: {  	[tilespmem:$0x1A3F0] =	vst v63;
	v1 =	vmin.u32 v1, $0x61A8  }
0xbd: {  	[tilespmem:$0x1A4E0] =	vst v1;
	v1 =	vsub.s32 v62, v0  }
0xbe: {  	[tilespmem:$0x1A3D0] =	vst v2;
	v1 =	vmin.u32 v1, $0x61A8  }
0xbf: {  	[tilespmem:$0x1A4F0] =	vst v1  }
.LBB2_13:
.Ltmp10:
0xc0: {  	(pc) =	sbr.rel @p2 .LBB2_17-.Ltmp10, $4  }
.Ltmp11:
0xc1: {  	(pc) =	sbr.rel @!p2 .LBB2_14-.Ltmp11, $4  }
0xc2: {  	_ = 	snop  }
0xc3: {  	_ = 	snop  }
0xc4: {  	_ = 	snop  }
0xc5: {  	_ = 	snop  }
.LBB2_12:
0xc6: {  	v2 =	vld [tilespmem:$0x19A80];
	_ =	sdelay $0x1  }
0xc7: {  	v3 =	vld [tilespmem:$0x19A90]  }
0xc8: {  	v4 =	vld [tilespmem:$0x19A10]  }
0xc9: {  	v5 =	vld [tilespmem:$0x19AA0]  }
0xca: {  	v6 =	vld [tilespmem:$0x19A20];
	v2 =	vsub.s32 v2, v0  }
0xcb: {  	[tilespmem:$0x1A300] =	vst v1;
	v1 =	vmin.u32 v2, $0x61A8;
	v2 =	vld [tilespmem:$0x19AB0]  }
0xcc: {  	[tilespmem:$0x1A400] =	vst v1;
	v1 =	vsub.s32 v3, v0;
	v3 =	vld [tilespmem:$0x19A30]  }
0xcd: {  	v58 =	vld [tilespmem:$0x19AC0];
	[tilespmem:$0x1A310] =	vst v4;
	v1 =	vmin.u32 v1, $0x61A8  }
0xce: {  	v59 =	vld [tilespmem:$0x19A40];
	[tilespmem:$0x1A410] =	vst v1;
	v1 =	vsub.s32 v5, v0  }
0xcf: {  	v60 =	vld [tilespmem:$0x19AD0];
	[tilespmem:$0x1A320] =	vst v6;
	v1 =	vmin.u32 v1, $0x61A8  }
0xd0: {  	v61 =	vld [tilespmem:$0x19A60];
	[tilespmem:$0x1A420] =	vst v1;
	v1 =	vsub.s32 v2, v0  }
0xd1: {  	[tilespmem:$0x1A330] =	vst v3;
	v1 =	vmin.u32 v1, $0x61A8;
	v3 =	vld [tilespmem:$0x19AE0]  }
0xd2: {  	v63 =	vld [tilespmem:$0x19A70];
	[tilespmem:$0x1A430] =	vst v1;
	v1 =	vsub.s32 v58, v0  }
0xd3: {  	v62 =	vld [tilespmem:$0x19AF0];
	[tilespmem:$0x1A340] =	vst v59;
	v1 =	vmin.u32 v1, $0x61A8  }
0xd4: {  	v2 =	vld [tilespmem:$0x19A50];
	[tilespmem:$0x1A440] =	vst v1;
	v1 =	vsub.s32 v60, v0  }
0xd5: {  	[tilespmem:$0x1A360] =	vst v61;
	v1 =	vmin.u32 v1, $0x61A8  }
0xd6: {  	[tilespmem:$0x1A450] =	vst v1;
	v1 =	vsub.s32 v3, v0  }
0xd7: {  	[tilespmem:$0x1A370] =	vst v63;
	v1 =	vmin.u32 v1, $0x61A8  }
0xd8: {  	[tilespmem:$0x1A460] =	vst v1;
	v1 =	vsub.s32 v62, v0  }
0xd9: {  	[tilespmem:$0x1A350] =	vst v2;
	v1 =	vmin.u32 v1, $0x61A8  }
0xda: {  	[tilespmem:$0x1A470] =	vst v1  }
.LBB2_14:
0xdb: {  	p1 =	sne.s32 s16, $0x0  }
.Ltmp12:
0xdc: {  	_ = 	snop;
	(pc) =	sbr.rel @p1 .LBB2_17-.Ltmp12, $2  }
0xdd: {  	_ =	sdelay $0x2  }
0xde: {  	[tilespmem:s29], [sflag:$0x4] =	stream.indirect.gather [hbm4b:s5+s23], $0x40, s31, s23, $0xb8;
	[tilespmem:$0x1E500] =	vst v63  }
0xdf: {  	p1 =	seq.s32 s8, $0x0  }
.Ltmp13:
0xe0: {  	s16 =	simm.s32 @!p1 $0x5;
	(pc) =	sbr.rel .LBB2_18-.Ltmp13, $4  }
0xe1: {  	_ =	swait.ge @!p1 [sflag:s16], $0x2000  }
0xe2: {  	s18 =	simm.s32 @!p1 $0x1A480;
	[sflag:s16] =	ssyncset.done @!p1 $0x0  }
0xe3: {  	s11 =	simm.s32 @!p1 $0x1C500;
	[sflag:s16] =	ssyncadd.s32 @!p1 $0xFFFFE000;
	s16 =	simm.s32 @!p1 $0x80  }
0xe4: {  	[spmem:s2] =	stream.indirect.scatter.add.f32 @!p1 [tilespmem:s11], [sflag:$0x7], $0x40, s18, s16, $0xb8;
	[tilespmem:$0x1E500] =	vst v63  }
.LBB2_17:
0xe5: {  	[tilespmem:s25], [sflag:$0x5] =	stream.indirect.gather [hbm4b:s5+s23], $0x40, s24, s23, $0xb8;
	[tilespmem:$0x1E500] =	vst v63  }
0xe6: {  	_ =	swait.ge [sflag:s26], $0x2000  }
0xe7: {  	[sflag:s26] =	ssyncset.done $0x0  }
0xe8: {  	[sflag:s26] =	ssyncadd.s32 $0xFFFFE000  }
0xe9: {  	[spmem:s2] =	stream.indirect.scatter.add.f32 [tilespmem:s29], [sflag:$0x6], $0x40, s28, s23, $0xb8;
	[tilespmem:$0x1E500] =	vst v63  }
.LBB2_18:
0xea: {  	s11 =	sadd.s32 $0x2, s8  }
0xeb: {  	p1 =	sge.u32 s11, s7  }
.Ltmp14:
0xec: {  	_ = 	snop;
	(pc) =	sbr.rel @p1 .LBB2_22-.Ltmp14, $1  }
0xed: {  	_ =	sdelay $0x3  }
0xee: {  	s11 =	smulhi.u32 $0xAAAAAAAB, s9;
	_ =	sdelay $0x1  }
0xef: {  	s11 =	sshrl.u32 s11, $0x1  }
0xf0: {  	s11 =	smul.u32 $0x3, s11;
	_ =	sdelay $0x1  }
0xf1: {  	s11 =	ssub.s32 $0x2, s11  }
0xf2: {  	s16 =	sadd.s32 s11, s8  }
0xf3: {  	p1 =	seq.s32 s16, $0x2  }
.Ltmp15:
0xf4: {  	_ = 	snop;
	(pc) =	sbr.rel @!p1 .LBB2_20-.Ltmp15, $1  }
0xf5: {  	_ =	sdelay $0x3  }
.Ltmp16:
0xf6: {  	(pc) =	sbr.rel .LBB2_22-.Ltmp16, $2  }
0xf7: {  	_ =	sdelay $0x2  }
0xf8: {  	[tilespmem:s30], [sflag:$0x3] =	stream.linear.gather [hbm4b:s13+s3], $0x900, $0x38;
	[tilespmem:$0x1E500] =	vst v63  }
.LBB2_23:
0xf9: {  	s8 =	simm.s32 @p0 $0x5  }
0xfa: {  	_ =	swait.ge @p0 [sflag:s8], $0x2000  }
0xfb: {  	s9 =	simm.s32 @p0 $0x1A480;
	[sflag:s8] =	ssyncset.done @p0 $0x0  }
0xfc: {  	s11 =	simm.s32 @p0 $0x1C500;
	[sflag:s8] =	ssyncadd.s32 @p0 $0xFFFFE000;
	s8 =	simm.s32 @p0 $0x80  }
0xfd: {  	[spmem:s2] =	stream.indirect.scatter.add.f32 @p0 [tilespmem:s11], [sflag:$0x7], $0x40, s9, s8, $0xb8;
	[tilespmem:$0x1E500] =	vst v63  }
0xfe: {  	s8 =	simm.s32 @!p0 $0x4  }
0xff: {  	_ =	swait.ge @!p0 [sflag:s8], $0x2000  }
0x100: {  	s9 =	simm.s32 @!p0 $0x1A400;
	[sflag:s8] =	ssyncset.done @!p0 $0x0  }
0x101: {  	s11 =	simm.s32 @!p0 $0x1A500;
	[sflag:s8] =	ssyncadd.s32 @!p0 $0xFFFFE000;
	s8 =	simm.s32 @!p0 $0x80  }
0x102: {  	[spmem:s2] =	stream.indirect.scatter.add.f32 @!p0 [tilespmem:s11], [sflag:$0x6], $0x40, s9, s8, $0xb8;
	[tilespmem:$0x1E500] =	vst v63  }
0x103: {  	_ =	swait.ge [sflag:s12], $0x2000  }
0x104: {  	s8 =	simm.s32 @!p0 $0x6;
	[sflag:s12] =	ssyncset.done $0x0  }
0x105: {  	s8 =	simm.s32 @p0 $0x7;
	[sflag:s12] =	ssyncadd.s32 $0xFFFFE000  }
0x106: {  	_ =	swait.ge [sflag:s8], $0x2000  }
0x107: {  	p1 =	sne.s32 s10, $0x1;
	[sflag:s8] =	ssyncset.done $0x0  }
.Ltmp17:
0x108: {  	[sflag:s8] =	ssyncadd.s32 $0xFFFFE000;
	(pc) =	sbr.rel @!p1 .LBB2_25-.Ltmp17, $4  }
0x109: {  	s18 =	sshrl.u32 s15, $0x3;
	[bflag:$0x0] =	sbarrier.arrive $0xFFFF  }
0x10a: {  	[hbm:s14], [sflag:s6] =	dma.local [spmem:s18], $0x640  }
0x10b: {  	s13 =	smov.u32 s14;
	_ =	swait.ge [sflag:s17], $0x640  }
0x10c: {  	s9 =	sadd.s32 $0x32000, s15;
	s8 =	sadd.s32 $0xFFFFFFFF, s10;
	[sflag:s17] =	ssyncset.done $0x0  }
.LBB2_24:
0x10d: {  	s11 =	sshrl.u32 s9, $0x3  }
0x10e: {  	[sflag:s17] =	ssyncadd.s32 $0xFFFFF9C0;
	s13 =	sadd.s32 $0x6400, s13;
	p1 =	sne.s32 s8, $0x1  }
0x10f: {  	[hbm:s13], [sflag:s6] =	dma.local [spmem:s11], $0x640  }
.Ltmp18:
0x110: {  	_ = 	snop;
	(pc) =	sbr.rel @p1 .LBB2_24-.Ltmp18, $4  }
0x111: {  	_ = 	snop  }
0x112: {  	s8 =	sadd.s32 $0xFFFFFFFF, s8  }
0x113: {  	_ =	swait.ge [sflag:s17], $0x640  }
0x114: {  	s9 =	sadd.s32 $0x32000, s9;
	[sflag:s17] =	ssyncset.done $0x0  }
.LBB2_25:
0x115: {  	s4 =	sadd.s32 $0x1, s4;
	s8 =	rddreg [dreg:$0x6]  }
0x116: {  	p1 =	sne.s32 s4, s8  }
.Ltmp19:
0x117: {  	_ = 	snop;
	(pc) =	sbr.rel @p1 .LBB2_1-.Ltmp19, $2  }
0x118: {  	_ =	sdelay $0x2  }
0x119: {  	[sflag:s17] =	ssyncadd.s32 $0xFFFFF9C0  }
0x11a: {  	_ =	sfence.sel $0x180000  }
0x11b: {  	[bflag:$0x0] =	sbarrier.arrive $0xFFFF  }
0x11c: {  	_ =	strace $0x9000004A  }
0x11d: {  	s0 =	stileid.u32;
	[bflag:$0x2] =	sbarrier.arrive $0xFFFF  }
0x11e: {  	p0 =	sne.s32 s0, $0x0;
	s0 =	rddreg [dreg:$0x3]  }
0x11f: {  	s0 =	sadd.s32 @!p0 $0x100000, s0  }
0x120: {  	[sflag:s0] =	ssyncadd.tile.s32 @!p0 $0x1;
	_ =	shalt  }
.Lfunc_end2:
_tile_overlayer_lowered:
.L_overlay_start_2:
0x121: {  	(tag) =	ssettag $0x2  }
0x122: {  	s0 =	rddreg [dreg:$0x0];
	s2 =	stileid.u32  }
0x123: {  	s1 =	rddreg [dreg:$0x1];
	p0 =	sne.s32 s2, $0x0  }
0x124: {  	s3 =	rddreg [dreg:$0x2];
	[bflag:$0x3] =	sbarrier.arrive $0xFFFF;
	s2 =	simm.s32 @!p0 $0x1C08  }
0x125: {  	[timem:s3], [sflag:s2] =	dma.local @!p0 [hbm:s0], s1  }
0x126: {  	s0 =	simm.s32 @!p0 $0x8  }
0x127: {  	_ =	swait.ge @!p0 [sflag:s0], s1  }
0x128: {  	s1 =	ssub.s32 @!p0 $0x0, s1;
	[sflag:s0] =	ssyncset.done @!p0 $0x0  }
0x129: {  	[sflag:s0] =	ssyncadd.s32 @!p0 s1  }
0x12a: {  	[bflag:$0x3] =	sbarrier.arrive $0xFFFF  }
0x12b: {  	_ =	shalt  }

// kernel: sparse-core-data-format-call.cloned.1.call-start
scs
called_computation_lowered:
.L_overlay_start_0:
0x0: {  	s1 =	sld [smem:$0x3FD9]  }
0x1: {  	s2 =	sld [smem:$0x3FFE];
	_ =	sdelay $0x1  }
0x2: {  	s3 =	srdreg.scid  }
0x3: {  	s0 =	sand.u32 $0x1, s3  }
0x4: {  	s17 =	sshll.u32 s0, $0xA;
	s1 =	sadd.s32 s2, s1  }
0x5: {  	s1 =	sadd.s32 s1, s17  }
0x6: {  	[smem:$0x3FC1] =	sst s1  }
0x7: {  	_ = 	snop  }
0x8: {  	(tm) =	ssettm $0x1  }
0x9: {  	s18 =	sld [smem:$0x3FFB];
	_ =	sdelay $0x3  }
0xa: {  	_ =	strace s18  }
0xb: {  	s1 =	sld [smem:$0x3FFC];
	_ =	sdelay $0x3  }
0xc: {  	_ =	strace s1  }
0xd: {  	s1 =	sld [smem:$0x3FFD];
	_ =	sdelay $0x3  }
0xe: {  	_ =	strace s1  }
0xf: {  	_ =	strace $0x8FFFFFFF  }
0x10: {  	s19 =	sld [smem:$0x3FDB];
	_ =	sdelay $0x1  }
0x11: {  	s20 =	simm.s32 $_scs_section_size  }
0x12: {  	s4 =	simm.s32 $_size__tile_overlayer_lowered;
	s5 =	simm.s32 $_tile_overlayer_lowered  }
0x13: {  	s23 =	simm.s32 $0x1BFF;
	s22 =	sshll.u32 s5, $0x1;
	s1 =	sadd.s32 s20, s19  }
0x14: {  	s6 =	simm.s32 $0x0;
	s21 =	sshll.u32 s4, $0x1;
	s4 =	sadd.s32 s22, s1  }
0x15: {  	[timem:s6], [sflag:s23] =	dma.local [hbm:s4], s21  }
0x16: {  	_ =	swait.ge [sflag:s23], s21  }
0x17: {  	s2 =	ssub.s32 $0x0, s21;
	[sflag:s23] =	ssyncset.done $0x0  }
0x18: {  	[sflag:s23] =	ssyncadd.s32 s2;
	_ =	sdelay $0x1  }
0x19: {  	s24 =	simm.s32 $0x1B8B  }
0x1a: {  	_ =	swait.ge [sflag:s24], $0x1  }
0x1b: {  	[sflag:s24] =	ssyncset.done $0x0  }
0x1c: {  	s26 =	simm.s32 $0x1B8E;
	s25 =	sld [smem:$0x3FFE];
	[sflag:s24] =	ssyncadd.s32 $0xFFFFFFFF  }
0x1d: {  	s27 =	simm.s32 $execute0_lowered;
	[smem:$0x3FD2] =	sst s26  }
0x1e: {  	s4 =	sshll.u32 s27, $0x1;
	_ =	strace $0x80000046;
	[dreg:$0x1] =	wrdreg $0xFFFFFFFF  }
0x1f: {  	s28 =	simm.s32 $_size_execute0_lowered;
	s1 =	sadd.s32 s1, s4;
	[dreg:$0x0] =	wrdreg $0x0  }
0x20: {  	s4 =	sshll.u32 s28, $0x1;
	[dreg:$0x2] =	wrdreg s1  }
0x21: {  	[dreg:$0x3] =	wrdreg s4  }
0x22: {  	[dreg:$0x4] =	wrdreg $0xC0  }
0x23: {  	_ =	task [dreg:s6], $0x5FFFF  }
0x24: {  	[dreg:$0x1] =	wrdreg $0xFFFFFFFF  }
0x25: {  	[dreg:$0x0] =	wrdreg $0x60  }
0x26: {  	[dreg:$0x2] =	wrdreg s25  }
0x27: {  	[dreg:$0x3] =	wrdreg $0x9  }
0x28: {  	_ =	task.clear_ibuf [dreg:s6], $0x4FFFF;
	_ =	strace $0x90000046  }
0x29: {  	s29 =	simm.s32 $0x9;
	_ =	strace $0x80000048  }
0x2a: {  	_ =	swait.ge [sflag:s29], $0x1  }
0x2b: {  	[sflag:s29] =	ssyncadd.s32 $0xFFFFFFFF  }
0x2c: {  	_ =	strace $0x90000048  }
0x2d: {  	_ =	sfence  }
0x2e: {  	s30 =	sld [smem:$0x0];
	_ =	sdelay $0x2  }
0x2f: {  	s31 =	sshll.u32 s3, $0xD;
	s3 =	sshrl.u32 s3, $0x2  }
0x30: {  	s2 =	sand.u32 $0x4000, s31;
	s1 =	sadd.s32 s3, s30  }
0x31: {  	s0 =	sor.u32 s2, s0;
	s1 =	sshll.u32 s1, $0x11  }
0x32: {  	s0 =	sor.u32 s1, s0  }
0x33: {  	s0 =	sadd.s32 $0x8F2B, s0  }
0x34: {  	[sflag:s0] =	ssyncadd.remote.s32 $0x1  }
0x35: {  	_ =	sfence.sel $0xFFFF  }
0x36: {  	[dreg:$0x0] =	wrdreg $0xFFFFFFFF;
	(pc) =	sbr.abs _section_cstart, $3  }
0x37: {  	[dreg:$0x1] =	wrdreg $0xFFFFFFFF  }
0x38: {  	_ =	task.clear_ibuf [dreg:s6], $0x2FFFF;
	_ =	strace $0x9FFFFFFF  }
0x39: {  	(tm) =	ssettm $0x7FFFFFFF  }
tec
execute0_lowered:
.L_overlay_start_1:
0x0: {  	(tag) =	ssettag $0x1  }
0x1: {  	s0 =	stileid.u32  }
0x2: {  	s1 =	srdreg.scid;
	s7 =	rddreg [dreg:$0x0]  }
0x3: {  	s31 =	simm.s32 $0x2;
	s16 =	simm.s32 $0x0;
	s9 =	simm.s32 $0x4000  }
0x4: {  	s15 =	simm.s32 $0x0;
	s10 =	simm.s32 $0x0;
	s11 =	simm.s32 $0x0  }
0x5: {  	s14 =	simm.s32 $0x0;
	s2 =	sshll.u32 s0, $0x7;
	s3 =	sshll.u32 s1, $0x7  }
0x6: {  	s1 =	rddreg [dreg:$0x1];
	s4 =	ssub.s32 $0x800, s2;
	s3 =	sand.u32 $0x80, s3  }
0x7: {  	_ =	strace $0x80000047;
	s5 =	sand.u32 $0x780, s4;
	s6 =	ssub.s32 $0x1800, s3  }
0x8: {  	s4 =	sshrl.u32 s4, $0xB;
	p0 =	sne.s32 s5, $0x0;
	s5 =	simm.s32 $0x1  }
.Ltmp0:
0x9: {  	s6 =	sshrl.u32 s6, $0x8;
	s5 =	simm.s32 @!p0 $0x0;
	(pc) =	sbr.rel .LBB1_1-.Ltmp0, $4  }
0xa: {  	s13 =	smov.u32 s2;
	s6 =	sadd.s32 $0x1, s6;
	s8 =	sadd.s32 s5, s4  }
0xb: {  	s12 =	smov.u32 s3;
	s5 =	simm.s32 $0x1;
	s6 =	smul.u32 s6, s8  }
0xc: {  	p0 =	por $0x0, $0x0;
	s4 =	sadd.s32 $0x3200, s7;
	[sflag:s5] =	ssyncpa.u1 $0x0  }
0xd: {  	s7 =	sadd.s32 $0x18B200, s7;
	[sflag:s31] =	ssyncpa.u1 $0x0;
	s8 =	sadd.s32 $0x1, s6  }
.LBB1_4:
0xe: {  	s21 =	sshra.s32 s21, $0x2  }
0xf: {  	s27 =	sand.u32 $0x78, s11;
	s22 =	sshll.u32 s10, $0xB;
	s23 =	sshll.u32 s11, $0x3  }
0x10: {  	s25 =	sshll.u32 s10, $0x7;
	p1 =	sgt.s32 s10, $0x17F0;
	s29 =	sshra.s32 s10, $0x1F  }
0x11: {  	s31 =	sshra.s32 s11, $0x1F;
	s20 =	sadd.s32 s21, s20;
	s22 =	sand.u32 $0xFFFFC000, s22  }
0x12: {  	v5 =	vld [tilespmem:s18+$0xFFFFFFD0];
	[tilespmem:s19+$0x2040 ss:$0x81] =	vst.msk $0xffff, v4;
	s24 =	sand.u32 $0xFFFFFC00, s23;
	s28 =	sand.u32 $0x380, s25;
	s23 =	sand.u32 $0x400, s23  }
0x13: {  	v58 =	vld [tilespmem:s18+$0xFFFFFFE0];
	[tilespmem:s19+$0x2850 ss:$0x81] =	vst.msk $0xffff, v3;
	s22 =	sadd.s32 s24, s22;
	s21 =	sor.u32 s27, s23;
	s23 =	smov.u32 s10  }
0x14: {  	v59 =	vld [tilespmem:s18+$0xFFFFFFF0];
	[tilespmem:s19+$0x3060 ss:$0x81] =	vst.msk $0xffff, v2;
	s25 =	sand.u32 s29, s10;
	s22 =	sshrl.u32 s22, $0xB;
	s23 =	simm.s32 @!p1 $0x17F0  }
0x15: {  	v60 =	vld [tilespmem:s18+$0x0];
	[tilespmem:s19+$0x0 ss:$0x81] =	vst.msk $0xffff, v1;
	p1 =	sgt.s32 s11, $0x780;
	s30 =	ssub.s32 s23, s25;
	s23 =	smov.u32 s11  }
0x16: {  	v61 =	vld [tilespmem:s18+$0x10];
	[tilespmem:s20+$0x3870 ss:$0x81] =	vst.msk $0xffff, v0;
	s26 =	smulhi.u32 $0xA79C8, s22;
	s25 =	sand.u32 s31, s11;
	s23 =	simm.s32 @!p1 $0x780  }
0x17: {  	v62 =	vld [tilespmem:s18+$0x20];
	s21 =	sor.u32 s28, s21;
	[tilespmem:s20+$0x810 ss:$0x81] =	vst.msk $0xffff, v5;
	s27 =	sadd.s32 $0xFFFFE810, s30;
	s23 =	ssub.s32 s23, s25  }
0x18: {  	v63 =	vld [tilespmem:s18+$0xFFFFFFC0];
	[tilespmem:s20+$0x1020 ss:$0x81] =	vst.msk $0xffff, v58;
	s19 =	ssub.s32 $0x1870, s30;
	s28 =	smul.u32 $0x1870, s26;
	s29 =	sadd.s32 $0xFFFFF880, s23  }
0x19: {  	[tilespmem:s20+$0x1830 ss:$0x81] =	vst.msk $0xffff, v59;
	p1 =	sgt.s32 s27, $0x7F;
	s23 =	ssub.s32 $0x800, s23;
	p2 =	sgt.s32 s29, $0x7F  }
0x1a: {  	s21 =	sshrl.u32 s21, $0x3;
	[tilespmem:s20+$0x2040 ss:$0x81] =	vst.msk $0xffff, v60;
	s19 =	simm.s32 @p1 $0x0;
	s23 =	simm.s32 @p2 $0x0  }
0x1b: {  	[tilespmem:s20+$0x2850 ss:$0x81] =	vst.msk $0xffff, v61;
	s30 =	sand.u32 $0x7, s11;
	s18 =	ssub.s32 s22, s28;
	s19 =	smul.u32 s23, s19  }
0x1c: {  	[tilespmem:s20+$0x3060 ss:$0x81] =	vst.msk $0xffff, v62;
	s21 =	sadd.s32 s7, s21;
	s22 =	sshll.u32 s30, $0x12;
	s18 =	sshll.u32 s18, $0x8  }
0x1d: {  	[tilespmem:s20+$0x0 ss:$0x81] =	vst.msk $0xffff, v63;
	s31 =	sor.u32 $0x400, s22;
	s18 =	sadd.s32 s18, s21;
	s19 =	sand.u32 $0x3FFFFFFF, s19  }
0x1e: {  	[hbm4b:s18+s31] =	stream.strided.scatter [tilespmem:s17], [sflag:$0x2], s19, s9, s31, $0x20;
	[tilespmem:$0x10100] =	vst v63  }
.LBB1_5:
0x1f: {  	p1 =	slt.u32 s14, $0x2  }
0x20: {  	s18 =	smov.u32 s16;
	p2 =	sgt.s32 @!p1 s16, $0x17F0;
	s17 =	sshra.s32 @!p1 s16, $0x1F  }
0x21: {  	p3 =	sgt.s32 @!p1 s15, $0x780;
	s19 =	sshra.s32 @!p1 s15, $0x1F;
	p2 =	por !p2, p1  }
0x22: {  	s16 =	sand.u32 @!p1 s17, s16;
	p3 =	por !p3, p1;
	s17 =	smov.u32 s15  }
0x23: {  	s15 =	sand.u32 @!p1 s19, s15;
	s18 =	simm.s32 @p2 $0x17F0;
	s17 =	simm.s32 @p3 $0x780  }
0x24: {  	s16 =	ssub.s32 @!p1 s18, s16;
	s15 =	ssub.s32 @!p1 s17, s15  }
0x25: {  	s19 =	smov.u32 s13;
	s17 =	sadd.s32 @!p1 $0xFFFFE810, s16;
	s18 =	sadd.s32 @!p1 $0xFFFFF880, s15  }
0x26: {  	s16 =	ssub.s32 @!p1 $0x1870, s16;
	p2 =	sgt.s32 @!p1 s17, $0x7F;
	p3 =	sgt.s32 @!p1 s18, $0x7F  }
0x27: {  	s15 =	ssub.s32 @!p1 $0x800, s15;
	p2 =	por !p2, p1;
	p3 =	por !p3, p1  }
0x28: {  	s17 =	sadd.s32 $0x100, s12;
	s16 =	simm.s32 @!p2 $0x0;
	s15 =	simm.s32 @!p3 $0x0  }
0x29: {  	p2 =	sgt.s32 s17, $0x1869;
	s15 =	smul.u32 @!p1 s15, s16;
	s16 =	sadd.s32 $0x800, s13  }
0x2a: {  	s19 =	smov.u32 @p2 s16  }
0x2b: {  	s17 =	smov.u32 @p2 s3;
	p2 =	sgt.s32 s19, $0x7FF  }
0x2c: {  	s19 =	smov.u32 @p2 s2;
	p2 =	sne.s32 s14, s8  }
.Ltmp1:
0x2d: {  	p0 =	por !p0, !p0;
	s18 =	simm.s32 @!p1 $0x2;
	(pc) =	sbr.rel @!p2 .LBB1_6-.Ltmp1, $4  }
0x2e: {  	s16 =	smov.u32 s10;
	s10 =	smov.u32 s12;
	s15 =	sand.u32 @!p1 $0x3FFFFFFF, s15  }
0x2f: {  	s12 =	smov.u32 s17;
	_ =	swait.ge @!p1 [sflag:s18], s15;
	s20 =	ssub.s32 @!p1 $0x0, s15  }
0x30: {  	s15 =	smov.u32 s11;
	s14 =	sadd.s32 $0x1, s14;
	[sflag:s18] =	ssyncset.done @!p1 $0x0  }
0x31: {  	s11 =	smov.u32 s13;
	s13 =	smov.u32 s19;
	[sflag:s18] =	ssyncadd.s32 @!p1 s20  }
.LBB1_1:
0x32: {  	p1 =	sge.u32 s14, s6  }
0x33: {  	s17 =	sshrl.u32 @!p1 s13, $0x3  }
0x34: {  	s18 =	sshll.u32 @!p1 s12, $0x3;
	s17 =	smul.u32 @!p1 $0xC400, s17  }
0x35: {  	s19 =	sshll.u32 @!p1 s13, $0x7;
	s18 =	sand.u32 @!p1 $0xFFFFFC00, s18  }
0x36: {  	s17 =	sadd.s32 @!p1 s17, s18;
	s18 =	sand.u32 @!p1 $0x380, s19  }
0x37: {  	s19 =	sand.u32 @!p1 $0x7F, s12;
	s17 =	sor.u32 @!p1 s18, s17  }
0x38: {  	s18 =	sor.u32 @!p1 s19, s17  }
0x39: {  	s19 =	smulhi.u32 @!p1 $0x5397829D, s18;
	_ =	sdelay $0x1  }
0x3a: {  	s17 =	smulhi.u32 @!p1 $0x5397829D, s17;
	s19 =	sshrl.u32 @!p1 s19, $0xB  }
0x3b: {  	s19 =	smul.u32 @!p1 $0x1880, s19  }
0x3c: {  	s31 =	sadd.s32 $0xFFFFFFFF, s14;
	s20 =	sxor.u32 @!p1 $0xFFFFFFFF, s14;
	s17 =	sshrl.u32 @!p1 s17, $0xB  }
0x3d: {  	s20 =	sshll.u32 @!p1 s20, $0xE;
	s17 =	sand.u32 @!p1 $0x7FF, s17;
	s18 =	ssub.s32 @!p1 s18, s19  }
0x3e: {  	s17 =	smul.u32 @!p1 $0x310, s17;
	s19 =	sshrl.u32 @!p1 s18, $0x3;
	s18 =	sand.u32 @!p1 $0x7, s18  }
0x3f: {  	s20 =	sand.u32 @!p1 $0x4000, s20;
	s19 =	sadd.s32 @!p1 s4, s19;
	s18 =	sshll.u32 @!p1 s18, $0x12  }
0x40: {  	s17 =	sadd.s32 @!p1 s17, s19;
	s18 =	sor.u32 @!p1 $0x400, s18;
	s19 =	simm.s32 @!p1 $0xC400  }
0x41: {  	[tilespmem:s20], [sflag:$0x1] =	stream.strided.gather @!p1 [hbm4b:s17+s18], $0x4000, s19, s18, $0x38;
	[tilespmem:$0x10100] =	vst v63  }
0x42: {  	p1 =	sge.u32 s31, s6  }
.Ltmp2:
0x43: {  	_ = 	snop;
	(pc) =	sbr.rel @p1 .LBB1_5-.Ltmp2, $1  }
0x44: {  	_ =	sdelay $0x3  }
0x45: {  	s17 =	simm.s32 $0x1  }
0x46: {  	_ =	swait.ge [sflag:s5], $0x4000;
	s17 =	simm.s32 @!p0 $0x0  }
0x47: {  	[sflag:s5] =	ssyncset.done $0x0;
	s18 =	sshll.u32 s17, $0xE  }
0x48: {  	[sflag:s5] =	ssyncadd.s32 $0xFFFFC000;
	s18 =	sor.u32 $0x40, s18  }
0x49: {  	s17 =	smul.u32 $0x10200, s17;
	v0 =	vld [tilespmem:s18+$0x30]  }
0x4a: {  	v1 =	vld [tilespmem:s18+$0xFFFFFFD0]  }
0x4b: {  	s17 =	sshrl.u32 s17, $0x2;
	v5 =	vld [tilespmem:s18+$0xFFFFFFE0]  }
0x4c: {  	v6 =	vld [tilespmem:s18+$0xFFFFFFF0];
	s20 =	sor.u32 $0x8000, s17  }
0x4d: {  	s31 =	sand.u32 $0x1, s14;
	v4 =	vld [tilespmem:s18+$0x0];
	s19 =	sadd.s32 $0x0, s20  }
0x4e: {  	v3 =	vld [tilespmem:s18+$0x10];
	s17 =	smul.u32 $0x10200, s31;
	[tilespmem:s19+$0x3870 ss:$0x81] =	vst.msk $0xffff, v0  }
0x4f: {  	v2 =	vld [tilespmem:s18+$0x20];
	[tilespmem:s19+$0x810 ss:$0x81] =	vst.msk $0xffff, v1  }
0x50: {  	s17 =	sshrl.u32 s17, $0x2;
	v1 =	vld [tilespmem:s18+$0xFFFFFFC0];
	[tilespmem:s19+$0x1020 ss:$0x81] =	vst.msk $0xffff, v5;
	s18 =	sadd.s32 $0x80, s18  }
0x51: {  	s21 =	simm.s32 $0x4;
	s22 =	simm.s32 $0x8;
	s17 =	sor.u32 $0x8000, s17;
	[tilespmem:s19+$0x1830 ss:$0x81] =	vst.msk $0xffff, v6;
	v0 =	vld [tilespmem:s18+$0x30]  }
.LBB1_3:
0x52: {  	p1 =	sne.s32 s22, $0x1FC;
	v5 =	vld [tilespmem:s18+$0xFFFFFFD0];
	[tilespmem:s19+$0x2040 ss:$0x81] =	vst.msk $0xffff, v4  }
0x53: {  	v6 =	vld [tilespmem:s18+$0xFFFFFFE0];
	[tilespmem:s19+$0x2850 ss:$0x81] =	vst.msk $0xffff, v3  }
0x54: {  	s23 =	sshra.s32 s21, $0x2;
	s21 =	smov.u32 s22;
	v7 =	vld [tilespmem:s18+$0xFFFFFFF0];
	[tilespmem:s19+$0x3060 ss:$0x81] =	vst.msk $0xffff, v2  }
.Ltmp3:
0x55: {  	v4 =	vld [tilespmem:s18+$0x0];
	[tilespmem:s19+$0x0 ss:$0x81] =	vst.msk $0xffff, v1;
	s19 =	sadd.s32 s23, s20;
	(pc) =	sbr.rel @p1 .LBB1_3-.Ltmp3, $4  }
0x56: {  	v3 =	vld [tilespmem:s18+$0x10];
	[tilespmem:s19+$0x3870 ss:$0x81] =	vst.msk $0xffff, v0  }
0x57: {  	[tilespmem:s19+$0x810 ss:$0x81] =	vst.msk $0xffff, v5;
	v2 =	vld [tilespmem:s18+$0x20]  }
0x58: {  	v1 =	vld [tilespmem:s18+$0xFFFFFFC0];
	[tilespmem:s19+$0x1020 ss:$0x81] =	vst.msk $0xffff, v6;
	s18 =	sadd.s32 $0x80, s18  }
0x59: {  	s22 =	sadd.s32 $0x4, s22;
	v0 =	vld [tilespmem:s18+$0x30];
	[tilespmem:s19+$0x1830 ss:$0x81] =	vst.msk $0xffff, v7  }
.Ltmp4:
0x5a: {  	_ = 	snop;
	(pc) =	sbr.rel .LBB1_4-.Ltmp4, $1  }
0x5b: {  	_ =	sdelay $0x3  }
.LBB1_6:
0x5c: {  	_ =	sfence.sel $0x180000  }
0x5d: {  	s2 =	simm.s32 $0x1;
	[bflag:$0x0] =	sbarrier.arrive $0xFFFF  }
0x5e: {  	s31 =	simm.s32 $0x2;
	[sflag:s2] =	ssyncpa.u1 $0x1  }
0x5f: {  	[sflag:s31] =	ssyncpa.u1 $0x1  }
0x60: {  	p0 =	sne.s32 s0, $0x0;
	_ =	strace $0x90000047  }
0x61: {  	s0 =	sadd.s32 @!p0 $0x100000, s1;
	[bflag:$0x2] =	sbarrier.arrive $0xFFFF  }
0x62: {  	[sflag:s0] =	ssyncadd.tile.s32 @!p0 $0x1;
	_ =	shalt  }
.Lfunc_end1:
_tile_overlayer_lowered:
.L_overlay_start_2:
0x63: {  	(tag) =	ssettag $0x2  }
0x64: {  	s0 =	rddreg [dreg:$0x0];
	s2 =	stileid.u32  }
0x65: {  	s1 =	rddreg [dreg:$0x1];
	p0 =	sne.s32 s2, $0x0  }
0x66: {  	s3 =	rddreg [dreg:$0x2];
	[bflag:$0x3] =	sbarrier.arrive $0xFFFF;
	s2 =	simm.s32 @!p0 $0x1C01  }
0x67: {  	[timem:s3], [sflag:s2] =	dma.local @!p0 [hbm:s0], s1  }
0x68: {  	s0 =	simm.s32 @!p0 $0x1  }
0x69: {  	_ =	swait.ge @!p0 [sflag:s0], s1  }
0x6a: {  	s1 =	ssub.s32 @!p0 $0x0, s1;
	[sflag:s0] =	ssyncset.done @!p0 $0x0  }
0x6b: {  	[sflag:s0] =	ssyncadd.s32 @!p0 s1  }
0x6c: {  	[bflag:$0x3] =	sbarrier.arrive $0xFFFF  }
0x6d: {  	_ =	shalt  }

</sc_bundles>
